<compile_context>
chip_gen: v7x
topology: tpu7x:2x2x1
jax: 0.10.2.dev20260603
libtpu: 0.0.44.dev20260713+nightly
codegen_flags: <defaults>
</compile_context>

<pallas_src>
import functools

import jax
import jax.numpy as jnp
from jax import lax
from jax.experimental import pallas as pl
from jax.experimental.pallas import tpu as pltpu
from jax.experimental.pallas import tpu_sc as plsc

B = 16384
D = 16
NC = 2
NS = 16
NW = NC * NS
BPW = B // NW
LANES = 16
RPG = 128 // D
CH = 128
NCH = BPW // CH


def _body(uidx_hbm, midx_hbm, ub_hbm, mb_hbm, ue_hbm, me_hbm, out_hbm,
          uidx_v, midx_v, uq_v, mq_v, ue_c0, me_c0, ue_c1, me_c1,
          ub_v, mb_v, out_v, sem_a0, sem_a1, sem_b):
    wid = lax.axis_index("s") * NC + lax.axis_index("c")
    base = wid * BPW

    pltpu.sync_copy(uidx_hbm.at[pl.ds(base, BPW)], uidx_v)
    pltpu.sync_copy(midx_hbm.at[pl.ds(base, BPW)], midx_v)

    for j in range(BPW // LANES):
        sl = pl.ds(j * LANES, LANES)
        uq_v[sl] = uidx_v[sl] >> 3
        mq_v[sl] = midx_v[sl] >> 3

    bias_copies = []
    for j in range(NCH):
        sl = pl.ds(j * CH, CH)
        bias_copies.append(
            pltpu.async_copy(ub_hbm.at[uidx_v.at[sl]], ub_v.at[sl], sem_b))
        bias_copies.append(
            pltpu.async_copy(mb_hbm.at[midx_v.at[sl]], mb_v.at[sl], sem_b))

    emb_bufs = ((ue_c0, me_c0), (ue_c1, me_c1))
    emb_sems = (sem_a0, sem_a1)

    def fire(p):
        ue_c, me_c = emb_bufs[p % 2]
        sem = emb_sems[p % 2]
        sl = pl.ds(p * CH, CH)
        return (pltpu.async_copy(ue_hbm.at[uq_v.at[sl]], ue_c, sem),
                pltpu.async_copy(me_hbm.at[mq_v.at[sl]], me_c, sem))

    lanes = lax.iota(jnp.int32, LANES)

    def permute(v, idx):
        return lax.gather(
            v, idx[:, None],
            lax.GatherDimensionNumbers(
                offset_dims=(), collapsed_slice_dims=(0,),
                start_index_map=(0,)),
            (1,), mode=lax.GatherScatterMode.PROMISE_IN_BOUNDS)

    def make_blk_body(p, ue_c, me_c):
        def blk_body(lblk, _):
            sl16 = pl.ds(p * CH + lblk * LANES, LANES)
            su_vec = (uidx_v[sl16] & 7) * D
            sm_vec = (midx_v[sl16] & 7) * D
            acc = jnp.zeros((LANES,), jnp.float32)
            for i in range(LANES):
                rl = lblk * LANES + i
                pr = (ue_c[rl, pl.ds(su_vec[i], D)]
                      * me_c[rl, pl.ds(sm_vec[i], D)])
                for s in (1, 2, 4, 8):
                    pr = pr + permute(pr, lanes ^ s)
                acc = jnp.where(lanes == i, pr, acc)
            out_v[sl16] = acc + ub_v[sl16] + mb_v[sl16]
            return _
        return blk_body

    descs = {0: fire(0)}
    for p in range(NCH):
        if p + 1 < NCH:
            descs[p + 1] = fire(p + 1)
        if p == 0:
            for c in bias_copies:
                c.wait()
        d0, d1 = descs.pop(p)
        d0.wait()
        d1.wait()
        ue_c, me_c = emb_bufs[p % 2]
        lax.fori_loop(0, CH // LANES, make_blk_body(p, ue_c, me_c), 0)

    pltpu.sync_copy(out_v, out_hbm.at[pl.ds(base, BPW)])


@jax.jit
def _run(uidx, midx, ub, mb, ue, me):
    mesh = plsc.VectorSubcoreMesh(
        core_axis_name="c", subcore_axis_name="s",
        num_cores=NC, num_subcores=NS)
    f = pl.kernel(
        _body,
        out_type=jax.ShapeDtypeStruct((B,), jnp.float32),
        mesh=mesh,
        scratch_types=[
            pltpu.VMEM((BPW,), jnp.int32),
            pltpu.VMEM((BPW,), jnp.int32),
            pltpu.VMEM((BPW,), jnp.int32),
            pltpu.VMEM((BPW,), jnp.int32),
            pltpu.VMEM((CH, 128), jnp.float32),
            pltpu.VMEM((CH, 128), jnp.float32),
            pltpu.VMEM((CH, 128), jnp.float32),
            pltpu.VMEM((CH, 128), jnp.float32),
            pltpu.VMEM((BPW,), jnp.float32),
            pltpu.VMEM((BPW,), jnp.float32),
            pltpu.VMEM((BPW,), jnp.float32),
            pltpu.SemaphoreType.DMA,
            pltpu.SemaphoreType.DMA,
            pltpu.SemaphoreType.DMA,
        ],
    )
    return f(uidx, midx, ub, mb, ue, me)


def kernel(user_id, movie_id, user_bias_table, movie_bias_table,
           user_emb_table, movie_emb_table):
    out = _run(user_id.astype(jnp.int32).reshape(B),
               movie_id.astype(jnp.int32).reshape(B),
               user_bias_table.reshape(-1), movie_bias_table.reshape(-1),
               user_emb_table.reshape(-1, 128), movie_emb_table.reshape(-1, 128))
    return out.reshape(B, 1)

# --- scband reference (transcript-rebuilt; emitter-appended) ---
"""Pipeline reference for scband-user-item-rating-regressor-2224793059857 (READ-ONLY COPY).

The authoritative reference and input builder live on the scoring server;
editing this copy changes nothing except your own understanding.
"""

import jax, jax.numpy as jnp
import numpy as np

NUM_USER_IDS = 1000000
NUM_MOVIE_IDS = 1000000
EMB_DIM = 16
BATCH = 16384


def setup_inputs(seed: int = 0) -> dict:
    key = jax.random.key(seed)
    k1, k2, k3, k4, k5, k6 = jax.random.split(key, 6)
    user_id = jax.random.randint(k1, (BATCH, 1), 0, NUM_USER_IDS, dtype=jnp.int64 if jax.config.jax_enable_x64 else jnp.int32)
    movie_id = jax.random.randint(k2, (BATCH, 1), 0, NUM_MOVIE_IDS, dtype=jnp.int64 if jax.config.jax_enable_x64 else jnp.int32)
    user_bias_table = jax.random.normal(k3, (NUM_USER_IDS, 1), dtype=jnp.float32)
    movie_bias_table = jax.random.normal(k4, (NUM_MOVIE_IDS, 1), dtype=jnp.float32)
    user_emb_table = jax.random.normal(k5, (NUM_USER_IDS, EMB_DIM), dtype=jnp.float32)
    movie_emb_table = jax.random.normal(k6, (NUM_MOVIE_IDS, EMB_DIM), dtype=jnp.float32)
    return {
        "user_id": user_id,
        "movie_id": movie_id,
        "user_bias_table": user_bias_table,
        "movie_bias_table": movie_bias_table,
        "user_emb_table": user_emb_table,
        "movie_emb_table": movie_emb_table,
    }


def reference(user_id, movie_id, user_bias_table, movie_bias_table, user_emb_table, movie_emb_table):
    # Embedding lookups (gather): idx shape [B, 1] -> result [B, 1, D]
    user_id_bias = jnp.take(user_bias_table, user_id, axis=0)      # [B, 1, 1]
    movie_id_bias = jnp.take(movie_bias_table, movie_id, axis=0)   # [B, 1, 1]
    user_id_emb = jnp.take(user_emb_table, user_id, axis=0)        # [B, 1, E]
    movie_id_emb = jnp.take(movie_emb_table, movie_id, axis=0)     # [B, 1, E]
    merge = jnp.concatenate(
        (user_id_bias, movie_id_bias, user_id_emb * movie_id_emb), axis=2
    )  # [B, 1, 2 + E]
    pred = jnp.sum(merge, axis=2)  # [B, 1]
    return pred

if __name__ == "__main__":
    import jax
    _d = setup_inputs()
    print(jax.jit(kernel)(*tuple(_d.values())))

</pallas_src>

<mosaic_0001>
#map = affine_map<(d0, d1) -> (0)>
#map1 = affine_map<(d0, d1) -> (0, 0)>
module attributes {stable_mosaic.version = 14 : i64} {
  func.func @_body(%arg0: i32, %arg1: i32, %arg2: memref<16384xi32, #tpu.memory_space<hbm>>, %arg3: memref<16384xi32, #tpu.memory_space<hbm>>, %arg4: memref<1000000xf32, #tpu.memory_space<hbm>>, %arg5: memref<1000000xf32, #tpu.memory_space<hbm>>, %arg6: memref<125000x128xf32, #tpu.memory_space<hbm>>, %arg7: memref<125000x128xf32, #tpu.memory_space<hbm>>, %arg8: memref<16384xf32, #tpu.memory_space<hbm>>, %arg9: memref<512xi32, #tpu.memory_space<vmem>>, %arg10: memref<512xi32, #tpu.memory_space<vmem>>, %arg11: memref<512xi32, #tpu.memory_space<vmem>>, %arg12: memref<512xi32, #tpu.memory_space<vmem>>, %arg13: memref<128x128xf32, #tpu.memory_space<vmem>>, %arg14: memref<128x128xf32, #tpu.memory_space<vmem>>, %arg15: memref<128x128xf32, #tpu.memory_space<vmem>>, %arg16: memref<128x128xf32, #tpu.memory_space<vmem>>, %arg17: memref<512xf32, #tpu.memory_space<vmem>>, %arg18: memref<512xf32, #tpu.memory_space<vmem>>, %arg19: memref<512xf32, #tpu.memory_space<vmem>>, %arg20: memref<!tpu.dma_semaphore, #tpu.memory_space<semaphore_mem>>, %arg21: memref<!tpu.dma_semaphore, #tpu.memory_space<semaphore_mem>>, %arg22: memref<!tpu.dma_semaphore, #tpu.memory_space<semaphore_mem>>) attributes {dimension_semantics = [#tpu.dimension_semantics<core_parallel>, #tpu.dimension_semantics<subcore_parallel>], iteration_bounds = array<i64: 2, 16>, scalar_prefetch = 0 : i64, scratch_operands = 14 : i64, tpu.core_type = #tpu.core_type<sc_vector_subcore>, window_params = [{transform_indices = #map}, {transform_indices = #map}, {transform_indices = #map}, {transform_indices = #map}, {transform_indices = #map1}, {transform_indices = #map1}, {transform_indices = #map}]} {
    %mul3A = arith.constant 2 : i32
    %mul3A_0 = arith.muli %arg1, %mul3A : i32
    %add3A = arith.addi %mul3A_0, %arg0 : i32
    %mul3A_1 = arith.constant 512 : i32
    %mul3A_2 = arith.muli %add3A, %mul3A_1 : i32
    "tpu.region"() ({
      %run_scoped3A = tpu.sem_alloc : memref<!tpu.dma_semaphore, #tpu.memory_space<semaphore_mem>>
      %dma_start3A_837 = tpu.memref_slice %arg2[%mul3A_2] : memref<16384xi32, #tpu.memory_space<hbm>> -> memref<512xi32, #tpu.memory_space<hbm>>
      %dma_start3A_838 = tpu.memref_slice %arg2[%mul3A_2] : memref<16384xi32, #tpu.memory_space<hbm>> -> memref<512xi32, #tpu.memory_space<hbm>>
      tpu.enqueue_dma source(%dma_start3A_838 : memref<512xi32, #tpu.memory_space<hbm>>) target(%arg9 : memref<512xi32, #tpu.memory_space<vmem>>) target_semaphore(%run_scoped3A : memref<!tpu.dma_semaphore, #tpu.memory_space<semaphore_mem>>)
      %dma_wait3A_839 = tpu.memref_slice %arg2[%mul3A_2] : memref<16384xi32, #tpu.memory_space<hbm>> -> memref<512xi32, #tpu.memory_space<hbm>>
      %dma_wait3A_840 = tpu.memref_slice %arg2[%mul3A_2] : memref<16384xi32, #tpu.memory_space<hbm>> -> memref<512xi32, #tpu.memory_space<hbm>>
      tpu.wait_dma2 semaphore(%run_scoped3A : memref<!tpu.dma_semaphore, #tpu.memory_space<semaphore_mem>>) src(%dma_wait3A_840 : memref<512xi32, #tpu.memory_space<hbm>>) dst(%arg9 : memref<512xi32, #tpu.memory_space<vmem>>)
      tpu.yield
    }) : () -> ()
    "tpu.region"() ({
      %run_scoped3A = tpu.sem_alloc : memref<!tpu.dma_semaphore, #tpu.memory_space<semaphore_mem>>
      %dma_start3A_837 = tpu.memref_slice %arg3[%mul3A_2] : memref<16384xi32, #tpu.memory_space<hbm>> -> memref<512xi32, #tpu.memory_space<hbm>>
      %dma_start3A_838 = tpu.memref_slice %arg3[%mul3A_2] : memref<16384xi32, #tpu.memory_space<hbm>> -> memref<512xi32, #tpu.memory_space<hbm>>
      tpu.enqueue_dma source(%dma_start3A_838 : memref<512xi32, #tpu.memory_space<hbm>>) target(%arg10 : memref<512xi32, #tpu.memory_space<vmem>>) target_semaphore(%run_scoped3A : memref<!tpu.dma_semaphore, #tpu.memory_space<semaphore_mem>>)
      %dma_wait3A_839 = tpu.memref_slice %arg3[%mul3A_2] : memref<16384xi32, #tpu.memory_space<hbm>> -> memref<512xi32, #tpu.memory_space<hbm>>
      %dma_wait3A_840 = tpu.memref_slice %arg3[%mul3A_2] : memref<16384xi32, #tpu.memory_space<hbm>> -> memref<512xi32, #tpu.memory_space<hbm>>
      tpu.wait_dma2 semaphore(%run_scoped3A : memref<!tpu.dma_semaphore, #tpu.memory_space<semaphore_mem>>) src(%dma_wait3A_840 : memref<512xi32, #tpu.memory_space<hbm>>) dst(%arg10 : memref<512xi32, #tpu.memory_space<vmem>>)
      tpu.yield
    }) : () -> ()
    %get3A = arith.constant 0 : index
    %get3A_3 = tpu.vector_load %arg9[%get3A] {strides = array<i32>} : memref<512xi32, #tpu.memory_space<vmem>>, vector<16xi32>,
    %get3A_4 = vector.shape_cast %get3A_3 : vector<16xi32> to vector<16xi32>
    %shift_right_arithmetic3A = arith.constant 3 : i32
    %shift_right_arithmetic3A_5 = vector.broadcast %shift_right_arithmetic3A : i32 to vector<16xi32>
    %shift_right_arithmetic3A_6 = arith.shrsi %get3A_4, %shift_right_arithmetic3A_5 : vector<16xi32>
    %swap3A = arith.constant 0 : index
    %swap3A_7 = tpu.vector_load %arg11[%swap3A] {strides = array<i32>} : memref<512xi32, #tpu.memory_space<vmem>>, vector<16xi32>,
    %swap3A_8 = vector.shape_cast %swap3A_7 : vector<16xi32> to vector<16xi32>
    %swap3A_9 = vector.shape_cast %shift_right_arithmetic3A_6 : vector<16xi32> to vector<16xi32>
    tpu.vector_store %arg11[%swap3A], %swap3A_9 {strides = array<i32>} : memref<512xi32, #tpu.memory_space<vmem>>, vector<16xi32>,
    %get3A_10 = arith.constant 0 : index
    %get3A_11 = tpu.vector_load %arg10[%get3A_10] {strides = array<i32>} : memref<512xi32, #tpu.memory_space<vmem>>, vector<16xi32>,
    %get3A_12 = vector.shape_cast %get3A_11 : vector<16xi32> to vector<16xi32>
    %shift_right_arithmetic3A_13 = arith.constant 3 : i32
    %shift_right_arithmetic3A_14 = vector.broadcast %shift_right_arithmetic3A_13 : i32 to vector<16xi32>
    %shift_right_arithmetic3A_15 = arith.shrsi %get3A_12, %shift_right_arithmetic3A_14 : vector<16xi32>
    %swap3A_16 = arith.constant 0 : index
    %swap3A_17 = tpu.vector_load %arg12[%swap3A_16] {strides = array<i32>} : memref<512xi32, #tpu.memory_space<vmem>>, vector<16xi32>,
    %swap3A_18 = vector.shape_cast %swap3A_17 : vector<16xi32> to vector<16xi32>
    %swap3A_19 = vector.shape_cast %shift_right_arithmetic3A_15 : vector<16xi32> to vector<16xi32>
    tpu.vector_store %arg12[%swap3A_16], %swap3A_19 {strides = array<i32>} : memref<512xi32, #tpu.memory_space<vmem>>, vector<16xi32>,
    %get3A_20 = arith.constant 16 : index
    %get3A_21 = tpu.vector_load %arg9[%get3A_20] {strides = array<i32>} : memref<512xi32, #tpu.memory_space<vmem>>, vector<16xi32>,
    %get3A_22 = vector.shape_cast %get3A_21 : vector<16xi32> to vector<16xi32>
    %shift_right_arithmetic3A_23 = arith.constant 3 : i32
    %shift_right_arithmetic3A_24 = vector.broadcast %shift_right_arithmetic3A_23 : i32 to vector<16xi32>
    %shift_right_arithmetic3A_25 = arith.shrsi %get3A_22, %shift_right_arithmetic3A_24 : vector<16xi32>
    %swap3A_26 = arith.constant 16 : index
    %swap3A_27 = tpu.vector_load %arg11[%swap3A_26] {strides = array<i32>} : memref<512xi32, #tpu.memory_space<vmem>>, vector<16xi32>,
    %swap3A_28 = vector.shape_cast %swap3A_27 : vector<16xi32> to vector<16xi32>
    %swap3A_29 = vector.shape_cast %shift_right_arithmetic3A_25 : vector<16xi32> to vector<16xi32>
    tpu.vector_store %arg11[%swap3A_26], %swap3A_29 {strides = array<i32>} : memref<512xi32, #tpu.memory_space<vmem>>, vector<16xi32>,
    %get3A_30 = arith.constant 16 : index
    %get3A_31 = tpu.vector_load %arg10[%get3A_30] {strides = array<i32>} : memref<512xi32, #tpu.memory_space<vmem>>, vector<16xi32>,
    %get3A_32 = vector.shape_cast %get3A_31 : vector<16xi32> to vector<16xi32>
    %shift_right_arithmetic3A_33 = arith.constant 3 : i32
    %shift_right_arithmetic3A_34 = vector.broadcast %shift_right_arithmetic3A_33 : i32 to vector<16xi32>
    %shift_right_arithmetic3A_35 = arith.shrsi %get3A_32, %shift_right_arithmetic3A_34 : vector<16xi32>
    %swap3A_36 = arith.constant 16 : index
    %swap3A_37 = tpu.vector_load %arg12[%swap3A_36] {strides = array<i32>} : memref<512xi32, #tpu.memory_space<vmem>>, vector<16xi32>,
    %swap3A_38 = vector.shape_cast %swap3A_37 : vector<16xi32> to vector<16xi32>
    %swap3A_39 = vector.shape_cast %shift_right_arithmetic3A_35 : vector<16xi32> to vector<16xi32>
    tpu.vector_store %arg12[%swap3A_36], %swap3A_39 {strides = array<i32>} : memref<512xi32, #tpu.memory_space<vmem>>, vector<16xi32>,
    %get3A_40 = arith.constant 32 : index
    %get3A_41 = tpu.vector_load %arg9[%get3A_40] {strides = array<i32>} : memref<512xi32, #tpu.memory_space<vmem>>, vector<16xi32>,
    %get3A_42 = vector.shape_cast %get3A_41 : vector<16xi32> to vector<16xi32>
    %shift_right_arithmetic3A_43 = arith.constant 3 : i32
    %shift_right_arithmetic3A_44 = vector.broadcast %shift_right_arithmetic3A_43 : i32 to vector<16xi32>
    %shift_right_arithmetic3A_45 = arith.shrsi %get3A_42, %shift_right_arithmetic3A_44 : vector<16xi32>
    %swap3A_46 = arith.constant 32 : index
    %swap3A_47 = tpu.vector_load %arg11[%swap3A_46] {strides = array<i32>} : memref<512xi32, #tpu.memory_space<vmem>>, vector<16xi32>,
    %swap3A_48 = vector.shape_cast %swap3A_47 : vector<16xi32> to vector<16xi32>
    %swap3A_49 = vector.shape_cast %shift_right_arithmetic3A_45 : vector<16xi32> to vector<16xi32>
    tpu.vector_store %arg11[%swap3A_46], %swap3A_49 {strides = array<i32>} : memref<512xi32, #tpu.memory_space<vmem>>, vector<16xi32>,
    %get3A_50 = arith.constant 32 : index
    %get3A_51 = tpu.vector_load %arg10[%get3A_50] {strides = array<i32>} : memref<512xi32, #tpu.memory_space<vmem>>, vector<16xi32>,
    %get3A_52 = vector.shape_cast %get3A_51 : vector<16xi32> to vector<16xi32>
    %shift_right_arithmetic3A_53 = arith.constant 3 : i32
    %shift_right_arithmetic3A_54 = vector.broadcast %shift_right_arithmetic3A_53 : i32 to vector<16xi32>
    %shift_right_arithmetic3A_55 = arith.shrsi %get3A_52, %shift_right_arithmetic3A_54 : vector<16xi32>
    %swap3A_56 = arith.constant 32 : index
    %swap3A_57 = tpu.vector_load %arg12[%swap3A_56] {strides = array<i32>} : memref<512xi32, #tpu.memory_space<vmem>>, vector<16xi32>,
    %swap3A_58 = vector.shape_cast %swap3A_57 : vector<16xi32> to vector<16xi32>
    %swap3A_59 = vector.shape_cast %shift_right_arithmetic3A_55 : vector<16xi32> to vector<16xi32>
    tpu.vector_store %arg12[%swap3A_56], %swap3A_59 {strides = array<i32>} : memref<512xi32, #tpu.memory_space<vmem>>, vector<16xi32>,
    %get3A_60 = arith.constant 48 : index
    %get3A_61 = tpu.vector_load %arg9[%get3A_60] {strides = array<i32>} : memref<512xi32, #tpu.memory_space<vmem>>, vector<16xi32>,
    %get3A_62 = vector.shape_cast %get3A_61 : vector<16xi32> to vector<16xi32>
    %shift_right_arithmetic3A_63 = arith.constant 3 : i32
    %shift_right_arithmetic3A_64 = vector.broadcast %shift_right_arithmetic3A_63 : i32 to vector<16xi32>
    %shift_right_arithmetic3A_65 = arith.shrsi %get3A_62, %shift_right_arithmetic3A_64 : vector<16xi32>
    %swap3A_66 = arith.constant 48 : index
    %swap3A_67 = tpu.vector_load %arg11[%swap3A_66] {strides = array<i32>} : memref<512xi32, #tpu.memory_space<vmem>>, vector<16xi32>,
    %swap3A_68 = vector.shape_cast %swap3A_67 : vector<16xi32> to vector<16xi32>
    %swap3A_69 = vector.shape_cast %shift_right_arithmetic3A_65 : vector<16xi32> to vector<16xi32>
    tpu.vector_store %arg11[%swap3A_66], %swap3A_69 {strides = array<i32>} : memref<512xi32, #tpu.memory_space<vmem>>, vector<16xi32>,
    %get3A_70 = arith.constant 48 : index
    %get3A_71 = tpu.vector_load %arg10[%get3A_70] {strides = array<i32>} : memref<512xi32, #tpu.memory_space<vmem>>, vector<16xi32>,
    %get3A_72 = vector.shape_cast %get3A_71 : vector<16xi32> to vector<16xi32>
    %shift_right_arithmetic3A_73 = arith.constant 3 : i32
    %shift_right_arithmetic3A_74 = vector.broadcast %shift_right_arithmetic3A_73 : i32 to vector<16xi32>
    %shift_right_arithmetic3A_75 = arith.shrsi %get3A_72, %shift_right_arithmetic3A_74 : vector<16xi32>
    %swap3A_76 = arith.constant 48 : index
    %swap3A_77 = tpu.vector_load %arg12[%swap3A_76] {strides = array<i32>} : memref<512xi32, #tpu.memory_space<vmem>>, vector<16xi32>,
    %swap3A_78 = vector.shape_cast %swap3A_77 : vector<16xi32> to vector<16xi32>
    %swap3A_79 = vector.shape_cast %shift_right_arithmetic3A_75 : vector<16xi32> to vector<16xi32>
    tpu.vector_store %arg12[%swap3A_76], %swap3A_79 {strides = array<i32>} : memref<512xi32, #tpu.memory_space<vmem>>, vector<16xi32>,
    %get3A_80 = arith.constant 64 : index
    %get3A_81 = tpu.vector_load %arg9[%get3A_80] {strides = array<i32>} : memref<512xi32, #tpu.memory_space<vmem>>, vector<16xi32>,
    %get3A_82 = vector.shape_cast %get3A_81 : vector<16xi32> to vector<16xi32>
    %shift_right_arithmetic3A_83 = arith.constant 3 : i32
    %shift_right_arithmetic3A_84 = vector.broadcast %shift_right_arithmetic3A_83 : i32 to vector<16xi32>
    %shift_right_arithmetic3A_85 = arith.shrsi %get3A_82, %shift_right_arithmetic3A_84 : vector<16xi32>
    %swap3A_86 = arith.constant 64 : index
    %swap3A_87 = tpu.vector_load %arg11[%swap3A_86] {strides = array<i32>} : memref<512xi32, #tpu.memory_space<vmem>>, vector<16xi32>,
    %swap3A_88 = vector.shape_cast %swap3A_87 : vector<16xi32> to vector<16xi32>
    %swap3A_89 = vector.shape_cast %shift_right_arithmetic3A_85 : vector<16xi32> to vector<16xi32>
    tpu.vector_store %arg11[%swap3A_86], %swap3A_89 {strides = array<i32>} : memref<512xi32, #tpu.memory_space<vmem>>, vector<16xi32>,
    %get3A_90 = arith.constant 64 : index
    %get3A_91 = tpu.vector_load %arg10[%get3A_90] {strides = array<i32>} : memref<512xi32, #tpu.memory_space<vmem>>, vector<16xi32>,
    %get3A_92 = vector.shape_cast %get3A_91 : vector<16xi32> to vector<16xi32>
    %shift_right_arithmetic3A_93 = arith.constant 3 : i32
    %shift_right_arithmetic3A_94 = vector.broadcast %shift_right_arithmetic3A_93 : i32 to vector<16xi32>
    %shift_right_arithmetic3A_95 = arith.shrsi %get3A_92, %shift_right_arithmetic3A_94 : vector<16xi32>
    %swap3A_96 = arith.constant 64 : index
    %swap3A_97 = tpu.vector_load %arg12[%swap3A_96] {strides = array<i32>} : memref<512xi32, #tpu.memory_space<vmem>>, vector<16xi32>,
    %swap3A_98 = vector.shape_cast %swap3A_97 : vector<16xi32> to vector<16xi32>
    %swap3A_99 = vector.shape_cast %shift_right_arithmetic3A_95 : vector<16xi32> to vector<16xi32>
    tpu.vector_store %arg12[%swap3A_96], %swap3A_99 {strides = array<i32>} : memref<512xi32, #tpu.memory_space<vmem>>, vector<16xi32>,
    %get3A_100 = arith.constant 80 : index
    %get3A_101 = tpu.vector_load %arg9[%get3A_100] {strides = array<i32>} : memref<512xi32, #tpu.memory_space<vmem>>, vector<16xi32>,
    %get3A_102 = vector.shape_cast %get3A_101 : vector<16xi32> to vector<16xi32>
    %shift_right_arithmetic3A_103 = arith.constant 3 : i32
    %shift_right_arithmetic3A_104 = vector.broadcast %shift_right_arithmetic3A_103 : i32 to vector<16xi32>
    %shift_right_arithmetic3A_105 = arith.shrsi %get3A_102, %shift_right_arithmetic3A_104 : vector<16xi32>
    %swap3A_106 = arith.constant 80 : index
    %swap3A_107 = tpu.vector_load %arg11[%swap3A_106] {strides = array<i32>} : memref<512xi32, #tpu.memory_space<vmem>>, vector<16xi32>,
    %swap3A_108 = vector.shape_cast %swap3A_107 : vector<16xi32> to vector<16xi32>
    %swap3A_109 = vector.shape_cast %shift_right_arithmetic3A_105 : vector<16xi32> to vector<16xi32>
    tpu.vector_store %arg11[%swap3A_106], %swap3A_109 {strides = array<i32>} : memref<512xi32, #tpu.memory_space<vmem>>, vector<16xi32>,
    %get3A_110 = arith.constant 80 : index
    %get3A_111 = tpu.vector_load %arg10[%get3A_110] {strides = array<i32>} : memref<512xi32, #tpu.memory_space<vmem>>, vector<16xi32>,
    %get3A_112 = vector.shape_cast %get3A_111 : vector<16xi32> to vector<16xi32>
    %shift_right_arithmetic3A_113 = arith.constant 3 : i32
    %shift_right_arithmetic3A_114 = vector.broadcast %shift_right_arithmetic3A_113 : i32 to vector<16xi32>
    %shift_right_arithmetic3A_115 = arith.shrsi %get3A_112, %shift_right_arithmetic3A_114 : vector<16xi32>
    %swap3A_116 = arith.constant 80 : index
    %swap3A_117 = tpu.vector_load %arg12[%swap3A_116] {strides = array<i32>} : memref<512xi32, #tpu.memory_space<vmem>>, vector<16xi32>,
    %swap3A_118 = vector.shape_cast %swap3A_117 : vector<16xi32> to vector<16xi32>
    %swap3A_119 = vector.shape_cast %shift_right_arithmetic3A_115 : vector<16xi32> to vector<16xi32>
    tpu.vector_store %arg12[%swap3A_116], %swap3A_119 {strides = array<i32>} : memref<512xi32, #tpu.memory_space<vmem>>, vector<16xi32>,
    %get3A_120 = arith.constant 96 : index
    %get3A_121 = tpu.vector_load %arg9[%get3A_120] {strides = array<i32>} : memref<512xi32, #tpu.memory_space<vmem>>, vector<16xi32>,
    %get3A_122 = vector.shape_cast %get3A_121 : vector<16xi32> to vector<16xi32>
    %shift_right_arithmetic3A_123 = arith.constant 3 : i32
    %shift_right_arithmetic3A_124 = vector.broadcast %shift_right_arithmetic3A_123 : i32 to vector<16xi32>
    %shift_right_arithmetic3A_125 = arith.shrsi %get3A_122, %shift_right_arithmetic3A_124 : vector<16xi32>
    %swap3A_126 = arith.constant 96 : index
    %swap3A_127 = tpu.vector_load %arg11[%swap3A_126] {strides = array<i32>} : memref<512xi32, #tpu.memory_space<vmem>>, vector<16xi32>,
    %swap3A_128 = vector.shape_cast %swap3A_127 : vector<16xi32> to vector<16xi32>
    %swap3A_129 = vector.shape_cast %shift_right_arithmetic3A_125 : vector<16xi32> to vector<16xi32>
    tpu.vector_store %arg11[%swap3A_126], %swap3A_129 {strides = array<i32>} : memref<512xi32, #tpu.memory_space<vmem>>, vector<16xi32>,
    %get3A_130 = arith.constant 96 : index
    %get3A_131 = tpu.vector_load %arg10[%get3A_130] {strides = array<i32>} : memref<512xi32, #tpu.memory_space<vmem>>, vector<16xi32>,
    %get3A_132 = vector.shape_cast %get3A_131 : vector<16xi32> to vector<16xi32>
    %shift_right_arithmetic3A_133 = arith.constant 3 : i32
    %shift_right_arithmetic3A_134 = vector.broadcast %shift_right_arithmetic3A_133 : i32 to vector<16xi32>
    %shift_right_arithmetic3A_135 = arith.shrsi %get3A_132, %shift_right_arithmetic3A_134 : vector<16xi32>
    %swap3A_136 = arith.constant 96 : index
    %swap3A_137 = tpu.vector_load %arg12[%swap3A_136] {strides = array<i32>} : memref<512xi32, #tpu.memory_space<vmem>>, vector<16xi32>,
    %swap3A_138 = vector.shape_cast %swap3A_137 : vector<16xi32> to vector<16xi32>
    %swap3A_139 = vector.shape_cast %shift_right_arithmetic3A_135 : vector<16xi32> to vector<16xi32>
    tpu.vector_store %arg12[%swap3A_136], %swap3A_139 {strides = array<i32>} : memref<512xi32, #tpu.memory_space<vmem>>, vector<16xi32>,
    %get3A_140 = arith.constant 112 : index
    %get3A_141 = tpu.vector_load %arg9[%get3A_140] {strides = array<i32>} : memref<512xi32, #tpu.memory_space<vmem>>, vector<16xi32>,
    %get3A_142 = vector.shape_cast %get3A_141 : vector<16xi32> to vector<16xi32>
    %shift_right_arithmetic3A_143 = arith.constant 3 : i32
    %shift_right_arithmetic3A_144 = vector.broadcast %shift_right_arithmetic3A_143 : i32 to vector<16xi32>
    %shift_right_arithmetic3A_145 = arith.shrsi %get3A_142, %shift_right_arithmetic3A_144 : vector<16xi32>
    %swap3A_146 = arith.constant 112 : index
    %swap3A_147 = tpu.vector_load %arg11[%swap3A_146] {strides = array<i32>} : memref<512xi32, #tpu.memory_space<vmem>>, vector<16xi32>,
    %swap3A_148 = vector.shape_cast %swap3A_147 : vector<16xi32> to vector<16xi32>
    %swap3A_149 = vector.shape_cast %shift_right_arithmetic3A_145 : vector<16xi32> to vector<16xi32>
    tpu.vector_store %arg11[%swap3A_146], %swap3A_149 {strides = array<i32>} : memref<512xi32, #tpu.memory_space<vmem>>, vector<16xi32>,
    %get3A_150 = arith.constant 112 : index
    %get3A_151 = tpu.vector_load %arg10[%get3A_150] {strides = array<i32>} : memref<512xi32, #tpu.memory_space<vmem>>, vector<16xi32>,
    %get3A_152 = vector.shape_cast %get3A_151 : vector<16xi32> to vector<16xi32>
    %shift_right_arithmetic3A_153 = arith.constant 3 : i32
    %shift_right_arithmetic3A_154 = vector.broadcast %shift_right_arithmetic3A_153 : i32 to vector<16xi32>
    %shift_right_arithmetic3A_155 = arith.shrsi %get3A_152, %shift_right_arithmetic3A_154 : vector<16xi32>
    %swap3A_156 = arith.constant 112 : index
    %swap3A_157 = tpu.vector_load %arg12[%swap3A_156] {strides = array<i32>} : memref<512xi32, #tpu.memory_space<vmem>>, vector<16xi32>,
    %swap3A_158 = vector.shape_cast %swap3A_157 : vector<16xi32> to vector<16xi32>
    %swap3A_159 = vector.shape_cast %shift_right_arithmetic3A_155 : vector<16xi32> to vector<16xi32>
    tpu.vector_store %arg12[%swap3A_156], %swap3A_159 {strides = array<i32>} : memref<512xi32, #tpu.memory_space<vmem>>, vector<16xi32>,
    %get3A_160 = arith.constant 128 : index
    %get3A_161 = tpu.vector_load %arg9[%get3A_160] {strides = array<i32>} : memref<512xi32, #tpu.memory_space<vmem>>, vector<16xi32>,
    %get3A_162 = vector.shape_cast %get3A_161 : vector<16xi32> to vector<16xi32>
    %shift_right_arithmetic3A_163 = arith.constant 3 : i32
    %shift_right_arithmetic3A_164 = vector.broadcast %shift_right_arithmetic3A_163 : i32 to vector<16xi32>
    %shift_right_arithmetic3A_165 = arith.shrsi %get3A_162, %shift_right_arithmetic3A_164 : vector<16xi32>
    %swap3A_166 = arith.constant 128 : index
    %swap3A_167 = tpu.vector_load %arg11[%swap3A_166] {strides = array<i32>} : memref<512xi32, #tpu.memory_space<vmem>>, vector<16xi32>,
    %swap3A_168 = vector.shape_cast %swap3A_167 : vector<16xi32> to vector<16xi32>
    %swap3A_169 = vector.shape_cast %shift_right_arithmetic3A_165 : vector<16xi32> to vector<16xi32>
    tpu.vector_store %arg11[%swap3A_166], %swap3A_169 {strides = array<i32>} : memref<512xi32, #tpu.memory_space<vmem>>, vector<16xi32>,
    %get3A_170 = arith.constant 128 : index
    %get3A_171 = tpu.vector_load %arg10[%get3A_170] {strides = array<i32>} : memref<512xi32, #tpu.memory_space<vmem>>, vector<16xi32>,
    %get3A_172 = vector.shape_cast %get3A_171 : vector<16xi32> to vector<16xi32>
    %shift_right_arithmetic3A_173 = arith.constant 3 : i32
    %shift_right_arithmetic3A_174 = vector.broadcast %shift_right_arithmetic3A_173 : i32 to vector<16xi32>
    %shift_right_arithmetic3A_175 = arith.shrsi %get3A_172, %shift_right_arithmetic3A_174 : vector<16xi32>
    %swap3A_176 = arith.constant 128 : index
    %swap3A_177 = tpu.vector_load %arg12[%swap3A_176] {strides = array<i32>} : memref<512xi32, #tpu.memory_space<vmem>>, vector<16xi32>,
    %swap3A_178 = vector.shape_cast %swap3A_177 : vector<16xi32> to vector<16xi32>
    %swap3A_179 = vector.shape_cast %shift_right_arithmetic3A_175 : vector<16xi32> to vector<16xi32>
    tpu.vector_store %arg12[%swap3A_176], %swap3A_179 {strides = array<i32>} : memref<512xi32, #tpu.memory_space<vmem>>, vector<16xi32>,
    %get3A_180 = arith.constant 144 : index
    %get3A_181 = tpu.vector_load %arg9[%get3A_180] {strides = array<i32>} : memref<512xi32, #tpu.memory_space<vmem>>, vector<16xi32>,
    %get3A_182 = vector.shape_cast %get3A_181 : vector<16xi32> to vector<16xi32>
    %shift_right_arithmetic3A_183 = arith.constant 3 : i32
    %shift_right_arithmetic3A_184 = vector.broadcast %shift_right_arithmetic3A_183 : i32 to vector<16xi32>
    %shift_right_arithmetic3A_185 = arith.shrsi %get3A_182, %shift_right_arithmetic3A_184 : vector<16xi32>
    %swap3A_186 = arith.constant 144 : index
    %swap3A_187 = tpu.vector_load %arg11[%swap3A_186] {strides = array<i32>} : memref<512xi32, #tpu.memory_space<vmem>>, vector<16xi32>,
    %swap3A_188 = vector.shape_cast %swap3A_187 : vector<16xi32> to vector<16xi32>
    %swap3A_189 = vector.shape_cast %shift_right_arithmetic3A_185 : vector<16xi32> to vector<16xi32>
    tpu.vector_store %arg11[%swap3A_186], %swap3A_189 {strides = array<i32>} : memref<512xi32, #tpu.memory_space<vmem>>, vector<16xi32>,
    %get3A_190 = arith.constant 144 : index
    %get3A_191 = tpu.vector_load %arg10[%get3A_190] {strides = array<i32>} : memref<512xi32, #tpu.memory_space<vmem>>, vector<16xi32>,
    %get3A_192 = vector.shape_cast %get3A_191 : vector<16xi32> to vector<16xi32>
    %shift_right_arithmetic3A_193 = arith.constant 3 : i32
    %shift_right_arithmetic3A_194 = vector.broadcast %shift_right_arithmetic3A_193 : i32 to vector<16xi32>
    %shift_right_arithmetic3A_195 = arith.shrsi %get3A_192, %shift_right_arithmetic3A_194 : vector<16xi32>
    %swap3A_196 = arith.constant 144 : index
    %swap3A_197 = tpu.vector_load %arg12[%swap3A_196] {strides = array<i32>} : memref<512xi32, #tpu.memory_space<vmem>>, vector<16xi32>,
    %swap3A_198 = vector.shape_cast %swap3A_197 : vector<16xi32> to vector<16xi32>
    %swap3A_199 = vector.shape_cast %shift_right_arithmetic3A_195 : vector<16xi32> to vector<16xi32>
    tpu.vector_store %arg12[%swap3A_196], %swap3A_199 {strides = array<i32>} : memref<512xi32, #tpu.memory_space<vmem>>, vector<16xi32>,
    %get3A_200 = arith.constant 160 : index
    %get3A_201 = tpu.vector_load %arg9[%get3A_200] {strides = array<i32>} : memref<512xi32, #tpu.memory_space<vmem>>, vector<16xi32>,
    %get3A_202 = vector.shape_cast %get3A_201 : vector<16xi32> to vector<16xi32>
    %shift_right_arithmetic3A_203 = arith.constant 3 : i32
    %shift_right_arithmetic3A_204 = vector.broadcast %shift_right_arithmetic3A_203 : i32 to vector<16xi32>
    %shift_right_arithmetic3A_205 = arith.shrsi %get3A_202, %shift_right_arithmetic3A_204 : vector<16xi32>
    %swap3A_206 = arith.constant 160 : index
    %swap3A_207 = tpu.vector_load %arg11[%swap3A_206] {strides = array<i32>} : memref<512xi32, #tpu.memory_space<vmem>>, vector<16xi32>,
    %swap3A_208 = vector.shape_cast %swap3A_207 : vector<16xi32> to vector<16xi32>
    %swap3A_209 = vector.shape_cast %shift_right_arithmetic3A_205 : vector<16xi32> to vector<16xi32>
    tpu.vector_store %arg11[%swap3A_206], %swap3A_209 {strides = array<i32>} : memref<512xi32, #tpu.memory_space<vmem>>, vector<16xi32>,
    %get3A_210 = arith.constant 160 : index
    %get3A_211 = tpu.vector_load %arg10[%get3A_210] {strides = array<i32>} : memref<512xi32, #tpu.memory_space<vmem>>, vector<16xi32>,
    %get3A_212 = vector.shape_cast %get3A_211 : vector<16xi32> to vector<16xi32>
    %shift_right_arithmetic3A_213 = arith.constant 3 : i32
    %shift_right_arithmetic3A_214 = vector.broadcast %shift_right_arithmetic3A_213 : i32 to vector<16xi32>
    %shift_right_arithmetic3A_215 = arith.shrsi %get3A_212, %shift_right_arithmetic3A_214 : vector<16xi32>
    %swap3A_216 = arith.constant 160 : index
    %swap3A_217 = tpu.vector_load %arg12[%swap3A_216] {strides = array<i32>} : memref<512xi32, #tpu.memory_space<vmem>>, vector<16xi32>,
    %swap3A_218 = vector.shape_cast %swap3A_217 : vector<16xi32> to vector<16xi32>
    %swap3A_219 = vector.shape_cast %shift_right_arithmetic3A_215 : vector<16xi32> to vector<16xi32>
    tpu.vector_store %arg12[%swap3A_216], %swap3A_219 {strides = array<i32>} : memref<512xi32, #tpu.memory_space<vmem>>, vector<16xi32>,
    %get3A_220 = arith.constant 176 : index
    %get3A_221 = tpu.vector_load %arg9[%get3A_220] {strides = array<i32>} : memref<512xi32, #tpu.memory_space<vmem>>, vector<16xi32>,
    %get3A_222 = vector.shape_cast %get3A_221 : vector<16xi32> to vector<16xi32>
    %shift_right_arithmetic3A_223 = arith.constant 3 : i32
    %shift_right_arithmetic3A_224 = vector.broadcast %shift_right_arithmetic3A_223 : i32 to vector<16xi32>
    %shift_right_arithmetic3A_225 = arith.shrsi %get3A_222, %shift_right_arithmetic3A_224 : vector<16xi32>
    %swap3A_226 = arith.constant 176 : index
    %swap3A_227 = tpu.vector_load %arg11[%swap3A_226] {strides = array<i32>} : memref<512xi32, #tpu.memory_space<vmem>>, vector<16xi32>,
    %swap3A_228 = vector.shape_cast %swap3A_227 : vector<16xi32> to vector<16xi32>
    %swap3A_229 = vector.shape_cast %shift_right_arithmetic3A_225 : vector<16xi32> to vector<16xi32>
    tpu.vector_store %arg11[%swap3A_226], %swap3A_229 {strides = array<i32>} : memref<512xi32, #tpu.memory_space<vmem>>, vector<16xi32>,
    %get3A_230 = arith.constant 176 : index
    %get3A_231 = tpu.vector_load %arg10[%get3A_230] {strides = array<i32>} : memref<512xi32, #tpu.memory_space<vmem>>, vector<16xi32>,
    %get3A_232 = vector.shape_cast %get3A_231 : vector<16xi32> to vector<16xi32>
    %shift_right_arithmetic3A_233 = arith.constant 3 : i32
    %shift_right_arithmetic3A_234 = vector.broadcast %shift_right_arithmetic3A_233 : i32 to vector<16xi32>
    %shift_right_arithmetic3A_235 = arith.shrsi %get3A_232, %shift_right_arithmetic3A_234 : vector<16xi32>
    %swap3A_236 = arith.constant 176 : index
    %swap3A_237 = tpu.vector_load %arg12[%swap3A_236] {strides = array<i32>} : memref<512xi32, #tpu.memory_space<vmem>>, vector<16xi32>,
    %swap3A_238 = vector.shape_cast %swap3A_237 : vector<16xi32> to vector<16xi32>
    %swap3A_239 = vector.shape_cast %shift_right_arithmetic3A_235 : vector<16xi32> to vector<16xi32>
    tpu.vector_store %arg12[%swap3A_236], %swap3A_239 {strides = array<i32>} : memref<512xi32, #tpu.memory_space<vmem>>, vector<16xi32>,
    %get3A_240 = arith.constant 192 : index
    %get3A_241 = tpu.vector_load %arg9[%get3A_240] {strides = array<i32>} : memref<512xi32, #tpu.memory_space<vmem>>, vector<16xi32>,
    %get3A_242 = vector.shape_cast %get3A_241 : vector<16xi32> to vector<16xi32>
    %shift_right_arithmetic3A_243 = arith.constant 3 : i32
    %shift_right_arithmetic3A_244 = vector.broadcast %shift_right_arithmetic3A_243 : i32 to vector<16xi32>
    %shift_right_arithmetic3A_245 = arith.shrsi %get3A_242, %shift_right_arithmetic3A_244 : vector<16xi32>
    %swap3A_246 = arith.constant 192 : index
    %swap3A_247 = tpu.vector_load %arg11[%swap3A_246] {strides = array<i32>} : memref<512xi32, #tpu.memory_space<vmem>>, vector<16xi32>,
    %swap3A_248 = vector.shape_cast %swap3A_247 : vector<16xi32> to vector<16xi32>
    %swap3A_249 = vector.shape_cast %shift_right_arithmetic3A_245 : vector<16xi32> to vector<16xi32>
    tpu.vector_store %arg11[%swap3A_246], %swap3A_249 {strides = array<i32>} : memref<512xi32, #tpu.memory_space<vmem>>, vector<16xi32>,
    %get3A_250 = arith.constant 192 : index
    %get3A_251 = tpu.vector_load %arg10[%get3A_250] {strides = array<i32>} : memref<512xi32, #tpu.memory_space<vmem>>, vector<16xi32>,
    %get3A_252 = vector.shape_cast %get3A_251 : vector<16xi32> to vector<16xi32>
    %shift_right_arithmetic3A_253 = arith.constant 3 : i32
    %shift_right_arithmetic3A_254 = vector.broadcast %shift_right_arithmetic3A_253 : i32 to vector<16xi32>
    %shift_right_arithmetic3A_255 = arith.shrsi %get3A_252, %shift_right_arithmetic3A_254 : vector<16xi32>
    %swap3A_256 = arith.constant 192 : index
    %swap3A_257 = tpu.vector_load %arg12[%swap3A_256] {strides = array<i32>} : memref<512xi32, #tpu.memory_space<vmem>>, vector<16xi32>,
    %swap3A_258 = vector.shape_cast %swap3A_257 : vector<16xi32> to vector<16xi32>
    %swap3A_259 = vector.shape_cast %shift_right_arithmetic3A_255 : vector<16xi32> to vector<16xi32>
    tpu.vector_store %arg12[%swap3A_256], %swap3A_259 {strides = array<i32>} : memref<512xi32, #tpu.memory_space<vmem>>, vector<16xi32>,
    %get3A_260 = arith.constant 208 : index
    %get3A_261 = tpu.vector_load %arg9[%get3A_260] {strides = array<i32>} : memref<512xi32, #tpu.memory_space<vmem>>, vector<16xi32>,
    %get3A_262 = vector.shape_cast %get3A_261 : vector<16xi32> to vector<16xi32>
    %shift_right_arithmetic3A_263 = arith.constant 3 : i32
    %shift_right_arithmetic3A_264 = vector.broadcast %shift_right_arithmetic3A_263 : i32 to vector<16xi32>
    %shift_right_arithmetic3A_265 = arith.shrsi %get3A_262, %shift_right_arithmetic3A_264 : vector<16xi32>
    %swap3A_266 = arith.constant 208 : index
    %swap3A_267 = tpu.vector_load %arg11[%swap3A_266] {strides = array<i32>} : memref<512xi32, #tpu.memory_space<vmem>>, vector<16xi32>,
    %swap3A_268 = vector.shape_cast %swap3A_267 : vector<16xi32> to vector<16xi32>
    %swap3A_269 = vector.shape_cast %shift_right_arithmetic3A_265 : vector<16xi32> to vector<16xi32>
    tpu.vector_store %arg11[%swap3A_266], %swap3A_269 {strides = array<i32>} : memref<512xi32, #tpu.memory_space<vmem>>, vector<16xi32>,
    %get3A_270 = arith.constant 208 : index
    %get3A_271 = tpu.vector_load %arg10[%get3A_270] {strides = array<i32>} : memref<512xi32, #tpu.memory_space<vmem>>, vector<16xi32>,
    %get3A_272 = vector.shape_cast %get3A_271 : vector<16xi32> to vector<16xi32>
    %shift_right_arithmetic3A_273 = arith.constant 3 : i32
    %shift_right_arithmetic3A_274 = vector.broadcast %shift_right_arithmetic3A_273 : i32 to vector<16xi32>
    %shift_right_arithmetic3A_275 = arith.shrsi %get3A_272, %shift_right_arithmetic3A_274 : vector<16xi32>
    %swap3A_276 = arith.constant 208 : index
    %swap3A_277 = tpu.vector_load %arg12[%swap3A_276] {strides = array<i32>} : memref<512xi32, #tpu.memory_space<vmem>>, vector<16xi32>,
    %swap3A_278 = vector.shape_cast %swap3A_277 : vector<16xi32> to vector<16xi32>
    %swap3A_279 = vector.shape_cast %shift_right_arithmetic3A_275 : vector<16xi32> to vector<16xi32>
    tpu.vector_store %arg12[%swap3A_276], %swap3A_279 {strides = array<i32>} : memref<512xi32, #tpu.memory_space<vmem>>, vector<16xi32>,
    %get3A_280 = arith.constant 224 : index
    %get3A_281 = tpu.vector_load %arg9[%get3A_280] {strides = array<i32>} : memref<512xi32, #tpu.memory_space<vmem>>, vector<16xi32>,
    %get3A_282 = vector.shape_cast %get3A_281 : vector<16xi32> to vector<16xi32>
    %shift_right_arithmetic3A_283 = arith.constant 3 : i32
    %shift_right_arithmetic3A_284 = vector.broadcast %shift_right_arithmetic3A_283 : i32 to vector<16xi32>
    %shift_right_arithmetic3A_285 = arith.shrsi %get3A_282, %shift_right_arithmetic3A_284 : vector<16xi32>
    %swap3A_286 = arith.constant 224 : index
    %swap3A_287 = tpu.vector_load %arg11[%swap3A_286] {strides = array<i32>} : memref<512xi32, #tpu.memory_space<vmem>>, vector<16xi32>,
    %swap3A_288 = vector.shape_cast %swap3A_287 : vector<16xi32> to vector<16xi32>
    %swap3A_289 = vector.shape_cast %shift_right_arithmetic3A_285 : vector<16xi32> to vector<16xi32>
    tpu.vector_store %arg11[%swap3A_286], %swap3A_289 {strides = array<i32>} : memref<512xi32, #tpu.memory_space<vmem>>, vector<16xi32>,
    %get3A_290 = arith.constant 224 : index
    %get3A_291 = tpu.vector_load %arg10[%get3A_290] {strides = array<i32>} : memref<512xi32, #tpu.memory_space<vmem>>, vector<16xi32>,
    %get3A_292 = vector.shape_cast %get3A_291 : vector<16xi32> to vector<16xi32>
    %shift_right_arithmetic3A_293 = arith.constant 3 : i32
    %shift_right_arithmetic3A_294 = vector.broadcast %shift_right_arithmetic3A_293 : i32 to vector<16xi32>
    %shift_right_arithmetic3A_295 = arith.shrsi %get3A_292, %shift_right_arithmetic3A_294 : vector<16xi32>
    %swap3A_296 = arith.constant 224 : index
    %swap3A_297 = tpu.vector_load %arg12[%swap3A_296] {strides = array<i32>} : memref<512xi32, #tpu.memory_space<vmem>>, vector<16xi32>,
    %swap3A_298 = vector.shape_cast %swap3A_297 : vector<16xi32> to vector<16xi32>
    %swap3A_299 = vector.shape_cast %shift_right_arithmetic3A_295 : vector<16xi32> to vector<16xi32>
    tpu.vector_store %arg12[%swap3A_296], %swap3A_299 {strides = array<i32>} : memref<512xi32, #tpu.memory_space<vmem>>, vector<16xi32>,
    %get3A_300 = arith.constant 240 : index
    %get3A_301 = tpu.vector_load %arg9[%get3A_300] {strides = array<i32>} : memref<512xi32, #tpu.memory_space<vmem>>, vector<16xi32>,
    %get3A_302 = vector.shape_cast %get3A_301 : vector<16xi32> to vector<16xi32>
    %shift_right_arithmetic3A_303 = arith.constant 3 : i32
    %shift_right_arithmetic3A_304 = vector.broadcast %shift_right_arithmetic3A_303 : i32 to vector<16xi32>
    %shift_right_arithmetic3A_305 = arith.shrsi %get3A_302, %shift_right_arithmetic3A_304 : vector<16xi32>
    %swap3A_306 = arith.constant 240 : index
    %swap3A_307 = tpu.vector_load %arg11[%swap3A_306] {strides = array<i32>} : memref<512xi32, #tpu.memory_space<vmem>>, vector<16xi32>,
    %swap3A_308 = vector.shape_cast %swap3A_307 : vector<16xi32> to vector<16xi32>
    %swap3A_309 = vector.shape_cast %shift_right_arithmetic3A_305 : vector<16xi32> to vector<16xi32>
    tpu.vector_store %arg11[%swap3A_306], %swap3A_309 {strides = array<i32>} : memref<512xi32, #tpu.memory_space<vmem>>, vector<16xi32>,
    %get3A_310 = arith.constant 240 : index
    %get3A_311 = tpu.vector_load %arg10[%get3A_310] {strides = array<i32>} : memref<512xi32, #tpu.memory_space<vmem>>, vector<16xi32>,
    %get3A_312 = vector.shape_cast %get3A_311 : vector<16xi32> to vector<16xi32>
    %shift_right_arithmetic3A_313 = arith.constant 3 : i32
    %shift_right_arithmetic3A_314 = vector.broadcast %shift_right_arithmetic3A_313 : i32 to vector<16xi32>
    %shift_right_arithmetic3A_315 = arith.shrsi %get3A_312, %shift_right_arithmetic3A_314 : vector<16xi32>
    %swap3A_316 = arith.constant 240 : index
    %swap3A_317 = tpu.vector_load %arg12[%swap3A_316] {strides = array<i32>} : memref<512xi32, #tpu.memory_space<vmem>>, vector<16xi32>,
    %swap3A_318 = vector.shape_cast %swap3A_317 : vector<16xi32> to vector<16xi32>
    %swap3A_319 = vector.shape_cast %shift_right_arithmetic3A_315 : vector<16xi32> to vector<16xi32>
    tpu.vector_store %arg12[%swap3A_316], %swap3A_319 {strides = array<i32>} : memref<512xi32, #tpu.memory_space<vmem>>, vector<16xi32>,
    %get3A_320 = arith.constant 256 : index
    %get3A_321 = tpu.vector_load %arg9[%get3A_320] {strides = array<i32>} : memref<512xi32, #tpu.memory_space<vmem>>, vector<16xi32>,
    %get3A_322 = vector.shape_cast %get3A_321 : vector<16xi32> to vector<16xi32>
    %shift_right_arithmetic3A_323 = arith.constant 3 : i32
    %shift_right_arithmetic3A_324 = vector.broadcast %shift_right_arithmetic3A_323 : i32 to vector<16xi32>
    %shift_right_arithmetic3A_325 = arith.shrsi %get3A_322, %shift_right_arithmetic3A_324 : vector<16xi32>
    %swap3A_326 = arith.constant 256 : index
    %swap3A_327 = tpu.vector_load %arg11[%swap3A_326] {strides = array<i32>} : memref<512xi32, #tpu.memory_space<vmem>>, vector<16xi32>,
    %swap3A_328 = vector.shape_cast %swap3A_327 : vector<16xi32> to vector<16xi32>
    %swap3A_329 = vector.shape_cast %shift_right_arithmetic3A_325 : vector<16xi32> to vector<16xi32>
    tpu.vector_store %arg11[%swap3A_326], %swap3A_329 {strides = array<i32>} : memref<512xi32, #tpu.memory_space<vmem>>, vector<16xi32>,
    %get3A_330 = arith.constant 256 : index
    %get3A_331 = tpu.vector_load %arg10[%get3A_330] {strides = array<i32>} : memref<512xi32, #tpu.memory_space<vmem>>, vector<16xi32>,
    %get3A_332 = vector.shape_cast %get3A_331 : vector<16xi32> to vector<16xi32>
    %shift_right_arithmetic3A_333 = arith.constant 3 : i32
    %shift_right_arithmetic3A_334 = vector.broadcast %shift_right_arithmetic3A_333 : i32 to vector<16xi32>
    %shift_right_arithmetic3A_335 = arith.shrsi %get3A_332, %shift_right_arithmetic3A_334 : vector<16xi32>
    %swap3A_336 = arith.constant 256 : index
    %swap3A_337 = tpu.vector_load %arg12[%swap3A_336] {strides = array<i32>} : memref<512xi32, #tpu.memory_space<vmem>>, vector<16xi32>,
    %swap3A_338 = vector.shape_cast %swap3A_337 : vector<16xi32> to vector<16xi32>
    %swap3A_339 = vector.shape_cast %shift_right_arithmetic3A_335 : vector<16xi32> to vector<16xi32>
    tpu.vector_store %arg12[%swap3A_336], %swap3A_339 {strides = array<i32>} : memref<512xi32, #tpu.memory_space<vmem>>, vector<16xi32>,
    %get3A_340 = arith.constant 272 : index
    %get3A_341 = tpu.vector_load %arg9[%get3A_340] {strides = array<i32>} : memref<512xi32, #tpu.memory_space<vmem>>, vector<16xi32>,
    %get3A_342 = vector.shape_cast %get3A_341 : vector<16xi32> to vector<16xi32>
    %shift_right_arithmetic3A_343 = arith.constant 3 : i32
    %shift_right_arithmetic3A_344 = vector.broadcast %shift_right_arithmetic3A_343 : i32 to vector<16xi32>
    %shift_right_arithmetic3A_345 = arith.shrsi %get3A_342, %shift_right_arithmetic3A_344 : vector<16xi32>
    %swap3A_346 = arith.constant 272 : index
    %swap3A_347 = tpu.vector_load %arg11[%swap3A_346] {strides = array<i32>} : memref<512xi32, #tpu.memory_space<vmem>>, vector<16xi32>,
    %swap3A_348 = vector.shape_cast %swap3A_347 : vector<16xi32> to vector<16xi32>
    %swap3A_349 = vector.shape_cast %shift_right_arithmetic3A_345 : vector<16xi32> to vector<16xi32>
    tpu.vector_store %arg11[%swap3A_346], %swap3A_349 {strides = array<i32>} : memref<512xi32, #tpu.memory_space<vmem>>, vector<16xi32>,
    %get3A_350 = arith.constant 272 : index
    %get3A_351 = tpu.vector_load %arg10[%get3A_350] {strides = array<i32>} : memref<512xi32, #tpu.memory_space<vmem>>, vector<16xi32>,
    %get3A_352 = vector.shape_cast %get3A_351 : vector<16xi32> to vector<16xi32>
    %shift_right_arithmetic3A_353 = arith.constant 3 : i32
    %shift_right_arithmetic3A_354 = vector.broadcast %shift_right_arithmetic3A_353 : i32 to vector<16xi32>
    %shift_right_arithmetic3A_355 = arith.shrsi %get3A_352, %shift_right_arithmetic3A_354 : vector<16xi32>
    %swap3A_356 = arith.constant 272 : index
    %swap3A_357 = tpu.vector_load %arg12[%swap3A_356] {strides = array<i32>} : memref<512xi32, #tpu.memory_space<vmem>>, vector<16xi32>,
    %swap3A_358 = vector.shape_cast %swap3A_357 : vector<16xi32> to vector<16xi32>
    %swap3A_359 = vector.shape_cast %shift_right_arithmetic3A_355 : vector<16xi32> to vector<16xi32>
    tpu.vector_store %arg12[%swap3A_356], %swap3A_359 {strides = array<i32>} : memref<512xi32, #tpu.memory_space<vmem>>, vector<16xi32>,
    %get3A_360 = arith.constant 288 : index
    %get3A_361 = tpu.vector_load %arg9[%get3A_360] {strides = array<i32>} : memref<512xi32, #tpu.memory_space<vmem>>, vector<16xi32>,
    %get3A_362 = vector.shape_cast %get3A_361 : vector<16xi32> to vector<16xi32>
    %shift_right_arithmetic3A_363 = arith.constant 3 : i32
    %shift_right_arithmetic3A_364 = vector.broadcast %shift_right_arithmetic3A_363 : i32 to vector<16xi32>
    %shift_right_arithmetic3A_365 = arith.shrsi %get3A_362, %shift_right_arithmetic3A_364 : vector<16xi32>
    %swap3A_366 = arith.constant 288 : index
    %swap3A_367 = tpu.vector_load %arg11[%swap3A_366] {strides = array<i32>} : memref<512xi32, #tpu.memory_space<vmem>>, vector<16xi32>,
    %swap3A_368 = vector.shape_cast %swap3A_367 : vector<16xi32> to vector<16xi32>
    %swap3A_369 = vector.shape_cast %shift_right_arithmetic3A_365 : vector<16xi32> to vector<16xi32>
    tpu.vector_store %arg11[%swap3A_366], %swap3A_369 {strides = array<i32>} : memref<512xi32, #tpu.memory_space<vmem>>, vector<16xi32>,
    %get3A_370 = arith.constant 288 : index
    %get3A_371 = tpu.vector_load %arg10[%get3A_370] {strides = array<i32>} : memref<512xi32, #tpu.memory_space<vmem>>, vector<16xi32>,
    %get3A_372 = vector.shape_cast %get3A_371 : vector<16xi32> to vector<16xi32>
    %shift_right_arithmetic3A_373 = arith.constant 3 : i32
    %shift_right_arithmetic3A_374 = vector.broadcast %shift_right_arithmetic3A_373 : i32 to vector<16xi32>
    %shift_right_arithmetic3A_375 = arith.shrsi %get3A_372, %shift_right_arithmetic3A_374 : vector<16xi32>
    %swap3A_376 = arith.constant 288 : index
    %swap3A_377 = tpu.vector_load %arg12[%swap3A_376] {strides = array<i32>} : memref<512xi32, #tpu.memory_space<vmem>>, vector<16xi32>,
    %swap3A_378 = vector.shape_cast %swap3A_377 : vector<16xi32> to vector<16xi32>
    %swap3A_379 = vector.shape_cast %shift_right_arithmetic3A_375 : vector<16xi32> to vector<16xi32>
    tpu.vector_store %arg12[%swap3A_376], %swap3A_379 {strides = array<i32>} : memref<512xi32, #tpu.memory_space<vmem>>, vector<16xi32>,
    %get3A_380 = arith.constant 304 : index
    %get3A_381 = tpu.vector_load %arg9[%get3A_380] {strides = array<i32>} : memref<512xi32, #tpu.memory_space<vmem>>, vector<16xi32>,
    %get3A_382 = vector.shape_cast %get3A_381 : vector<16xi32> to vector<16xi32>
    %shift_right_arithmetic3A_383 = arith.constant 3 : i32
    %shift_right_arithmetic3A_384 = vector.broadcast %shift_right_arithmetic3A_383 : i32 to vector<16xi32>
    %shift_right_arithmetic3A_385 = arith.shrsi %get3A_382, %shift_right_arithmetic3A_384 : vector<16xi32>
    %swap3A_386 = arith.constant 304 : index
    %swap3A_387 = tpu.vector_load %arg11[%swap3A_386] {strides = array<i32>} : memref<512xi32, #tpu.memory_space<vmem>>, vector<16xi32>,
    %swap3A_388 = vector.shape_cast %swap3A_387 : vector<16xi32> to vector<16xi32>
    %swap3A_389 = vector.shape_cast %shift_right_arithmetic3A_385 : vector<16xi32> to vector<16xi32>
    tpu.vector_store %arg11[%swap3A_386], %swap3A_389 {strides = array<i32>} : memref<512xi32, #tpu.memory_space<vmem>>, vector<16xi32>,
    %get3A_390 = arith.constant 304 : index
    %get3A_391 = tpu.vector_load %arg10[%get3A_390] {strides = array<i32>} : memref<512xi32, #tpu.memory_space<vmem>>, vector<16xi32>,
    %get3A_392 = vector.shape_cast %get3A_391 : vector<16xi32> to vector<16xi32>
    %shift_right_arithmetic3A_393 = arith.constant 3 : i32
    %shift_right_arithmetic3A_394 = vector.broadcast %shift_right_arithmetic3A_393 : i32 to vector<16xi32>
    %shift_right_arithmetic3A_395 = arith.shrsi %get3A_392, %shift_right_arithmetic3A_394 : vector<16xi32>
    %swap3A_396 = arith.constant 304 : index
    %swap3A_397 = tpu.vector_load %arg12[%swap3A_396] {strides = array<i32>} : memref<512xi32, #tpu.memory_space<vmem>>, vector<16xi32>,
    %swap3A_398 = vector.shape_cast %swap3A_397 : vector<16xi32> to vector<16xi32>
    %swap3A_399 = vector.shape_cast %shift_right_arithmetic3A_395 : vector<16xi32> to vector<16xi32>
    tpu.vector_store %arg12[%swap3A_396], %swap3A_399 {strides = array<i32>} : memref<512xi32, #tpu.memory_space<vmem>>, vector<16xi32>,
    %get3A_400 = arith.constant 320 : index
    %get3A_401 = tpu.vector_load %arg9[%get3A_400] {strides = array<i32>} : memref<512xi32, #tpu.memory_space<vmem>>, vector<16xi32>,
    %get3A_402 = vector.shape_cast %get3A_401 : vector<16xi32> to vector<16xi32>
    %shift_right_arithmetic3A_403 = arith.constant 3 : i32
    %shift_right_arithmetic3A_404 = vector.broadcast %shift_right_arithmetic3A_403 : i32 to vector<16xi32>
    %shift_right_arithmetic3A_405 = arith.shrsi %get3A_402, %shift_right_arithmetic3A_404 : vector<16xi32>
    %swap3A_406 = arith.constant 320 : index
    %swap3A_407 = tpu.vector_load %arg11[%swap3A_406] {strides = array<i32>} : memref<512xi32, #tpu.memory_space<vmem>>, vector<16xi32>,
    %swap3A_408 = vector.shape_cast %swap3A_407 : vector<16xi32> to vector<16xi32>
    %swap3A_409 = vector.shape_cast %shift_right_arithmetic3A_405 : vector<16xi32> to vector<16xi32>
    tpu.vector_store %arg11[%swap3A_406], %swap3A_409 {strides = array<i32>} : memref<512xi32, #tpu.memory_space<vmem>>, vector<16xi32>,
    %get3A_410 = arith.constant 320 : index
    %get3A_411 = tpu.vector_load %arg10[%get3A_410] {strides = array<i32>} : memref<512xi32, #tpu.memory_space<vmem>>, vector<16xi32>,
    %get3A_412 = vector.shape_cast %get3A_411 : vector<16xi32> to vector<16xi32>
    %shift_right_arithmetic3A_413 = arith.constant 3 : i32
    %shift_right_arithmetic3A_414 = vector.broadcast %shift_right_arithmetic3A_413 : i32 to vector<16xi32>
    %shift_right_arithmetic3A_415 = arith.shrsi %get3A_412, %shift_right_arithmetic3A_414 : vector<16xi32>
    %swap3A_416 = arith.constant 320 : index
    %swap3A_417 = tpu.vector_load %arg12[%swap3A_416] {strides = array<i32>} : memref<512xi32, #tpu.memory_space<vmem>>, vector<16xi32>,
    %swap3A_418 = vector.shape_cast %swap3A_417 : vector<16xi32> to vector<16xi32>
    %swap3A_419 = vector.shape_cast %shift_right_arithmetic3A_415 : vector<16xi32> to vector<16xi32>
    tpu.vector_store %arg12[%swap3A_416], %swap3A_419 {strides = array<i32>} : memref<512xi32, #tpu.memory_space<vmem>>, vector<16xi32>,
    %get3A_420 = arith.constant 336 : index
    %get3A_421 = tpu.vector_load %arg9[%get3A_420] {strides = array<i32>} : memref<512xi32, #tpu.memory_space<vmem>>, vector<16xi32>,
    %get3A_422 = vector.shape_cast %get3A_421 : vector<16xi32> to vector<16xi32>
    %shift_right_arithmetic3A_423 = arith.constant 3 : i32
    %shift_right_arithmetic3A_424 = vector.broadcast %shift_right_arithmetic3A_423 : i32 to vector<16xi32>
    %shift_right_arithmetic3A_425 = arith.shrsi %get3A_422, %shift_right_arithmetic3A_424 : vector<16xi32>
    %swap3A_426 = arith.constant 336 : index
    %swap3A_427 = tpu.vector_load %arg11[%swap3A_426] {strides = array<i32>} : memref<512xi32, #tpu.memory_space<vmem>>, vector<16xi32>,
    %swap3A_428 = vector.shape_cast %swap3A_427 : vector<16xi32> to vector<16xi32>
    %swap3A_429 = vector.shape_cast %shift_right_arithmetic3A_425 : vector<16xi32> to vector<16xi32>
    tpu.vector_store %arg11[%swap3A_426], %swap3A_429 {strides = array<i32>} : memref<512xi32, #tpu.memory_space<vmem>>, vector<16xi32>,
    %get3A_430 = arith.constant 336 : index
    %get3A_431 = tpu.vector_load %arg10[%get3A_430] {strides = array<i32>} : memref<512xi32, #tpu.memory_space<vmem>>, vector<16xi32>,
    %get3A_432 = vector.shape_cast %get3A_431 : vector<16xi32> to vector<16xi32>
    %shift_right_arithmetic3A_433 = arith.constant 3 : i32
    %shift_right_arithmetic3A_434 = vector.broadcast %shift_right_arithmetic3A_433 : i32 to vector<16xi32>
    %shift_right_arithmetic3A_435 = arith.shrsi %get3A_432, %shift_right_arithmetic3A_434 : vector<16xi32>
    %swap3A_436 = arith.constant 336 : index
    %swap3A_437 = tpu.vector_load %arg12[%swap3A_436] {strides = array<i32>} : memref<512xi32, #tpu.memory_space<vmem>>, vector<16xi32>,
    %swap3A_438 = vector.shape_cast %swap3A_437 : vector<16xi32> to vector<16xi32>
    %swap3A_439 = vector.shape_cast %shift_right_arithmetic3A_435 : vector<16xi32> to vector<16xi32>
    tpu.vector_store %arg12[%swap3A_436], %swap3A_439 {strides = array<i32>} : memref<512xi32, #tpu.memory_space<vmem>>, vector<16xi32>,
    %get3A_440 = arith.constant 352 : index
    %get3A_441 = tpu.vector_load %arg9[%get3A_440] {strides = array<i32>} : memref<512xi32, #tpu.memory_space<vmem>>, vector<16xi32>,
    %get3A_442 = vector.shape_cast %get3A_441 : vector<16xi32> to vector<16xi32>
    %shift_right_arithmetic3A_443 = arith.constant 3 : i32
    %shift_right_arithmetic3A_444 = vector.broadcast %shift_right_arithmetic3A_443 : i32 to vector<16xi32>
    %shift_right_arithmetic3A_445 = arith.shrsi %get3A_442, %shift_right_arithmetic3A_444 : vector<16xi32>
    %swap3A_446 = arith.constant 352 : index
    %swap3A_447 = tpu.vector_load %arg11[%swap3A_446] {strides = array<i32>} : memref<512xi32, #tpu.memory_space<vmem>>, vector<16xi32>,
    %swap3A_448 = vector.shape_cast %swap3A_447 : vector<16xi32> to vector<16xi32>
    %swap3A_449 = vector.shape_cast %shift_right_arithmetic3A_445 : vector<16xi32> to vector<16xi32>
    tpu.vector_store %arg11[%swap3A_446], %swap3A_449 {strides = array<i32>} : memref<512xi32, #tpu.memory_space<vmem>>, vector<16xi32>,
    %get3A_450 = arith.constant 352 : index
    %get3A_451 = tpu.vector_load %arg10[%get3A_450] {strides = array<i32>} : memref<512xi32, #tpu.memory_space<vmem>>, vector<16xi32>,
    %get3A_452 = vector.shape_cast %get3A_451 : vector<16xi32> to vector<16xi32>
    %shift_right_arithmetic3A_453 = arith.constant 3 : i32
    %shift_right_arithmetic3A_454 = vector.broadcast %shift_right_arithmetic3A_453 : i32 to vector<16xi32>
    %shift_right_arithmetic3A_455 = arith.shrsi %get3A_452, %shift_right_arithmetic3A_454 : vector<16xi32>
    %swap3A_456 = arith.constant 352 : index
    %swap3A_457 = tpu.vector_load %arg12[%swap3A_456] {strides = array<i32>} : memref<512xi32, #tpu.memory_space<vmem>>, vector<16xi32>,
    %swap3A_458 = vector.shape_cast %swap3A_457 : vector<16xi32> to vector<16xi32>
    %swap3A_459 = vector.shape_cast %shift_right_arithmetic3A_455 : vector<16xi32> to vector<16xi32>
    tpu.vector_store %arg12[%swap3A_456], %swap3A_459 {strides = array<i32>} : memref<512xi32, #tpu.memory_space<vmem>>, vector<16xi32>,
    %get3A_460 = arith.constant 368 : index
    %get3A_461 = tpu.vector_load %arg9[%get3A_460] {strides = array<i32>} : memref<512xi32, #tpu.memory_space<vmem>>, vector<16xi32>,
    %get3A_462 = vector.shape_cast %get3A_461 : vector<16xi32> to vector<16xi32>
    %shift_right_arithmetic3A_463 = arith.constant 3 : i32
    %shift_right_arithmetic3A_464 = vector.broadcast %shift_right_arithmetic3A_463 : i32 to vector<16xi32>
    %shift_right_arithmetic3A_465 = arith.shrsi %get3A_462, %shift_right_arithmetic3A_464 : vector<16xi32>
    %swap3A_466 = arith.constant 368 : index
    %swap3A_467 = tpu.vector_load %arg11[%swap3A_466] {strides = array<i32>} : memref<512xi32, #tpu.memory_space<vmem>>, vector<16xi32>,
    %swap3A_468 = vector.shape_cast %swap3A_467 : vector<16xi32> to vector<16xi32>
    %swap3A_469 = vector.shape_cast %shift_right_arithmetic3A_465 : vector<16xi32> to vector<16xi32>
    tpu.vector_store %arg11[%swap3A_466], %swap3A_469 {strides = array<i32>} : memref<512xi32, #tpu.memory_space<vmem>>, vector<16xi32>,
    %get3A_470 = arith.constant 368 : index
    %get3A_471 = tpu.vector_load %arg10[%get3A_470] {strides = array<i32>} : memref<512xi32, #tpu.memory_space<vmem>>, vector<16xi32>,
    %get3A_472 = vector.shape_cast %get3A_471 : vector<16xi32> to vector<16xi32>
    %shift_right_arithmetic3A_473 = arith.constant 3 : i32
    %shift_right_arithmetic3A_474 = vector.broadcast %shift_right_arithmetic3A_473 : i32 to vector<16xi32>
    %shift_right_arithmetic3A_475 = arith.shrsi %get3A_472, %shift_right_arithmetic3A_474 : vector<16xi32>
    %swap3A_476 = arith.constant 368 : index
    %swap3A_477 = tpu.vector_load %arg12[%swap3A_476] {strides = array<i32>} : memref<512xi32, #tpu.memory_space<vmem>>, vector<16xi32>,
    %swap3A_478 = vector.shape_cast %swap3A_477 : vector<16xi32> to vector<16xi32>
    %swap3A_479 = vector.shape_cast %shift_right_arithmetic3A_475 : vector<16xi32> to vector<16xi32>
    tpu.vector_store %arg12[%swap3A_476], %swap3A_479 {strides = array<i32>} : memref<512xi32, #tpu.memory_space<vmem>>, vector<16xi32>,
    %get3A_480 = arith.constant 384 : index
    %get3A_481 = tpu.vector_load %arg9[%get3A_480] {strides = array<i32>} : memref<512xi32, #tpu.memory_space<vmem>>, vector<16xi32>,
    %get3A_482 = vector.shape_cast %get3A_481 : vector<16xi32> to vector<16xi32>
    %shift_right_arithmetic3A_483 = arith.constant 3 : i32
    %shift_right_arithmetic3A_484 = vector.broadcast %shift_right_arithmetic3A_483 : i32 to vector<16xi32>
    %shift_right_arithmetic3A_485 = arith.shrsi %get3A_482, %shift_right_arithmetic3A_484 : vector<16xi32>
    %swap3A_486 = arith.constant 384 : index
    %swap3A_487 = tpu.vector_load %arg11[%swap3A_486] {strides = array<i32>} : memref<512xi32, #tpu.memory_space<vmem>>, vector<16xi32>,
    %swap3A_488 = vector.shape_cast %swap3A_487 : vector<16xi32> to vector<16xi32>
    %swap3A_489 = vector.shape_cast %shift_right_arithmetic3A_485 : vector<16xi32> to vector<16xi32>
    tpu.vector_store %arg11[%swap3A_486], %swap3A_489 {strides = array<i32>} : memref<512xi32, #tpu.memory_space<vmem>>, vector<16xi32>,
    %get3A_490 = arith.constant 384 : index
    %get3A_491 = tpu.vector_load %arg10[%get3A_490] {strides = array<i32>} : memref<512xi32, #tpu.memory_space<vmem>>, vector<16xi32>,
    %get3A_492 = vector.shape_cast %get3A_491 : vector<16xi32> to vector<16xi32>
    %shift_right_arithmetic3A_493 = arith.constant 3 : i32
    %shift_right_arithmetic3A_494 = vector.broadcast %shift_right_arithmetic3A_493 : i32 to vector<16xi32>
    %shift_right_arithmetic3A_495 = arith.shrsi %get3A_492, %shift_right_arithmetic3A_494 : vector<16xi32>
    %swap3A_496 = arith.constant 384 : index
    %swap3A_497 = tpu.vector_load %arg12[%swap3A_496] {strides = array<i32>} : memref<512xi32, #tpu.memory_space<vmem>>, vector<16xi32>,
    %swap3A_498 = vector.shape_cast %swap3A_497 : vector<16xi32> to vector<16xi32>
    %swap3A_499 = vector.shape_cast %shift_right_arithmetic3A_495 : vector<16xi32> to vector<16xi32>
    tpu.vector_store %arg12[%swap3A_496], %swap3A_499 {strides = array<i32>} : memref<512xi32, #tpu.memory_space<vmem>>, vector<16xi32>,
    %get3A_500 = arith.constant 400 : index
    %get3A_501 = tpu.vector_load %arg9[%get3A_500] {strides = array<i32>} : memref<512xi32, #tpu.memory_space<vmem>>, vector<16xi32>,
    %get3A_502 = vector.shape_cast %get3A_501 : vector<16xi32> to vector<16xi32>
    %shift_right_arithmetic3A_503 = arith.constant 3 : i32
    %shift_right_arithmetic3A_504 = vector.broadcast %shift_right_arithmetic3A_503 : i32 to vector<16xi32>
    %shift_right_arithmetic3A_505 = arith.shrsi %get3A_502, %shift_right_arithmetic3A_504 : vector<16xi32>
    %swap3A_506 = arith.constant 400 : index
    %swap3A_507 = tpu.vector_load %arg11[%swap3A_506] {strides = array<i32>} : memref<512xi32, #tpu.memory_space<vmem>>, vector<16xi32>,
    %swap3A_508 = vector.shape_cast %swap3A_507 : vector<16xi32> to vector<16xi32>
    %swap3A_509 = vector.shape_cast %shift_right_arithmetic3A_505 : vector<16xi32> to vector<16xi32>
    tpu.vector_store %arg11[%swap3A_506], %swap3A_509 {strides = array<i32>} : memref<512xi32, #tpu.memory_space<vmem>>, vector<16xi32>,
    %get3A_510 = arith.constant 400 : index
    %get3A_511 = tpu.vector_load %arg10[%get3A_510] {strides = array<i32>} : memref<512xi32, #tpu.memory_space<vmem>>, vector<16xi32>,
    %get3A_512 = vector.shape_cast %get3A_511 : vector<16xi32> to vector<16xi32>
    %shift_right_arithmetic3A_513 = arith.constant 3 : i32
    %shift_right_arithmetic3A_514 = vector.broadcast %shift_right_arithmetic3A_513 : i32 to vector<16xi32>
    %shift_right_arithmetic3A_515 = arith.shrsi %get3A_512, %shift_right_arithmetic3A_514 : vector<16xi32>
    %swap3A_516 = arith.constant 400 : index
    %swap3A_517 = tpu.vector_load %arg12[%swap3A_516] {strides = array<i32>} : memref<512xi32, #tpu.memory_space<vmem>>, vector<16xi32>,
    %swap3A_518 = vector.shape_cast %swap3A_517 : vector<16xi32> to vector<16xi32>
    %swap3A_519 = vector.shape_cast %shift_right_arithmetic3A_515 : vector<16xi32> to vector<16xi32>
    tpu.vector_store %arg12[%swap3A_516], %swap3A_519 {strides = array<i32>} : memref<512xi32, #tpu.memory_space<vmem>>, vector<16xi32>,
    %get3A_520 = arith.constant 416 : index
    %get3A_521 = tpu.vector_load %arg9[%get3A_520] {strides = array<i32>} : memref<512xi32, #tpu.memory_space<vmem>>, vector<16xi32>,
    %get3A_522 = vector.shape_cast %get3A_521 : vector<16xi32> to vector<16xi32>
    %shift_right_arithmetic3A_523 = arith.constant 3 : i32
    %shift_right_arithmetic3A_524 = vector.broadcast %shift_right_arithmetic3A_523 : i32 to vector<16xi32>
    %shift_right_arithmetic3A_525 = arith.shrsi %get3A_522, %shift_right_arithmetic3A_524 : vector<16xi32>
    %swap3A_526 = arith.constant 416 : index
    %swap3A_527 = tpu.vector_load %arg11[%swap3A_526] {strides = array<i32>} : memref<512xi32, #tpu.memory_space<vmem>>, vector<16xi32>,
    %swap3A_528 = vector.shape_cast %swap3A_527 : vector<16xi32> to vector<16xi32>
    %swap3A_529 = vector.shape_cast %shift_right_arithmetic3A_525 : vector<16xi32> to vector<16xi32>
    tpu.vector_store %arg11[%swap3A_526], %swap3A_529 {strides = array<i32>} : memref<512xi32, #tpu.memory_space<vmem>>, vector<16xi32>,
    %get3A_530 = arith.constant 416 : index
    %get3A_531 = tpu.vector_load %arg10[%get3A_530] {strides = array<i32>} : memref<512xi32, #tpu.memory_space<vmem>>, vector<16xi32>,
    %get3A_532 = vector.shape_cast %get3A_531 : vector<16xi32> to vector<16xi32>
    %shift_right_arithmetic3A_533 = arith.constant 3 : i32
    %shift_right_arithmetic3A_534 = vector.broadcast %shift_right_arithmetic3A_533 : i32 to vector<16xi32>
    %shift_right_arithmetic3A_535 = arith.shrsi %get3A_532, %shift_right_arithmetic3A_534 : vector<16xi32>
    %swap3A_536 = arith.constant 416 : index
    %swap3A_537 = tpu.vector_load %arg12[%swap3A_536] {strides = array<i32>} : memref<512xi32, #tpu.memory_space<vmem>>, vector<16xi32>,
    %swap3A_538 = vector.shape_cast %swap3A_537 : vector<16xi32> to vector<16xi32>
    %swap3A_539 = vector.shape_cast %shift_right_arithmetic3A_535 : vector<16xi32> to vector<16xi32>
    tpu.vector_store %arg12[%swap3A_536], %swap3A_539 {strides = array<i32>} : memref<512xi32, #tpu.memory_space<vmem>>, vector<16xi32>,
    %get3A_540 = arith.constant 432 : index
    %get3A_541 = tpu.vector_load %arg9[%get3A_540] {strides = array<i32>} : memref<512xi32, #tpu.memory_space<vmem>>, vector<16xi32>,
    %get3A_542 = vector.shape_cast %get3A_541 : vector<16xi32> to vector<16xi32>
    %shift_right_arithmetic3A_543 = arith.constant 3 : i32
    %shift_right_arithmetic3A_544 = vector.broadcast %shift_right_arithmetic3A_543 : i32 to vector<16xi32>
    %shift_right_arithmetic3A_545 = arith.shrsi %get3A_542, %shift_right_arithmetic3A_544 : vector<16xi32>
    %swap3A_546 = arith.constant 432 : index
    %swap3A_547 = tpu.vector_load %arg11[%swap3A_546] {strides = array<i32>} : memref<512xi32, #tpu.memory_space<vmem>>, vector<16xi32>,
    %swap3A_548 = vector.shape_cast %swap3A_547 : vector<16xi32> to vector<16xi32>
    %swap3A_549 = vector.shape_cast %shift_right_arithmetic3A_545 : vector<16xi32> to vector<16xi32>
    tpu.vector_store %arg11[%swap3A_546], %swap3A_549 {strides = array<i32>} : memref<512xi32, #tpu.memory_space<vmem>>, vector<16xi32>,
    %get3A_550 = arith.constant 432 : index
    %get3A_551 = tpu.vector_load %arg10[%get3A_550] {strides = array<i32>} : memref<512xi32, #tpu.memory_space<vmem>>, vector<16xi32>,
    %get3A_552 = vector.shape_cast %get3A_551 : vector<16xi32> to vector<16xi32>
    %shift_right_arithmetic3A_553 = arith.constant 3 : i32
    %shift_right_arithmetic3A_554 = vector.broadcast %shift_right_arithmetic3A_553 : i32 to vector<16xi32>
    %shift_right_arithmetic3A_555 = arith.shrsi %get3A_552, %shift_right_arithmetic3A_554 : vector<16xi32>
    %swap3A_556 = arith.constant 432 : index
    %swap3A_557 = tpu.vector_load %arg12[%swap3A_556] {strides = array<i32>} : memref<512xi32, #tpu.memory_space<vmem>>, vector<16xi32>,
    %swap3A_558 = vector.shape_cast %swap3A_557 : vector<16xi32> to vector<16xi32>
    %swap3A_559 = vector.shape_cast %shift_right_arithmetic3A_555 : vector<16xi32> to vector<16xi32>
    tpu.vector_store %arg12[%swap3A_556], %swap3A_559 {strides = array<i32>} : memref<512xi32, #tpu.memory_space<vmem>>, vector<16xi32>,
    %get3A_560 = arith.constant 448 : index
    %get3A_561 = tpu.vector_load %arg9[%get3A_560] {strides = array<i32>} : memref<512xi32, #tpu.memory_space<vmem>>, vector<16xi32>,
    %get3A_562 = vector.shape_cast %get3A_561 : vector<16xi32> to vector<16xi32>
    %shift_right_arithmetic3A_563 = arith.constant 3 : i32
    %shift_right_arithmetic3A_564 = vector.broadcast %shift_right_arithmetic3A_563 : i32 to vector<16xi32>
    %shift_right_arithmetic3A_565 = arith.shrsi %get3A_562, %shift_right_arithmetic3A_564 : vector<16xi32>
    %swap3A_566 = arith.constant 448 : index
    %swap3A_567 = tpu.vector_load %arg11[%swap3A_566] {strides = array<i32>} : memref<512xi32, #tpu.memory_space<vmem>>, vector<16xi32>,
    %swap3A_568 = vector.shape_cast %swap3A_567 : vector<16xi32> to vector<16xi32>
    %swap3A_569 = vector.shape_cast %shift_right_arithmetic3A_565 : vector<16xi32> to vector<16xi32>
    tpu.vector_store %arg11[%swap3A_566], %swap3A_569 {strides = array<i32>} : memref<512xi32, #tpu.memory_space<vmem>>, vector<16xi32>,
    %get3A_570 = arith.constant 448 : index
    %get3A_571 = tpu.vector_load %arg10[%get3A_570] {strides = array<i32>} : memref<512xi32, #tpu.memory_space<vmem>>, vector<16xi32>,
    %get3A_572 = vector.shape_cast %get3A_571 : vector<16xi32> to vector<16xi32>
    %shift_right_arithmetic3A_573 = arith.constant 3 : i32
    %shift_right_arithmetic3A_574 = vector.broadcast %shift_right_arithmetic3A_573 : i32 to vector<16xi32>
    %shift_right_arithmetic3A_575 = arith.shrsi %get3A_572, %shift_right_arithmetic3A_574 : vector<16xi32>
    %swap3A_576 = arith.constant 448 : index
    %swap3A_577 = tpu.vector_load %arg12[%swap3A_576] {strides = array<i32>} : memref<512xi32, #tpu.memory_space<vmem>>, vector<16xi32>,
    %swap3A_578 = vector.shape_cast %swap3A_577 : vector<16xi32> to vector<16xi32>
    %swap3A_579 = vector.shape_cast %shift_right_arithmetic3A_575 : vector<16xi32> to vector<16xi32>
    tpu.vector_store %arg12[%swap3A_576], %swap3A_579 {strides = array<i32>} : memref<512xi32, #tpu.memory_space<vmem>>, vector<16xi32>,
    %get3A_580 = arith.constant 464 : index
    %get3A_581 = tpu.vector_load %arg9[%get3A_580] {strides = array<i32>} : memref<512xi32, #tpu.memory_space<vmem>>, vector<16xi32>,
    %get3A_582 = vector.shape_cast %get3A_581 : vector<16xi32> to vector<16xi32>
    %shift_right_arithmetic3A_583 = arith.constant 3 : i32
    %shift_right_arithmetic3A_584 = vector.broadcast %shift_right_arithmetic3A_583 : i32 to vector<16xi32>
    %shift_right_arithmetic3A_585 = arith.shrsi %get3A_582, %shift_right_arithmetic3A_584 : vector<16xi32>
    %swap3A_586 = arith.constant 464 : index
    %swap3A_587 = tpu.vector_load %arg11[%swap3A_586] {strides = array<i32>} : memref<512xi32, #tpu.memory_space<vmem>>, vector<16xi32>,
    %swap3A_588 = vector.shape_cast %swap3A_587 : vector<16xi32> to vector<16xi32>
    %swap3A_589 = vector.shape_cast %shift_right_arithmetic3A_585 : vector<16xi32> to vector<16xi32>
    tpu.vector_store %arg11[%swap3A_586], %swap3A_589 {strides = array<i32>} : memref<512xi32, #tpu.memory_space<vmem>>, vector<16xi32>,
    %get3A_590 = arith.constant 464 : index
    %get3A_591 = tpu.vector_load %arg10[%get3A_590] {strides = array<i32>} : memref<512xi32, #tpu.memory_space<vmem>>, vector<16xi32>,
    %get3A_592 = vector.shape_cast %get3A_591 : vector<16xi32> to vector<16xi32>
    %shift_right_arithmetic3A_593 = arith.constant 3 : i32
    %shift_right_arithmetic3A_594 = vector.broadcast %shift_right_arithmetic3A_593 : i32 to vector<16xi32>
    %shift_right_arithmetic3A_595 = arith.shrsi %get3A_592, %shift_right_arithmetic3A_594 : vector<16xi32>
    %swap3A_596 = arith.constant 464 : index
    %swap3A_597 = tpu.vector_load %arg12[%swap3A_596] {strides = array<i32>} : memref<512xi32, #tpu.memory_space<vmem>>, vector<16xi32>,
    %swap3A_598 = vector.shape_cast %swap3A_597 : vector<16xi32> to vector<16xi32>
    %swap3A_599 = vector.shape_cast %shift_right_arithmetic3A_595 : vector<16xi32> to vector<16xi32>
    tpu.vector_store %arg12[%swap3A_596], %swap3A_599 {strides = array<i32>} : memref<512xi32, #tpu.memory_space<vmem>>, vector<16xi32>,
    %get3A_600 = arith.constant 480 : index
    %get3A_601 = tpu.vector_load %arg9[%get3A_600] {strides = array<i32>} : memref<512xi32, #tpu.memory_space<vmem>>, vector<16xi32>,
    %get3A_602 = vector.shape_cast %get3A_601 : vector<16xi32> to vector<16xi32>
    %shift_right_arithmetic3A_603 = arith.constant 3 : i32
    %shift_right_arithmetic3A_604 = vector.broadcast %shift_right_arithmetic3A_603 : i32 to vector<16xi32>
    %shift_right_arithmetic3A_605 = arith.shrsi %get3A_602, %shift_right_arithmetic3A_604 : vector<16xi32>
    %swap3A_606 = arith.constant 480 : index
    %swap3A_607 = tpu.vector_load %arg11[%swap3A_606] {strides = array<i32>} : memref<512xi32, #tpu.memory_space<vmem>>, vector<16xi32>,
    %swap3A_608 = vector.shape_cast %swap3A_607 : vector<16xi32> to vector<16xi32>
    %swap3A_609 = vector.shape_cast %shift_right_arithmetic3A_605 : vector<16xi32> to vector<16xi32>
    tpu.vector_store %arg11[%swap3A_606], %swap3A_609 {strides = array<i32>} : memref<512xi32, #tpu.memory_space<vmem>>, vector<16xi32>,
    %get3A_610 = arith.constant 480 : index
    %get3A_611 = tpu.vector_load %arg10[%get3A_610] {strides = array<i32>} : memref<512xi32, #tpu.memory_space<vmem>>, vector<16xi32>,
    %get3A_612 = vector.shape_cast %get3A_611 : vector<16xi32> to vector<16xi32>
    %shift_right_arithmetic3A_613 = arith.constant 3 : i32
    %shift_right_arithmetic3A_614 = vector.broadcast %shift_right_arithmetic3A_613 : i32 to vector<16xi32>
    %shift_right_arithmetic3A_615 = arith.shrsi %get3A_612, %shift_right_arithmetic3A_614 : vector<16xi32>
    %swap3A_616 = arith.constant 480 : index
    %swap3A_617 = tpu.vector_load %arg12[%swap3A_616] {strides = array<i32>} : memref<512xi32, #tpu.memory_space<vmem>>, vector<16xi32>,
    %swap3A_618 = vector.shape_cast %swap3A_617 : vector<16xi32> to vector<16xi32>
    %swap3A_619 = vector.shape_cast %shift_right_arithmetic3A_615 : vector<16xi32> to vector<16xi32>
    tpu.vector_store %arg12[%swap3A_616], %swap3A_619 {strides = array<i32>} : memref<512xi32, #tpu.memory_space<vmem>>, vector<16xi32>,
    %get3A_620 = arith.constant 496 : index
    %get3A_621 = tpu.vector_load %arg9[%get3A_620] {strides = array<i32>} : memref<512xi32, #tpu.memory_space<vmem>>, vector<16xi32>,
    %get3A_622 = vector.shape_cast %get3A_621 : vector<16xi32> to vector<16xi32>
    %shift_right_arithmetic3A_623 = arith.constant 3 : i32
    %shift_right_arithmetic3A_624 = vector.broadcast %shift_right_arithmetic3A_623 : i32 to vector<16xi32>
    %shift_right_arithmetic3A_625 = arith.shrsi %get3A_622, %shift_right_arithmetic3A_624 : vector<16xi32>
    %swap3A_626 = arith.constant 496 : index
    %swap3A_627 = tpu.vector_load %arg11[%swap3A_626] {strides = array<i32>} : memref<512xi32, #tpu.memory_space<vmem>>, vector<16xi32>,
    %swap3A_628 = vector.shape_cast %swap3A_627 : vector<16xi32> to vector<16xi32>
    %swap3A_629 = vector.shape_cast %shift_right_arithmetic3A_625 : vector<16xi32> to vector<16xi32>
    tpu.vector_store %arg11[%swap3A_626], %swap3A_629 {strides = array<i32>} : memref<512xi32, #tpu.memory_space<vmem>>, vector<16xi32>,
    %get3A_630 = arith.constant 496 : index
    %get3A_631 = tpu.vector_load %arg10[%get3A_630] {strides = array<i32>} : memref<512xi32, #tpu.memory_space<vmem>>, vector<16xi32>,
    %get3A_632 = vector.shape_cast %get3A_631 : vector<16xi32> to vector<16xi32>
    %shift_right_arithmetic3A_633 = arith.constant 3 : i32
    %shift_right_arithmetic3A_634 = vector.broadcast %shift_right_arithmetic3A_633 : i32 to vector<16xi32>
    %shift_right_arithmetic3A_635 = arith.shrsi %get3A_632, %shift_right_arithmetic3A_634 : vector<16xi32>
    %swap3A_636 = arith.constant 496 : index
    %swap3A_637 = tpu.vector_load %arg12[%swap3A_636] {strides = array<i32>} : memref<512xi32, #tpu.memory_space<vmem>>, vector<16xi32>,
    %swap3A_638 = vector.shape_cast %swap3A_637 : vector<16xi32> to vector<16xi32>
    %swap3A_639 = vector.shape_cast %shift_right_arithmetic3A_635 : vector<16xi32> to vector<16xi32>
    tpu.vector_store %arg12[%swap3A_636], %swap3A_639 {strides = array<i32>} : memref<512xi32, #tpu.memory_space<vmem>>, vector<16xi32>,
    %dma_start3A = arith.constant 0 : i32
    %dma_start3A_640 = tpu.memref_slice %arg17[%dma_start3A] : memref<512xf32, #tpu.memory_space<vmem>> -> memref<128xf32, #tpu.memory_space<vmem>>
    %dma_start3A_641 = arith.constant 0 : i32
    %dma_start3A_642 = tpu.memref_slice %arg9[%dma_start3A_641] : memref<512xi32, #tpu.memory_space<vmem>> -> memref<128xi32, #tpu.memory_space<vmem>>
    %dma_start3A_643 = arith.constant 0 : i32
    %dma_start3A_644 = tpu.memref_slice %arg4[%dma_start3A_643] : memref<1000000xf32, #tpu.memory_space<hbm>> -> memref<1000000xf32, #tpu.memory_space<hbm>>
    tpu.enqueue_indirect_dma source(%dma_start3A_644 : memref<1000000xf32, #tpu.memory_space<hbm>>) target(%dma_start3A_640 : memref<128xf32, #tpu.memory_space<vmem>>) offsets(%dma_start3A_642 : memref<128xi32, #tpu.memory_space<vmem>>) semaphore(%arg22 : memref<!tpu.dma_semaphore, #tpu.memory_space<semaphore_mem>>)
    %dma_start3A_645 = arith.constant 0 : i32
    %dma_start3A_646 = tpu.memref_slice %arg18[%dma_start3A_645] : memref<512xf32, #tpu.memory_space<vmem>> -> memref<128xf32, #tpu.memory_space<vmem>>
    %dma_start3A_647 = arith.constant 0 : i32
    %dma_start3A_648 = tpu.memref_slice %arg10[%dma_start3A_647] : memref<512xi32, #tpu.memory_space<vmem>> -> memref<128xi32, #tpu.memory_space<vmem>>
    %dma_start3A_649 = arith.constant 0 : i32
    %dma_start3A_650 = tpu.memref_slice %arg5[%dma_start3A_649] : memref<1000000xf32, #tpu.memory_space<hbm>> -> memref<1000000xf32, #tpu.memory_space<hbm>>
    tpu.enqueue_indirect_dma source(%dma_start3A_650 : memref<1000000xf32, #tpu.memory_space<hbm>>) target(%dma_start3A_646 : memref<128xf32, #tpu.memory_space<vmem>>) offsets(%dma_start3A_648 : memref<128xi32, #tpu.memory_space<vmem>>) semaphore(%arg22 : memref<!tpu.dma_semaphore, #tpu.memory_space<semaphore_mem>>)
    %dma_start3A_651 = arith.constant 128 : i32
    %dma_start3A_652 = tpu.memref_slice %arg17[%dma_start3A_651] : memref<512xf32, #tpu.memory_space<vmem>> -> memref<128xf32, #tpu.memory_space<vmem>>
    %dma_start3A_653 = arith.constant 128 : i32
    %dma_start3A_654 = tpu.memref_slice %arg9[%dma_start3A_653] : memref<512xi32, #tpu.memory_space<vmem>> -> memref<128xi32, #tpu.memory_space<vmem>>
    %dma_start3A_655 = arith.constant 0 : i32
    %dma_start3A_656 = tpu.memref_slice %arg4[%dma_start3A_655] : memref<1000000xf32, #tpu.memory_space<hbm>> -> memref<1000000xf32, #tpu.memory_space<hbm>>
    tpu.enqueue_indirect_dma source(%dma_start3A_656 : memref<1000000xf32, #tpu.memory_space<hbm>>) target(%dma_start3A_652 : memref<128xf32, #tpu.memory_space<vmem>>) offsets(%dma_start3A_654 : memref<128xi32, #tpu.memory_space<vmem>>) semaphore(%arg22 : memref<!tpu.dma_semaphore, #tpu.memory_space<semaphore_mem>>)
    %dma_start3A_657 = arith.constant 128 : i32
    %dma_start3A_658 = tpu.memref_slice %arg18[%dma_start3A_657] : memref<512xf32, #tpu.memory_space<vmem>> -> memref<128xf32, #tpu.memory_space<vmem>>
    %dma_start3A_659 = arith.constant 128 : i32
    %dma_start3A_660 = tpu.memref_slice %arg10[%dma_start3A_659] : memref<512xi32, #tpu.memory_space<vmem>> -> memref<128xi32, #tpu.memory_space<vmem>>
    %dma_start3A_661 = arith.constant 0 : i32
    %dma_start3A_662 = tpu.memref_slice %arg5[%dma_start3A_661] : memref<1000000xf32, #tpu.memory_space<hbm>> -> memref<1000000xf32, #tpu.memory_space<hbm>>
    tpu.enqueue_indirect_dma source(%dma_start3A_662 : memref<1000000xf32, #tpu.memory_space<hbm>>) target(%dma_start3A_658 : memref<128xf32, #tpu.memory_space<vmem>>) offsets(%dma_start3A_660 : memref<128xi32, #tpu.memory_space<vmem>>) semaphore(%arg22 : memref<!tpu.dma_semaphore, #tpu.memory_space<semaphore_mem>>)
    %dma_start3A_663 = arith.constant 256 : i32
    %dma_start3A_664 = tpu.memref_slice %arg17[%dma_start3A_663] : memref<512xf32, #tpu.memory_space<vmem>> -> memref<128xf32, #tpu.memory_space<vmem>>
    %dma_start3A_665 = arith.constant 256 : i32
    %dma_start3A_666 = tpu.memref_slice %arg9[%dma_start3A_665] : memref<512xi32, #tpu.memory_space<vmem>> -> memref<128xi32, #tpu.memory_space<vmem>>
    %dma_start3A_667 = arith.constant 0 : i32
    %dma_start3A_668 = tpu.memref_slice %arg4[%dma_start3A_667] : memref<1000000xf32, #tpu.memory_space<hbm>> -> memref<1000000xf32, #tpu.memory_space<hbm>>
    tpu.enqueue_indirect_dma source(%dma_start3A_668 : memref<1000000xf32, #tpu.memory_space<hbm>>) target(%dma_start3A_664 : memref<128xf32, #tpu.memory_space<vmem>>) offsets(%dma_start3A_666 : memref<128xi32, #tpu.memory_space<vmem>>) semaphore(%arg22 : memref<!tpu.dma_semaphore, #tpu.memory_space<semaphore_mem>>)
    %dma_start3A_669 = arith.constant 256 : i32
    %dma_start3A_670 = tpu.memref_slice %arg18[%dma_start3A_669] : memref<512xf32, #tpu.memory_space<vmem>> -> memref<128xf32, #tpu.memory_space<vmem>>
    %dma_start3A_671 = arith.constant 256 : i32
    %dma_start3A_672 = tpu.memref_slice %arg10[%dma_start3A_671] : memref<512xi32, #tpu.memory_space<vmem>> -> memref<128xi32, #tpu.memory_space<vmem>>
    %dma_start3A_673 = arith.constant 0 : i32
    %dma_start3A_674 = tpu.memref_slice %arg5[%dma_start3A_673] : memref<1000000xf32, #tpu.memory_space<hbm>> -> memref<1000000xf32, #tpu.memory_space<hbm>>
    tpu.enqueue_indirect_dma source(%dma_start3A_674 : memref<1000000xf32, #tpu.memory_space<hbm>>) target(%dma_start3A_670 : memref<128xf32, #tpu.memory_space<vmem>>) offsets(%dma_start3A_672 : memref<128xi32, #tpu.memory_space<vmem>>) semaphore(%arg22 : memref<!tpu.dma_semaphore, #tpu.memory_space<semaphore_mem>>)
    %dma_start3A_675 = arith.constant 384 : i32
    %dma_start3A_676 = tpu.memref_slice %arg17[%dma_start3A_675] : memref<512xf32, #tpu.memory_space<vmem>> -> memref<128xf32, #tpu.memory_space<vmem>>
    %dma_start3A_677 = arith.constant 384 : i32
    %dma_start3A_678 = tpu.memref_slice %arg9[%dma_start3A_677] : memref<512xi32, #tpu.memory_space<vmem>> -> memref<128xi32, #tpu.memory_space<vmem>>
    %dma_start3A_679 = arith.constant 0 : i32
    %dma_start3A_680 = tpu.memref_slice %arg4[%dma_start3A_679] : memref<1000000xf32, #tpu.memory_space<hbm>> -> memref<1000000xf32, #tpu.memory_space<hbm>>
    tpu.enqueue_indirect_dma source(%dma_start3A_680 : memref<1000000xf32, #tpu.memory_space<hbm>>) target(%dma_start3A_676 : memref<128xf32, #tpu.memory_space<vmem>>) offsets(%dma_start3A_678 : memref<128xi32, #tpu.memory_space<vmem>>) semaphore(%arg22 : memref<!tpu.dma_semaphore, #tpu.memory_space<semaphore_mem>>)
    %dma_start3A_681 = arith.constant 384 : i32
    %dma_start3A_682 = tpu.memref_slice %arg18[%dma_start3A_681] : memref<512xf32, #tpu.memory_space<vmem>> -> memref<128xf32, #tpu.memory_space<vmem>>
    %dma_start3A_683 = arith.constant 384 : i32
    %dma_start3A_684 = tpu.memref_slice %arg10[%dma_start3A_683] : memref<512xi32, #tpu.memory_space<vmem>> -> memref<128xi32, #tpu.memory_space<vmem>>
    %dma_start3A_685 = arith.constant 0 : i32
    %dma_start3A_686 = tpu.memref_slice %arg5[%dma_start3A_685] : memref<1000000xf32, #tpu.memory_space<hbm>> -> memref<1000000xf32, #tpu.memory_space<hbm>>
    tpu.enqueue_indirect_dma source(%dma_start3A_686 : memref<1000000xf32, #tpu.memory_space<hbm>>) target(%dma_start3A_682 : memref<128xf32, #tpu.memory_space<vmem>>) offsets(%dma_start3A_684 : memref<128xi32, #tpu.memory_space<vmem>>) semaphore(%arg22 : memref<!tpu.dma_semaphore, #tpu.memory_space<semaphore_mem>>)
    %iota3A = tpu.iota {dimensions = array<i32: 0>} : vector<16xi32>
    %dma_start3A_687 = arith.constant 0 : i32
    %dma_start3A_688 = tpu.memref_slice %arg11[%dma_start3A_687] : memref<512xi32, #tpu.memory_space<vmem>> -> memref<128xi32, #tpu.memory_space<vmem>>
    %dma_start3A_689 = arith.constant 0 : i32
    %dma_start3A_690 = arith.constant 0 : i32
    %dma_start3A_691 = tpu.memref_slice %arg6[%dma_start3A_689, %dma_start3A_690] : memref<125000x128xf32, #tpu.memory_space<hbm>> -> memref<125000x128xf32, #tpu.memory_space<hbm>>
    tpu.enqueue_indirect_dma source(%dma_start3A_691 : memref<125000x128xf32, #tpu.memory_space<hbm>>) target(%arg13 : memref<128x128xf32, #tpu.memory_space<vmem>>) offsets(%dma_start3A_688 : memref<128xi32, #tpu.memory_space<vmem>>) semaphore(%arg20 : memref<!tpu.dma_semaphore, #tpu.memory_space<semaphore_mem>>)
    %dma_start3A_692 = arith.constant 0 : i32
    %dma_start3A_693 = tpu.memref_slice %arg12[%dma_start3A_692] : memref<512xi32, #tpu.memory_space<vmem>> -> memref<128xi32, #tpu.memory_space<vmem>>
    %dma_start3A_694 = arith.constant 0 : i32
    %dma_start3A_695 = arith.constant 0 : i32
    %dma_start3A_696 = tpu.memref_slice %arg7[%dma_start3A_694, %dma_start3A_695] : memref<125000x128xf32, #tpu.memory_space<hbm>> -> memref<125000x128xf32, #tpu.memory_space<hbm>>
    tpu.enqueue_indirect_dma source(%dma_start3A_696 : memref<125000x128xf32, #tpu.memory_space<hbm>>) target(%arg14 : memref<128x128xf32, #tpu.memory_space<vmem>>) offsets(%dma_start3A_693 : memref<128xi32, #tpu.memory_space<vmem>>) semaphore(%arg20 : memref<!tpu.dma_semaphore, #tpu.memory_space<semaphore_mem>>)
    %dma_start3A_697 = arith.constant 128 : i32
    %dma_start3A_698 = tpu.memref_slice %arg11[%dma_start3A_697] : memref<512xi32, #tpu.memory_space<vmem>> -> memref<128xi32, #tpu.memory_space<vmem>>
    %dma_start3A_699 = arith.constant 0 : i32
    %dma_start3A_700 = arith.constant 0 : i32
    %dma_start3A_701 = tpu.memref_slice %arg6[%dma_start3A_699, %dma_start3A_700] : memref<125000x128xf32, #tpu.memory_space<hbm>> -> memref<125000x128xf32, #tpu.memory_space<hbm>>
    tpu.enqueue_indirect_dma source(%dma_start3A_701 : memref<125000x128xf32, #tpu.memory_space<hbm>>) target(%arg15 : memref<128x128xf32, #tpu.memory_space<vmem>>) offsets(%dma_start3A_698 : memref<128xi32, #tpu.memory_space<vmem>>) semaphore(%arg21 : memref<!tpu.dma_semaphore, #tpu.memory_space<semaphore_mem>>)
    %dma_start3A_702 = arith.constant 128 : i32
    %dma_start3A_703 = tpu.memref_slice %arg12[%dma_start3A_702] : memref<512xi32, #tpu.memory_space<vmem>> -> memref<128xi32, #tpu.memory_space<vmem>>
    %dma_start3A_704 = arith.constant 0 : i32
    %dma_start3A_705 = arith.constant 0 : i32
    %dma_start3A_706 = tpu.memref_slice %arg7[%dma_start3A_704, %dma_start3A_705] : memref<125000x128xf32, #tpu.memory_space<hbm>> -> memref<125000x128xf32, #tpu.memory_space<hbm>>
    tpu.enqueue_indirect_dma source(%dma_start3A_706 : memref<125000x128xf32, #tpu.memory_space<hbm>>) target(%arg16 : memref<128x128xf32, #tpu.memory_space<vmem>>) offsets(%dma_start3A_703 : memref<128xi32, #tpu.memory_space<vmem>>) semaphore(%arg21 : memref<!tpu.dma_semaphore, #tpu.memory_space<semaphore_mem>>)
    %dma_wait3A = arith.constant 0 : i32
    %dma_wait3A_707 = tpu.memref_slice %arg17[%dma_wait3A] : memref<512xf32, #tpu.memory_space<vmem>> -> memref<128xf32, #tpu.memory_space<vmem>>
    %dma_wait3A_708 = arith.constant 0 : i32
    %dma_wait3A_709 = tpu.memref_slice %arg9[%dma_wait3A_708] : memref<512xi32, #tpu.memory_space<vmem>> -> memref<128xi32, #tpu.memory_space<vmem>>
    %dma_wait3A_710 = arith.constant 0 : i32
    %dma_wait3A_711 = tpu.memref_slice %arg4[%dma_wait3A_710] : memref<1000000xf32, #tpu.memory_space<hbm>> -> memref<1000000xf32, #tpu.memory_space<hbm>>
    tpu.wait_indirect_dma semaphore(%arg22 : memref<!tpu.dma_semaphore, #tpu.memory_space<semaphore_mem>>) src(%dma_wait3A_711 : memref<1000000xf32, #tpu.memory_space<hbm>>) dst(%dma_wait3A_707 : memref<128xf32, #tpu.memory_space<vmem>>)
    %dma_wait3A_712 = arith.constant 0 : i32
    %dma_wait3A_713 = tpu.memref_slice %arg18[%dma_wait3A_712] : memref<512xf32, #tpu.memory_space<vmem>> -> memref<128xf32, #tpu.memory_space<vmem>>
    %dma_wait3A_714 = arith.constant 0 : i32
    %dma_wait3A_715 = tpu.memref_slice %arg10[%dma_wait3A_714] : memref<512xi32, #tpu.memory_space<vmem>> -> memref<128xi32, #tpu.memory_space<vmem>>
    %dma_wait3A_716 = arith.constant 0 : i32
    %dma_wait3A_717 = tpu.memref_slice %arg5[%dma_wait3A_716] : memref<1000000xf32, #tpu.memory_space<hbm>> -> memref<1000000xf32, #tpu.memory_space<hbm>>
    tpu.wait_indirect_dma semaphore(%arg22 : memref<!tpu.dma_semaphore, #tpu.memory_space<semaphore_mem>>) src(%dma_wait3A_717 : memref<1000000xf32, #tpu.memory_space<hbm>>) dst(%dma_wait3A_713 : memref<128xf32, #tpu.memory_space<vmem>>)
    %dma_wait3A_718 = arith.constant 128 : i32
    %dma_wait3A_719 = tpu.memref_slice %arg17[%dma_wait3A_718] : memref<512xf32, #tpu.memory_space<vmem>> -> memref<128xf32, #tpu.memory_space<vmem>>
    %dma_wait3A_720 = arith.constant 128 : i32
    %dma_wait3A_721 = tpu.memref_slice %arg9[%dma_wait3A_720] : memref<512xi32, #tpu.memory_space<vmem>> -> memref<128xi32, #tpu.memory_space<vmem>>
    %dma_wait3A_722 = arith.constant 0 : i32
    %dma_wait3A_723 = tpu.memref_slice %arg4[%dma_wait3A_722] : memref<1000000xf32, #tpu.memory_space<hbm>> -> memref<1000000xf32, #tpu.memory_space<hbm>>
    tpu.wait_indirect_dma semaphore(%arg22 : memref<!tpu.dma_semaphore, #tpu.memory_space<semaphore_mem>>) src(%dma_wait3A_723 : memref<1000000xf32, #tpu.memory_space<hbm>>) dst(%dma_wait3A_719 : memref<128xf32, #tpu.memory_space<vmem>>)
    %dma_wait3A_724 = arith.constant 128 : i32
    %dma_wait3A_725 = tpu.memref_slice %arg18[%dma_wait3A_724] : memref<512xf32, #tpu.memory_space<vmem>> -> memref<128xf32, #tpu.memory_space<vmem>>
    %dma_wait3A_726 = arith.constant 128 : i32
    %dma_wait3A_727 = tpu.memref_slice %arg10[%dma_wait3A_726] : memref<512xi32, #tpu.memory_space<vmem>> -> memref<128xi32, #tpu.memory_space<vmem>>
    %dma_wait3A_728 = arith.constant 0 : i32
    %dma_wait3A_729 = tpu.memref_slice %arg5[%dma_wait3A_728] : memref<1000000xf32, #tpu.memory_space<hbm>> -> memref<1000000xf32, #tpu.memory_space<hbm>>
    tpu.wait_indirect_dma semaphore(%arg22 : memref<!tpu.dma_semaphore, #tpu.memory_space<semaphore_mem>>) src(%dma_wait3A_729 : memref<1000000xf32, #tpu.memory_space<hbm>>) dst(%dma_wait3A_725 : memref<128xf32, #tpu.memory_space<vmem>>)
    %dma_wait3A_730 = arith.constant 256 : i32
    %dma_wait3A_731 = tpu.memref_slice %arg17[%dma_wait3A_730] : memref<512xf32, #tpu.memory_space<vmem>> -> memref<128xf32, #tpu.memory_space<vmem>>
    %dma_wait3A_732 = arith.constant 256 : i32
    %dma_wait3A_733 = tpu.memref_slice %arg9[%dma_wait3A_732] : memref<512xi32, #tpu.memory_space<vmem>> -> memref<128xi32, #tpu.memory_space<vmem>>
    %dma_wait3A_734 = arith.constant 0 : i32
    %dma_wait3A_735 = tpu.memref_slice %arg4[%dma_wait3A_734] : memref<1000000xf32, #tpu.memory_space<hbm>> -> memref<1000000xf32, #tpu.memory_space<hbm>>
    tpu.wait_indirect_dma semaphore(%arg22 : memref<!tpu.dma_semaphore, #tpu.memory_space<semaphore_mem>>) src(%dma_wait3A_735 : memref<1000000xf32, #tpu.memory_space<hbm>>) dst(%dma_wait3A_731 : memref<128xf32, #tpu.memory_space<vmem>>)
    %dma_wait3A_736 = arith.constant 256 : i32
    %dma_wait3A_737 = tpu.memref_slice %arg18[%dma_wait3A_736] : memref<512xf32, #tpu.memory_space<vmem>> -> memref<128xf32, #tpu.memory_space<vmem>>
    %dma_wait3A_738 = arith.constant 256 : i32
    %dma_wait3A_739 = tpu.memref_slice %arg10[%dma_wait3A_738] : memref<512xi32, #tpu.memory_space<vmem>> -> memref<128xi32, #tpu.memory_space<vmem>>
    %dma_wait3A_740 = arith.constant 0 : i32
    %dma_wait3A_741 = tpu.memref_slice %arg5[%dma_wait3A_740] : memref<1000000xf32, #tpu.memory_space<hbm>> -> memref<1000000xf32, #tpu.memory_space<hbm>>
    tpu.wait_indirect_dma semaphore(%arg22 : memref<!tpu.dma_semaphore, #tpu.memory_space<semaphore_mem>>) src(%dma_wait3A_741 : memref<1000000xf32, #tpu.memory_space<hbm>>) dst(%dma_wait3A_737 : memref<128xf32, #tpu.memory_space<vmem>>)
    %dma_wait3A_742 = arith.constant 384 : i32
    %dma_wait3A_743 = tpu.memref_slice %arg17[%dma_wait3A_742] : memref<512xf32, #tpu.memory_space<vmem>> -> memref<128xf32, #tpu.memory_space<vmem>>
    %dma_wait3A_744 = arith.constant 384 : i32
    %dma_wait3A_745 = tpu.memref_slice %arg9[%dma_wait3A_744] : memref<512xi32, #tpu.memory_space<vmem>> -> memref<128xi32, #tpu.memory_space<vmem>>
    %dma_wait3A_746 = arith.constant 0 : i32
    %dma_wait3A_747 = tpu.memref_slice %arg4[%dma_wait3A_746] : memref<1000000xf32, #tpu.memory_space<hbm>> -> memref<1000000xf32, #tpu.memory_space<hbm>>
    tpu.wait_indirect_dma semaphore(%arg22 : memref<!tpu.dma_semaphore, #tpu.memory_space<semaphore_mem>>) src(%dma_wait3A_747 : memref<1000000xf32, #tpu.memory_space<hbm>>) dst(%dma_wait3A_743 : memref<128xf32, #tpu.memory_space<vmem>>)
    %dma_wait3A_748 = arith.constant 384 : i32
    %dma_wait3A_749 = tpu.memref_slice %arg18[%dma_wait3A_748] : memref<512xf32, #tpu.memory_space<vmem>> -> memref<128xf32, #tpu.memory_space<vmem>>
    %dma_wait3A_750 = arith.constant 384 : i32
    %dma_wait3A_751 = tpu.memref_slice %arg10[%dma_wait3A_750] : memref<512xi32, #tpu.memory_space<vmem>> -> memref<128xi32, #tpu.memory_space<vmem>>
    %dma_wait3A_752 = arith.constant 0 : i32
    %dma_wait3A_753 = tpu.memref_slice %arg5[%dma_wait3A_752] : memref<1000000xf32, #tpu.memory_space<hbm>> -> memref<1000000xf32, #tpu.memory_space<hbm>>
    tpu.wait_indirect_dma semaphore(%arg22 : memref<!tpu.dma_semaphore, #tpu.memory_space<semaphore_mem>>) src(%dma_wait3A_753 : memref<1000000xf32, #tpu.memory_space<hbm>>) dst(%dma_wait3A_749 : memref<128xf32, #tpu.memory_space<vmem>>)
    %dma_wait3A_754 = arith.constant 0 : i32
    %dma_wait3A_755 = tpu.memref_slice %arg11[%dma_wait3A_754] : memref<512xi32, #tpu.memory_space<vmem>> -> memref<128xi32, #tpu.memory_space<vmem>>
    %dma_wait3A_756 = arith.constant 0 : i32
    %dma_wait3A_757 = arith.constant 0 : i32
    %dma_wait3A_758 = tpu.memref_slice %arg6[%dma_wait3A_756, %dma_wait3A_757] : memref<125000x128xf32, #tpu.memory_space<hbm>> -> memref<125000x128xf32, #tpu.memory_space<hbm>>
    tpu.wait_indirect_dma semaphore(%arg20 : memref<!tpu.dma_semaphore, #tpu.memory_space<semaphore_mem>>) src(%dma_wait3A_758 : memref<125000x128xf32, #tpu.memory_space<hbm>>) dst(%arg13 : memref<128x128xf32, #tpu.memory_space<vmem>>)
    %dma_wait3A_759 = arith.constant 0 : i32
    %dma_wait3A_760 = tpu.memref_slice %arg12[%dma_wait3A_759] : memref<512xi32, #tpu.memory_space<vmem>> -> memref<128xi32, #tpu.memory_space<vmem>>
    %dma_wait3A_761 = arith.constant 0 : i32
    %dma_wait3A_762 = arith.constant 0 : i32
    %dma_wait3A_763 = tpu.memref_slice %arg7[%dma_wait3A_761, %dma_wait3A_762] : memref<125000x128xf32, #tpu.memory_space<hbm>> -> memref<125000x128xf32, #tpu.memory_space<hbm>>
    tpu.wait_indirect_dma semaphore(%arg20 : memref<!tpu.dma_semaphore, #tpu.memory_space<semaphore_mem>>) src(%dma_wait3A_763 : memref<125000x128xf32, #tpu.memory_space<hbm>>) dst(%arg14 : memref<128x128xf32, #tpu.memory_space<vmem>>)
    %scan3A = arith.constant 0 : i32
    %scan3A_764 = arith.constant 0 : i32
    %scan3A_765 = arith.constant 8 : i32
    %scan3A_766 = arith.addi %scan3A_764, %scan3A_765 : i32
    %scan3A_767 = arith.constant 1 : i32
    scf.for %scan3A_837 = %scan3A_764 to %scan3A_766 step %scan3A_767  : i32 {
      %mul3A_838 = arith.constant 16 : i32
      %mul3A_839 = arith.muli %scan3A_837, %mul3A_838 : i32
      %add3A_840 = arith.constant 0 : i32
      %add3A_841 = arith.addi %add3A_840, %mul3A_839 : i32
      %get3A_842 = arith.index_cast %add3A_841 : i32 to index
      %get3A_843 = tpu.vector_load %arg9[%get3A_842] {strides = array<i32>} : memref<512xi32, #tpu.memory_space<vmem>>, vector<16xi32>,
      %get3A_844 = vector.shape_cast %get3A_843 : vector<16xi32> to vector<16xi32>
      %and3A = arith.constant 7 : i32
      %and3A_845 = vector.broadcast %and3A : i32 to vector<16xi32>
      %and3A_846 = arith.andi %get3A_844, %and3A_845 : vector<16xi32>
      %mul3A_847 = arith.constant 16 : i32
      %mul3A_848 = vector.broadcast %mul3A_847 : i32 to vector<16xi32>
      %mul3A_849 = arith.muli %and3A_846, %mul3A_848 : vector<16xi32>
      %get3A_850 = arith.index_cast %add3A_841 : i32 to index
      %get3A_851 = tpu.vector_load %arg10[%get3A_850] {strides = array<i32>} : memref<512xi32, #tpu.memory_space<vmem>>, vector<16xi32>,
      %get3A_852 = vector.shape_cast %get3A_851 : vector<16xi32> to vector<16xi32>
      %and3A_853 = arith.constant 7 : i32
      %and3A_854 = vector.broadcast %and3A_853 : i32 to vector<16xi32>
      %and3A_855 = arith.andi %get3A_852, %and3A_854 : vector<16xi32>
      %mul3A_856 = arith.constant 16 : i32
      %mul3A_857 = vector.broadcast %mul3A_856 : i32 to vector<16xi32>
      %mul3A_858 = arith.muli %and3A_855, %mul3A_857 : vector<16xi32>
      %broadcast_in_dim3A = arith.constant 0.000000e+00 : f32
      %broadcast_in_dim3A_859 = vector.broadcast %broadcast_in_dim3A : f32 to vector<16xf32>
      %mul3A_860 = arith.constant 16 : i32
      %mul3A_861 = arith.muli %scan3A_837, %mul3A_860 : i32
      %add3A_862 = arith.constant 0 : i32
      %add3A_863 = arith.addi %mul3A_861, %add3A_862 : i32
      %slice3A = vector.extract_strided_slice %mul3A_849 {offsets = [0], sizes = [1], strides = [1]} : vector<16xi32> to vector<1xi32>
      %squeeze3A = vector.extract %slice3A[0] : i32 from vector<1xi32>
      %get3A_864 = arith.index_cast %add3A_863 : i32 to index
      %get3A_865 = arith.index_cast %squeeze3A : i32 to index
      %get3A_866 = tpu.vector_load %arg13[%get3A_864, %get3A_865] {strides = array<i32>} : memref<128x128xf32, #tpu.memory_space<vmem>>, vector<1x16xf32>,
      %get3A_867 = vector.shape_cast %get3A_866 : vector<1x16xf32> to vector<16xf32>
      %slice3A_868 = vector.extract_strided_slice %mul3A_858 {offsets = [0], sizes = [1], strides = [1]} : vector<16xi32> to vector<1xi32>
      %squeeze3A_869 = vector.extract %slice3A_868[0] : i32 from vector<1xi32>
      %get3A_870 = arith.index_cast %add3A_863 : i32 to index
      %get3A_871 = arith.index_cast %squeeze3A_869 : i32 to index
      %get3A_872 = tpu.vector_load %arg14[%get3A_870, %get3A_871] {strides = array<i32>} : memref<128x128xf32, #tpu.memory_space<vmem>>, vector<1x16xf32>,
      %get3A_873 = vector.shape_cast %get3A_872 : vector<1x16xf32> to vector<16xf32>
      %mul3A_874 = arith.mulf %get3A_867, %get3A_873 : vector<16xf32>
      %xor3A = arith.constant 1 : i32
      %xor3A_875 = vector.broadcast %xor3A : i32 to vector<16xi32>
      %xor3A_876 = arith.xori %iota3A, %xor3A_875 : vector<16xi32>
      %broadcast_in_dim3A_877 = vector.shape_cast %xor3A_876 : vector<16xi32> to vector<16x1xi32>
      %gather3A = vector.shape_cast %broadcast_in_dim3A_877 : vector<16x1xi32> to vector<16xi32>
      %gather3A_878 = tpu.dynamic_gather %mul3A_874[%gather3A] in [0] : vector<16xf32>, vector<16xi32> -> vector<16xf32>
      %add3A_879 = arith.addf %mul3A_874, %gather3A_878 : vector<16xf32>
      %xor3A_880 = arith.constant 2 : i32
      %xor3A_881 = vector.broadcast %xor3A_880 : i32 to vector<16xi32>
      %xor3A_882 = arith.xori %iota3A, %xor3A_881 : vector<16xi32>
      %broadcast_in_dim3A_883 = vector.shape_cast %xor3A_882 : vector<16xi32> to vector<16x1xi32>
      %gather3A_884 = vector.shape_cast %broadcast_in_dim3A_883 : vector<16x1xi32> to vector<16xi32>
      %gather3A_885 = tpu.dynamic_gather %add3A_879[%gather3A_884] in [0] : vector<16xf32>, vector<16xi32> -> vector<16xf32>
      %add3A_886 = arith.addf %add3A_879, %gather3A_885 : vector<16xf32>
      %xor3A_887 = arith.constant 4 : i32
      %xor3A_888 = vector.broadcast %xor3A_887 : i32 to vector<16xi32>
      %xor3A_889 = arith.xori %iota3A, %xor3A_888 : vector<16xi32>
      %broadcast_in_dim3A_890 = vector.shape_cast %xor3A_889 : vector<16xi32> to vector<16x1xi32>
      %gather3A_891 = vector.shape_cast %broadcast_in_dim3A_890 : vector<16x1xi32> to vector<16xi32>
      %gather3A_892 = tpu.dynamic_gather %add3A_886[%gather3A_891] in [0] : vector<16xf32>, vector<16xi32> -> vector<16xf32>
      %add3A_893 = arith.addf %add3A_886, %gather3A_892 : vector<16xf32>
      %xor3A_894 = arith.constant 8 : i32
      %xor3A_895 = vector.broadcast %xor3A_894 : i32 to vector<16xi32>
      %xor3A_896 = arith.xori %iota3A, %xor3A_895 : vector<16xi32>
      %broadcast_in_dim3A_897 = vector.shape_cast %xor3A_896 : vector<16xi32> to vector<16x1xi32>
      %gather3A_898 = vector.shape_cast %broadcast_in_dim3A_897 : vector<16x1xi32> to vector<16xi32>
      %gather3A_899 = tpu.dynamic_gather %add3A_893[%gather3A_898] in [0] : vector<16xf32>, vector<16xi32> -> vector<16xf32>
      %add3A_900 = arith.addf %add3A_893, %gather3A_899 : vector<16xf32>
      %eq3A = arith.constant 0 : i32
      %eq3A_901 = vector.broadcast %eq3A : i32 to vector<16xi32>
      %eq3A_902 = arith.cmpi eq, %iota3A, %eq3A_901 : vector<16xi32>
      %select_n3A = arith.select %eq3A_902, %add3A_900, %broadcast_in_dim3A_859 : vector<16xi1>, vector<16xf32>
      %mul3A_903 = arith.constant 16 : i32
      %mul3A_904 = arith.muli %scan3A_837, %mul3A_903 : i32
      %add3A_905 = arith.constant 1 : i32
      %add3A_906 = arith.addi %mul3A_904, %add3A_905 : i32
      %slice3A_907 = vector.extract_strided_slice %mul3A_849 {offsets = [1], sizes = [1], strides = [1]} : vector<16xi32> to vector<1xi32>
      %squeeze3A_908 = vector.extract %slice3A_907[0] : i32 from vector<1xi32>
      %get3A_909 = arith.index_cast %add3A_906 : i32 to index
      %get3A_910 = arith.index_cast %squeeze3A_908 : i32 to index
      %get3A_911 = tpu.vector_load %arg13[%get3A_909, %get3A_910] {strides = array<i32>} : memref<128x128xf32, #tpu.memory_space<vmem>>, vector<1x16xf32>,
      %get3A_912 = vector.shape_cast %get3A_911 : vector<1x16xf32> to vector<16xf32>
      %slice3A_913 = vector.extract_strided_slice %mul3A_858 {offsets = [1], sizes = [1], strides = [1]} : vector<16xi32> to vector<1xi32>
      %squeeze3A_914 = vector.extract %slice3A_913[0] : i32 from vector<1xi32>
      %get3A_915 = arith.index_cast %add3A_906 : i32 to index
      %get3A_916 = arith.index_cast %squeeze3A_914 : i32 to index
      %get3A_917 = tpu.vector_load %arg14[%get3A_915, %get3A_916] {strides = array<i32>} : memref<128x128xf32, #tpu.memory_space<vmem>>, vector<1x16xf32>,
      %get3A_918 = vector.shape_cast %get3A_917 : vector<1x16xf32> to vector<16xf32>
      %mul3A_919 = arith.mulf %get3A_912, %get3A_918 : vector<16xf32>
      %xor3A_920 = arith.constant 1 : i32
      %xor3A_921 = vector.broadcast %xor3A_920 : i32 to vector<16xi32>
      %xor3A_922 = arith.xori %iota3A, %xor3A_921 : vector<16xi32>
      %broadcast_in_dim3A_923 = vector.shape_cast %xor3A_922 : vector<16xi32> to vector<16x1xi32>
      %gather3A_924 = vector.shape_cast %broadcast_in_dim3A_923 : vector<16x1xi32> to vector<16xi32>
      %gather3A_925 = tpu.dynamic_gather %mul3A_919[%gather3A_924] in [0] : vector<16xf32>, vector<16xi32> -> vector<16xf32>
      %add3A_926 = arith.addf %mul3A_919, %gather3A_925 : vector<16xf32>
      %xor3A_927 = arith.constant 2 : i32
      %xor3A_928 = vector.broadcast %xor3A_927 : i32 to vector<16xi32>
      %xor3A_929 = arith.xori %iota3A, %xor3A_928 : vector<16xi32>
      %broadcast_in_dim3A_930 = vector.shape_cast %xor3A_929 : vector<16xi32> to vector<16x1xi32>
      %gather3A_931 = vector.shape_cast %broadcast_in_dim3A_930 : vector<16x1xi32> to vector<16xi32>
      %gather3A_932 = tpu.dynamic_gather %add3A_926[%gather3A_931] in [0] : vector<16xf32>, vector<16xi32> -> vector<16xf32>
      %add3A_933 = arith.addf %add3A_926, %gather3A_932 : vector<16xf32>
      %xor3A_934 = arith.constant 4 : i32
      %xor3A_935 = vector.broadcast %xor3A_934 : i32 to vector<16xi32>
      %xor3A_936 = arith.xori %iota3A, %xor3A_935 : vector<16xi32>
      %broadcast_in_dim3A_937 = vector.shape_cast %xor3A_936 : vector<16xi32> to vector<16x1xi32>
      %gather3A_938 = vector.shape_cast %broadcast_in_dim3A_937 : vector<16x1xi32> to vector<16xi32>
      %gather3A_939 = tpu.dynamic_gather %add3A_933[%gather3A_938] in [0] : vector<16xf32>, vector<16xi32> -> vector<16xf32>
      %add3A_940 = arith.addf %add3A_933, %gather3A_939 : vector<16xf32>
      %xor3A_941 = arith.constant 8 : i32
      %xor3A_942 = vector.broadcast %xor3A_941 : i32 to vector<16xi32>
      %xor3A_943 = arith.xori %iota3A, %xor3A_942 : vector<16xi32>
      %broadcast_in_dim3A_944 = vector.shape_cast %xor3A_943 : vector<16xi32> to vector<16x1xi32>
      %gather3A_945 = vector.shape_cast %broadcast_in_dim3A_944 : vector<16x1xi32> to vector<16xi32>
      %gather3A_946 = tpu.dynamic_gather %add3A_940[%gather3A_945] in [0] : vector<16xf32>, vector<16xi32> -> vector<16xf32>
      %add3A_947 = arith.addf %add3A_940, %gather3A_946 : vector<16xf32>
      %eq3A_948 = arith.constant 1 : i32
      %eq3A_949 = vector.broadcast %eq3A_948 : i32 to vector<16xi32>
      %eq3A_950 = arith.cmpi eq, %iota3A, %eq3A_949 : vector<16xi32>
      %select_n3A_951 = arith.select %eq3A_950, %add3A_947, %select_n3A : vector<16xi1>, vector<16xf32>
      %mul3A_952 = arith.constant 16 : i32
      %mul3A_953 = arith.muli %scan3A_837, %mul3A_952 : i32
      %add3A_954 = arith.constant 2 : i32
      %add3A_955 = arith.addi %mul3A_953, %add3A_954 : i32
      %slice3A_956 = vector.extract_strided_slice %mul3A_849 {offsets = [2], sizes = [1], strides = [1]} : vector<16xi32> to vector<1xi32>
      %squeeze3A_957 = vector.extract %slice3A_956[0] : i32 from vector<1xi32>
      %get3A_958 = arith.index_cast %add3A_955 : i32 to index
      %get3A_959 = arith.index_cast %squeeze3A_957 : i32 to index
      %get3A_960 = tpu.vector_load %arg13[%get3A_958, %get3A_959] {strides = array<i32>} : memref<128x128xf32, #tpu.memory_space<vmem>>, vector<1x16xf32>,
      %get3A_961 = vector.shape_cast %get3A_960 : vector<1x16xf32> to vector<16xf32>
      %slice3A_962 = vector.extract_strided_slice %mul3A_858 {offsets = [2], sizes = [1], strides = [1]} : vector<16xi32> to vector<1xi32>
      %squeeze3A_963 = vector.extract %slice3A_962[0] : i32 from vector<1xi32>
      %get3A_964 = arith.index_cast %add3A_955 : i32 to index
      %get3A_965 = arith.index_cast %squeeze3A_963 : i32 to index
      %get3A_966 = tpu.vector_load %arg14[%get3A_964, %get3A_965] {strides = array<i32>} : memref<128x128xf32, #tpu.memory_space<vmem>>, vector<1x16xf32>,
      %get3A_967 = vector.shape_cast %get3A_966 : vector<1x16xf32> to vector<16xf32>
      %mul3A_968 = arith.mulf %get3A_961, %get3A_967 : vector<16xf32>
      %xor3A_969 = arith.constant 1 : i32
      %xor3A_970 = vector.broadcast %xor3A_969 : i32 to vector<16xi32>
      %xor3A_971 = arith.xori %iota3A, %xor3A_970 : vector<16xi32>
      %broadcast_in_dim3A_972 = vector.shape_cast %xor3A_971 : vector<16xi32> to vector<16x1xi32>
      %gather3A_973 = vector.shape_cast %broadcast_in_dim3A_972 : vector<16x1xi32> to vector<16xi32>
      %gather3A_974 = tpu.dynamic_gather %mul3A_968[%gather3A_973] in [0] : vector<16xf32>, vector<16xi32> -> vector<16xf32>
      %add3A_975 = arith.addf %mul3A_968, %gather3A_974 : vector<16xf32>
      %xor3A_976 = arith.constant 2 : i32
      %xor3A_977 = vector.broadcast %xor3A_976 : i32 to vector<16xi32>
      %xor3A_978 = arith.xori %iota3A, %xor3A_977 : vector<16xi32>
      %broadcast_in_dim3A_979 = vector.shape_cast %xor3A_978 : vector<16xi32> to vector<16x1xi32>
      %gather3A_980 = vector.shape_cast %broadcast_in_dim3A_979 : vector<16x1xi32> to vector<16xi32>
      %gather3A_981 = tpu.dynamic_gather %add3A_975[%gather3A_980] in [0] : vector<16xf32>, vector<16xi32> -> vector<16xf32>
      %add3A_982 = arith.addf %add3A_975, %gather3A_981 : vector<16xf32>
      %xor3A_983 = arith.constant 4 : i32
      %xor3A_984 = vector.broadcast %xor3A_983 : i32 to vector<16xi32>
      %xor3A_985 = arith.xori %iota3A, %xor3A_984 : vector<16xi32>
      %broadcast_in_dim3A_986 = vector.shape_cast %xor3A_985 : vector<16xi32> to vector<16x1xi32>
      %gather3A_987 = vector.shape_cast %broadcast_in_dim3A_986 : vector<16x1xi32> to vector<16xi32>
      %gather3A_988 = tpu.dynamic_gather %add3A_982[%gather3A_987] in [0] : vector<16xf32>, vector<16xi32> -> vector<16xf32>
      %add3A_989 = arith.addf %add3A_982, %gather3A_988 : vector<16xf32>
      %xor3A_990 = arith.constant 8 : i32
      %xor3A_991 = vector.broadcast %xor3A_990 : i32 to vector<16xi32>
      %xor3A_992 = arith.xori %iota3A, %xor3A_991 : vector<16xi32>
      %broadcast_in_dim3A_993 = vector.shape_cast %xor3A_992 : vector<16xi32> to vector<16x1xi32>
      %gather3A_994 = vector.shape_cast %broadcast_in_dim3A_993 : vector<16x1xi32> to vector<16xi32>
      %gather3A_995 = tpu.dynamic_gather %add3A_989[%gather3A_994] in [0] : vector<16xf32>, vector<16xi32> -> vector<16xf32>
      %add3A_996 = arith.addf %add3A_989, %gather3A_995 : vector<16xf32>
      %eq3A_997 = arith.constant 2 : i32
      %eq3A_998 = vector.broadcast %eq3A_997 : i32 to vector<16xi32>
      %eq3A_999 = arith.cmpi eq, %iota3A, %eq3A_998 : vector<16xi32>
      %select_n3A_1000 = arith.select %eq3A_999, %add3A_996, %select_n3A_951 : vector<16xi1>, vector<16xf32>
      %mul3A_1001 = arith.constant 16 : i32
      %mul3A_1002 = arith.muli %scan3A_837, %mul3A_1001 : i32
      %add3A_1003 = arith.constant 3 : i32
      %add3A_1004 = arith.addi %mul3A_1002, %add3A_1003 : i32
      %slice3A_1005 = vector.extract_strided_slice %mul3A_849 {offsets = [3], sizes = [1], strides = [1]} : vector<16xi32> to vector<1xi32>
      %squeeze3A_1006 = vector.extract %slice3A_1005[0] : i32 from vector<1xi32>
      %get3A_1007 = arith.index_cast %add3A_1004 : i32 to index
      %get3A_1008 = arith.index_cast %squeeze3A_1006 : i32 to index
      %get3A_1009 = tpu.vector_load %arg13[%get3A_1007, %get3A_1008] {strides = array<i32>} : memref<128x128xf32, #tpu.memory_space<vmem>>, vector<1x16xf32>,
      %get3A_1010 = vector.shape_cast %get3A_1009 : vector<1x16xf32> to vector<16xf32>
      %slice3A_1011 = vector.extract_strided_slice %mul3A_858 {offsets = [3], sizes = [1], strides = [1]} : vector<16xi32> to vector<1xi32>
      %squeeze3A_1012 = vector.extract %slice3A_1011[0] : i32 from vector<1xi32>
      %get3A_1013 = arith.index_cast %add3A_1004 : i32 to index
      %get3A_1014 = arith.index_cast %squeeze3A_1012 : i32 to index
      %get3A_1015 = tpu.vector_load %arg14[%get3A_1013, %get3A_1014] {strides = array<i32>} : memref<128x128xf32, #tpu.memory_space<vmem>>, vector<1x16xf32>,
      %get3A_1016 = vector.shape_cast %get3A_1015 : vector<1x16xf32> to vector<16xf32>
      %mul3A_1017 = arith.mulf %get3A_1010, %get3A_1016 : vector<16xf32>
      %xor3A_1018 = arith.constant 1 : i32
      %xor3A_1019 = vector.broadcast %xor3A_1018 : i32 to vector<16xi32>
      %xor3A_1020 = arith.xori %iota3A, %xor3A_1019 : vector<16xi32>
      %broadcast_in_dim3A_1021 = vector.shape_cast %xor3A_1020 : vector<16xi32> to vector<16x1xi32>
      %gather3A_1022 = vector.shape_cast %broadcast_in_dim3A_1021 : vector<16x1xi32> to vector<16xi32>
      %gather3A_1023 = tpu.dynamic_gather %mul3A_1017[%gather3A_1022] in [0] : vector<16xf32>, vector<16xi32> -> vector<16xf32>
      %add3A_1024 = arith.addf %mul3A_1017, %gather3A_1023 : vector<16xf32>
      %xor3A_1025 = arith.constant 2 : i32
      %xor3A_1026 = vector.broadcast %xor3A_1025 : i32 to vector<16xi32>
      %xor3A_1027 = arith.xori %iota3A, %xor3A_1026 : vector<16xi32>
      %broadcast_in_dim3A_1028 = vector.shape_cast %xor3A_1027 : vector<16xi32> to vector<16x1xi32>
      %gather3A_1029 = vector.shape_cast %broadcast_in_dim3A_1028 : vector<16x1xi32> to vector<16xi32>
      %gather3A_1030 = tpu.dynamic_gather %add3A_1024[%gather3A_1029] in [0] : vector<16xf32>, vector<16xi32> -> vector<16xf32>
      %add3A_1031 = arith.addf %add3A_1024, %gather3A_1030 : vector<16xf32>
      %xor3A_1032 = arith.constant 4 : i32
      %xor3A_1033 = vector.broadcast %xor3A_1032 : i32 to vector<16xi32>
      %xor3A_1034 = arith.xori %iota3A, %xor3A_1033 : vector<16xi32>
      %broadcast_in_dim3A_1035 = vector.shape_cast %xor3A_1034 : vector<16xi32> to vector<16x1xi32>
      %gather3A_1036 = vector.shape_cast %broadcast_in_dim3A_1035 : vector<16x1xi32> to vector<16xi32>
      %gather3A_1037 = tpu.dynamic_gather %add3A_1031[%gather3A_1036] in [0] : vector<16xf32>, vector<16xi32> -> vector<16xf32>
      %add3A_1038 = arith.addf %add3A_1031, %gather3A_1037 : vector<16xf32>
      %xor3A_1039 = arith.constant 8 : i32
      %xor3A_1040 = vector.broadcast %xor3A_1039 : i32 to vector<16xi32>
      %xor3A_1041 = arith.xori %iota3A, %xor3A_1040 : vector<16xi32>
      %broadcast_in_dim3A_1042 = vector.shape_cast %xor3A_1041 : vector<16xi32> to vector<16x1xi32>
      %gather3A_1043 = vector.shape_cast %broadcast_in_dim3A_1042 : vector<16x1xi32> to vector<16xi32>
      %gather3A_1044 = tpu.dynamic_gather %add3A_1038[%gather3A_1043] in [0] : vector<16xf32>, vector<16xi32> -> vector<16xf32>
      %add3A_1045 = arith.addf %add3A_1038, %gather3A_1044 : vector<16xf32>
      %eq3A_1046 = arith.constant 3 : i32
      %eq3A_1047 = vector.broadcast %eq3A_1046 : i32 to vector<16xi32>
      %eq3A_1048 = arith.cmpi eq, %iota3A, %eq3A_1047 : vector<16xi32>
      %select_n3A_1049 = arith.select %eq3A_1048, %add3A_1045, %select_n3A_1000 : vector<16xi1>, vector<16xf32>
      %mul3A_1050 = arith.constant 16 : i32
      %mul3A_1051 = arith.muli %scan3A_837, %mul3A_1050 : i32
      %add3A_1052 = arith.constant 4 : i32
      %add3A_1053 = arith.addi %mul3A_1051, %add3A_1052 : i32
      %slice3A_1054 = vector.extract_strided_slice %mul3A_849 {offsets = [4], sizes = [1], strides = [1]} : vector<16xi32> to vector<1xi32>
      %squeeze3A_1055 = vector.extract %slice3A_1054[0] : i32 from vector<1xi32>
      %get3A_1056 = arith.index_cast %add3A_1053 : i32 to index
      %get3A_1057 = arith.index_cast %squeeze3A_1055 : i32 to index
      %get3A_1058 = tpu.vector_load %arg13[%get3A_1056, %get3A_1057] {strides = array<i32>} : memref<128x128xf32, #tpu.memory_space<vmem>>, vector<1x16xf32>,
      %get3A_1059 = vector.shape_cast %get3A_1058 : vector<1x16xf32> to vector<16xf32>
      %slice3A_1060 = vector.extract_strided_slice %mul3A_858 {offsets = [4], sizes = [1], strides = [1]} : vector<16xi32> to vector<1xi32>
      %squeeze3A_1061 = vector.extract %slice3A_1060[0] : i32 from vector<1xi32>
      %get3A_1062 = arith.index_cast %add3A_1053 : i32 to index
      %get3A_1063 = arith.index_cast %squeeze3A_1061 : i32 to index
      %get3A_1064 = tpu.vector_load %arg14[%get3A_1062, %get3A_1063] {strides = array<i32>} : memref<128x128xf32, #tpu.memory_space<vmem>>, vector<1x16xf32>,
      %get3A_1065 = vector.shape_cast %get3A_1064 : vector<1x16xf32> to vector<16xf32>
      %mul3A_1066 = arith.mulf %get3A_1059, %get3A_1065 : vector<16xf32>
      %xor3A_1067 = arith.constant 1 : i32
      %xor3A_1068 = vector.broadcast %xor3A_1067 : i32 to vector<16xi32>
      %xor3A_1069 = arith.xori %iota3A, %xor3A_1068 : vector<16xi32>
      %broadcast_in_dim3A_1070 = vector.shape_cast %xor3A_1069 : vector<16xi32> to vector<16x1xi32>
      %gather3A_1071 = vector.shape_cast %broadcast_in_dim3A_1070 : vector<16x1xi32> to vector<16xi32>
      %gather3A_1072 = tpu.dynamic_gather %mul3A_1066[%gather3A_1071] in [0] : vector<16xf32>, vector<16xi32> -> vector<16xf32>
      %add3A_1073 = arith.addf %mul3A_1066, %gather3A_1072 : vector<16xf32>
      %xor3A_1074 = arith.constant 2 : i32
      %xor3A_1075 = vector.broadcast %xor3A_1074 : i32 to vector<16xi32>
      %xor3A_1076 = arith.xori %iota3A, %xor3A_1075 : vector<16xi32>
      %broadcast_in_dim3A_1077 = vector.shape_cast %xor3A_1076 : vector<16xi32> to vector<16x1xi32>
      %gather3A_1078 = vector.shape_cast %broadcast_in_dim3A_1077 : vector<16x1xi32> to vector<16xi32>
      %gather3A_1079 = tpu.dynamic_gather %add3A_1073[%gather3A_1078] in [0] : vector<16xf32>, vector<16xi32> -> vector<16xf32>
      %add3A_1080 = arith.addf %add3A_1073, %gather3A_1079 : vector<16xf32>
      %xor3A_1081 = arith.constant 4 : i32
      %xor3A_1082 = vector.broadcast %xor3A_1081 : i32 to vector<16xi32>
      %xor3A_1083 = arith.xori %iota3A, %xor3A_1082 : vector<16xi32>
      %broadcast_in_dim3A_1084 = vector.shape_cast %xor3A_1083 : vector<16xi32> to vector<16x1xi32>
      %gather3A_1085 = vector.shape_cast %broadcast_in_dim3A_1084 : vector<16x1xi32> to vector<16xi32>
      %gather3A_1086 = tpu.dynamic_gather %add3A_1080[%gather3A_1085] in [0] : vector<16xf32>, vector<16xi32> -> vector<16xf32>
      %add3A_1087 = arith.addf %add3A_1080, %gather3A_1086 : vector<16xf32>
      %xor3A_1088 = arith.constant 8 : i32
      %xor3A_1089 = vector.broadcast %xor3A_1088 : i32 to vector<16xi32>
      %xor3A_1090 = arith.xori %iota3A, %xor3A_1089 : vector<16xi32>
      %broadcast_in_dim3A_1091 = vector.shape_cast %xor3A_1090 : vector<16xi32> to vector<16x1xi32>
      %gather3A_1092 = vector.shape_cast %broadcast_in_dim3A_1091 : vector<16x1xi32> to vector<16xi32>
      %gather3A_1093 = tpu.dynamic_gather %add3A_1087[%gather3A_1092] in [0] : vector<16xf32>, vector<16xi32> -> vector<16xf32>
      %add3A_1094 = arith.addf %add3A_1087, %gather3A_1093 : vector<16xf32>
      %eq3A_1095 = arith.constant 4 : i32
      %eq3A_1096 = vector.broadcast %eq3A_1095 : i32 to vector<16xi32>
      %eq3A_1097 = arith.cmpi eq, %iota3A, %eq3A_1096 : vector<16xi32>
      %select_n3A_1098 = arith.select %eq3A_1097, %add3A_1094, %select_n3A_1049 : vector<16xi1>, vector<16xf32>
      %mul3A_1099 = arith.constant 16 : i32
      %mul3A_1100 = arith.muli %scan3A_837, %mul3A_1099 : i32
      %add3A_1101 = arith.constant 5 : i32
      %add3A_1102 = arith.addi %mul3A_1100, %add3A_1101 : i32
      %slice3A_1103 = vector.extract_strided_slice %mul3A_849 {offsets = [5], sizes = [1], strides = [1]} : vector<16xi32> to vector<1xi32>
      %squeeze3A_1104 = vector.extract %slice3A_1103[0] : i32 from vector<1xi32>
      %get3A_1105 = arith.index_cast %add3A_1102 : i32 to index
      %get3A_1106 = arith.index_cast %squeeze3A_1104 : i32 to index
      %get3A_1107 = tpu.vector_load %arg13[%get3A_1105, %get3A_1106] {strides = array<i32>} : memref<128x128xf32, #tpu.memory_space<vmem>>, vector<1x16xf32>,
      %get3A_1108 = vector.shape_cast %get3A_1107 : vector<1x16xf32> to vector<16xf32>
      %slice3A_1109 = vector.extract_strided_slice %mul3A_858 {offsets = [5], sizes = [1], strides = [1]} : vector<16xi32> to vector<1xi32>
      %squeeze3A_1110 = vector.extract %slice3A_1109[0] : i32 from vector<1xi32>
      %get3A_1111 = arith.index_cast %add3A_1102 : i32 to index
      %get3A_1112 = arith.index_cast %squeeze3A_1110 : i32 to index
      %get3A_1113 = tpu.vector_load %arg14[%get3A_1111, %get3A_1112] {strides = array<i32>} : memref<128x128xf32, #tpu.memory_space<vmem>>, vector<1x16xf32>,
      %get3A_1114 = vector.shape_cast %get3A_1113 : vector<1x16xf32> to vector<16xf32>
      %mul3A_1115 = arith.mulf %get3A_1108, %get3A_1114 : vector<16xf32>
      %xor3A_1116 = arith.constant 1 : i32
      %xor3A_1117 = vector.broadcast %xor3A_1116 : i32 to vector<16xi32>
      %xor3A_1118 = arith.xori %iota3A, %xor3A_1117 : vector<16xi32>
      %broadcast_in_dim3A_1119 = vector.shape_cast %xor3A_1118 : vector<16xi32> to vector<16x1xi32>
      %gather3A_1120 = vector.shape_cast %broadcast_in_dim3A_1119 : vector<16x1xi32> to vector<16xi32>
      %gather3A_1121 = tpu.dynamic_gather %mul3A_1115[%gather3A_1120] in [0] : vector<16xf32>, vector<16xi32> -> vector<16xf32>
      %add3A_1122 = arith.addf %mul3A_1115, %gather3A_1121 : vector<16xf32>
      %xor3A_1123 = arith.constant 2 : i32
      %xor3A_1124 = vector.broadcast %xor3A_1123 : i32 to vector<16xi32>
      %xor3A_1125 = arith.xori %iota3A, %xor3A_1124 : vector<16xi32>
      %broadcast_in_dim3A_1126 = vector.shape_cast %xor3A_1125 : vector<16xi32> to vector<16x1xi32>
      %gather3A_1127 = vector.shape_cast %broadcast_in_dim3A_1126 : vector<16x1xi32> to vector<16xi32>
      %gather3A_1128 = tpu.dynamic_gather %add3A_1122[%gather3A_1127] in [0] : vector<16xf32>, vector<16xi32> -> vector<16xf32>
      %add3A_1129 = arith.addf %add3A_1122, %gather3A_1128 : vector<16xf32>
      %xor3A_1130 = arith.constant 4 : i32
      %xor3A_1131 = vector.broadcast %xor3A_1130 : i32 to vector<16xi32>
      %xor3A_1132 = arith.xori %iota3A, %xor3A_1131 : vector<16xi32>
      %broadcast_in_dim3A_1133 = vector.shape_cast %xor3A_1132 : vector<16xi32> to vector<16x1xi32>
      %gather3A_1134 = vector.shape_cast %broadcast_in_dim3A_1133 : vector<16x1xi32> to vector<16xi32>
      %gather3A_1135 = tpu.dynamic_gather %add3A_1129[%gather3A_1134] in [0] : vector<16xf32>, vector<16xi32> -> vector<16xf32>
      %add3A_1136 = arith.addf %add3A_1129, %gather3A_1135 : vector<16xf32>
      %xor3A_1137 = arith.constant 8 : i32
      %xor3A_1138 = vector.broadcast %xor3A_1137 : i32 to vector<16xi32>
      %xor3A_1139 = arith.xori %iota3A, %xor3A_1138 : vector<16xi32>
      %broadcast_in_dim3A_1140 = vector.shape_cast %xor3A_1139 : vector<16xi32> to vector<16x1xi32>
      %gather3A_1141 = vector.shape_cast %broadcast_in_dim3A_1140 : vector<16x1xi32> to vector<16xi32>
      %gather3A_1142 = tpu.dynamic_gather %add3A_1136[%gather3A_1141] in [0] : vector<16xf32>, vector<16xi32> -> vector<16xf32>
      %add3A_1143 = arith.addf %add3A_1136, %gather3A_1142 : vector<16xf32>
      %eq3A_1144 = arith.constant 5 : i32
      %eq3A_1145 = vector.broadcast %eq3A_1144 : i32 to vector<16xi32>
      %eq3A_1146 = arith.cmpi eq, %iota3A, %eq3A_1145 : vector<16xi32>
      %select_n3A_1147 = arith.select %eq3A_1146, %add3A_1143, %select_n3A_1098 : vector<16xi1>, vector<16xf32>
      %mul3A_1148 = arith.constant 16 : i32
      %mul3A_1149 = arith.muli %scan3A_837, %mul3A_1148 : i32
      %add3A_1150 = arith.constant 6 : i32
      %add3A_1151 = arith.addi %mul3A_1149, %add3A_1150 : i32
      %slice3A_1152 = vector.extract_strided_slice %mul3A_849 {offsets = [6], sizes = [1], strides = [1]} : vector<16xi32> to vector<1xi32>
      %squeeze3A_1153 = vector.extract %slice3A_1152[0] : i32 from vector<1xi32>
      %get3A_1154 = arith.index_cast %add3A_1151 : i32 to index
      %get3A_1155 = arith.index_cast %squeeze3A_1153 : i32 to index
      %get3A_1156 = tpu.vector_load %arg13[%get3A_1154, %get3A_1155] {strides = array<i32>} : memref<128x128xf32, #tpu.memory_space<vmem>>, vector<1x16xf32>,
      %get3A_1157 = vector.shape_cast %get3A_1156 : vector<1x16xf32> to vector<16xf32>
      %slice3A_1158 = vector.extract_strided_slice %mul3A_858 {offsets = [6], sizes = [1], strides = [1]} : vector<16xi32> to vector<1xi32>
      %squeeze3A_1159 = vector.extract %slice3A_1158[0] : i32 from vector<1xi32>
      %get3A_1160 = arith.index_cast %add3A_1151 : i32 to index
      %get3A_1161 = arith.index_cast %squeeze3A_1159 : i32 to index
      %get3A_1162 = tpu.vector_load %arg14[%get3A_1160, %get3A_1161] {strides = array<i32>} : memref<128x128xf32, #tpu.memory_space<vmem>>, vector<1x16xf32>,
      %get3A_1163 = vector.shape_cast %get3A_1162 : vector<1x16xf32> to vector<16xf32>
      %mul3A_1164 = arith.mulf %get3A_1157, %get3A_1163 : vector<16xf32>
      %xor3A_1165 = arith.constant 1 : i32
      %xor3A_1166 = vector.broadcast %xor3A_1165 : i32 to vector<16xi32>
      %xor3A_1167 = arith.xori %iota3A, %xor3A_1166 : vector<16xi32>
      %broadcast_in_dim3A_1168 = vector.shape_cast %xor3A_1167 : vector<16xi32> to vector<16x1xi32>
      %gather3A_1169 = vector.shape_cast %broadcast_in_dim3A_1168 : vector<16x1xi32> to vector<16xi32>
      %gather3A_1170 = tpu.dynamic_gather %mul3A_1164[%gather3A_1169] in [0] : vector<16xf32>, vector<16xi32> -> vector<16xf32>
      %add3A_1171 = arith.addf %mul3A_1164, %gather3A_1170 : vector<16xf32>
      %xor3A_1172 = arith.constant 2 : i32
      %xor3A_1173 = vector.broadcast %xor3A_1172 : i32 to vector<16xi32>
      %xor3A_1174 = arith.xori %iota3A, %xor3A_1173 : vector<16xi32>
      %broadcast_in_dim3A_1175 = vector.shape_cast %xor3A_1174 : vector<16xi32> to vector<16x1xi32>
      %gather3A_1176 = vector.shape_cast %broadcast_in_dim3A_1175 : vector<16x1xi32> to vector<16xi32>
      %gather3A_1177 = tpu.dynamic_gather %add3A_1171[%gather3A_1176] in [0] : vector<16xf32>, vector<16xi32> -> vector<16xf32>
      %add3A_1178 = arith.addf %add3A_1171, %gather3A_1177 : vector<16xf32>
      %xor3A_1179 = arith.constant 4 : i32
      %xor3A_1180 = vector.broadcast %xor3A_1179 : i32 to vector<16xi32>
      %xor3A_1181 = arith.xori %iota3A, %xor3A_1180 : vector<16xi32>
      %broadcast_in_dim3A_1182 = vector.shape_cast %xor3A_1181 : vector<16xi32> to vector<16x1xi32>
      %gather3A_1183 = vector.shape_cast %broadcast_in_dim3A_1182 : vector<16x1xi32> to vector<16xi32>
      %gather3A_1184 = tpu.dynamic_gather %add3A_1178[%gather3A_1183] in [0] : vector<16xf32>, vector<16xi32> -> vector<16xf32>
      %add3A_1185 = arith.addf %add3A_1178, %gather3A_1184 : vector<16xf32>
      %xor3A_1186 = arith.constant 8 : i32
      %xor3A_1187 = vector.broadcast %xor3A_1186 : i32 to vector<16xi32>
      %xor3A_1188 = arith.xori %iota3A, %xor3A_1187 : vector<16xi32>
      %broadcast_in_dim3A_1189 = vector.shape_cast %xor3A_1188 : vector<16xi32> to vector<16x1xi32>
      %gather3A_1190 = vector.shape_cast %broadcast_in_dim3A_1189 : vector<16x1xi32> to vector<16xi32>
      %gather3A_1191 = tpu.dynamic_gather %add3A_1185[%gather3A_1190] in [0] : vector<16xf32>, vector<16xi32> -> vector<16xf32>
      %add3A_1192 = arith.addf %add3A_1185, %gather3A_1191 : vector<16xf32>
      %eq3A_1193 = arith.constant 6 : i32
      %eq3A_1194 = vector.broadcast %eq3A_1193 : i32 to vector<16xi32>
      %eq3A_1195 = arith.cmpi eq, %iota3A, %eq3A_1194 : vector<16xi32>
      %select_n3A_1196 = arith.select %eq3A_1195, %add3A_1192, %select_n3A_1147 : vector<16xi1>, vector<16xf32>
      %mul3A_1197 = arith.constant 16 : i32
      %mul3A_1198 = arith.muli %scan3A_837, %mul3A_1197 : i32
      %add3A_1199 = arith.constant 7 : i32
      %add3A_1200 = arith.addi %mul3A_1198, %add3A_1199 : i32
      %slice3A_1201 = vector.extract_strided_slice %mul3A_849 {offsets = [7], sizes = [1], strides = [1]} : vector<16xi32> to vector<1xi32>
      %squeeze3A_1202 = vector.extract %slice3A_1201[0] : i32 from vector<1xi32>
      %get3A_1203 = arith.index_cast %add3A_1200 : i32 to index
      %get3A_1204 = arith.index_cast %squeeze3A_1202 : i32 to index
      %get3A_1205 = tpu.vector_load %arg13[%get3A_1203, %get3A_1204] {strides = array<i32>} : memref<128x128xf32, #tpu.memory_space<vmem>>, vector<1x16xf32>,
      %get3A_1206 = vector.shape_cast %get3A_1205 : vector<1x16xf32> to vector<16xf32>
      %slice3A_1207 = vector.extract_strided_slice %mul3A_858 {offsets = [7], sizes = [1], strides = [1]} : vector<16xi32> to vector<1xi32>
      %squeeze3A_1208 = vector.extract %slice3A_1207[0] : i32 from vector<1xi32>
      %get3A_1209 = arith.index_cast %add3A_1200 : i32 to index
      %get3A_1210 = arith.index_cast %squeeze3A_1208 : i32 to index
      %get3A_1211 = tpu.vector_load %arg14[%get3A_1209, %get3A_1210] {strides = array<i32>} : memref<128x128xf32, #tpu.memory_space<vmem>>, vector<1x16xf32>,
      %get3A_1212 = vector.shape_cast %get3A_1211 : vector<1x16xf32> to vector<16xf32>
      %mul3A_1213 = arith.mulf %get3A_1206, %get3A_1212 : vector<16xf32>
      %xor3A_1214 = arith.constant 1 : i32
      %xor3A_1215 = vector.broadcast %xor3A_1214 : i32 to vector<16xi32>
      %xor3A_1216 = arith.xori %iota3A, %xor3A_1215 : vector<16xi32>
      %broadcast_in_dim3A_1217 = vector.shape_cast %xor3A_1216 : vector<16xi32> to vector<16x1xi32>
      %gather3A_1218 = vector.shape_cast %broadcast_in_dim3A_1217 : vector<16x1xi32> to vector<16xi32>
      %gather3A_1219 = tpu.dynamic_gather %mul3A_1213[%gather3A_1218] in [0] : vector<16xf32>, vector<16xi32> -> vector<16xf32>
      %add3A_1220 = arith.addf %mul3A_1213, %gather3A_1219 : vector<16xf32>
      %xor3A_1221 = arith.constant 2 : i32
      %xor3A_1222 = vector.broadcast %xor3A_1221 : i32 to vector<16xi32>
      %xor3A_1223 = arith.xori %iota3A, %xor3A_1222 : vector<16xi32>
      %broadcast_in_dim3A_1224 = vector.shape_cast %xor3A_1223 : vector<16xi32> to vector<16x1xi32>
      %gather3A_1225 = vector.shape_cast %broadcast_in_dim3A_1224 : vector<16x1xi32> to vector<16xi32>
      %gather3A_1226 = tpu.dynamic_gather %add3A_1220[%gather3A_1225] in [0] : vector<16xf32>, vector<16xi32> -> vector<16xf32>
      %add3A_1227 = arith.addf %add3A_1220, %gather3A_1226 : vector<16xf32>
      %xor3A_1228 = arith.constant 4 : i32
      %xor3A_1229 = vector.broadcast %xor3A_1228 : i32 to vector<16xi32>
      %xor3A_1230 = arith.xori %iota3A, %xor3A_1229 : vector<16xi32>
      %broadcast_in_dim3A_1231 = vector.shape_cast %xor3A_1230 : vector<16xi32> to vector<16x1xi32>
      %gather3A_1232 = vector.shape_cast %broadcast_in_dim3A_1231 : vector<16x1xi32> to vector<16xi32>
      %gather3A_1233 = tpu.dynamic_gather %add3A_1227[%gather3A_1232] in [0] : vector<16xf32>, vector<16xi32> -> vector<16xf32>
      %add3A_1234 = arith.addf %add3A_1227, %gather3A_1233 : vector<16xf32>
      %xor3A_1235 = arith.constant 8 : i32
      %xor3A_1236 = vector.broadcast %xor3A_1235 : i32 to vector<16xi32>
      %xor3A_1237 = arith.xori %iota3A, %xor3A_1236 : vector<16xi32>
      %broadcast_in_dim3A_1238 = vector.shape_cast %xor3A_1237 : vector<16xi32> to vector<16x1xi32>
      %gather3A_1239 = vector.shape_cast %broadcast_in_dim3A_1238 : vector<16x1xi32> to vector<16xi32>
      %gather3A_1240 = tpu.dynamic_gather %add3A_1234[%gather3A_1239] in [0] : vector<16xf32>, vector<16xi32> -> vector<16xf32>
      %add3A_1241 = arith.addf %add3A_1234, %gather3A_1240 : vector<16xf32>
      %eq3A_1242 = arith.constant 7 : i32
      %eq3A_1243 = vector.broadcast %eq3A_1242 : i32 to vector<16xi32>
      %eq3A_1244 = arith.cmpi eq, %iota3A, %eq3A_1243 : vector<16xi32>
      %select_n3A_1245 = arith.select %eq3A_1244, %add3A_1241, %select_n3A_1196 : vector<16xi1>, vector<16xf32>
      %mul3A_1246 = arith.constant 16 : i32
      %mul3A_1247 = arith.muli %scan3A_837, %mul3A_1246 : i32
      %add3A_1248 = arith.constant 8 : i32
      %add3A_1249 = arith.addi %mul3A_1247, %add3A_1248 : i32
      %slice3A_1250 = vector.extract_strided_slice %mul3A_849 {offsets = [8], sizes = [1], strides = [1]} : vector<16xi32> to vector<1xi32>
      %squeeze3A_1251 = vector.extract %slice3A_1250[0] : i32 from vector<1xi32>
      %get3A_1252 = arith.index_cast %add3A_1249 : i32 to index
      %get3A_1253 = arith.index_cast %squeeze3A_1251 : i32 to index
      %get3A_1254 = tpu.vector_load %arg13[%get3A_1252, %get3A_1253] {strides = array<i32>} : memref<128x128xf32, #tpu.memory_space<vmem>>, vector<1x16xf32>,
      %get3A_1255 = vector.shape_cast %get3A_1254 : vector<1x16xf32> to vector<16xf32>
      %slice3A_1256 = vector.extract_strided_slice %mul3A_858 {offsets = [8], sizes = [1], strides = [1]} : vector<16xi32> to vector<1xi32>
      %squeeze3A_1257 = vector.extract %slice3A_1256[0] : i32 from vector<1xi32>
      %get3A_1258 = arith.index_cast %add3A_1249 : i32 to index
      %get3A_1259 = arith.index_cast %squeeze3A_1257 : i32 to index
      %get3A_1260 = tpu.vector_load %arg14[%get3A_1258, %get3A_1259] {strides = array<i32>} : memref<128x128xf32, #tpu.memory_space<vmem>>, vector<1x16xf32>,
      %get3A_1261 = vector.shape_cast %get3A_1260 : vector<1x16xf32> to vector<16xf32>
      %mul3A_1262 = arith.mulf %get3A_1255, %get3A_1261 : vector<16xf32>
      %xor3A_1263 = arith.constant 1 : i32
      %xor3A_1264 = vector.broadcast %xor3A_1263 : i32 to vector<16xi32>
      %xor3A_1265 = arith.xori %iota3A, %xor3A_1264 : vector<16xi32>
      %broadcast_in_dim3A_1266 = vector.shape_cast %xor3A_1265 : vector<16xi32> to vector<16x1xi32>
      %gather3A_1267 = vector.shape_cast %broadcast_in_dim3A_1266 : vector<16x1xi32> to vector<16xi32>
      %gather3A_1268 = tpu.dynamic_gather %mul3A_1262[%gather3A_1267] in [0] : vector<16xf32>, vector<16xi32> -> vector<16xf32>
      %add3A_1269 = arith.addf %mul3A_1262, %gather3A_1268 : vector<16xf32>
      %xor3A_1270 = arith.constant 2 : i32
      %xor3A_1271 = vector.broadcast %xor3A_1270 : i32 to vector<16xi32>
      %xor3A_1272 = arith.xori %iota3A, %xor3A_1271 : vector<16xi32>
      %broadcast_in_dim3A_1273 = vector.shape_cast %xor3A_1272 : vector<16xi32> to vector<16x1xi32>
      %gather3A_1274 = vector.shape_cast %broadcast_in_dim3A_1273 : vector<16x1xi32> to vector<16xi32>
      %gather3A_1275 = tpu.dynamic_gather %add3A_1269[%gather3A_1274] in [0] : vector<16xf32>, vector<16xi32> -> vector<16xf32>
      %add3A_1276 = arith.addf %add3A_1269, %gather3A_1275 : vector<16xf32>
      %xor3A_1277 = arith.constant 4 : i32
      %xor3A_1278 = vector.broadcast %xor3A_1277 : i32 to vector<16xi32>
      %xor3A_1279 = arith.xori %iota3A, %xor3A_1278 : vector<16xi32>
      %broadcast_in_dim3A_1280 = vector.shape_cast %xor3A_1279 : vector<16xi32> to vector<16x1xi32>
      %gather3A_1281 = vector.shape_cast %broadcast_in_dim3A_1280 : vector<16x1xi32> to vector<16xi32>
      %gather3A_1282 = tpu.dynamic_gather %add3A_1276[%gather3A_1281] in [0] : vector<16xf32>, vector<16xi32> -> vector<16xf32>
      %add3A_1283 = arith.addf %add3A_1276, %gather3A_1282 : vector<16xf32>
      %xor3A_1284 = arith.constant 8 : i32
      %xor3A_1285 = vector.broadcast %xor3A_1284 : i32 to vector<16xi32>
      %xor3A_1286 = arith.xori %iota3A, %xor3A_1285 : vector<16xi32>
      %broadcast_in_dim3A_1287 = vector.shape_cast %xor3A_1286 : vector<16xi32> to vector<16x1xi32>
      %gather3A_1288 = vector.shape_cast %broadcast_in_dim3A_1287 : vector<16x1xi32> to vector<16xi32>
      %gather3A_1289 = tpu.dynamic_gather %add3A_1283[%gather3A_1288] in [0] : vector<16xf32>, vector<16xi32> -> vector<16xf32>
      %add3A_1290 = arith.addf %add3A_1283, %gather3A_1289 : vector<16xf32>
      %eq3A_1291 = arith.constant 8 : i32
      %eq3A_1292 = vector.broadcast %eq3A_1291 : i32 to vector<16xi32>
      %eq3A_1293 = arith.cmpi eq, %iota3A, %eq3A_1292 : vector<16xi32>
      %select_n3A_1294 = arith.select %eq3A_1293, %add3A_1290, %select_n3A_1245 : vector<16xi1>, vector<16xf32>
      %mul3A_1295 = arith.constant 16 : i32
      %mul3A_1296 = arith.muli %scan3A_837, %mul3A_1295 : i32
      %add3A_1297 = arith.constant 9 : i32
      %add3A_1298 = arith.addi %mul3A_1296, %add3A_1297 : i32
      %slice3A_1299 = vector.extract_strided_slice %mul3A_849 {offsets = [9], sizes = [1], strides = [1]} : vector<16xi32> to vector<1xi32>
      %squeeze3A_1300 = vector.extract %slice3A_1299[0] : i32 from vector<1xi32>
      %get3A_1301 = arith.index_cast %add3A_1298 : i32 to index
      %get3A_1302 = arith.index_cast %squeeze3A_1300 : i32 to index
      %get3A_1303 = tpu.vector_load %arg13[%get3A_1301, %get3A_1302] {strides = array<i32>} : memref<128x128xf32, #tpu.memory_space<vmem>>, vector<1x16xf32>,
      %get3A_1304 = vector.shape_cast %get3A_1303 : vector<1x16xf32> to vector<16xf32>
      %slice3A_1305 = vector.extract_strided_slice %mul3A_858 {offsets = [9], sizes = [1], strides = [1]} : vector<16xi32> to vector<1xi32>
      %squeeze3A_1306 = vector.extract %slice3A_1305[0] : i32 from vector<1xi32>
      %get3A_1307 = arith.index_cast %add3A_1298 : i32 to index
      %get3A_1308 = arith.index_cast %squeeze3A_1306 : i32 to index
      %get3A_1309 = tpu.vector_load %arg14[%get3A_1307, %get3A_1308] {strides = array<i32>} : memref<128x128xf32, #tpu.memory_space<vmem>>, vector<1x16xf32>,
      %get3A_1310 = vector.shape_cast %get3A_1309 : vector<1x16xf32> to vector<16xf32>
      %mul3A_1311 = arith.mulf %get3A_1304, %get3A_1310 : vector<16xf32>
      %xor3A_1312 = arith.constant 1 : i32
      %xor3A_1313 = vector.broadcast %xor3A_1312 : i32 to vector<16xi32>
      %xor3A_1314 = arith.xori %iota3A, %xor3A_1313 : vector<16xi32>
      %broadcast_in_dim3A_1315 = vector.shape_cast %xor3A_1314 : vector<16xi32> to vector<16x1xi32>
      %gather3A_1316 = vector.shape_cast %broadcast_in_dim3A_1315 : vector<16x1xi32> to vector<16xi32>
      %gather3A_1317 = tpu.dynamic_gather %mul3A_1311[%gather3A_1316] in [0] : vector<16xf32>, vector<16xi32> -> vector<16xf32>
      %add3A_1318 = arith.addf %mul3A_1311, %gather3A_1317 : vector<16xf32>
      %xor3A_1319 = arith.constant 2 : i32
      %xor3A_1320 = vector.broadcast %xor3A_1319 : i32 to vector<16xi32>
      %xor3A_1321 = arith.xori %iota3A, %xor3A_1320 : vector<16xi32>
      %broadcast_in_dim3A_1322 = vector.shape_cast %xor3A_1321 : vector<16xi32> to vector<16x1xi32>
      %gather3A_1323 = vector.shape_cast %broadcast_in_dim3A_1322 : vector<16x1xi32> to vector<16xi32>
      %gather3A_1324 = tpu.dynamic_gather %add3A_1318[%gather3A_1323] in [0] : vector<16xf32>, vector<16xi32> -> vector<16xf32>
      %add3A_1325 = arith.addf %add3A_1318, %gather3A_1324 : vector<16xf32>
      %xor3A_1326 = arith.constant 4 : i32
      %xor3A_1327 = vector.broadcast %xor3A_1326 : i32 to vector<16xi32>
      %xor3A_1328 = arith.xori %iota3A, %xor3A_1327 : vector<16xi32>
      %broadcast_in_dim3A_1329 = vector.shape_cast %xor3A_1328 : vector<16xi32> to vector<16x1xi32>
      %gather3A_1330 = vector.shape_cast %broadcast_in_dim3A_1329 : vector<16x1xi32> to vector<16xi32>
      %gather3A_1331 = tpu.dynamic_gather %add3A_1325[%gather3A_1330] in [0] : vector<16xf32>, vector<16xi32> -> vector<16xf32>
      %add3A_1332 = arith.addf %add3A_1325, %gather3A_1331 : vector<16xf32>
      %xor3A_1333 = arith.constant 8 : i32
      %xor3A_1334 = vector.broadcast %xor3A_1333 : i32 to vector<16xi32>
      %xor3A_1335 = arith.xori %iota3A, %xor3A_1334 : vector<16xi32>
      %broadcast_in_dim3A_1336 = vector.shape_cast %xor3A_1335 : vector<16xi32> to vector<16x1xi32>
      %gather3A_1337 = vector.shape_cast %broadcast_in_dim3A_1336 : vector<16x1xi32> to vector<16xi32>
      %gather3A_1338 = tpu.dynamic_gather %add3A_1332[%gather3A_1337] in [0] : vector<16xf32>, vector<16xi32> -> vector<16xf32>
      %add3A_1339 = arith.addf %add3A_1332, %gather3A_1338 : vector<16xf32>
      %eq3A_1340 = arith.constant 9 : i32
      %eq3A_1341 = vector.broadcast %eq3A_1340 : i32 to vector<16xi32>
      %eq3A_1342 = arith.cmpi eq, %iota3A, %eq3A_1341 : vector<16xi32>
      %select_n3A_1343 = arith.select %eq3A_1342, %add3A_1339, %select_n3A_1294 : vector<16xi1>, vector<16xf32>
      %mul3A_1344 = arith.constant 16 : i32
      %mul3A_1345 = arith.muli %scan3A_837, %mul3A_1344 : i32
      %add3A_1346 = arith.constant 10 : i32
      %add3A_1347 = arith.addi %mul3A_1345, %add3A_1346 : i32
      %slice3A_1348 = vector.extract_strided_slice %mul3A_849 {offsets = [10], sizes = [1], strides = [1]} : vector<16xi32> to vector<1xi32>
      %squeeze3A_1349 = vector.extract %slice3A_1348[0] : i32 from vector<1xi32>
      %get3A_1350 = arith.index_cast %add3A_1347 : i32 to index
      %get3A_1351 = arith.index_cast %squeeze3A_1349 : i32 to index
      %get3A_1352 = tpu.vector_load %arg13[%get3A_1350, %get3A_1351] {strides = array<i32>} : memref<128x128xf32, #tpu.memory_space<vmem>>, vector<1x16xf32>,
      %get3A_1353 = vector.shape_cast %get3A_1352 : vector<1x16xf32> to vector<16xf32>
      %slice3A_1354 = vector.extract_strided_slice %mul3A_858 {offsets = [10], sizes = [1], strides = [1]} : vector<16xi32> to vector<1xi32>
      %squeeze3A_1355 = vector.extract %slice3A_1354[0] : i32 from vector<1xi32>
      %get3A_1356 = arith.index_cast %add3A_1347 : i32 to index
      %get3A_1357 = arith.index_cast %squeeze3A_1355 : i32 to index
      %get3A_1358 = tpu.vector_load %arg14[%get3A_1356, %get3A_1357] {strides = array<i32>} : memref<128x128xf32, #tpu.memory_space<vmem>>, vector<1x16xf32>,
      %get3A_1359 = vector.shape_cast %get3A_1358 : vector<1x16xf32> to vector<16xf32>
      %mul3A_1360 = arith.mulf %get3A_1353, %get3A_1359 : vector<16xf32>
      %xor3A_1361 = arith.constant 1 : i32
      %xor3A_1362 = vector.broadcast %xor3A_1361 : i32 to vector<16xi32>
      %xor3A_1363 = arith.xori %iota3A, %xor3A_1362 : vector<16xi32>
      %broadcast_in_dim3A_1364 = vector.shape_cast %xor3A_1363 : vector<16xi32> to vector<16x1xi32>
      %gather3A_1365 = vector.shape_cast %broadcast_in_dim3A_1364 : vector<16x1xi32> to vector<16xi32>
      %gather3A_1366 = tpu.dynamic_gather %mul3A_1360[%gather3A_1365] in [0] : vector<16xf32>, vector<16xi32> -> vector<16xf32>
      %add3A_1367 = arith.addf %mul3A_1360, %gather3A_1366 : vector<16xf32>
      %xor3A_1368 = arith.constant 2 : i32
      %xor3A_1369 = vector.broadcast %xor3A_1368 : i32 to vector<16xi32>
      %xor3A_1370 = arith.xori %iota3A, %xor3A_1369 : vector<16xi32>
      %broadcast_in_dim3A_1371 = vector.shape_cast %xor3A_1370 : vector<16xi32> to vector<16x1xi32>
      %gather3A_1372 = vector.shape_cast %broadcast_in_dim3A_1371 : vector<16x1xi32> to vector<16xi32>
      %gather3A_1373 = tpu.dynamic_gather %add3A_1367[%gather3A_1372] in [0] : vector<16xf32>, vector<16xi32> -> vector<16xf32>
      %add3A_1374 = arith.addf %add3A_1367, %gather3A_1373 : vector<16xf32>
      %xor3A_1375 = arith.constant 4 : i32
      %xor3A_1376 = vector.broadcast %xor3A_1375 : i32 to vector<16xi32>
      %xor3A_1377 = arith.xori %iota3A, %xor3A_1376 : vector<16xi32>
      %broadcast_in_dim3A_1378 = vector.shape_cast %xor3A_1377 : vector<16xi32> to vector<16x1xi32>
      %gather3A_1379 = vector.shape_cast %broadcast_in_dim3A_1378 : vector<16x1xi32> to vector<16xi32>
      %gather3A_1380 = tpu.dynamic_gather %add3A_1374[%gather3A_1379] in [0] : vector<16xf32>, vector<16xi32> -> vector<16xf32>
      %add3A_1381 = arith.addf %add3A_1374, %gather3A_1380 : vector<16xf32>
      %xor3A_1382 = arith.constant 8 : i32
      %xor3A_1383 = vector.broadcast %xor3A_1382 : i32 to vector<16xi32>
      %xor3A_1384 = arith.xori %iota3A, %xor3A_1383 : vector<16xi32>
      %broadcast_in_dim3A_1385 = vector.shape_cast %xor3A_1384 : vector<16xi32> to vector<16x1xi32>
      %gather3A_1386 = vector.shape_cast %broadcast_in_dim3A_1385 : vector<16x1xi32> to vector<16xi32>
      %gather3A_1387 = tpu.dynamic_gather %add3A_1381[%gather3A_1386] in [0] : vector<16xf32>, vector<16xi32> -> vector<16xf32>
      %add3A_1388 = arith.addf %add3A_1381, %gather3A_1387 : vector<16xf32>
      %eq3A_1389 = arith.constant 10 : i32
      %eq3A_1390 = vector.broadcast %eq3A_1389 : i32 to vector<16xi32>
      %eq3A_1391 = arith.cmpi eq, %iota3A, %eq3A_1390 : vector<16xi32>
      %select_n3A_1392 = arith.select %eq3A_1391, %add3A_1388, %select_n3A_1343 : vector<16xi1>, vector<16xf32>
      %mul3A_1393 = arith.constant 16 : i32
      %mul3A_1394 = arith.muli %scan3A_837, %mul3A_1393 : i32
      %add3A_1395 = arith.constant 11 : i32
      %add3A_1396 = arith.addi %mul3A_1394, %add3A_1395 : i32
      %slice3A_1397 = vector.extract_strided_slice %mul3A_849 {offsets = [11], sizes = [1], strides = [1]} : vector<16xi32> to vector<1xi32>
      %squeeze3A_1398 = vector.extract %slice3A_1397[0] : i32 from vector<1xi32>
      %get3A_1399 = arith.index_cast %add3A_1396 : i32 to index
      %get3A_1400 = arith.index_cast %squeeze3A_1398 : i32 to index
      %get3A_1401 = tpu.vector_load %arg13[%get3A_1399, %get3A_1400] {strides = array<i32>} : memref<128x128xf32, #tpu.memory_space<vmem>>, vector<1x16xf32>,
      %get3A_1402 = vector.shape_cast %get3A_1401 : vector<1x16xf32> to vector<16xf32>
      %slice3A_1403 = vector.extract_strided_slice %mul3A_858 {offsets = [11], sizes = [1], strides = [1]} : vector<16xi32> to vector<1xi32>
      %squeeze3A_1404 = vector.extract %slice3A_1403[0] : i32 from vector<1xi32>
      %get3A_1405 = arith.index_cast %add3A_1396 : i32 to index
      %get3A_1406 = arith.index_cast %squeeze3A_1404 : i32 to index
      %get3A_1407 = tpu.vector_load %arg14[%get3A_1405, %get3A_1406] {strides = array<i32>} : memref<128x128xf32, #tpu.memory_space<vmem>>, vector<1x16xf32>,
      %get3A_1408 = vector.shape_cast %get3A_1407 : vector<1x16xf32> to vector<16xf32>
      %mul3A_1409 = arith.mulf %get3A_1402, %get3A_1408 : vector<16xf32>
      %xor3A_1410 = arith.constant 1 : i32
      %xor3A_1411 = vector.broadcast %xor3A_1410 : i32 to vector<16xi32>
      %xor3A_1412 = arith.xori %iota3A, %xor3A_1411 : vector<16xi32>
      %broadcast_in_dim3A_1413 = vector.shape_cast %xor3A_1412 : vector<16xi32> to vector<16x1xi32>
      %gather3A_1414 = vector.shape_cast %broadcast_in_dim3A_1413 : vector<16x1xi32> to vector<16xi32>
      %gather3A_1415 = tpu.dynamic_gather %mul3A_1409[%gather3A_1414] in [0] : vector<16xf32>, vector<16xi32> -> vector<16xf32>
      %add3A_1416 = arith.addf %mul3A_1409, %gather3A_1415 : vector<16xf32>
      %xor3A_1417 = arith.constant 2 : i32
      %xor3A_1418 = vector.broadcast %xor3A_1417 : i32 to vector<16xi32>
      %xor3A_1419 = arith.xori %iota3A, %xor3A_1418 : vector<16xi32>
      %broadcast_in_dim3A_1420 = vector.shape_cast %xor3A_1419 : vector<16xi32> to vector<16x1xi32>
      %gather3A_1421 = vector.shape_cast %broadcast_in_dim3A_1420 : vector<16x1xi32> to vector<16xi32>
      %gather3A_1422 = tpu.dynamic_gather %add3A_1416[%gather3A_1421] in [0] : vector<16xf32>, vector<16xi32> -> vector<16xf32>
      %add3A_1423 = arith.addf %add3A_1416, %gather3A_1422 : vector<16xf32>
      %xor3A_1424 = arith.constant 4 : i32
      %xor3A_1425 = vector.broadcast %xor3A_1424 : i32 to vector<16xi32>
      %xor3A_1426 = arith.xori %iota3A, %xor3A_1425 : vector<16xi32>
      %broadcast_in_dim3A_1427 = vector.shape_cast %xor3A_1426 : vector<16xi32> to vector<16x1xi32>
      %gather3A_1428 = vector.shape_cast %broadcast_in_dim3A_1427 : vector<16x1xi32> to vector<16xi32>
      %gather3A_1429 = tpu.dynamic_gather %add3A_1423[%gather3A_1428] in [0] : vector<16xf32>, vector<16xi32> -> vector<16xf32>
      %add3A_1430 = arith.addf %add3A_1423, %gather3A_1429 : vector<16xf32>
      %xor3A_1431 = arith.constant 8 : i32
      %xor3A_1432 = vector.broadcast %xor3A_1431 : i32 to vector<16xi32>
      %xor3A_1433 = arith.xori %iota3A, %xor3A_1432 : vector<16xi32>
      %broadcast_in_dim3A_1434 = vector.shape_cast %xor3A_1433 : vector<16xi32> to vector<16x1xi32>
      %gather3A_1435 = vector.shape_cast %broadcast_in_dim3A_1434 : vector<16x1xi32> to vector<16xi32>
      %gather3A_1436 = tpu.dynamic_gather %add3A_1430[%gather3A_1435] in [0] : vector<16xf32>, vector<16xi32> -> vector<16xf32>
      %add3A_1437 = arith.addf %add3A_1430, %gather3A_1436 : vector<16xf32>
      %eq3A_1438 = arith.constant 11 : i32
      %eq3A_1439 = vector.broadcast %eq3A_1438 : i32 to vector<16xi32>
      %eq3A_1440 = arith.cmpi eq, %iota3A, %eq3A_1439 : vector<16xi32>
      %select_n3A_1441 = arith.select %eq3A_1440, %add3A_1437, %select_n3A_1392 : vector<16xi1>, vector<16xf32>
      %mul3A_1442 = arith.constant 16 : i32
      %mul3A_1443 = arith.muli %scan3A_837, %mul3A_1442 : i32
      %add3A_1444 = arith.constant 12 : i32
      %add3A_1445 = arith.addi %mul3A_1443, %add3A_1444 : i32
      %slice3A_1446 = vector.extract_strided_slice %mul3A_849 {offsets = [12], sizes = [1], strides = [1]} : vector<16xi32> to vector<1xi32>
      %squeeze3A_1447 = vector.extract %slice3A_1446[0] : i32 from vector<1xi32>
      %get3A_1448 = arith.index_cast %add3A_1445 : i32 to index
      %get3A_1449 = arith.index_cast %squeeze3A_1447 : i32 to index
      %get3A_1450 = tpu.vector_load %arg13[%get3A_1448, %get3A_1449] {strides = array<i32>} : memref<128x128xf32, #tpu.memory_space<vmem>>, vector<1x16xf32>,
      %get3A_1451 = vector.shape_cast %get3A_1450 : vector<1x16xf32> to vector<16xf32>
      %slice3A_1452 = vector.extract_strided_slice %mul3A_858 {offsets = [12], sizes = [1], strides = [1]} : vector<16xi32> to vector<1xi32>
      %squeeze3A_1453 = vector.extract %slice3A_1452[0] : i32 from vector<1xi32>
      %get3A_1454 = arith.index_cast %add3A_1445 : i32 to index
      %get3A_1455 = arith.index_cast %squeeze3A_1453 : i32 to index
      %get3A_1456 = tpu.vector_load %arg14[%get3A_1454, %get3A_1455] {strides = array<i32>} : memref<128x128xf32, #tpu.memory_space<vmem>>, vector<1x16xf32>,
      %get3A_1457 = vector.shape_cast %get3A_1456 : vector<1x16xf32> to vector<16xf32>
      %mul3A_1458 = arith.mulf %get3A_1451, %get3A_1457 : vector<16xf32>
      %xor3A_1459 = arith.constant 1 : i32
      %xor3A_1460 = vector.broadcast %xor3A_1459 : i32 to vector<16xi32>
      %xor3A_1461 = arith.xori %iota3A, %xor3A_1460 : vector<16xi32>
      %broadcast_in_dim3A_1462 = vector.shape_cast %xor3A_1461 : vector<16xi32> to vector<16x1xi32>
      %gather3A_1463 = vector.shape_cast %broadcast_in_dim3A_1462 : vector<16x1xi32> to vector<16xi32>
      %gather3A_1464 = tpu.dynamic_gather %mul3A_1458[%gather3A_1463] in [0] : vector<16xf32>, vector<16xi32> -> vector<16xf32>
      %add3A_1465 = arith.addf %mul3A_1458, %gather3A_1464 : vector<16xf32>
      %xor3A_1466 = arith.constant 2 : i32
      %xor3A_1467 = vector.broadcast %xor3A_1466 : i32 to vector<16xi32>
      %xor3A_1468 = arith.xori %iota3A, %xor3A_1467 : vector<16xi32>
      %broadcast_in_dim3A_1469 = vector.shape_cast %xor3A_1468 : vector<16xi32> to vector<16x1xi32>
      %gather3A_1470 = vector.shape_cast %broadcast_in_dim3A_1469 : vector<16x1xi32> to vector<16xi32>
      %gather3A_1471 = tpu.dynamic_gather %add3A_1465[%gather3A_1470] in [0] : vector<16xf32>, vector<16xi32> -> vector<16xf32>
      %add3A_1472 = arith.addf %add3A_1465, %gather3A_1471 : vector<16xf32>
      %xor3A_1473 = arith.constant 4 : i32
      %xor3A_1474 = vector.broadcast %xor3A_1473 : i32 to vector<16xi32>
      %xor3A_1475 = arith.xori %iota3A, %xor3A_1474 : vector<16xi32>
      %broadcast_in_dim3A_1476 = vector.shape_cast %xor3A_1475 : vector<16xi32> to vector<16x1xi32>
      %gather3A_1477 = vector.shape_cast %broadcast_in_dim3A_1476 : vector<16x1xi32> to vector<16xi32>
      %gather3A_1478 = tpu.dynamic_gather %add3A_1472[%gather3A_1477] in [0] : vector<16xf32>, vector<16xi32> -> vector<16xf32>
      %add3A_1479 = arith.addf %add3A_1472, %gather3A_1478 : vector<16xf32>
      %xor3A_1480 = arith.constant 8 : i32
      %xor3A_1481 = vector.broadcast %xor3A_1480 : i32 to vector<16xi32>
      %xor3A_1482 = arith.xori %iota3A, %xor3A_1481 : vector<16xi32>
      %broadcast_in_dim3A_1483 = vector.shape_cast %xor3A_1482 : vector<16xi32> to vector<16x1xi32>
      %gather3A_1484 = vector.shape_cast %broadcast_in_dim3A_1483 : vector<16x1xi32> to vector<16xi32>
      %gather3A_1485 = tpu.dynamic_gather %add3A_1479[%gather3A_1484] in [0] : vector<16xf32>, vector<16xi32> -> vector<16xf32>
      %add3A_1486 = arith.addf %add3A_1479, %gather3A_1485 : vector<16xf32>
      %eq3A_1487 = arith.constant 12 : i32
      %eq3A_1488 = vector.broadcast %eq3A_1487 : i32 to vector<16xi32>
      %eq3A_1489 = arith.cmpi eq, %iota3A, %eq3A_1488 : vector<16xi32>
      %select_n3A_1490 = arith.select %eq3A_1489, %add3A_1486, %select_n3A_1441 : vector<16xi1>, vector<16xf32>
      %mul3A_1491 = arith.constant 16 : i32
      %mul3A_1492 = arith.muli %scan3A_837, %mul3A_1491 : i32
      %add3A_1493 = arith.constant 13 : i32
      %add3A_1494 = arith.addi %mul3A_1492, %add3A_1493 : i32
      %slice3A_1495 = vector.extract_strided_slice %mul3A_849 {offsets = [13], sizes = [1], strides = [1]} : vector<16xi32> to vector<1xi32>
      %squeeze3A_1496 = vector.extract %slice3A_1495[0] : i32 from vector<1xi32>
      %get3A_1497 = arith.index_cast %add3A_1494 : i32 to index
      %get3A_1498 = arith.index_cast %squeeze3A_1496 : i32 to index
      %get3A_1499 = tpu.vector_load %arg13[%get3A_1497, %get3A_1498] {strides = array<i32>} : memref<128x128xf32, #tpu.memory_space<vmem>>, vector<1x16xf32>,
      %get3A_1500 = vector.shape_cast %get3A_1499 : vector<1x16xf32> to vector<16xf32>
      %slice3A_1501 = vector.extract_strided_slice %mul3A_858 {offsets = [13], sizes = [1], strides = [1]} : vector<16xi32> to vector<1xi32>
      %squeeze3A_1502 = vector.extract %slice3A_1501[0] : i32 from vector<1xi32>
      %get3A_1503 = arith.index_cast %add3A_1494 : i32 to index
      %get3A_1504 = arith.index_cast %squeeze3A_1502 : i32 to index
      %get3A_1505 = tpu.vector_load %arg14[%get3A_1503, %get3A_1504] {strides = array<i32>} : memref<128x128xf32, #tpu.memory_space<vmem>>, vector<1x16xf32>,
      %get3A_1506 = vector.shape_cast %get3A_1505 : vector<1x16xf32> to vector<16xf32>
      %mul3A_1507 = arith.mulf %get3A_1500, %get3A_1506 : vector<16xf32>
      %xor3A_1508 = arith.constant 1 : i32
      %xor3A_1509 = vector.broadcast %xor3A_1508 : i32 to vector<16xi32>
      %xor3A_1510 = arith.xori %iota3A, %xor3A_1509 : vector<16xi32>
      %broadcast_in_dim3A_1511 = vector.shape_cast %xor3A_1510 : vector<16xi32> to vector<16x1xi32>
      %gather3A_1512 = vector.shape_cast %broadcast_in_dim3A_1511 : vector<16x1xi32> to vector<16xi32>
      %gather3A_1513 = tpu.dynamic_gather %mul3A_1507[%gather3A_1512] in [0] : vector<16xf32>, vector<16xi32> -> vector<16xf32>
      %add3A_1514 = arith.addf %mul3A_1507, %gather3A_1513 : vector<16xf32>
      %xor3A_1515 = arith.constant 2 : i32
      %xor3A_1516 = vector.broadcast %xor3A_1515 : i32 to vector<16xi32>
      %xor3A_1517 = arith.xori %iota3A, %xor3A_1516 : vector<16xi32>
      %broadcast_in_dim3A_1518 = vector.shape_cast %xor3A_1517 : vector<16xi32> to vector<16x1xi32>
      %gather3A_1519 = vector.shape_cast %broadcast_in_dim3A_1518 : vector<16x1xi32> to vector<16xi32>
      %gather3A_1520 = tpu.dynamic_gather %add3A_1514[%gather3A_1519] in [0] : vector<16xf32>, vector<16xi32> -> vector<16xf32>
      %add3A_1521 = arith.addf %add3A_1514, %gather3A_1520 : vector<16xf32>
      %xor3A_1522 = arith.constant 4 : i32
      %xor3A_1523 = vector.broadcast %xor3A_1522 : i32 to vector<16xi32>
      %xor3A_1524 = arith.xori %iota3A, %xor3A_1523 : vector<16xi32>
      %broadcast_in_dim3A_1525 = vector.shape_cast %xor3A_1524 : vector<16xi32> to vector<16x1xi32>
      %gather3A_1526 = vector.shape_cast %broadcast_in_dim3A_1525 : vector<16x1xi32> to vector<16xi32>
      %gather3A_1527 = tpu.dynamic_gather %add3A_1521[%gather3A_1526] in [0] : vector<16xf32>, vector<16xi32> -> vector<16xf32>
      %add3A_1528 = arith.addf %add3A_1521, %gather3A_1527 : vector<16xf32>
      %xor3A_1529 = arith.constant 8 : i32
      %xor3A_1530 = vector.broadcast %xor3A_1529 : i32 to vector<16xi32>
      %xor3A_1531 = arith.xori %iota3A, %xor3A_1530 : vector<16xi32>
      %broadcast_in_dim3A_1532 = vector.shape_cast %xor3A_1531 : vector<16xi32> to vector<16x1xi32>
      %gather3A_1533 = vector.shape_cast %broadcast_in_dim3A_1532 : vector<16x1xi32> to vector<16xi32>
      %gather3A_1534 = tpu.dynamic_gather %add3A_1528[%gather3A_1533] in [0] : vector<16xf32>, vector<16xi32> -> vector<16xf32>
      %add3A_1535 = arith.addf %add3A_1528, %gather3A_1534 : vector<16xf32>
      %eq3A_1536 = arith.constant 13 : i32
      %eq3A_1537 = vector.broadcast %eq3A_1536 : i32 to vector<16xi32>
      %eq3A_1538 = arith.cmpi eq, %iota3A, %eq3A_1537 : vector<16xi32>
      %select_n3A_1539 = arith.select %eq3A_1538, %add3A_1535, %select_n3A_1490 : vector<16xi1>, vector<16xf32>
      %mul3A_1540 = arith.constant 16 : i32
      %mul3A_1541 = arith.muli %scan3A_837, %mul3A_1540 : i32
      %add3A_1542 = arith.constant 14 : i32
      %add3A_1543 = arith.addi %mul3A_1541, %add3A_1542 : i32
      %slice3A_1544 = vector.extract_strided_slice %mul3A_849 {offsets = [14], sizes = [1], strides = [1]} : vector<16xi32> to vector<1xi32>
      %squeeze3A_1545 = vector.extract %slice3A_1544[0] : i32 from vector<1xi32>
      %get3A_1546 = arith.index_cast %add3A_1543 : i32 to index
      %get3A_1547 = arith.index_cast %squeeze3A_1545 : i32 to index
      %get3A_1548 = tpu.vector_load %arg13[%get3A_1546, %get3A_1547] {strides = array<i32>} : memref<128x128xf32, #tpu.memory_space<vmem>>, vector<1x16xf32>,
      %get3A_1549 = vector.shape_cast %get3A_1548 : vector<1x16xf32> to vector<16xf32>
      %slice3A_1550 = vector.extract_strided_slice %mul3A_858 {offsets = [14], sizes = [1], strides = [1]} : vector<16xi32> to vector<1xi32>
      %squeeze3A_1551 = vector.extract %slice3A_1550[0] : i32 from vector<1xi32>
      %get3A_1552 = arith.index_cast %add3A_1543 : i32 to index
      %get3A_1553 = arith.index_cast %squeeze3A_1551 : i32 to index
      %get3A_1554 = tpu.vector_load %arg14[%get3A_1552, %get3A_1553] {strides = array<i32>} : memref<128x128xf32, #tpu.memory_space<vmem>>, vector<1x16xf32>,
      %get3A_1555 = vector.shape_cast %get3A_1554 : vector<1x16xf32> to vector<16xf32>
      %mul3A_1556 = arith.mulf %get3A_1549, %get3A_1555 : vector<16xf32>
      %xor3A_1557 = arith.constant 1 : i32
      %xor3A_1558 = vector.broadcast %xor3A_1557 : i32 to vector<16xi32>
      %xor3A_1559 = arith.xori %iota3A, %xor3A_1558 : vector<16xi32>
      %broadcast_in_dim3A_1560 = vector.shape_cast %xor3A_1559 : vector<16xi32> to vector<16x1xi32>
      %gather3A_1561 = vector.shape_cast %broadcast_in_dim3A_1560 : vector<16x1xi32> to vector<16xi32>
      %gather3A_1562 = tpu.dynamic_gather %mul3A_1556[%gather3A_1561] in [0] : vector<16xf32>, vector<16xi32> -> vector<16xf32>
      %add3A_1563 = arith.addf %mul3A_1556, %gather3A_1562 : vector<16xf32>
      %xor3A_1564 = arith.constant 2 : i32
      %xor3A_1565 = vector.broadcast %xor3A_1564 : i32 to vector<16xi32>
      %xor3A_1566 = arith.xori %iota3A, %xor3A_1565 : vector<16xi32>
      %broadcast_in_dim3A_1567 = vector.shape_cast %xor3A_1566 : vector<16xi32> to vector<16x1xi32>
      %gather3A_1568 = vector.shape_cast %broadcast_in_dim3A_1567 : vector<16x1xi32> to vector<16xi32>
      %gather3A_1569 = tpu.dynamic_gather %add3A_1563[%gather3A_1568] in [0] : vector<16xf32>, vector<16xi32> -> vector<16xf32>
      %add3A_1570 = arith.addf %add3A_1563, %gather3A_1569 : vector<16xf32>
      %xor3A_1571 = arith.constant 4 : i32
      %xor3A_1572 = vector.broadcast %xor3A_1571 : i32 to vector<16xi32>
      %xor3A_1573 = arith.xori %iota3A, %xor3A_1572 : vector<16xi32>
      %broadcast_in_dim3A_1574 = vector.shape_cast %xor3A_1573 : vector<16xi32> to vector<16x1xi32>
      %gather3A_1575 = vector.shape_cast %broadcast_in_dim3A_1574 : vector<16x1xi32> to vector<16xi32>
      %gather3A_1576 = tpu.dynamic_gather %add3A_1570[%gather3A_1575] in [0] : vector<16xf32>, vector<16xi32> -> vector<16xf32>
      %add3A_1577 = arith.addf %add3A_1570, %gather3A_1576 : vector<16xf32>
      %xor3A_1578 = arith.constant 8 : i32
      %xor3A_1579 = vector.broadcast %xor3A_1578 : i32 to vector<16xi32>
      %xor3A_1580 = arith.xori %iota3A, %xor3A_1579 : vector<16xi32>
      %broadcast_in_dim3A_1581 = vector.shape_cast %xor3A_1580 : vector<16xi32> to vector<16x1xi32>
      %gather3A_1582 = vector.shape_cast %broadcast_in_dim3A_1581 : vector<16x1xi32> to vector<16xi32>
      %gather3A_1583 = tpu.dynamic_gather %add3A_1577[%gather3A_1582] in [0] : vector<16xf32>, vector<16xi32> -> vector<16xf32>
      %add3A_1584 = arith.addf %add3A_1577, %gather3A_1583 : vector<16xf32>
      %eq3A_1585 = arith.constant 14 : i32
      %eq3A_1586 = vector.broadcast %eq3A_1585 : i32 to vector<16xi32>
      %eq3A_1587 = arith.cmpi eq, %iota3A, %eq3A_1586 : vector<16xi32>
      %select_n3A_1588 = arith.select %eq3A_1587, %add3A_1584, %select_n3A_1539 : vector<16xi1>, vector<16xf32>
      %mul3A_1589 = arith.constant 16 : i32
      %mul3A_1590 = arith.muli %scan3A_837, %mul3A_1589 : i32
      %add3A_1591 = arith.constant 15 : i32
      %add3A_1592 = arith.addi %mul3A_1590, %add3A_1591 : i32
      %slice3A_1593 = vector.extract_strided_slice %mul3A_849 {offsets = [15], sizes = [1], strides = [1]} : vector<16xi32> to vector<1xi32>
      %squeeze3A_1594 = vector.extract %slice3A_1593[0] : i32 from vector<1xi32>
      %get3A_1595 = arith.index_cast %add3A_1592 : i32 to index
      %get3A_1596 = arith.index_cast %squeeze3A_1594 : i32 to index
      %get3A_1597 = tpu.vector_load %arg13[%get3A_1595, %get3A_1596] {strides = array<i32>} : memref<128x128xf32, #tpu.memory_space<vmem>>, vector<1x16xf32>,
      %get3A_1598 = vector.shape_cast %get3A_1597 : vector<1x16xf32> to vector<16xf32>
      %slice3A_1599 = vector.extract_strided_slice %mul3A_858 {offsets = [15], sizes = [1], strides = [1]} : vector<16xi32> to vector<1xi32>
      %squeeze3A_1600 = vector.extract %slice3A_1599[0] : i32 from vector<1xi32>
      %get3A_1601 = arith.index_cast %add3A_1592 : i32 to index
      %get3A_1602 = arith.index_cast %squeeze3A_1600 : i32 to index
      %get3A_1603 = tpu.vector_load %arg14[%get3A_1601, %get3A_1602] {strides = array<i32>} : memref<128x128xf32, #tpu.memory_space<vmem>>, vector<1x16xf32>,
      %get3A_1604 = vector.shape_cast %get3A_1603 : vector<1x16xf32> to vector<16xf32>
      %mul3A_1605 = arith.mulf %get3A_1598, %get3A_1604 : vector<16xf32>
      %xor3A_1606 = arith.constant 1 : i32
      %xor3A_1607 = vector.broadcast %xor3A_1606 : i32 to vector<16xi32>
      %xor3A_1608 = arith.xori %iota3A, %xor3A_1607 : vector<16xi32>
      %broadcast_in_dim3A_1609 = vector.shape_cast %xor3A_1608 : vector<16xi32> to vector<16x1xi32>
      %gather3A_1610 = vector.shape_cast %broadcast_in_dim3A_1609 : vector<16x1xi32> to vector<16xi32>
      %gather3A_1611 = tpu.dynamic_gather %mul3A_1605[%gather3A_1610] in [0] : vector<16xf32>, vector<16xi32> -> vector<16xf32>
      %add3A_1612 = arith.addf %mul3A_1605, %gather3A_1611 : vector<16xf32>
      %xor3A_1613 = arith.constant 2 : i32
      %xor3A_1614 = vector.broadcast %xor3A_1613 : i32 to vector<16xi32>
      %xor3A_1615 = arith.xori %iota3A, %xor3A_1614 : vector<16xi32>
      %broadcast_in_dim3A_1616 = vector.shape_cast %xor3A_1615 : vector<16xi32> to vector<16x1xi32>
      %gather3A_1617 = vector.shape_cast %broadcast_in_dim3A_1616 : vector<16x1xi32> to vector<16xi32>
      %gather3A_1618 = tpu.dynamic_gather %add3A_1612[%gather3A_1617] in [0] : vector<16xf32>, vector<16xi32> -> vector<16xf32>
      %add3A_1619 = arith.addf %add3A_1612, %gather3A_1618 : vector<16xf32>
      %xor3A_1620 = arith.constant 4 : i32
      %xor3A_1621 = vector.broadcast %xor3A_1620 : i32 to vector<16xi32>
      %xor3A_1622 = arith.xori %iota3A, %xor3A_1621 : vector<16xi32>
      %broadcast_in_dim3A_1623 = vector.shape_cast %xor3A_1622 : vector<16xi32> to vector<16x1xi32>
      %gather3A_1624 = vector.shape_cast %broadcast_in_dim3A_1623 : vector<16x1xi32> to vector<16xi32>
      %gather3A_1625 = tpu.dynamic_gather %add3A_1619[%gather3A_1624] in [0] : vector<16xf32>, vector<16xi32> -> vector<16xf32>
      %add3A_1626 = arith.addf %add3A_1619, %gather3A_1625 : vector<16xf32>
      %xor3A_1627 = arith.constant 8 : i32
      %xor3A_1628 = vector.broadcast %xor3A_1627 : i32 to vector<16xi32>
      %xor3A_1629 = arith.xori %iota3A, %xor3A_1628 : vector<16xi32>
      %broadcast_in_dim3A_1630 = vector.shape_cast %xor3A_1629 : vector<16xi32> to vector<16x1xi32>
      %gather3A_1631 = vector.shape_cast %broadcast_in_dim3A_1630 : vector<16x1xi32> to vector<16xi32>
      %gather3A_1632 = tpu.dynamic_gather %add3A_1626[%gather3A_1631] in [0] : vector<16xf32>, vector<16xi32> -> vector<16xf32>
      %add3A_1633 = arith.addf %add3A_1626, %gather3A_1632 : vector<16xf32>
      %eq3A_1634 = arith.constant 15 : i32
      %eq3A_1635 = vector.broadcast %eq3A_1634 : i32 to vector<16xi32>
      %eq3A_1636 = arith.cmpi eq, %iota3A, %eq3A_1635 : vector<16xi32>
      %select_n3A_1637 = arith.select %eq3A_1636, %add3A_1633, %select_n3A_1588 : vector<16xi1>, vector<16xf32>
      %get3A_1638 = arith.index_cast %add3A_841 : i32 to index
      %get3A_1639 = tpu.vector_load %arg17[%get3A_1638] {strides = array<i32>} : memref<512xf32, #tpu.memory_space<vmem>>, vector<16xf32>,
      %get3A_1640 = vector.shape_cast %get3A_1639 : vector<16xf32> to vector<16xf32>
      %add3A_1641 = arith.addf %select_n3A_1637, %get3A_1640 : vector<16xf32>
      %get3A_1642 = arith.index_cast %add3A_841 : i32 to index
      %get3A_1643 = tpu.vector_load %arg18[%get3A_1642] {strides = array<i32>} : memref<512xf32, #tpu.memory_space<vmem>>, vector<16xf32>,
      %get3A_1644 = vector.shape_cast %get3A_1643 : vector<16xf32> to vector<16xf32>
      %add3A_1645 = arith.addf %add3A_1641, %get3A_1644 : vector<16xf32>
      %swap3A_1646 = arith.index_cast %add3A_841 : i32 to index
      %swap3A_1647 = tpu.vector_load %arg19[%swap3A_1646] {strides = array<i32>} : memref<512xf32, #tpu.memory_space<vmem>>, vector<16xf32>,
      %swap3A_1648 = vector.shape_cast %swap3A_1647 : vector<16xf32> to vector<16xf32>
      %swap3A_1649 = vector.shape_cast %add3A_1645 : vector<16xf32> to vector<16xf32>
      tpu.vector_store %arg19[%swap3A_1646], %swap3A_1649 {strides = array<i32>} : memref<512xf32, #tpu.memory_space<vmem>>, vector<16xf32>,
    }
    %scan3A_768 = arith.constant 8 : i32
    %dma_start3A_769 = arith.constant 256 : i32
    %dma_start3A_770 = tpu.memref_slice %arg11[%dma_start3A_769] : memref<512xi32, #tpu.memory_space<vmem>> -> memref<128xi32, #tpu.memory_space<vmem>>
    %dma_start3A_771 = arith.constant 0 : i32
    %dma_start3A_772 = arith.constant 0 : i32
    %dma_start3A_773 = tpu.memref_slice %arg6[%dma_start3A_771, %dma_start3A_772] : memref<125000x128xf32, #tpu.memory_space<hbm>> -> memref<125000x128xf32, #tpu.memory_space<hbm>>
    tpu.enqueue_indirect_dma source(%dma_start3A_773 : memref<125000x128xf32, #tpu.memory_space<hbm>>) target(%arg13 : memref<128x128xf32, #tpu.memory_space<vmem>>) offsets(%dma_start3A_770 : memref<128xi32, #tpu.memory_space<vmem>>) semaphore(%arg20 : memref<!tpu.dma_semaphore, #tpu.memory_space<semaphore_mem>>)
    %dma_start3A_774 = arith.constant 256 : i32
    %dma_start3A_775 = tpu.memref_slice %arg12[%dma_start3A_774] : memref<512xi32, #tpu.memory_space<vmem>> -> memref<128xi32, #tpu.memory_space<vmem>>
    %dma_start3A_776 = arith.constant 0 : i32
    %dma_start3A_777 = arith.constant 0 : i32
    %dma_start3A_778 = tpu.memref_slice %arg7[%dma_start3A_776, %dma_start3A_777] : memref<125000x128xf32, #tpu.memory_space<hbm>> -> memref<125000x128xf32, #tpu.memory_space<hbm>>
    tpu.enqueue_indirect_dma source(%dma_start3A_778 : memref<125000x128xf32, #tpu.memory_space<hbm>>) target(%arg14 : memref<128x128xf32, #tpu.memory_space<vmem>>) offsets(%dma_start3A_775 : memref<128xi32, #tpu.memory_space<vmem>>) semaphore(%arg20 : memref<!tpu.dma_semaphore, #tpu.memory_space<semaphore_mem>>)
    %dma_wait3A_779 = arith.constant 128 : i32
    %dma_wait3A_780 = tpu.memref_slice %arg11[%dma_wait3A_779] : memref<512xi32, #tpu.memory_space<vmem>> -> memref<128xi32, #tpu.memory_space<vmem>>
    %dma_wait3A_781 = arith.constant 0 : i32
    %dma_wait3A_782 = arith.constant 0 : i32
    %dma_wait3A_783 = tpu.memref_slice %arg6[%dma_wait3A_781, %dma_wait3A_782] : memref<125000x128xf32, #tpu.memory_space<hbm>> -> memref<125000x128xf32, #tpu.memory_space<hbm>>
    tpu.wait_indirect_dma semaphore(%arg21 : memref<!tpu.dma_semaphore, #tpu.memory_space<semaphore_mem>>) src(%dma_wait3A_783 : memref<125000x128xf32, #tpu.memory_space<hbm>>) dst(%arg15 : memref<128x128xf32, #tpu.memory_space<vmem>>)
    %dma_wait3A_784 = arith.constant 128 : i32
    %dma_wait3A_785 = tpu.memref_slice %arg12[%dma_wait3A_784] : memref<512xi32, #tpu.memory_space<vmem>> -> memref<128xi32, #tpu.memory_space<vmem>>
    %dma_wait3A_786 = arith.constant 0 : i32
    %dma_wait3A_787 = arith.constant 0 : i32
    %dma_wait3A_788 = tpu.memref_slice %arg7[%dma_wait3A_786, %dma_wait3A_787] : memref<125000x128xf32, #tpu.memory_space<hbm>> -> memref<125000x128xf32, #tpu.memory_space<hbm>>
    tpu.wait_indirect_dma semaphore(%arg21 : memref<!tpu.dma_semaphore, #tpu.memory_space<semaphore_mem>>) src(%dma_wait3A_788 : memref<125000x128xf32, #tpu.memory_space<hbm>>) dst(%arg16 : memref<128x128xf32, #tpu.memory_space<vmem>>)
    %scan3A_789 = arith.constant 0 : i32
    %scan3A_790 = arith.constant 0 : i32
    %scan3A_791 = arith.constant 8 : i32
    %scan3A_792 = arith.addi %scan3A_790, %scan3A_791 : i32
    %scan3A_793 = arith.constant 1 : i32
    scf.for %scan3A_837 = %scan3A_790 to %scan3A_792 step %scan3A_793  : i32 {
      %mul3A_838 = arith.constant 16 : i32
      %mul3A_839 = arith.muli %scan3A_837, %mul3A_838 : i32
      %add3A_840 = arith.constant 128 : i32
      %add3A_841 = arith.addi %add3A_840, %mul3A_839 : i32
      %get3A_842 = arith.index_cast %add3A_841 : i32 to index
      %get3A_843 = tpu.vector_load %arg9[%get3A_842] {strides = array<i32>} : memref<512xi32, #tpu.memory_space<vmem>>, vector<16xi32>,
      %get3A_844 = vector.shape_cast %get3A_843 : vector<16xi32> to vector<16xi32>
      %and3A = arith.constant 7 : i32
      %and3A_845 = vector.broadcast %and3A : i32 to vector<16xi32>
      %and3A_846 = arith.andi %get3A_844, %and3A_845 : vector<16xi32>
      %mul3A_847 = arith.constant 16 : i32
      %mul3A_848 = vector.broadcast %mul3A_847 : i32 to vector<16xi32>
      %mul3A_849 = arith.muli %and3A_846, %mul3A_848 : vector<16xi32>
      %get3A_850 = arith.index_cast %add3A_841 : i32 to index
      %get3A_851 = tpu.vector_load %arg10[%get3A_850] {strides = array<i32>} : memref<512xi32, #tpu.memory_space<vmem>>, vector<16xi32>,
      %get3A_852 = vector.shape_cast %get3A_851 : vector<16xi32> to vector<16xi32>
      %and3A_853 = arith.constant 7 : i32
      %and3A_854 = vector.broadcast %and3A_853 : i32 to vector<16xi32>
      %and3A_855 = arith.andi %get3A_852, %and3A_854 : vector<16xi32>
      %mul3A_856 = arith.constant 16 : i32
      %mul3A_857 = vector.broadcast %mul3A_856 : i32 to vector<16xi32>
      %mul3A_858 = arith.muli %and3A_855, %mul3A_857 : vector<16xi32>
      %broadcast_in_dim3A = arith.constant 0.000000e+00 : f32
      %broadcast_in_dim3A_859 = vector.broadcast %broadcast_in_dim3A : f32 to vector<16xf32>
      %mul3A_860 = arith.constant 16 : i32
      %mul3A_861 = arith.muli %scan3A_837, %mul3A_860 : i32
      %add3A_862 = arith.constant 0 : i32
      %add3A_863 = arith.addi %mul3A_861, %add3A_862 : i32
      %slice3A = vector.extract_strided_slice %mul3A_849 {offsets = [0], sizes = [1], strides = [1]} : vector<16xi32> to vector<1xi32>
      %squeeze3A = vector.extract %slice3A[0] : i32 from vector<1xi32>
      %get3A_864 = arith.index_cast %add3A_863 : i32 to index
      %get3A_865 = arith.index_cast %squeeze3A : i32 to index
      %get3A_866 = tpu.vector_load %arg15[%get3A_864, %get3A_865] {strides = array<i32>} : memref<128x128xf32, #tpu.memory_space<vmem>>, vector<1x16xf32>,
      %get3A_867 = vector.shape_cast %get3A_866 : vector<1x16xf32> to vector<16xf32>
      %slice3A_868 = vector.extract_strided_slice %mul3A_858 {offsets = [0], sizes = [1], strides = [1]} : vector<16xi32> to vector<1xi32>
      %squeeze3A_869 = vector.extract %slice3A_868[0] : i32 from vector<1xi32>
      %get3A_870 = arith.index_cast %add3A_863 : i32 to index
      %get3A_871 = arith.index_cast %squeeze3A_869 : i32 to index
      %get3A_872 = tpu.vector_load %arg16[%get3A_870, %get3A_871] {strides = array<i32>} : memref<128x128xf32, #tpu.memory_space<vmem>>, vector<1x16xf32>,
      %get3A_873 = vector.shape_cast %get3A_872 : vector<1x16xf32> to vector<16xf32>
      %mul3A_874 = arith.mulf %get3A_867, %get3A_873 : vector<16xf32>
      %xor3A = arith.constant 1 : i32
      %xor3A_875 = vector.broadcast %xor3A : i32 to vector<16xi32>
      %xor3A_876 = arith.xori %iota3A, %xor3A_875 : vector<16xi32>
      %broadcast_in_dim3A_877 = vector.shape_cast %xor3A_876 : vector<16xi32> to vector<16x1xi32>
      %gather3A = vector.shape_cast %broadcast_in_dim3A_877 : vector<16x1xi32> to vector<16xi32>
      %gather3A_878 = tpu.dynamic_gather %mul3A_874[%gather3A] in [0] : vector<16xf32>, vector<16xi32> -> vector<16xf32>
      %add3A_879 = arith.addf %mul3A_874, %gather3A_878 : vector<16xf32>
      %xor3A_880 = arith.constant 2 : i32
      %xor3A_881 = vector.broadcast %xor3A_880 : i32 to vector<16xi32>
      %xor3A_882 = arith.xori %iota3A, %xor3A_881 : vector<16xi32>
      %broadcast_in_dim3A_883 = vector.shape_cast %xor3A_882 : vector<16xi32> to vector<16x1xi32>
      %gather3A_884 = vector.shape_cast %broadcast_in_dim3A_883 : vector<16x1xi32> to vector<16xi32>
      %gather3A_885 = tpu.dynamic_gather %add3A_879[%gather3A_884] in [0] : vector<16xf32>, vector<16xi32> -> vector<16xf32>
      %add3A_886 = arith.addf %add3A_879, %gather3A_885 : vector<16xf32>
      %xor3A_887 = arith.constant 4 : i32
      %xor3A_888 = vector.broadcast %xor3A_887 : i32 to vector<16xi32>
      %xor3A_889 = arith.xori %iota3A, %xor3A_888 : vector<16xi32>
      %broadcast_in_dim3A_890 = vector.shape_cast %xor3A_889 : vector<16xi32> to vector<16x1xi32>
      %gather3A_891 = vector.shape_cast %broadcast_in_dim3A_890 : vector<16x1xi32> to vector<16xi32>
      %gather3A_892 = tpu.dynamic_gather %add3A_886[%gather3A_891] in [0] : vector<16xf32>, vector<16xi32> -> vector<16xf32>
      %add3A_893 = arith.addf %add3A_886, %gather3A_892 : vector<16xf32>
      %xor3A_894 = arith.constant 8 : i32
      %xor3A_895 = vector.broadcast %xor3A_894 : i32 to vector<16xi32>
      %xor3A_896 = arith.xori %iota3A, %xor3A_895 : vector<16xi32>
      %broadcast_in_dim3A_897 = vector.shape_cast %xor3A_896 : vector<16xi32> to vector<16x1xi32>
      %gather3A_898 = vector.shape_cast %broadcast_in_dim3A_897 : vector<16x1xi32> to vector<16xi32>
      %gather3A_899 = tpu.dynamic_gather %add3A_893[%gather3A_898] in [0] : vector<16xf32>, vector<16xi32> -> vector<16xf32>
      %add3A_900 = arith.addf %add3A_893, %gather3A_899 : vector<16xf32>
      %eq3A = arith.constant 0 : i32
      %eq3A_901 = vector.broadcast %eq3A : i32 to vector<16xi32>
      %eq3A_902 = arith.cmpi eq, %iota3A, %eq3A_901 : vector<16xi32>
      %select_n3A = arith.select %eq3A_902, %add3A_900, %broadcast_in_dim3A_859 : vector<16xi1>, vector<16xf32>
      %mul3A_903 = arith.constant 16 : i32
      %mul3A_904 = arith.muli %scan3A_837, %mul3A_903 : i32
      %add3A_905 = arith.constant 1 : i32
      %add3A_906 = arith.addi %mul3A_904, %add3A_905 : i32
      %slice3A_907 = vector.extract_strided_slice %mul3A_849 {offsets = [1], sizes = [1], strides = [1]} : vector<16xi32> to vector<1xi32>
      %squeeze3A_908 = vector.extract %slice3A_907[0] : i32 from vector<1xi32>
      %get3A_909 = arith.index_cast %add3A_906 : i32 to index
      %get3A_910 = arith.index_cast %squeeze3A_908 : i32 to index
      %get3A_911 = tpu.vector_load %arg15[%get3A_909, %get3A_910] {strides = array<i32>} : memref<128x128xf32, #tpu.memory_space<vmem>>, vector<1x16xf32>,
      %get3A_912 = vector.shape_cast %get3A_911 : vector<1x16xf32> to vector<16xf32>
      %slice3A_913 = vector.extract_strided_slice %mul3A_858 {offsets = [1], sizes = [1], strides = [1]} : vector<16xi32> to vector<1xi32>
      %squeeze3A_914 = vector.extract %slice3A_913[0] : i32 from vector<1xi32>
      %get3A_915 = arith.index_cast %add3A_906 : i32 to index
      %get3A_916 = arith.index_cast %squeeze3A_914 : i32 to index
      %get3A_917 = tpu.vector_load %arg16[%get3A_915, %get3A_916] {strides = array<i32>} : memref<128x128xf32, #tpu.memory_space<vmem>>, vector<1x16xf32>,
      %get3A_918 = vector.shape_cast %get3A_917 : vector<1x16xf32> to vector<16xf32>
      %mul3A_919 = arith.mulf %get3A_912, %get3A_918 : vector<16xf32>
      %xor3A_920 = arith.constant 1 : i32
      %xor3A_921 = vector.broadcast %xor3A_920 : i32 to vector<16xi32>
      %xor3A_922 = arith.xori %iota3A, %xor3A_921 : vector<16xi32>
      %broadcast_in_dim3A_923 = vector.shape_cast %xor3A_922 : vector<16xi32> to vector<16x1xi32>
      %gather3A_924 = vector.shape_cast %broadcast_in_dim3A_923 : vector<16x1xi32> to vector<16xi32>
      %gather3A_925 = tpu.dynamic_gather %mul3A_919[%gather3A_924] in [0] : vector<16xf32>, vector<16xi32> -> vector<16xf32>
      %add3A_926 = arith.addf %mul3A_919, %gather3A_925 : vector<16xf32>
      %xor3A_927 = arith.constant 2 : i32
      %xor3A_928 = vector.broadcast %xor3A_927 : i32 to vector<16xi32>
      %xor3A_929 = arith.xori %iota3A, %xor3A_928 : vector<16xi32>
      %broadcast_in_dim3A_930 = vector.shape_cast %xor3A_929 : vector<16xi32> to vector<16x1xi32>
      %gather3A_931 = vector.shape_cast %broadcast_in_dim3A_930 : vector<16x1xi32> to vector<16xi32>
      %gather3A_932 = tpu.dynamic_gather %add3A_926[%gather3A_931] in [0] : vector<16xf32>, vector<16xi32> -> vector<16xf32>
      %add3A_933 = arith.addf %add3A_926, %gather3A_932 : vector<16xf32>
      %xor3A_934 = arith.constant 4 : i32
      %xor3A_935 = vector.broadcast %xor3A_934 : i32 to vector<16xi32>
      %xor3A_936 = arith.xori %iota3A, %xor3A_935 : vector<16xi32>
      %broadcast_in_dim3A_937 = vector.shape_cast %xor3A_936 : vector<16xi32> to vector<16x1xi32>
      %gather3A_938 = vector.shape_cast %broadcast_in_dim3A_937 : vector<16x1xi32> to vector<16xi32>
      %gather3A_939 = tpu.dynamic_gather %add3A_933[%gather3A_938] in [0] : vector<16xf32>, vector<16xi32> -> vector<16xf32>
      %add3A_940 = arith.addf %add3A_933, %gather3A_939 : vector<16xf32>
      %xor3A_941 = arith.constant 8 : i32
      %xor3A_942 = vector.broadcast %xor3A_941 : i32 to vector<16xi32>
      %xor3A_943 = arith.xori %iota3A, %xor3A_942 : vector<16xi32>
      %broadcast_in_dim3A_944 = vector.shape_cast %xor3A_943 : vector<16xi32> to vector<16x1xi32>
      %gather3A_945 = vector.shape_cast %broadcast_in_dim3A_944 : vector<16x1xi32> to vector<16xi32>
      %gather3A_946 = tpu.dynamic_gather %add3A_940[%gather3A_945] in [0] : vector<16xf32>, vector<16xi32> -> vector<16xf32>
      %add3A_947 = arith.addf %add3A_940, %gather3A_946 : vector<16xf32>
      %eq3A_948 = arith.constant 1 : i32
      %eq3A_949 = vector.broadcast %eq3A_948 : i32 to vector<16xi32>
      %eq3A_950 = arith.cmpi eq, %iota3A, %eq3A_949 : vector<16xi32>
      %select_n3A_951 = arith.select %eq3A_950, %add3A_947, %select_n3A : vector<16xi1>, vector<16xf32>
      %mul3A_952 = arith.constant 16 : i32
      %mul3A_953 = arith.muli %scan3A_837, %mul3A_952 : i32
      %add3A_954 = arith.constant 2 : i32
      %add3A_955 = arith.addi %mul3A_953, %add3A_954 : i32
      %slice3A_956 = vector.extract_strided_slice %mul3A_849 {offsets = [2], sizes = [1], strides = [1]} : vector<16xi32> to vector<1xi32>
      %squeeze3A_957 = vector.extract %slice3A_956[0] : i32 from vector<1xi32>
      %get3A_958 = arith.index_cast %add3A_955 : i32 to index
      %get3A_959 = arith.index_cast %squeeze3A_957 : i32 to index
      %get3A_960 = tpu.vector_load %arg15[%get3A_958, %get3A_959] {strides = array<i32>} : memref<128x128xf32, #tpu.memory_space<vmem>>, vector<1x16xf32>,
      %get3A_961 = vector.shape_cast %get3A_960 : vector<1x16xf32> to vector<16xf32>
      %slice3A_962 = vector.extract_strided_slice %mul3A_858 {offsets = [2], sizes = [1], strides = [1]} : vector<16xi32> to vector<1xi32>
      %squeeze3A_963 = vector.extract %slice3A_962[0] : i32 from vector<1xi32>
      %get3A_964 = arith.index_cast %add3A_955 : i32 to index
      %get3A_965 = arith.index_cast %squeeze3A_963 : i32 to index
      %get3A_966 = tpu.vector_load %arg16[%get3A_964, %get3A_965] {strides = array<i32>} : memref<128x128xf32, #tpu.memory_space<vmem>>, vector<1x16xf32>,
      %get3A_967 = vector.shape_cast %get3A_966 : vector<1x16xf32> to vector<16xf32>
      %mul3A_968 = arith.mulf %get3A_961, %get3A_967 : vector<16xf32>
      %xor3A_969 = arith.constant 1 : i32
      %xor3A_970 = vector.broadcast %xor3A_969 : i32 to vector<16xi32>
      %xor3A_971 = arith.xori %iota3A, %xor3A_970 : vector<16xi32>
      %broadcast_in_dim3A_972 = vector.shape_cast %xor3A_971 : vector<16xi32> to vector<16x1xi32>
      %gather3A_973 = vector.shape_cast %broadcast_in_dim3A_972 : vector<16x1xi32> to vector<16xi32>
      %gather3A_974 = tpu.dynamic_gather %mul3A_968[%gather3A_973] in [0] : vector<16xf32>, vector<16xi32> -> vector<16xf32>
      %add3A_975 = arith.addf %mul3A_968, %gather3A_974 : vector<16xf32>
      %xor3A_976 = arith.constant 2 : i32
      %xor3A_977 = vector.broadcast %xor3A_976 : i32 to vector<16xi32>
      %xor3A_978 = arith.xori %iota3A, %xor3A_977 : vector<16xi32>
      %broadcast_in_dim3A_979 = vector.shape_cast %xor3A_978 : vector<16xi32> to vector<16x1xi32>
      %gather3A_980 = vector.shape_cast %broadcast_in_dim3A_979 : vector<16x1xi32> to vector<16xi32>
      %gather3A_981 = tpu.dynamic_gather %add3A_975[%gather3A_980] in [0] : vector<16xf32>, vector<16xi32> -> vector<16xf32>
      %add3A_982 = arith.addf %add3A_975, %gather3A_981 : vector<16xf32>
      %xor3A_983 = arith.constant 4 : i32
      %xor3A_984 = vector.broadcast %xor3A_983 : i32 to vector<16xi32>
      %xor3A_985 = arith.xori %iota3A, %xor3A_984 : vector<16xi32>
      %broadcast_in_dim3A_986 = vector.shape_cast %xor3A_985 : vector<16xi32> to vector<16x1xi32>
      %gather3A_987 = vector.shape_cast %broadcast_in_dim3A_986 : vector<16x1xi32> to vector<16xi32>
      %gather3A_988 = tpu.dynamic_gather %add3A_982[%gather3A_987] in [0] : vector<16xf32>, vector<16xi32> -> vector<16xf32>
      %add3A_989 = arith.addf %add3A_982, %gather3A_988 : vector<16xf32>
      %xor3A_990 = arith.constant 8 : i32
      %xor3A_991 = vector.broadcast %xor3A_990 : i32 to vector<16xi32>
      %xor3A_992 = arith.xori %iota3A, %xor3A_991 : vector<16xi32>
      %broadcast_in_dim3A_993 = vector.shape_cast %xor3A_992 : vector<16xi32> to vector<16x1xi32>
      %gather3A_994 = vector.shape_cast %broadcast_in_dim3A_993 : vector<16x1xi32> to vector<16xi32>
      %gather3A_995 = tpu.dynamic_gather %add3A_989[%gather3A_994] in [0] : vector<16xf32>, vector<16xi32> -> vector<16xf32>
      %add3A_996 = arith.addf %add3A_989, %gather3A_995 : vector<16xf32>
      %eq3A_997 = arith.constant 2 : i32
      %eq3A_998 = vector.broadcast %eq3A_997 : i32 to vector<16xi32>
      %eq3A_999 = arith.cmpi eq, %iota3A, %eq3A_998 : vector<16xi32>
      %select_n3A_1000 = arith.select %eq3A_999, %add3A_996, %select_n3A_951 : vector<16xi1>, vector<16xf32>
      %mul3A_1001 = arith.constant 16 : i32
      %mul3A_1002 = arith.muli %scan3A_837, %mul3A_1001 : i32
      %add3A_1003 = arith.constant 3 : i32
      %add3A_1004 = arith.addi %mul3A_1002, %add3A_1003 : i32
      %slice3A_1005 = vector.extract_strided_slice %mul3A_849 {offsets = [3], sizes = [1], strides = [1]} : vector<16xi32> to vector<1xi32>
      %squeeze3A_1006 = vector.extract %slice3A_1005[0] : i32 from vector<1xi32>
      %get3A_1007 = arith.index_cast %add3A_1004 : i32 to index
      %get3A_1008 = arith.index_cast %squeeze3A_1006 : i32 to index
      %get3A_1009 = tpu.vector_load %arg15[%get3A_1007, %get3A_1008] {strides = array<i32>} : memref<128x128xf32, #tpu.memory_space<vmem>>, vector<1x16xf32>,
      %get3A_1010 = vector.shape_cast %get3A_1009 : vector<1x16xf32> to vector<16xf32>
      %slice3A_1011 = vector.extract_strided_slice %mul3A_858 {offsets = [3], sizes = [1], strides = [1]} : vector<16xi32> to vector<1xi32>
      %squeeze3A_1012 = vector.extract %slice3A_1011[0] : i32 from vector<1xi32>
      %get3A_1013 = arith.index_cast %add3A_1004 : i32 to index
      %get3A_1014 = arith.index_cast %squeeze3A_1012 : i32 to index
      %get3A_1015 = tpu.vector_load %arg16[%get3A_1013, %get3A_1014] {strides = array<i32>} : memref<128x128xf32, #tpu.memory_space<vmem>>, vector<1x16xf32>,
      %get3A_1016 = vector.shape_cast %get3A_1015 : vector<1x16xf32> to vector<16xf32>
      %mul3A_1017 = arith.mulf %get3A_1010, %get3A_1016 : vector<16xf32>
      %xor3A_1018 = arith.constant 1 : i32
      %xor3A_1019 = vector.broadcast %xor3A_1018 : i32 to vector<16xi32>
      %xor3A_1020 = arith.xori %iota3A, %xor3A_1019 : vector<16xi32>
      %broadcast_in_dim3A_1021 = vector.shape_cast %xor3A_1020 : vector<16xi32> to vector<16x1xi32>
      %gather3A_1022 = vector.shape_cast %broadcast_in_dim3A_1021 : vector<16x1xi32> to vector<16xi32>
      %gather3A_1023 = tpu.dynamic_gather %mul3A_1017[%gather3A_1022] in [0] : vector<16xf32>, vector<16xi32> -> vector<16xf32>
      %add3A_1024 = arith.addf %mul3A_1017, %gather3A_1023 : vector<16xf32>
      %xor3A_1025 = arith.constant 2 : i32
      %xor3A_1026 = vector.broadcast %xor3A_1025 : i32 to vector<16xi32>
      %xor3A_1027 = arith.xori %iota3A, %xor3A_1026 : vector<16xi32>
      %broadcast_in_dim3A_1028 = vector.shape_cast %xor3A_1027 : vector<16xi32> to vector<16x1xi32>
      %gather3A_1029 = vector.shape_cast %broadcast_in_dim3A_1028 : vector<16x1xi32> to vector<16xi32>
      %gather3A_1030 = tpu.dynamic_gather %add3A_1024[%gather3A_1029] in [0] : vector<16xf32>, vector<16xi32> -> vector<16xf32>
      %add3A_1031 = arith.addf %add3A_1024, %gather3A_1030 : vector<16xf32>
      %xor3A_1032 = arith.constant 4 : i32
      %xor3A_1033 = vector.broadcast %xor3A_1032 : i32 to vector<16xi32>
      %xor3A_1034 = arith.xori %iota3A, %xor3A_1033 : vector<16xi32>
      %broadcast_in_dim3A_1035 = vector.shape_cast %xor3A_1034 : vector<16xi32> to vector<16x1xi32>
      %gather3A_1036 = vector.shape_cast %broadcast_in_dim3A_1035 : vector<16x1xi32> to vector<16xi32>
      %gather3A_1037 = tpu.dynamic_gather %add3A_1031[%gather3A_1036] in [0] : vector<16xf32>, vector<16xi32> -> vector<16xf32>
      %add3A_1038 = arith.addf %add3A_1031, %gather3A_1037 : vector<16xf32>
      %xor3A_1039 = arith.constant 8 : i32
      %xor3A_1040 = vector.broadcast %xor3A_1039 : i32 to vector<16xi32>
      %xor3A_1041 = arith.xori %iota3A, %xor3A_1040 : vector<16xi32>
      %broadcast_in_dim3A_1042 = vector.shape_cast %xor3A_1041 : vector<16xi32> to vector<16x1xi32>
      %gather3A_1043 = vector.shape_cast %broadcast_in_dim3A_1042 : vector<16x1xi32> to vector<16xi32>
      %gather3A_1044 = tpu.dynamic_gather %add3A_1038[%gather3A_1043] in [0] : vector<16xf32>, vector<16xi32> -> vector<16xf32>
      %add3A_1045 = arith.addf %add3A_1038, %gather3A_1044 : vector<16xf32>
      %eq3A_1046 = arith.constant 3 : i32
      %eq3A_1047 = vector.broadcast %eq3A_1046 : i32 to vector<16xi32>
      %eq3A_1048 = arith.cmpi eq, %iota3A, %eq3A_1047 : vector<16xi32>
      %select_n3A_1049 = arith.select %eq3A_1048, %add3A_1045, %select_n3A_1000 : vector<16xi1>, vector<16xf32>
      %mul3A_1050 = arith.constant 16 : i32
      %mul3A_1051 = arith.muli %scan3A_837, %mul3A_1050 : i32
      %add3A_1052 = arith.constant 4 : i32
      %add3A_1053 = arith.addi %mul3A_1051, %add3A_1052 : i32
      %slice3A_1054 = vector.extract_strided_slice %mul3A_849 {offsets = [4], sizes = [1], strides = [1]} : vector<16xi32> to vector<1xi32>
      %squeeze3A_1055 = vector.extract %slice3A_1054[0] : i32 from vector<1xi32>
      %get3A_1056 = arith.index_cast %add3A_1053 : i32 to index
      %get3A_1057 = arith.index_cast %squeeze3A_1055 : i32 to index
      %get3A_1058 = tpu.vector_load %arg15[%get3A_1056, %get3A_1057] {strides = array<i32>} : memref<128x128xf32, #tpu.memory_space<vmem>>, vector<1x16xf32>,
      %get3A_1059 = vector.shape_cast %get3A_1058 : vector<1x16xf32> to vector<16xf32>
      %slice3A_1060 = vector.extract_strided_slice %mul3A_858 {offsets = [4], sizes = [1], strides = [1]} : vector<16xi32> to vector<1xi32>
      %squeeze3A_1061 = vector.extract %slice3A_1060[0] : i32 from vector<1xi32>
      %get3A_1062 = arith.index_cast %add3A_1053 : i32 to index
      %get3A_1063 = arith.index_cast %squeeze3A_1061 : i32 to index
      %get3A_1064 = tpu.vector_load %arg16[%get3A_1062, %get3A_1063] {strides = array<i32>} : memref<128x128xf32, #tpu.memory_space<vmem>>, vector<1x16xf32>,
      %get3A_1065 = vector.shape_cast %get3A_1064 : vector<1x16xf32> to vector<16xf32>
      %mul3A_1066 = arith.mulf %get3A_1059, %get3A_1065 : vector<16xf32>
      %xor3A_1067 = arith.constant 1 : i32
      %xor3A_1068 = vector.broadcast %xor3A_1067 : i32 to vector<16xi32>
      %xor3A_1069 = arith.xori %iota3A, %xor3A_1068 : vector<16xi32>
      %broadcast_in_dim3A_1070 = vector.shape_cast %xor3A_1069 : vector<16xi32> to vector<16x1xi32>
      %gather3A_1071 = vector.shape_cast %broadcast_in_dim3A_1070 : vector<16x1xi32> to vector<16xi32>
      %gather3A_1072 = tpu.dynamic_gather %mul3A_1066[%gather3A_1071] in [0] : vector<16xf32>, vector<16xi32> -> vector<16xf32>
      %add3A_1073 = arith.addf %mul3A_1066, %gather3A_1072 : vector<16xf32>
      %xor3A_1074 = arith.constant 2 : i32
      %xor3A_1075 = vector.broadcast %xor3A_1074 : i32 to vector<16xi32>
      %xor3A_1076 = arith.xori %iota3A, %xor3A_1075 : vector<16xi32>
      %broadcast_in_dim3A_1077 = vector.shape_cast %xor3A_1076 : vector<16xi32> to vector<16x1xi32>
      %gather3A_1078 = vector.shape_cast %broadcast_in_dim3A_1077 : vector<16x1xi32> to vector<16xi32>
      %gather3A_1079 = tpu.dynamic_gather %add3A_1073[%gather3A_1078] in [0] : vector<16xf32>, vector<16xi32> -> vector<16xf32>
      %add3A_1080 = arith.addf %add3A_1073, %gather3A_1079 : vector<16xf32>
      %xor3A_1081 = arith.constant 4 : i32
      %xor3A_1082 = vector.broadcast %xor3A_1081 : i32 to vector<16xi32>
      %xor3A_1083 = arith.xori %iota3A, %xor3A_1082 : vector<16xi32>
      %broadcast_in_dim3A_1084 = vector.shape_cast %xor3A_1083 : vector<16xi32> to vector<16x1xi32>
      %gather3A_1085 = vector.shape_cast %broadcast_in_dim3A_1084 : vector<16x1xi32> to vector<16xi32>
      %gather3A_1086 = tpu.dynamic_gather %add3A_1080[%gather3A_1085] in [0] : vector<16xf32>, vector<16xi32> -> vector<16xf32>
      %add3A_1087 = arith.addf %add3A_1080, %gather3A_1086 : vector<16xf32>
      %xor3A_1088 = arith.constant 8 : i32
      %xor3A_1089 = vector.broadcast %xor3A_1088 : i32 to vector<16xi32>
      %xor3A_1090 = arith.xori %iota3A, %xor3A_1089 : vector<16xi32>
      %broadcast_in_dim3A_1091 = vector.shape_cast %xor3A_1090 : vector<16xi32> to vector<16x1xi32>
      %gather3A_1092 = vector.shape_cast %broadcast_in_dim3A_1091 : vector<16x1xi32> to vector<16xi32>
      %gather3A_1093 = tpu.dynamic_gather %add3A_1087[%gather3A_1092] in [0] : vector<16xf32>, vector<16xi32> -> vector<16xf32>
      %add3A_1094 = arith.addf %add3A_1087, %gather3A_1093 : vector<16xf32>
      %eq3A_1095 = arith.constant 4 : i32
      %eq3A_1096 = vector.broadcast %eq3A_1095 : i32 to vector<16xi32>
      %eq3A_1097 = arith.cmpi eq, %iota3A, %eq3A_1096 : vector<16xi32>
      %select_n3A_1098 = arith.select %eq3A_1097, %add3A_1094, %select_n3A_1049 : vector<16xi1>, vector<16xf32>
      %mul3A_1099 = arith.constant 16 : i32
      %mul3A_1100 = arith.muli %scan3A_837, %mul3A_1099 : i32
      %add3A_1101 = arith.constant 5 : i32
      %add3A_1102 = arith.addi %mul3A_1100, %add3A_1101 : i32
      %slice3A_1103 = vector.extract_strided_slice %mul3A_849 {offsets = [5], sizes = [1], strides = [1]} : vector<16xi32> to vector<1xi32>
      %squeeze3A_1104 = vector.extract %slice3A_1103[0] : i32 from vector<1xi32>
      %get3A_1105 = arith.index_cast %add3A_1102 : i32 to index
      %get3A_1106 = arith.index_cast %squeeze3A_1104 : i32 to index
      %get3A_1107 = tpu.vector_load %arg15[%get3A_1105, %get3A_1106] {strides = array<i32>} : memref<128x128xf32, #tpu.memory_space<vmem>>, vector<1x16xf32>,
      %get3A_1108 = vector.shape_cast %get3A_1107 : vector<1x16xf32> to vector<16xf32>
      %slice3A_1109 = vector.extract_strided_slice %mul3A_858 {offsets = [5], sizes = [1], strides = [1]} : vector<16xi32> to vector<1xi32>
      %squeeze3A_1110 = vector.extract %slice3A_1109[0] : i32 from vector<1xi32>
      %get3A_1111 = arith.index_cast %add3A_1102 : i32 to index
      %get3A_1112 = arith.index_cast %squeeze3A_1110 : i32 to index
      %get3A_1113 = tpu.vector_load %arg16[%get3A_1111, %get3A_1112] {strides = array<i32>} : memref<128x128xf32, #tpu.memory_space<vmem>>, vector<1x16xf32>,
      %get3A_1114 = vector.shape_cast %get3A_1113 : vector<1x16xf32> to vector<16xf32>
      %mul3A_1115 = arith.mulf %get3A_1108, %get3A_1114 : vector<16xf32>
      %xor3A_1116 = arith.constant 1 : i32
      %xor3A_1117 = vector.broadcast %xor3A_1116 : i32 to vector<16xi32>
      %xor3A_1118 = arith.xori %iota3A, %xor3A_1117 : vector<16xi32>
      %broadcast_in_dim3A_1119 = vector.shape_cast %xor3A_1118 : vector<16xi32> to vector<16x1xi32>
      %gather3A_1120 = vector.shape_cast %broadcast_in_dim3A_1119 : vector<16x1xi32> to vector<16xi32>
      %gather3A_1121 = tpu.dynamic_gather %mul3A_1115[%gather3A_1120] in [0] : vector<16xf32>, vector<16xi32> -> vector<16xf32>
      %add3A_1122 = arith.addf %mul3A_1115, %gather3A_1121 : vector<16xf32>
      %xor3A_1123 = arith.constant 2 : i32
      %xor3A_1124 = vector.broadcast %xor3A_1123 : i32 to vector<16xi32>
      %xor3A_1125 = arith.xori %iota3A, %xor3A_1124 : vector<16xi32>
      %broadcast_in_dim3A_1126 = vector.shape_cast %xor3A_1125 : vector<16xi32> to vector<16x1xi32>
      %gather3A_1127 = vector.shape_cast %broadcast_in_dim3A_1126 : vector<16x1xi32> to vector<16xi32>
      %gather3A_1128 = tpu.dynamic_gather %add3A_1122[%gather3A_1127] in [0] : vector<16xf32>, vector<16xi32> -> vector<16xf32>
      %add3A_1129 = arith.addf %add3A_1122, %gather3A_1128 : vector<16xf32>
      %xor3A_1130 = arith.constant 4 : i32
      %xor3A_1131 = vector.broadcast %xor3A_1130 : i32 to vector<16xi32>
      %xor3A_1132 = arith.xori %iota3A, %xor3A_1131 : vector<16xi32>
      %broadcast_in_dim3A_1133 = vector.shape_cast %xor3A_1132 : vector<16xi32> to vector<16x1xi32>
      %gather3A_1134 = vector.shape_cast %broadcast_in_dim3A_1133 : vector<16x1xi32> to vector<16xi32>
      %gather3A_1135 = tpu.dynamic_gather %add3A_1129[%gather3A_1134] in [0] : vector<16xf32>, vector<16xi32> -> vector<16xf32>
      %add3A_1136 = arith.addf %add3A_1129, %gather3A_1135 : vector<16xf32>
      %xor3A_1137 = arith.constant 8 : i32
      %xor3A_1138 = vector.broadcast %xor3A_1137 : i32 to vector<16xi32>
      %xor3A_1139 = arith.xori %iota3A, %xor3A_1138 : vector<16xi32>
      %broadcast_in_dim3A_1140 = vector.shape_cast %xor3A_1139 : vector<16xi32> to vector<16x1xi32>
      %gather3A_1141 = vector.shape_cast %broadcast_in_dim3A_1140 : vector<16x1xi32> to vector<16xi32>
      %gather3A_1142 = tpu.dynamic_gather %add3A_1136[%gather3A_1141] in [0] : vector<16xf32>, vector<16xi32> -> vector<16xf32>
      %add3A_1143 = arith.addf %add3A_1136, %gather3A_1142 : vector<16xf32>
      %eq3A_1144 = arith.constant 5 : i32
      %eq3A_1145 = vector.broadcast %eq3A_1144 : i32 to vector<16xi32>
      %eq3A_1146 = arith.cmpi eq, %iota3A, %eq3A_1145 : vector<16xi32>
      %select_n3A_1147 = arith.select %eq3A_1146, %add3A_1143, %select_n3A_1098 : vector<16xi1>, vector<16xf32>
      %mul3A_1148 = arith.constant 16 : i32
      %mul3A_1149 = arith.muli %scan3A_837, %mul3A_1148 : i32
      %add3A_1150 = arith.constant 6 : i32
      %add3A_1151 = arith.addi %mul3A_1149, %add3A_1150 : i32
      %slice3A_1152 = vector.extract_strided_slice %mul3A_849 {offsets = [6], sizes = [1], strides = [1]} : vector<16xi32> to vector<1xi32>
      %squeeze3A_1153 = vector.extract %slice3A_1152[0] : i32 from vector<1xi32>
      %get3A_1154 = arith.index_cast %add3A_1151 : i32 to index
      %get3A_1155 = arith.index_cast %squeeze3A_1153 : i32 to index
      %get3A_1156 = tpu.vector_load %arg15[%get3A_1154, %get3A_1155] {strides = array<i32>} : memref<128x128xf32, #tpu.memory_space<vmem>>, vector<1x16xf32>,
      %get3A_1157 = vector.shape_cast %get3A_1156 : vector<1x16xf32> to vector<16xf32>
      %slice3A_1158 = vector.extract_strided_slice %mul3A_858 {offsets = [6], sizes = [1], strides = [1]} : vector<16xi32> to vector<1xi32>
      %squeeze3A_1159 = vector.extract %slice3A_1158[0] : i32 from vector<1xi32>
      %get3A_1160 = arith.index_cast %add3A_1151 : i32 to index
      %get3A_1161 = arith.index_cast %squeeze3A_1159 : i32 to index
      %get3A_1162 = tpu.vector_load %arg16[%get3A_1160, %get3A_1161] {strides = array<i32>} : memref<128x128xf32, #tpu.memory_space<vmem>>, vector<1x16xf32>,
      %get3A_1163 = vector.shape_cast %get3A_1162 : vector<1x16xf32> to vector<16xf32>
      %mul3A_1164 = arith.mulf %get3A_1157, %get3A_1163 : vector<16xf32>
      %xor3A_1165 = arith.constant 1 : i32
      %xor3A_1166 = vector.broadcast %xor3A_1165 : i32 to vector<16xi32>
      %xor3A_1167 = arith.xori %iota3A, %xor3A_1166 : vector<16xi32>
      %broadcast_in_dim3A_1168 = vector.shape_cast %xor3A_1167 : vector<16xi32> to vector<16x1xi32>
      %gather3A_1169 = vector.shape_cast %broadcast_in_dim3A_1168 : vector<16x1xi32> to vector<16xi32>
      %gather3A_1170 = tpu.dynamic_gather %mul3A_1164[%gather3A_1169] in [0] : vector<16xf32>, vector<16xi32> -> vector<16xf32>
      %add3A_1171 = arith.addf %mul3A_1164, %gather3A_1170 : vector<16xf32>
      %xor3A_1172 = arith.constant 2 : i32
      %xor3A_1173 = vector.broadcast %xor3A_1172 : i32 to vector<16xi32>
      %xor3A_1174 = arith.xori %iota3A, %xor3A_1173 : vector<16xi32>
      %broadcast_in_dim3A_1175 = vector.shape_cast %xor3A_1174 : vector<16xi32> to vector<16x1xi32>
      %gather3A_1176 = vector.shape_cast %broadcast_in_dim3A_1175 : vector<16x1xi32> to vector<16xi32>
      %gather3A_1177 = tpu.dynamic_gather %add3A_1171[%gather3A_1176] in [0] : vector<16xf32>, vector<16xi32> -> vector<16xf32>
      %add3A_1178 = arith.addf %add3A_1171, %gather3A_1177 : vector<16xf32>
      %xor3A_1179 = arith.constant 4 : i32
      %xor3A_1180 = vector.broadcast %xor3A_1179 : i32 to vector<16xi32>
      %xor3A_1181 = arith.xori %iota3A, %xor3A_1180 : vector<16xi32>
      %broadcast_in_dim3A_1182 = vector.shape_cast %xor3A_1181 : vector<16xi32> to vector<16x1xi32>
      %gather3A_1183 = vector.shape_cast %broadcast_in_dim3A_1182 : vector<16x1xi32> to vector<16xi32>
      %gather3A_1184 = tpu.dynamic_gather %add3A_1178[%gather3A_1183] in [0] : vector<16xf32>, vector<16xi32> -> vector<16xf32>
      %add3A_1185 = arith.addf %add3A_1178, %gather3A_1184 : vector<16xf32>
      %xor3A_1186 = arith.constant 8 : i32
      %xor3A_1187 = vector.broadcast %xor3A_1186 : i32 to vector<16xi32>
      %xor3A_1188 = arith.xori %iota3A, %xor3A_1187 : vector<16xi32>
      %broadcast_in_dim3A_1189 = vector.shape_cast %xor3A_1188 : vector<16xi32> to vector<16x1xi32>
      %gather3A_1190 = vector.shape_cast %broadcast_in_dim3A_1189 : vector<16x1xi32> to vector<16xi32>
      %gather3A_1191 = tpu.dynamic_gather %add3A_1185[%gather3A_1190] in [0] : vector<16xf32>, vector<16xi32> -> vector<16xf32>
      %add3A_1192 = arith.addf %add3A_1185, %gather3A_1191 : vector<16xf32>
      %eq3A_1193 = arith.constant 6 : i32
      %eq3A_1194 = vector.broadcast %eq3A_1193 : i32 to vector<16xi32>
      %eq3A_1195 = arith.cmpi eq, %iota3A, %eq3A_1194 : vector<16xi32>
      %select_n3A_1196 = arith.select %eq3A_1195, %add3A_1192, %select_n3A_1147 : vector<16xi1>, vector<16xf32>
      %mul3A_1197 = arith.constant 16 : i32
      %mul3A_1198 = arith.muli %scan3A_837, %mul3A_1197 : i32
      %add3A_1199 = arith.constant 7 : i32
      %add3A_1200 = arith.addi %mul3A_1198, %add3A_1199 : i32
      %slice3A_1201 = vector.extract_strided_slice %mul3A_849 {offsets = [7], sizes = [1], strides = [1]} : vector<16xi32> to vector<1xi32>
      %squeeze3A_1202 = vector.extract %slice3A_1201[0] : i32 from vector<1xi32>
      %get3A_1203 = arith.index_cast %add3A_1200 : i32 to index
      %get3A_1204 = arith.index_cast %squeeze3A_1202 : i32 to index
      %get3A_1205 = tpu.vector_load %arg15[%get3A_1203, %get3A_1204] {strides = array<i32>} : memref<128x128xf32, #tpu.memory_space<vmem>>, vector<1x16xf32>,
      %get3A_1206 = vector.shape_cast %get3A_1205 : vector<1x16xf32> to vector<16xf32>
      %slice3A_1207 = vector.extract_strided_slice %mul3A_858 {offsets = [7], sizes = [1], strides = [1]} : vector<16xi32> to vector<1xi32>
      %squeeze3A_1208 = vector.extract %slice3A_1207[0] : i32 from vector<1xi32>
      %get3A_1209 = arith.index_cast %add3A_1200 : i32 to index
      %get3A_1210 = arith.index_cast %squeeze3A_1208 : i32 to index
      %get3A_1211 = tpu.vector_load %arg16[%get3A_1209, %get3A_1210] {strides = array<i32>} : memref<128x128xf32, #tpu.memory_space<vmem>>, vector<1x16xf32>,
      %get3A_1212 = vector.shape_cast %get3A_1211 : vector<1x16xf32> to vector<16xf32>
      %mul3A_1213 = arith.mulf %get3A_1206, %get3A_1212 : vector<16xf32>
      %xor3A_1214 = arith.constant 1 : i32
      %xor3A_1215 = vector.broadcast %xor3A_1214 : i32 to vector<16xi32>
      %xor3A_1216 = arith.xori %iota3A, %xor3A_1215 : vector<16xi32>
      %broadcast_in_dim3A_1217 = vector.shape_cast %xor3A_1216 : vector<16xi32> to vector<16x1xi32>
      %gather3A_1218 = vector.shape_cast %broadcast_in_dim3A_1217 : vector<16x1xi32> to vector<16xi32>
      %gather3A_1219 = tpu.dynamic_gather %mul3A_1213[%gather3A_1218] in [0] : vector<16xf32>, vector<16xi32> -> vector<16xf32>
      %add3A_1220 = arith.addf %mul3A_1213, %gather3A_1219 : vector<16xf32>
      %xor3A_1221 = arith.constant 2 : i32
      %xor3A_1222 = vector.broadcast %xor3A_1221 : i32 to vector<16xi32>
      %xor3A_1223 = arith.xori %iota3A, %xor3A_1222 : vector<16xi32>
      %broadcast_in_dim3A_1224 = vector.shape_cast %xor3A_1223 : vector<16xi32> to vector<16x1xi32>
      %gather3A_1225 = vector.shape_cast %broadcast_in_dim3A_1224 : vector<16x1xi32> to vector<16xi32>
      %gather3A_1226 = tpu.dynamic_gather %add3A_1220[%gather3A_1225] in [0] : vector<16xf32>, vector<16xi32> -> vector<16xf32>
      %add3A_1227 = arith.addf %add3A_1220, %gather3A_1226 : vector<16xf32>
      %xor3A_1228 = arith.constant 4 : i32
      %xor3A_1229 = vector.broadcast %xor3A_1228 : i32 to vector<16xi32>
      %xor3A_1230 = arith.xori %iota3A, %xor3A_1229 : vector<16xi32>
      %broadcast_in_dim3A_1231 = vector.shape_cast %xor3A_1230 : vector<16xi32> to vector<16x1xi32>
      %gather3A_1232 = vector.shape_cast %broadcast_in_dim3A_1231 : vector<16x1xi32> to vector<16xi32>
      %gather3A_1233 = tpu.dynamic_gather %add3A_1227[%gather3A_1232] in [0] : vector<16xf32>, vector<16xi32> -> vector<16xf32>
      %add3A_1234 = arith.addf %add3A_1227, %gather3A_1233 : vector<16xf32>
      %xor3A_1235 = arith.constant 8 : i32
      %xor3A_1236 = vector.broadcast %xor3A_1235 : i32 to vector<16xi32>
      %xor3A_1237 = arith.xori %iota3A, %xor3A_1236 : vector<16xi32>
      %broadcast_in_dim3A_1238 = vector.shape_cast %xor3A_1237 : vector<16xi32> to vector<16x1xi32>
      %gather3A_1239 = vector.shape_cast %broadcast_in_dim3A_1238 : vector<16x1xi32> to vector<16xi32>
      %gather3A_1240 = tpu.dynamic_gather %add3A_1234[%gather3A_1239] in [0] : vector<16xf32>, vector<16xi32> -> vector<16xf32>
      %add3A_1241 = arith.addf %add3A_1234, %gather3A_1240 : vector<16xf32>
      %eq3A_1242 = arith.constant 7 : i32
      %eq3A_1243 = vector.broadcast %eq3A_1242 : i32 to vector<16xi32>
      %eq3A_1244 = arith.cmpi eq, %iota3A, %eq3A_1243 : vector<16xi32>
      %select_n3A_1245 = arith.select %eq3A_1244, %add3A_1241, %select_n3A_1196 : vector<16xi1>, vector<16xf32>
      %mul3A_1246 = arith.constant 16 : i32
      %mul3A_1247 = arith.muli %scan3A_837, %mul3A_1246 : i32
      %add3A_1248 = arith.constant 8 : i32
      %add3A_1249 = arith.addi %mul3A_1247, %add3A_1248 : i32
      %slice3A_1250 = vector.extract_strided_slice %mul3A_849 {offsets = [8], sizes = [1], strides = [1]} : vector<16xi32> to vector<1xi32>
      %squeeze3A_1251 = vector.extract %slice3A_1250[0] : i32 from vector<1xi32>
      %get3A_1252 = arith.index_cast %add3A_1249 : i32 to index
      %get3A_1253 = arith.index_cast %squeeze3A_1251 : i32 to index
      %get3A_1254 = tpu.vector_load %arg15[%get3A_1252, %get3A_1253] {strides = array<i32>} : memref<128x128xf32, #tpu.memory_space<vmem>>, vector<1x16xf32>,
      %get3A_1255 = vector.shape_cast %get3A_1254 : vector<1x16xf32> to vector<16xf32>
      %slice3A_1256 = vector.extract_strided_slice %mul3A_858 {offsets = [8], sizes = [1], strides = [1]} : vector<16xi32> to vector<1xi32>
      %squeeze3A_1257 = vector.extract %slice3A_1256[0] : i32 from vector<1xi32>
      %get3A_1258 = arith.index_cast %add3A_1249 : i32 to index
      %get3A_1259 = arith.index_cast %squeeze3A_1257 : i32 to index
      %get3A_1260 = tpu.vector_load %arg16[%get3A_1258, %get3A_1259] {strides = array<i32>} : memref<128x128xf32, #tpu.memory_space<vmem>>, vector<1x16xf32>,
      %get3A_1261 = vector.shape_cast %get3A_1260 : vector<1x16xf32> to vector<16xf32>
      %mul3A_1262 = arith.mulf %get3A_1255, %get3A_1261 : vector<16xf32>
      %xor3A_1263 = arith.constant 1 : i32
      %xor3A_1264 = vector.broadcast %xor3A_1263 : i32 to vector<16xi32>
      %xor3A_1265 = arith.xori %iota3A, %xor3A_1264 : vector<16xi32>
      %broadcast_in_dim3A_1266 = vector.shape_cast %xor3A_1265 : vector<16xi32> to vector<16x1xi32>
      %gather3A_1267 = vector.shape_cast %broadcast_in_dim3A_1266 : vector<16x1xi32> to vector<16xi32>
      %gather3A_1268 = tpu.dynamic_gather %mul3A_1262[%gather3A_1267] in [0] : vector<16xf32>, vector<16xi32> -> vector<16xf32>
      %add3A_1269 = arith.addf %mul3A_1262, %gather3A_1268 : vector<16xf32>
      %xor3A_1270 = arith.constant 2 : i32
      %xor3A_1271 = vector.broadcast %xor3A_1270 : i32 to vector<16xi32>
      %xor3A_1272 = arith.xori %iota3A, %xor3A_1271 : vector<16xi32>
      %broadcast_in_dim3A_1273 = vector.shape_cast %xor3A_1272 : vector<16xi32> to vector<16x1xi32>
      %gather3A_1274 = vector.shape_cast %broadcast_in_dim3A_1273 : vector<16x1xi32> to vector<16xi32>
      %gather3A_1275 = tpu.dynamic_gather %add3A_1269[%gather3A_1274] in [0] : vector<16xf32>, vector<16xi32> -> vector<16xf32>
      %add3A_1276 = arith.addf %add3A_1269, %gather3A_1275 : vector<16xf32>
      %xor3A_1277 = arith.constant 4 : i32
      %xor3A_1278 = vector.broadcast %xor3A_1277 : i32 to vector<16xi32>
      %xor3A_1279 = arith.xori %iota3A, %xor3A_1278 : vector<16xi32>
      %broadcast_in_dim3A_1280 = vector.shape_cast %xor3A_1279 : vector<16xi32> to vector<16x1xi32>
      %gather3A_1281 = vector.shape_cast %broadcast_in_dim3A_1280 : vector<16x1xi32> to vector<16xi32>
      %gather3A_1282 = tpu.dynamic_gather %add3A_1276[%gather3A_1281] in [0] : vector<16xf32>, vector<16xi32> -> vector<16xf32>
      %add3A_1283 = arith.addf %add3A_1276, %gather3A_1282 : vector<16xf32>
      %xor3A_1284 = arith.constant 8 : i32
      %xor3A_1285 = vector.broadcast %xor3A_1284 : i32 to vector<16xi32>
      %xor3A_1286 = arith.xori %iota3A, %xor3A_1285 : vector<16xi32>
      %broadcast_in_dim3A_1287 = vector.shape_cast %xor3A_1286 : vector<16xi32> to vector<16x1xi32>
      %gather3A_1288 = vector.shape_cast %broadcast_in_dim3A_1287 : vector<16x1xi32> to vector<16xi32>
      %gather3A_1289 = tpu.dynamic_gather %add3A_1283[%gather3A_1288] in [0] : vector<16xf32>, vector<16xi32> -> vector<16xf32>
      %add3A_1290 = arith.addf %add3A_1283, %gather3A_1289 : vector<16xf32>
      %eq3A_1291 = arith.constant 8 : i32
      %eq3A_1292 = vector.broadcast %eq3A_1291 : i32 to vector<16xi32>
      %eq3A_1293 = arith.cmpi eq, %iota3A, %eq3A_1292 : vector<16xi32>
      %select_n3A_1294 = arith.select %eq3A_1293, %add3A_1290, %select_n3A_1245 : vector<16xi1>, vector<16xf32>
      %mul3A_1295 = arith.constant 16 : i32
      %mul3A_1296 = arith.muli %scan3A_837, %mul3A_1295 : i32
      %add3A_1297 = arith.constant 9 : i32
      %add3A_1298 = arith.addi %mul3A_1296, %add3A_1297 : i32
      %slice3A_1299 = vector.extract_strided_slice %mul3A_849 {offsets = [9], sizes = [1], strides = [1]} : vector<16xi32> to vector<1xi32>
      %squeeze3A_1300 = vector.extract %slice3A_1299[0] : i32 from vector<1xi32>
      %get3A_1301 = arith.index_cast %add3A_1298 : i32 to index
      %get3A_1302 = arith.index_cast %squeeze3A_1300 : i32 to index
      %get3A_1303 = tpu.vector_load %arg15[%get3A_1301, %get3A_1302] {strides = array<i32>} : memref<128x128xf32, #tpu.memory_space<vmem>>, vector<1x16xf32>,
      %get3A_1304 = vector.shape_cast %get3A_1303 : vector<1x16xf32> to vector<16xf32>
      %slice3A_1305 = vector.extract_strided_slice %mul3A_858 {offsets = [9], sizes = [1], strides = [1]} : vector<16xi32> to vector<1xi32>
      %squeeze3A_1306 = vector.extract %slice3A_1305[0] : i32 from vector<1xi32>
      %get3A_1307 = arith.index_cast %add3A_1298 : i32 to index
      %get3A_1308 = arith.index_cast %squeeze3A_1306 : i32 to index
      %get3A_1309 = tpu.vector_load %arg16[%get3A_1307, %get3A_1308] {strides = array<i32>} : memref<128x128xf32, #tpu.memory_space<vmem>>, vector<1x16xf32>,
      %get3A_1310 = vector.shape_cast %get3A_1309 : vector<1x16xf32> to vector<16xf32>
      %mul3A_1311 = arith.mulf %get3A_1304, %get3A_1310 : vector<16xf32>
      %xor3A_1312 = arith.constant 1 : i32
      %xor3A_1313 = vector.broadcast %xor3A_1312 : i32 to vector<16xi32>
      %xor3A_1314 = arith.xori %iota3A, %xor3A_1313 : vector<16xi32>
      %broadcast_in_dim3A_1315 = vector.shape_cast %xor3A_1314 : vector<16xi32> to vector<16x1xi32>
      %gather3A_1316 = vector.shape_cast %broadcast_in_dim3A_1315 : vector<16x1xi32> to vector<16xi32>
      %gather3A_1317 = tpu.dynamic_gather %mul3A_1311[%gather3A_1316] in [0] : vector<16xf32>, vector<16xi32> -> vector<16xf32>
      %add3A_1318 = arith.addf %mul3A_1311, %gather3A_1317 : vector<16xf32>
      %xor3A_1319 = arith.constant 2 : i32
      %xor3A_1320 = vector.broadcast %xor3A_1319 : i32 to vector<16xi32>
      %xor3A_1321 = arith.xori %iota3A, %xor3A_1320 : vector<16xi32>
      %broadcast_in_dim3A_1322 = vector.shape_cast %xor3A_1321 : vector<16xi32> to vector<16x1xi32>
      %gather3A_1323 = vector.shape_cast %broadcast_in_dim3A_1322 : vector<16x1xi32> to vector<16xi32>
      %gather3A_1324 = tpu.dynamic_gather %add3A_1318[%gather3A_1323] in [0] : vector<16xf32>, vector<16xi32> -> vector<16xf32>
      %add3A_1325 = arith.addf %add3A_1318, %gather3A_1324 : vector<16xf32>
      %xor3A_1326 = arith.constant 4 : i32
      %xor3A_1327 = vector.broadcast %xor3A_1326 : i32 to vector<16xi32>
      %xor3A_1328 = arith.xori %iota3A, %xor3A_1327 : vector<16xi32>
      %broadcast_in_dim3A_1329 = vector.shape_cast %xor3A_1328 : vector<16xi32> to vector<16x1xi32>
      %gather3A_1330 = vector.shape_cast %broadcast_in_dim3A_1329 : vector<16x1xi32> to vector<16xi32>
      %gather3A_1331 = tpu.dynamic_gather %add3A_1325[%gather3A_1330] in [0] : vector<16xf32>, vector<16xi32> -> vector<16xf32>
      %add3A_1332 = arith.addf %add3A_1325, %gather3A_1331 : vector<16xf32>
      %xor3A_1333 = arith.constant 8 : i32
      %xor3A_1334 = vector.broadcast %xor3A_1333 : i32 to vector<16xi32>
      %xor3A_1335 = arith.xori %iota3A, %xor3A_1334 : vector<16xi32>
      %broadcast_in_dim3A_1336 = vector.shape_cast %xor3A_1335 : vector<16xi32> to vector<16x1xi32>
      %gather3A_1337 = vector.shape_cast %broadcast_in_dim3A_1336 : vector<16x1xi32> to vector<16xi32>
      %gather3A_1338 = tpu.dynamic_gather %add3A_1332[%gather3A_1337] in [0] : vector<16xf32>, vector<16xi32> -> vector<16xf32>
      %add3A_1339 = arith.addf %add3A_1332, %gather3A_1338 : vector<16xf32>
      %eq3A_1340 = arith.constant 9 : i32
      %eq3A_1341 = vector.broadcast %eq3A_1340 : i32 to vector<16xi32>
      %eq3A_1342 = arith.cmpi eq, %iota3A, %eq3A_1341 : vector<16xi32>
      %select_n3A_1343 = arith.select %eq3A_1342, %add3A_1339, %select_n3A_1294 : vector<16xi1>, vector<16xf32>
      %mul3A_1344 = arith.constant 16 : i32
      %mul3A_1345 = arith.muli %scan3A_837, %mul3A_1344 : i32
      %add3A_1346 = arith.constant 10 : i32
      %add3A_1347 = arith.addi %mul3A_1345, %add3A_1346 : i32
      %slice3A_1348 = vector.extract_strided_slice %mul3A_849 {offsets = [10], sizes = [1], strides = [1]} : vector<16xi32> to vector<1xi32>
      %squeeze3A_1349 = vector.extract %slice3A_1348[0] : i32 from vector<1xi32>
      %get3A_1350 = arith.index_cast %add3A_1347 : i32 to index
      %get3A_1351 = arith.index_cast %squeeze3A_1349 : i32 to index
      %get3A_1352 = tpu.vector_load %arg15[%get3A_1350, %get3A_1351] {strides = array<i32>} : memref<128x128xf32, #tpu.memory_space<vmem>>, vector<1x16xf32>,
      %get3A_1353 = vector.shape_cast %get3A_1352 : vector<1x16xf32> to vector<16xf32>
      %slice3A_1354 = vector.extract_strided_slice %mul3A_858 {offsets = [10], sizes = [1], strides = [1]} : vector<16xi32> to vector<1xi32>
      %squeeze3A_1355 = vector.extract %slice3A_1354[0] : i32 from vector<1xi32>
      %get3A_1356 = arith.index_cast %add3A_1347 : i32 to index
      %get3A_1357 = arith.index_cast %squeeze3A_1355 : i32 to index
      %get3A_1358 = tpu.vector_load %arg16[%get3A_1356, %get3A_1357] {strides = array<i32>} : memref<128x128xf32, #tpu.memory_space<vmem>>, vector<1x16xf32>,
      %get3A_1359 = vector.shape_cast %get3A_1358 : vector<1x16xf32> to vector<16xf32>
      %mul3A_1360 = arith.mulf %get3A_1353, %get3A_1359 : vector<16xf32>
      %xor3A_1361 = arith.constant 1 : i32
      %xor3A_1362 = vector.broadcast %xor3A_1361 : i32 to vector<16xi32>
      %xor3A_1363 = arith.xori %iota3A, %xor3A_1362 : vector<16xi32>
      %broadcast_in_dim3A_1364 = vector.shape_cast %xor3A_1363 : vector<16xi32> to vector<16x1xi32>
      %gather3A_1365 = vector.shape_cast %broadcast_in_dim3A_1364 : vector<16x1xi32> to vector<16xi32>
      %gather3A_1366 = tpu.dynamic_gather %mul3A_1360[%gather3A_1365] in [0] : vector<16xf32>, vector<16xi32> -> vector<16xf32>
      %add3A_1367 = arith.addf %mul3A_1360, %gather3A_1366 : vector<16xf32>
      %xor3A_1368 = arith.constant 2 : i32
      %xor3A_1369 = vector.broadcast %xor3A_1368 : i32 to vector<16xi32>
      %xor3A_1370 = arith.xori %iota3A, %xor3A_1369 : vector<16xi32>
      %broadcast_in_dim3A_1371 = vector.shape_cast %xor3A_1370 : vector<16xi32> to vector<16x1xi32>
      %gather3A_1372 = vector.shape_cast %broadcast_in_dim3A_1371 : vector<16x1xi32> to vector<16xi32>
      %gather3A_1373 = tpu.dynamic_gather %add3A_1367[%gather3A_1372] in [0] : vector<16xf32>, vector<16xi32> -> vector<16xf32>
      %add3A_1374 = arith.addf %add3A_1367, %gather3A_1373 : vector<16xf32>
      %xor3A_1375 = arith.constant 4 : i32
      %xor3A_1376 = vector.broadcast %xor3A_1375 : i32 to vector<16xi32>
      %xor3A_1377 = arith.xori %iota3A, %xor3A_1376 : vector<16xi32>
      %broadcast_in_dim3A_1378 = vector.shape_cast %xor3A_1377 : vector<16xi32> to vector<16x1xi32>
      %gather3A_1379 = vector.shape_cast %broadcast_in_dim3A_1378 : vector<16x1xi32> to vector<16xi32>
      %gather3A_1380 = tpu.dynamic_gather %add3A_1374[%gather3A_1379] in [0] : vector<16xf32>, vector<16xi32> -> vector<16xf32>
      %add3A_1381 = arith.addf %add3A_1374, %gather3A_1380 : vector<16xf32>
      %xor3A_1382 = arith.constant 8 : i32
      %xor3A_1383 = vector.broadcast %xor3A_1382 : i32 to vector<16xi32>
      %xor3A_1384 = arith.xori %iota3A, %xor3A_1383 : vector<16xi32>
      %broadcast_in_dim3A_1385 = vector.shape_cast %xor3A_1384 : vector<16xi32> to vector<16x1xi32>
      %gather3A_1386 = vector.shape_cast %broadcast_in_dim3A_1385 : vector<16x1xi32> to vector<16xi32>
      %gather3A_1387 = tpu.dynamic_gather %add3A_1381[%gather3A_1386] in [0] : vector<16xf32>, vector<16xi32> -> vector<16xf32>
      %add3A_1388 = arith.addf %add3A_1381, %gather3A_1387 : vector<16xf32>
      %eq3A_1389 = arith.constant 10 : i32
      %eq3A_1390 = vector.broadcast %eq3A_1389 : i32 to vector<16xi32>
      %eq3A_1391 = arith.cmpi eq, %iota3A, %eq3A_1390 : vector<16xi32>
      %select_n3A_1392 = arith.select %eq3A_1391, %add3A_1388, %select_n3A_1343 : vector<16xi1>, vector<16xf32>
      %mul3A_1393 = arith.constant 16 : i32
      %mul3A_1394 = arith.muli %scan3A_837, %mul3A_1393 : i32
      %add3A_1395 = arith.constant 11 : i32
      %add3A_1396 = arith.addi %mul3A_1394, %add3A_1395 : i32
      %slice3A_1397 = vector.extract_strided_slice %mul3A_849 {offsets = [11], sizes = [1], strides = [1]} : vector<16xi32> to vector<1xi32>
      %squeeze3A_1398 = vector.extract %slice3A_1397[0] : i32 from vector<1xi32>
      %get3A_1399 = arith.index_cast %add3A_1396 : i32 to index
      %get3A_1400 = arith.index_cast %squeeze3A_1398 : i32 to index
      %get3A_1401 = tpu.vector_load %arg15[%get3A_1399, %get3A_1400] {strides = array<i32>} : memref<128x128xf32, #tpu.memory_space<vmem>>, vector<1x16xf32>,
      %get3A_1402 = vector.shape_cast %get3A_1401 : vector<1x16xf32> to vector<16xf32>
      %slice3A_1403 = vector.extract_strided_slice %mul3A_858 {offsets = [11], sizes = [1], strides = [1]} : vector<16xi32> to vector<1xi32>
      %squeeze3A_1404 = vector.extract %slice3A_1403[0] : i32 from vector<1xi32>
      %get3A_1405 = arith.index_cast %add3A_1396 : i32 to index
      %get3A_1406 = arith.index_cast %squeeze3A_1404 : i32 to index
      %get3A_1407 = tpu.vector_load %arg16[%get3A_1405, %get3A_1406] {strides = array<i32>} : memref<128x128xf32, #tpu.memory_space<vmem>>, vector<1x16xf32>,
      %get3A_1408 = vector.shape_cast %get3A_1407 : vector<1x16xf32> to vector<16xf32>
      %mul3A_1409 = arith.mulf %get3A_1402, %get3A_1408 : vector<16xf32>
      %xor3A_1410 = arith.constant 1 : i32
      %xor3A_1411 = vector.broadcast %xor3A_1410 : i32 to vector<16xi32>
      %xor3A_1412 = arith.xori %iota3A, %xor3A_1411 : vector<16xi32>
      %broadcast_in_dim3A_1413 = vector.shape_cast %xor3A_1412 : vector<16xi32> to vector<16x1xi32>
      %gather3A_1414 = vector.shape_cast %broadcast_in_dim3A_1413 : vector<16x1xi32> to vector<16xi32>
      %gather3A_1415 = tpu.dynamic_gather %mul3A_1409[%gather3A_1414] in [0] : vector<16xf32>, vector<16xi32> -> vector<16xf32>
      %add3A_1416 = arith.addf %mul3A_1409, %gather3A_1415 : vector<16xf32>
      %xor3A_1417 = arith.constant 2 : i32
      %xor3A_1418 = vector.broadcast %xor3A_1417 : i32 to vector<16xi32>
      %xor3A_1419 = arith.xori %iota3A, %xor3A_1418 : vector<16xi32>
      %broadcast_in_dim3A_1420 = vector.shape_cast %xor3A_1419 : vector<16xi32> to vector<16x1xi32>
      %gather3A_1421 = vector.shape_cast %broadcast_in_dim3A_1420 : vector<16x1xi32> to vector<16xi32>
      %gather3A_1422 = tpu.dynamic_gather %add3A_1416[%gather3A_1421] in [0] : vector<16xf32>, vector<16xi32> -> vector<16xf32>
      %add3A_1423 = arith.addf %add3A_1416, %gather3A_1422 : vector<16xf32>
      %xor3A_1424 = arith.constant 4 : i32
      %xor3A_1425 = vector.broadcast %xor3A_1424 : i32 to vector<16xi32>
      %xor3A_1426 = arith.xori %iota3A, %xor3A_1425 : vector<16xi32>
      %broadcast_in_dim3A_1427 = vector.shape_cast %xor3A_1426 : vector<16xi32> to vector<16x1xi32>
      %gather3A_1428 = vector.shape_cast %broadcast_in_dim3A_1427 : vector<16x1xi32> to vector<16xi32>
      %gather3A_1429 = tpu.dynamic_gather %add3A_1423[%gather3A_1428] in [0] : vector<16xf32>, vector<16xi32> -> vector<16xf32>
      %add3A_1430 = arith.addf %add3A_1423, %gather3A_1429 : vector<16xf32>
      %xor3A_1431 = arith.constant 8 : i32
      %xor3A_1432 = vector.broadcast %xor3A_1431 : i32 to vector<16xi32>
      %xor3A_1433 = arith.xori %iota3A, %xor3A_1432 : vector<16xi32>
      %broadcast_in_dim3A_1434 = vector.shape_cast %xor3A_1433 : vector<16xi32> to vector<16x1xi32>
      %gather3A_1435 = vector.shape_cast %broadcast_in_dim3A_1434 : vector<16x1xi32> to vector<16xi32>
      %gather3A_1436 = tpu.dynamic_gather %add3A_1430[%gather3A_1435] in [0] : vector<16xf32>, vector<16xi32> -> vector<16xf32>
      %add3A_1437 = arith.addf %add3A_1430, %gather3A_1436 : vector<16xf32>
      %eq3A_1438 = arith.constant 11 : i32
      %eq3A_1439 = vector.broadcast %eq3A_1438 : i32 to vector<16xi32>
      %eq3A_1440 = arith.cmpi eq, %iota3A, %eq3A_1439 : vector<16xi32>
      %select_n3A_1441 = arith.select %eq3A_1440, %add3A_1437, %select_n3A_1392 : vector<16xi1>, vector<16xf32>
      %mul3A_1442 = arith.constant 16 : i32
      %mul3A_1443 = arith.muli %scan3A_837, %mul3A_1442 : i32
      %add3A_1444 = arith.constant 12 : i32
      %add3A_1445 = arith.addi %mul3A_1443, %add3A_1444 : i32
      %slice3A_1446 = vector.extract_strided_slice %mul3A_849 {offsets = [12], sizes = [1], strides = [1]} : vector<16xi32> to vector<1xi32>
      %squeeze3A_1447 = vector.extract %slice3A_1446[0] : i32 from vector<1xi32>
      %get3A_1448 = arith.index_cast %add3A_1445 : i32 to index
      %get3A_1449 = arith.index_cast %squeeze3A_1447 : i32 to index
      %get3A_1450 = tpu.vector_load %arg15[%get3A_1448, %get3A_1449] {strides = array<i32>} : memref<128x128xf32, #tpu.memory_space<vmem>>, vector<1x16xf32>,
      %get3A_1451 = vector.shape_cast %get3A_1450 : vector<1x16xf32> to vector<16xf32>
      %slice3A_1452 = vector.extract_strided_slice %mul3A_858 {offsets = [12], sizes = [1], strides = [1]} : vector<16xi32> to vector<1xi32>
      %squeeze3A_1453 = vector.extract %slice3A_1452[0] : i32 from vector<1xi32>
      %get3A_1454 = arith.index_cast %add3A_1445 : i32 to index
      %get3A_1455 = arith.index_cast %squeeze3A_1453 : i32 to index
      %get3A_1456 = tpu.vector_load %arg16[%get3A_1454, %get3A_1455] {strides = array<i32>} : memref<128x128xf32, #tpu.memory_space<vmem>>, vector<1x16xf32>,
      %get3A_1457 = vector.shape_cast %get3A_1456 : vector<1x16xf32> to vector<16xf32>
      %mul3A_1458 = arith.mulf %get3A_1451, %get3A_1457 : vector<16xf32>
      %xor3A_1459 = arith.constant 1 : i32
      %xor3A_1460 = vector.broadcast %xor3A_1459 : i32 to vector<16xi32>
      %xor3A_1461 = arith.xori %iota3A, %xor3A_1460 : vector<16xi32>
      %broadcast_in_dim3A_1462 = vector.shape_cast %xor3A_1461 : vector<16xi32> to vector<16x1xi32>
      %gather3A_1463 = vector.shape_cast %broadcast_in_dim3A_1462 : vector<16x1xi32> to vector<16xi32>
      %gather3A_1464 = tpu.dynamic_gather %mul3A_1458[%gather3A_1463] in [0] : vector<16xf32>, vector<16xi32> -> vector<16xf32>
      %add3A_1465 = arith.addf %mul3A_1458, %gather3A_1464 : vector<16xf32>
      %xor3A_1466 = arith.constant 2 : i32
      %xor3A_1467 = vector.broadcast %xor3A_1466 : i32 to vector<16xi32>
      %xor3A_1468 = arith.xori %iota3A, %xor3A_1467 : vector<16xi32>
      %broadcast_in_dim3A_1469 = vector.shape_cast %xor3A_1468 : vector<16xi32> to vector<16x1xi32>
      %gather3A_1470 = vector.shape_cast %broadcast_in_dim3A_1469 : vector<16x1xi32> to vector<16xi32>
      %gather3A_1471 = tpu.dynamic_gather %add3A_1465[%gather3A_1470] in [0] : vector<16xf32>, vector<16xi32> -> vector<16xf32>
      %add3A_1472 = arith.addf %add3A_1465, %gather3A_1471 : vector<16xf32>
      %xor3A_1473 = arith.constant 4 : i32
      %xor3A_1474 = vector.broadcast %xor3A_1473 : i32 to vector<16xi32>
      %xor3A_1475 = arith.xori %iota3A, %xor3A_1474 : vector<16xi32>
      %broadcast_in_dim3A_1476 = vector.shape_cast %xor3A_1475 : vector<16xi32> to vector<16x1xi32>
      %gather3A_1477 = vector.shape_cast %broadcast_in_dim3A_1476 : vector<16x1xi32> to vector<16xi32>
      %gather3A_1478 = tpu.dynamic_gather %add3A_1472[%gather3A_1477] in [0] : vector<16xf32>, vector<16xi32> -> vector<16xf32>
      %add3A_1479 = arith.addf %add3A_1472, %gather3A_1478 : vector<16xf32>
      %xor3A_1480 = arith.constant 8 : i32
      %xor3A_1481 = vector.broadcast %xor3A_1480 : i32 to vector<16xi32>
      %xor3A_1482 = arith.xori %iota3A, %xor3A_1481 : vector<16xi32>
      %broadcast_in_dim3A_1483 = vector.shape_cast %xor3A_1482 : vector<16xi32> to vector<16x1xi32>
      %gather3A_1484 = vector.shape_cast %broadcast_in_dim3A_1483 : vector<16x1xi32> to vector<16xi32>
      %gather3A_1485 = tpu.dynamic_gather %add3A_1479[%gather3A_1484] in [0] : vector<16xf32>, vector<16xi32> -> vector<16xf32>
      %add3A_1486 = arith.addf %add3A_1479, %gather3A_1485 : vector<16xf32>
      %eq3A_1487 = arith.constant 12 : i32
      %eq3A_1488 = vector.broadcast %eq3A_1487 : i32 to vector<16xi32>
      %eq3A_1489 = arith.cmpi eq, %iota3A, %eq3A_1488 : vector<16xi32>
      %select_n3A_1490 = arith.select %eq3A_1489, %add3A_1486, %select_n3A_1441 : vector<16xi1>, vector<16xf32>
      %mul3A_1491 = arith.constant 16 : i32
      %mul3A_1492 = arith.muli %scan3A_837, %mul3A_1491 : i32
      %add3A_1493 = arith.constant 13 : i32
      %add3A_1494 = arith.addi %mul3A_1492, %add3A_1493 : i32
      %slice3A_1495 = vector.extract_strided_slice %mul3A_849 {offsets = [13], sizes = [1], strides = [1]} : vector<16xi32> to vector<1xi32>
      %squeeze3A_1496 = vector.extract %slice3A_1495[0] : i32 from vector<1xi32>
      %get3A_1497 = arith.index_cast %add3A_1494 : i32 to index
      %get3A_1498 = arith.index_cast %squeeze3A_1496 : i32 to index
      %get3A_1499 = tpu.vector_load %arg15[%get3A_1497, %get3A_1498] {strides = array<i32>} : memref<128x128xf32, #tpu.memory_space<vmem>>, vector<1x16xf32>,
      %get3A_1500 = vector.shape_cast %get3A_1499 : vector<1x16xf32> to vector<16xf32>
      %slice3A_1501 = vector.extract_strided_slice %mul3A_858 {offsets = [13], sizes = [1], strides = [1]} : vector<16xi32> to vector<1xi32>
      %squeeze3A_1502 = vector.extract %slice3A_1501[0] : i32 from vector<1xi32>
      %get3A_1503 = arith.index_cast %add3A_1494 : i32 to index
      %get3A_1504 = arith.index_cast %squeeze3A_1502 : i32 to index
      %get3A_1505 = tpu.vector_load %arg16[%get3A_1503, %get3A_1504] {strides = array<i32>} : memref<128x128xf32, #tpu.memory_space<vmem>>, vector<1x16xf32>,
      %get3A_1506 = vector.shape_cast %get3A_1505 : vector<1x16xf32> to vector<16xf32>
      %mul3A_1507 = arith.mulf %get3A_1500, %get3A_1506 : vector<16xf32>
      %xor3A_1508 = arith.constant 1 : i32
      %xor3A_1509 = vector.broadcast %xor3A_1508 : i32 to vector<16xi32>
      %xor3A_1510 = arith.xori %iota3A, %xor3A_1509 : vector<16xi32>
      %broadcast_in_dim3A_1511 = vector.shape_cast %xor3A_1510 : vector<16xi32> to vector<16x1xi32>
      %gather3A_1512 = vector.shape_cast %broadcast_in_dim3A_1511 : vector<16x1xi32> to vector<16xi32>
      %gather3A_1513 = tpu.dynamic_gather %mul3A_1507[%gather3A_1512] in [0] : vector<16xf32>, vector<16xi32> -> vector<16xf32>
      %add3A_1514 = arith.addf %mul3A_1507, %gather3A_1513 : vector<16xf32>
      %xor3A_1515 = arith.constant 2 : i32
      %xor3A_1516 = vector.broadcast %xor3A_1515 : i32 to vector<16xi32>
      %xor3A_1517 = arith.xori %iota3A, %xor3A_1516 : vector<16xi32>
      %broadcast_in_dim3A_1518 = vector.shape_cast %xor3A_1517 : vector<16xi32> to vector<16x1xi32>
      %gather3A_1519 = vector.shape_cast %broadcast_in_dim3A_1518 : vector<16x1xi32> to vector<16xi32>
      %gather3A_1520 = tpu.dynamic_gather %add3A_1514[%gather3A_1519] in [0] : vector<16xf32>, vector<16xi32> -> vector<16xf32>
      %add3A_1521 = arith.addf %add3A_1514, %gather3A_1520 : vector<16xf32>
      %xor3A_1522 = arith.constant 4 : i32
      %xor3A_1523 = vector.broadcast %xor3A_1522 : i32 to vector<16xi32>
      %xor3A_1524 = arith.xori %iota3A, %xor3A_1523 : vector<16xi32>
      %broadcast_in_dim3A_1525 = vector.shape_cast %xor3A_1524 : vector<16xi32> to vector<16x1xi32>
      %gather3A_1526 = vector.shape_cast %broadcast_in_dim3A_1525 : vector<16x1xi32> to vector<16xi32>
      %gather3A_1527 = tpu.dynamic_gather %add3A_1521[%gather3A_1526] in [0] : vector<16xf32>, vector<16xi32> -> vector<16xf32>
      %add3A_1528 = arith.addf %add3A_1521, %gather3A_1527 : vector<16xf32>
      %xor3A_1529 = arith.constant 8 : i32
      %xor3A_1530 = vector.broadcast %xor3A_1529 : i32 to vector<16xi32>
      %xor3A_1531 = arith.xori %iota3A, %xor3A_1530 : vector<16xi32>
      %broadcast_in_dim3A_1532 = vector.shape_cast %xor3A_1531 : vector<16xi32> to vector<16x1xi32>
      %gather3A_1533 = vector.shape_cast %broadcast_in_dim3A_1532 : vector<16x1xi32> to vector<16xi32>
      %gather3A_1534 = tpu.dynamic_gather %add3A_1528[%gather3A_1533] in [0] : vector<16xf32>, vector<16xi32> -> vector<16xf32>
      %add3A_1535 = arith.addf %add3A_1528, %gather3A_1534 : vector<16xf32>
      %eq3A_1536 = arith.constant 13 : i32
      %eq3A_1537 = vector.broadcast %eq3A_1536 : i32 to vector<16xi32>
      %eq3A_1538 = arith.cmpi eq, %iota3A, %eq3A_1537 : vector<16xi32>
      %select_n3A_1539 = arith.select %eq3A_1538, %add3A_1535, %select_n3A_1490 : vector<16xi1>, vector<16xf32>
      %mul3A_1540 = arith.constant 16 : i32
      %mul3A_1541 = arith.muli %scan3A_837, %mul3A_1540 : i32
      %add3A_1542 = arith.constant 14 : i32
      %add3A_1543 = arith.addi %mul3A_1541, %add3A_1542 : i32
      %slice3A_1544 = vector.extract_strided_slice %mul3A_849 {offsets = [14], sizes = [1], strides = [1]} : vector<16xi32> to vector<1xi32>
      %squeeze3A_1545 = vector.extract %slice3A_1544[0] : i32 from vector<1xi32>
      %get3A_1546 = arith.index_cast %add3A_1543 : i32 to index
      %get3A_1547 = arith.index_cast %squeeze3A_1545 : i32 to index
      %get3A_1548 = tpu.vector_load %arg15[%get3A_1546, %get3A_1547] {strides = array<i32>} : memref<128x128xf32, #tpu.memory_space<vmem>>, vector<1x16xf32>,
      %get3A_1549 = vector.shape_cast %get3A_1548 : vector<1x16xf32> to vector<16xf32>
      %slice3A_1550 = vector.extract_strided_slice %mul3A_858 {offsets = [14], sizes = [1], strides = [1]} : vector<16xi32> to vector<1xi32>
      %squeeze3A_1551 = vector.extract %slice3A_1550[0] : i32 from vector<1xi32>
      %get3A_1552 = arith.index_cast %add3A_1543 : i32 to index
      %get3A_1553 = arith.index_cast %squeeze3A_1551 : i32 to index
      %get3A_1554 = tpu.vector_load %arg16[%get3A_1552, %get3A_1553] {strides = array<i32>} : memref<128x128xf32, #tpu.memory_space<vmem>>, vector<1x16xf32>,
      %get3A_1555 = vector.shape_cast %get3A_1554 : vector<1x16xf32> to vector<16xf32>
      %mul3A_1556 = arith.mulf %get3A_1549, %get3A_1555 : vector<16xf32>
      %xor3A_1557 = arith.constant 1 : i32
      %xor3A_1558 = vector.broadcast %xor3A_1557 : i32 to vector<16xi32>
      %xor3A_1559 = arith.xori %iota3A, %xor3A_1558 : vector<16xi32>
      %broadcast_in_dim3A_1560 = vector.shape_cast %xor3A_1559 : vector<16xi32> to vector<16x1xi32>
      %gather3A_1561 = vector.shape_cast %broadcast_in_dim3A_1560 : vector<16x1xi32> to vector<16xi32>
      %gather3A_1562 = tpu.dynamic_gather %mul3A_1556[%gather3A_1561] in [0] : vector<16xf32>, vector<16xi32> -> vector<16xf32>
      %add3A_1563 = arith.addf %mul3A_1556, %gather3A_1562 : vector<16xf32>
      %xor3A_1564 = arith.constant 2 : i32
      %xor3A_1565 = vector.broadcast %xor3A_1564 : i32 to vector<16xi32>
      %xor3A_1566 = arith.xori %iota3A, %xor3A_1565 : vector<16xi32>
      %broadcast_in_dim3A_1567 = vector.shape_cast %xor3A_1566 : vector<16xi32> to vector<16x1xi32>
      %gather3A_1568 = vector.shape_cast %broadcast_in_dim3A_1567 : vector<16x1xi32> to vector<16xi32>
      %gather3A_1569 = tpu.dynamic_gather %add3A_1563[%gather3A_1568] in [0] : vector<16xf32>, vector<16xi32> -> vector<16xf32>
      %add3A_1570 = arith.addf %add3A_1563, %gather3A_1569 : vector<16xf32>
      %xor3A_1571 = arith.constant 4 : i32
      %xor3A_1572 = vector.broadcast %xor3A_1571 : i32 to vector<16xi32>
      %xor3A_1573 = arith.xori %iota3A, %xor3A_1572 : vector<16xi32>
      %broadcast_in_dim3A_1574 = vector.shape_cast %xor3A_1573 : vector<16xi32> to vector<16x1xi32>
      %gather3A_1575 = vector.shape_cast %broadcast_in_dim3A_1574 : vector<16x1xi32> to vector<16xi32>
      %gather3A_1576 = tpu.dynamic_gather %add3A_1570[%gather3A_1575] in [0] : vector<16xf32>, vector<16xi32> -> vector<16xf32>
      %add3A_1577 = arith.addf %add3A_1570, %gather3A_1576 : vector<16xf32>
      %xor3A_1578 = arith.constant 8 : i32
      %xor3A_1579 = vector.broadcast %xor3A_1578 : i32 to vector<16xi32>
      %xor3A_1580 = arith.xori %iota3A, %xor3A_1579 : vector<16xi32>
      %broadcast_in_dim3A_1581 = vector.shape_cast %xor3A_1580 : vector<16xi32> to vector<16x1xi32>
      %gather3A_1582 = vector.shape_cast %broadcast_in_dim3A_1581 : vector<16x1xi32> to vector<16xi32>
      %gather3A_1583 = tpu.dynamic_gather %add3A_1577[%gather3A_1582] in [0] : vector<16xf32>, vector<16xi32> -> vector<16xf32>
      %add3A_1584 = arith.addf %add3A_1577, %gather3A_1583 : vector<16xf32>
      %eq3A_1585 = arith.constant 14 : i32
      %eq3A_1586 = vector.broadcast %eq3A_1585 : i32 to vector<16xi32>
      %eq3A_1587 = arith.cmpi eq, %iota3A, %eq3A_1586 : vector<16xi32>
      %select_n3A_1588 = arith.select %eq3A_1587, %add3A_1584, %select_n3A_1539 : vector<16xi1>, vector<16xf32>
      %mul3A_1589 = arith.constant 16 : i32
      %mul3A_1590 = arith.muli %scan3A_837, %mul3A_1589 : i32
      %add3A_1591 = arith.constant 15 : i32
      %add3A_1592 = arith.addi %mul3A_1590, %add3A_1591 : i32
      %slice3A_1593 = vector.extract_strided_slice %mul3A_849 {offsets = [15], sizes = [1], strides = [1]} : vector<16xi32> to vector<1xi32>
      %squeeze3A_1594 = vector.extract %slice3A_1593[0] : i32 from vector<1xi32>
      %get3A_1595 = arith.index_cast %add3A_1592 : i32 to index
      %get3A_1596 = arith.index_cast %squeeze3A_1594 : i32 to index
      %get3A_1597 = tpu.vector_load %arg15[%get3A_1595, %get3A_1596] {strides = array<i32>} : memref<128x128xf32, #tpu.memory_space<vmem>>, vector<1x16xf32>,
      %get3A_1598 = vector.shape_cast %get3A_1597 : vector<1x16xf32> to vector<16xf32>
      %slice3A_1599 = vector.extract_strided_slice %mul3A_858 {offsets = [15], sizes = [1], strides = [1]} : vector<16xi32> to vector<1xi32>
      %squeeze3A_1600 = vector.extract %slice3A_1599[0] : i32 from vector<1xi32>
      %get3A_1601 = arith.index_cast %add3A_1592 : i32 to index
      %get3A_1602 = arith.index_cast %squeeze3A_1600 : i32 to index
      %get3A_1603 = tpu.vector_load %arg16[%get3A_1601, %get3A_1602] {strides = array<i32>} : memref<128x128xf32, #tpu.memory_space<vmem>>, vector<1x16xf32>,
      %get3A_1604 = vector.shape_cast %get3A_1603 : vector<1x16xf32> to vector<16xf32>
      %mul3A_1605 = arith.mulf %get3A_1598, %get3A_1604 : vector<16xf32>
      %xor3A_1606 = arith.constant 1 : i32
      %xor3A_1607 = vector.broadcast %xor3A_1606 : i32 to vector<16xi32>
      %xor3A_1608 = arith.xori %iota3A, %xor3A_1607 : vector<16xi32>
      %broadcast_in_dim3A_1609 = vector.shape_cast %xor3A_1608 : vector<16xi32> to vector<16x1xi32>
      %gather3A_1610 = vector.shape_cast %broadcast_in_dim3A_1609 : vector<16x1xi32> to vector<16xi32>
      %gather3A_1611 = tpu.dynamic_gather %mul3A_1605[%gather3A_1610] in [0] : vector<16xf32>, vector<16xi32> -> vector<16xf32>
      %add3A_1612 = arith.addf %mul3A_1605, %gather3A_1611 : vector<16xf32>
      %xor3A_1613 = arith.constant 2 : i32
      %xor3A_1614 = vector.broadcast %xor3A_1613 : i32 to vector<16xi32>
      %xor3A_1615 = arith.xori %iota3A, %xor3A_1614 : vector<16xi32>
      %broadcast_in_dim3A_1616 = vector.shape_cast %xor3A_1615 : vector<16xi32> to vector<16x1xi32>
      %gather3A_1617 = vector.shape_cast %broadcast_in_dim3A_1616 : vector<16x1xi32> to vector<16xi32>
      %gather3A_1618 = tpu.dynamic_gather %add3A_1612[%gather3A_1617] in [0] : vector<16xf32>, vector<16xi32> -> vector<16xf32>
      %add3A_1619 = arith.addf %add3A_1612, %gather3A_1618 : vector<16xf32>
      %xor3A_1620 = arith.constant 4 : i32
      %xor3A_1621 = vector.broadcast %xor3A_1620 : i32 to vector<16xi32>
      %xor3A_1622 = arith.xori %iota3A, %xor3A_1621 : vector<16xi32>
      %broadcast_in_dim3A_1623 = vector.shape_cast %xor3A_1622 : vector<16xi32> to vector<16x1xi32>
      %gather3A_1624 = vector.shape_cast %broadcast_in_dim3A_1623 : vector<16x1xi32> to vector<16xi32>
      %gather3A_1625 = tpu.dynamic_gather %add3A_1619[%gather3A_1624] in [0] : vector<16xf32>, vector<16xi32> -> vector<16xf32>
      %add3A_1626 = arith.addf %add3A_1619, %gather3A_1625 : vector<16xf32>
      %xor3A_1627 = arith.constant 8 : i32
      %xor3A_1628 = vector.broadcast %xor3A_1627 : i32 to vector<16xi32>
      %xor3A_1629 = arith.xori %iota3A, %xor3A_1628 : vector<16xi32>
      %broadcast_in_dim3A_1630 = vector.shape_cast %xor3A_1629 : vector<16xi32> to vector<16x1xi32>
      %gather3A_1631 = vector.shape_cast %broadcast_in_dim3A_1630 : vector<16x1xi32> to vector<16xi32>
      %gather3A_1632 = tpu.dynamic_gather %add3A_1626[%gather3A_1631] in [0] : vector<16xf32>, vector<16xi32> -> vector<16xf32>
      %add3A_1633 = arith.addf %add3A_1626, %gather3A_1632 : vector<16xf32>
      %eq3A_1634 = arith.constant 15 : i32
      %eq3A_1635 = vector.broadcast %eq3A_1634 : i32 to vector<16xi32>
      %eq3A_1636 = arith.cmpi eq, %iota3A, %eq3A_1635 : vector<16xi32>
      %select_n3A_1637 = arith.select %eq3A_1636, %add3A_1633, %select_n3A_1588 : vector<16xi1>, vector<16xf32>
      %get3A_1638 = arith.index_cast %add3A_841 : i32 to index
      %get3A_1639 = tpu.vector_load %arg17[%get3A_1638] {strides = array<i32>} : memref<512xf32, #tpu.memory_space<vmem>>, vector<16xf32>,
      %get3A_1640 = vector.shape_cast %get3A_1639 : vector<16xf32> to vector<16xf32>
      %add3A_1641 = arith.addf %select_n3A_1637, %get3A_1640 : vector<16xf32>
      %get3A_1642 = arith.index_cast %add3A_841 : i32 to index
      %get3A_1643 = tpu.vector_load %arg18[%get3A_1642] {strides = array<i32>} : memref<512xf32, #tpu.memory_space<vmem>>, vector<16xf32>,
      %get3A_1644 = vector.shape_cast %get3A_1643 : vector<16xf32> to vector<16xf32>
      %add3A_1645 = arith.addf %add3A_1641, %get3A_1644 : vector<16xf32>
      %swap3A_1646 = arith.index_cast %add3A_841 : i32 to index
      %swap3A_1647 = tpu.vector_load %arg19[%swap3A_1646] {strides = array<i32>} : memref<512xf32, #tpu.memory_space<vmem>>, vector<16xf32>,
      %swap3A_1648 = vector.shape_cast %swap3A_1647 : vector<16xf32> to vector<16xf32>
      %swap3A_1649 = vector.shape_cast %add3A_1645 : vector<16xf32> to vector<16xf32>
      tpu.vector_store %arg19[%swap3A_1646], %swap3A_1649 {strides = array<i32>} : memref<512xf32, #tpu.memory_space<vmem>>, vector<16xf32>,
    }
    %scan3A_794 = arith.constant 8 : i32
    %dma_start3A_795 = arith.constant 384 : i32
    %dma_start3A_796 = tpu.memref_slice %arg11[%dma_start3A_795] : memref<512xi32, #tpu.memory_space<vmem>> -> memref<128xi32, #tpu.memory_space<vmem>>
    %dma_start3A_797 = arith.constant 0 : i32
    %dma_start3A_798 = arith.constant 0 : i32
    %dma_start3A_799 = tpu.memref_slice %arg6[%dma_start3A_797, %dma_start3A_798] : memref<125000x128xf32, #tpu.memory_space<hbm>> -> memref<125000x128xf32, #tpu.memory_space<hbm>>
    tpu.enqueue_indirect_dma source(%dma_start3A_799 : memref<125000x128xf32, #tpu.memory_space<hbm>>) target(%arg15 : memref<128x128xf32, #tpu.memory_space<vmem>>) offsets(%dma_start3A_796 : memref<128xi32, #tpu.memory_space<vmem>>) semaphore(%arg21 : memref<!tpu.dma_semaphore, #tpu.memory_space<semaphore_mem>>)
    %dma_start3A_800 = arith.constant 384 : i32
    %dma_start3A_801 = tpu.memref_slice %arg12[%dma_start3A_800] : memref<512xi32, #tpu.memory_space<vmem>> -> memref<128xi32, #tpu.memory_space<vmem>>
    %dma_start3A_802 = arith.constant 0 : i32
    %dma_start3A_803 = arith.constant 0 : i32
    %dma_start3A_804 = tpu.memref_slice %arg7[%dma_start3A_802, %dma_start3A_803] : memref<125000x128xf32, #tpu.memory_space<hbm>> -> memref<125000x128xf32, #tpu.memory_space<hbm>>
    tpu.enqueue_indirect_dma source(%dma_start3A_804 : memref<125000x128xf32, #tpu.memory_space<hbm>>) target(%arg16 : memref<128x128xf32, #tpu.memory_space<vmem>>) offsets(%dma_start3A_801 : memref<128xi32, #tpu.memory_space<vmem>>) semaphore(%arg21 : memref<!tpu.dma_semaphore, #tpu.memory_space<semaphore_mem>>)
    %dma_wait3A_805 = arith.constant 256 : i32
    %dma_wait3A_806 = tpu.memref_slice %arg11[%dma_wait3A_805] : memref<512xi32, #tpu.memory_space<vmem>> -> memref<128xi32, #tpu.memory_space<vmem>>
    %dma_wait3A_807 = arith.constant 0 : i32
    %dma_wait3A_808 = arith.constant 0 : i32
    %dma_wait3A_809 = tpu.memref_slice %arg6[%dma_wait3A_807, %dma_wait3A_808] : memref<125000x128xf32, #tpu.memory_space<hbm>> -> memref<125000x128xf32, #tpu.memory_space<hbm>>
    tpu.wait_indirect_dma semaphore(%arg20 : memref<!tpu.dma_semaphore, #tpu.memory_space<semaphore_mem>>) src(%dma_wait3A_809 : memref<125000x128xf32, #tpu.memory_space<hbm>>) dst(%arg13 : memref<128x128xf32, #tpu.memory_space<vmem>>)
    %dma_wait3A_810 = arith.constant 256 : i32
    %dma_wait3A_811 = tpu.memref_slice %arg12[%dma_wait3A_810] : memref<512xi32, #tpu.memory_space<vmem>> -> memref<128xi32, #tpu.memory_space<vmem>>
    %dma_wait3A_812 = arith.constant 0 : i32
    %dma_wait3A_813 = arith.constant 0 : i32
    %dma_wait3A_814 = tpu.memref_slice %arg7[%dma_wait3A_812, %dma_wait3A_813] : memref<125000x128xf32, #tpu.memory_space<hbm>> -> memref<125000x128xf32, #tpu.memory_space<hbm>>
    tpu.wait_indirect_dma semaphore(%arg20 : memref<!tpu.dma_semaphore, #tpu.memory_space<semaphore_mem>>) src(%dma_wait3A_814 : memref<125000x128xf32, #tpu.memory_space<hbm>>) dst(%arg14 : memref<128x128xf32, #tpu.memory_space<vmem>>)
    %scan3A_815 = arith.constant 0 : i32
    %scan3A_816 = arith.constant 0 : i32
    %scan3A_817 = arith.constant 8 : i32
    %scan3A_818 = arith.addi %scan3A_816, %scan3A_817 : i32
    %scan3A_819 = arith.constant 1 : i32
    scf.for %scan3A_837 = %scan3A_816 to %scan3A_818 step %scan3A_819  : i32 {
      %mul3A_838 = arith.constant 16 : i32
      %mul3A_839 = arith.muli %scan3A_837, %mul3A_838 : i32
      %add3A_840 = arith.constant 256 : i32
      %add3A_841 = arith.addi %add3A_840, %mul3A_839 : i32
      %get3A_842 = arith.index_cast %add3A_841 : i32 to index
      %get3A_843 = tpu.vector_load %arg9[%get3A_842] {strides = array<i32>} : memref<512xi32, #tpu.memory_space<vmem>>, vector<16xi32>,
      %get3A_844 = vector.shape_cast %get3A_843 : vector<16xi32> to vector<16xi32>
      %and3A = arith.constant 7 : i32
      %and3A_845 = vector.broadcast %and3A : i32 to vector<16xi32>
      %and3A_846 = arith.andi %get3A_844, %and3A_845 : vector<16xi32>
      %mul3A_847 = arith.constant 16 : i32
      %mul3A_848 = vector.broadcast %mul3A_847 : i32 to vector<16xi32>
      %mul3A_849 = arith.muli %and3A_846, %mul3A_848 : vector<16xi32>
      %get3A_850 = arith.index_cast %add3A_841 : i32 to index
      %get3A_851 = tpu.vector_load %arg10[%get3A_850] {strides = array<i32>} : memref<512xi32, #tpu.memory_space<vmem>>, vector<16xi32>,
      %get3A_852 = vector.shape_cast %get3A_851 : vector<16xi32> to vector<16xi32>
      %and3A_853 = arith.constant 7 : i32
      %and3A_854 = vector.broadcast %and3A_853 : i32 to vector<16xi32>
      %and3A_855 = arith.andi %get3A_852, %and3A_854 : vector<16xi32>
      %mul3A_856 = arith.constant 16 : i32
      %mul3A_857 = vector.broadcast %mul3A_856 : i32 to vector<16xi32>
      %mul3A_858 = arith.muli %and3A_855, %mul3A_857 : vector<16xi32>
      %broadcast_in_dim3A = arith.constant 0.000000e+00 : f32
      %broadcast_in_dim3A_859 = vector.broadcast %broadcast_in_dim3A : f32 to vector<16xf32>
      %mul3A_860 = arith.constant 16 : i32
      %mul3A_861 = arith.muli %scan3A_837, %mul3A_860 : i32
      %add3A_862 = arith.constant 0 : i32
      %add3A_863 = arith.addi %mul3A_861, %add3A_862 : i32
      %slice3A = vector.extract_strided_slice %mul3A_849 {offsets = [0], sizes = [1], strides = [1]} : vector<16xi32> to vector<1xi32>
      %squeeze3A = vector.extract %slice3A[0] : i32 from vector<1xi32>
      %get3A_864 = arith.index_cast %add3A_863 : i32 to index
      %get3A_865 = arith.index_cast %squeeze3A : i32 to index
      %get3A_866 = tpu.vector_load %arg13[%get3A_864, %get3A_865] {strides = array<i32>} : memref<128x128xf32, #tpu.memory_space<vmem>>, vector<1x16xf32>,
      %get3A_867 = vector.shape_cast %get3A_866 : vector<1x16xf32> to vector<16xf32>
      %slice3A_868 = vector.extract_strided_slice %mul3A_858 {offsets = [0], sizes = [1], strides = [1]} : vector<16xi32> to vector<1xi32>
      %squeeze3A_869 = vector.extract %slice3A_868[0] : i32 from vector<1xi32>
      %get3A_870 = arith.index_cast %add3A_863 : i32 to index
      %get3A_871 = arith.index_cast %squeeze3A_869 : i32 to index
      %get3A_872 = tpu.vector_load %arg14[%get3A_870, %get3A_871] {strides = array<i32>} : memref<128x128xf32, #tpu.memory_space<vmem>>, vector<1x16xf32>,
      %get3A_873 = vector.shape_cast %get3A_872 : vector<1x16xf32> to vector<16xf32>
      %mul3A_874 = arith.mulf %get3A_867, %get3A_873 : vector<16xf32>
      %xor3A = arith.constant 1 : i32
      %xor3A_875 = vector.broadcast %xor3A : i32 to vector<16xi32>
      %xor3A_876 = arith.xori %iota3A, %xor3A_875 : vector<16xi32>
      %broadcast_in_dim3A_877 = vector.shape_cast %xor3A_876 : vector<16xi32> to vector<16x1xi32>
      %gather3A = vector.shape_cast %broadcast_in_dim3A_877 : vector<16x1xi32> to vector<16xi32>
      %gather3A_878 = tpu.dynamic_gather %mul3A_874[%gather3A] in [0] : vector<16xf32>, vector<16xi32> -> vector<16xf32>
      %add3A_879 = arith.addf %mul3A_874, %gather3A_878 : vector<16xf32>
      %xor3A_880 = arith.constant 2 : i32
      %xor3A_881 = vector.broadcast %xor3A_880 : i32 to vector<16xi32>
      %xor3A_882 = arith.xori %iota3A, %xor3A_881 : vector<16xi32>
      %broadcast_in_dim3A_883 = vector.shape_cast %xor3A_882 : vector<16xi32> to vector<16x1xi32>
      %gather3A_884 = vector.shape_cast %broadcast_in_dim3A_883 : vector<16x1xi32> to vector<16xi32>
      %gather3A_885 = tpu.dynamic_gather %add3A_879[%gather3A_884] in [0] : vector<16xf32>, vector<16xi32> -> vector<16xf32>
      %add3A_886 = arith.addf %add3A_879, %gather3A_885 : vector<16xf32>
      %xor3A_887 = arith.constant 4 : i32
      %xor3A_888 = vector.broadcast %xor3A_887 : i32 to vector<16xi32>
      %xor3A_889 = arith.xori %iota3A, %xor3A_888 : vector<16xi32>
      %broadcast_in_dim3A_890 = vector.shape_cast %xor3A_889 : vector<16xi32> to vector<16x1xi32>
      %gather3A_891 = vector.shape_cast %broadcast_in_dim3A_890 : vector<16x1xi32> to vector<16xi32>
      %gather3A_892 = tpu.dynamic_gather %add3A_886[%gather3A_891] in [0] : vector<16xf32>, vector<16xi32> -> vector<16xf32>
      %add3A_893 = arith.addf %add3A_886, %gather3A_892 : vector<16xf32>
      %xor3A_894 = arith.constant 8 : i32
      %xor3A_895 = vector.broadcast %xor3A_894 : i32 to vector<16xi32>
      %xor3A_896 = arith.xori %iota3A, %xor3A_895 : vector<16xi32>
      %broadcast_in_dim3A_897 = vector.shape_cast %xor3A_896 : vector<16xi32> to vector<16x1xi32>
      %gather3A_898 = vector.shape_cast %broadcast_in_dim3A_897 : vector<16x1xi32> to vector<16xi32>
      %gather3A_899 = tpu.dynamic_gather %add3A_893[%gather3A_898] in [0] : vector<16xf32>, vector<16xi32> -> vector<16xf32>
      %add3A_900 = arith.addf %add3A_893, %gather3A_899 : vector<16xf32>
      %eq3A = arith.constant 0 : i32
      %eq3A_901 = vector.broadcast %eq3A : i32 to vector<16xi32>
      %eq3A_902 = arith.cmpi eq, %iota3A, %eq3A_901 : vector<16xi32>
      %select_n3A = arith.select %eq3A_902, %add3A_900, %broadcast_in_dim3A_859 : vector<16xi1>, vector<16xf32>
      %mul3A_903 = arith.constant 16 : i32
      %mul3A_904 = arith.muli %scan3A_837, %mul3A_903 : i32
      %add3A_905 = arith.constant 1 : i32
      %add3A_906 = arith.addi %mul3A_904, %add3A_905 : i32
      %slice3A_907 = vector.extract_strided_slice %mul3A_849 {offsets = [1], sizes = [1], strides = [1]} : vector<16xi32> to vector<1xi32>
      %squeeze3A_908 = vector.extract %slice3A_907[0] : i32 from vector<1xi32>
      %get3A_909 = arith.index_cast %add3A_906 : i32 to index
      %get3A_910 = arith.index_cast %squeeze3A_908 : i32 to index
      %get3A_911 = tpu.vector_load %arg13[%get3A_909, %get3A_910] {strides = array<i32>} : memref<128x128xf32, #tpu.memory_space<vmem>>, vector<1x16xf32>,
      %get3A_912 = vector.shape_cast %get3A_911 : vector<1x16xf32> to vector<16xf32>
      %slice3A_913 = vector.extract_strided_slice %mul3A_858 {offsets = [1], sizes = [1], strides = [1]} : vector<16xi32> to vector<1xi32>
      %squeeze3A_914 = vector.extract %slice3A_913[0] : i32 from vector<1xi32>
      %get3A_915 = arith.index_cast %add3A_906 : i32 to index
      %get3A_916 = arith.index_cast %squeeze3A_914 : i32 to index
      %get3A_917 = tpu.vector_load %arg14[%get3A_915, %get3A_916] {strides = array<i32>} : memref<128x128xf32, #tpu.memory_space<vmem>>, vector<1x16xf32>,
      %get3A_918 = vector.shape_cast %get3A_917 : vector<1x16xf32> to vector<16xf32>
      %mul3A_919 = arith.mulf %get3A_912, %get3A_918 : vector<16xf32>
      %xor3A_920 = arith.constant 1 : i32
      %xor3A_921 = vector.broadcast %xor3A_920 : i32 to vector<16xi32>
      %xor3A_922 = arith.xori %iota3A, %xor3A_921 : vector<16xi32>
      %broadcast_in_dim3A_923 = vector.shape_cast %xor3A_922 : vector<16xi32> to vector<16x1xi32>
      %gather3A_924 = vector.shape_cast %broadcast_in_dim3A_923 : vector<16x1xi32> to vector<16xi32>
      %gather3A_925 = tpu.dynamic_gather %mul3A_919[%gather3A_924] in [0] : vector<16xf32>, vector<16xi32> -> vector<16xf32>
      %add3A_926 = arith.addf %mul3A_919, %gather3A_925 : vector<16xf32>
      %xor3A_927 = arith.constant 2 : i32
      %xor3A_928 = vector.broadcast %xor3A_927 : i32 to vector<16xi32>
      %xor3A_929 = arith.xori %iota3A, %xor3A_928 : vector<16xi32>
      %broadcast_in_dim3A_930 = vector.shape_cast %xor3A_929 : vector<16xi32> to vector<16x1xi32>
      %gather3A_931 = vector.shape_cast %broadcast_in_dim3A_930 : vector<16x1xi32> to vector<16xi32>
      %gather3A_932 = tpu.dynamic_gather %add3A_926[%gather3A_931] in [0] : vector<16xf32>, vector<16xi32> -> vector<16xf32>
      %add3A_933 = arith.addf %add3A_926, %gather3A_932 : vector<16xf32>
      %xor3A_934 = arith.constant 4 : i32
      %xor3A_935 = vector.broadcast %xor3A_934 : i32 to vector<16xi32>
      %xor3A_936 = arith.xori %iota3A, %xor3A_935 : vector<16xi32>
      %broadcast_in_dim3A_937 = vector.shape_cast %xor3A_936 : vector<16xi32> to vector<16x1xi32>
      %gather3A_938 = vector.shape_cast %broadcast_in_dim3A_937 : vector<16x1xi32> to vector<16xi32>
      %gather3A_939 = tpu.dynamic_gather %add3A_933[%gather3A_938] in [0] : vector<16xf32>, vector<16xi32> -> vector<16xf32>
      %add3A_940 = arith.addf %add3A_933, %gather3A_939 : vector<16xf32>
      %xor3A_941 = arith.constant 8 : i32
      %xor3A_942 = vector.broadcast %xor3A_941 : i32 to vector<16xi32>
      %xor3A_943 = arith.xori %iota3A, %xor3A_942 : vector<16xi32>
      %broadcast_in_dim3A_944 = vector.shape_cast %xor3A_943 : vector<16xi32> to vector<16x1xi32>
      %gather3A_945 = vector.shape_cast %broadcast_in_dim3A_944 : vector<16x1xi32> to vector<16xi32>
      %gather3A_946 = tpu.dynamic_gather %add3A_940[%gather3A_945] in [0] : vector<16xf32>, vector<16xi32> -> vector<16xf32>
      %add3A_947 = arith.addf %add3A_940, %gather3A_946 : vector<16xf32>
      %eq3A_948 = arith.constant 1 : i32
      %eq3A_949 = vector.broadcast %eq3A_948 : i32 to vector<16xi32>
      %eq3A_950 = arith.cmpi eq, %iota3A, %eq3A_949 : vector<16xi32>
      %select_n3A_951 = arith.select %eq3A_950, %add3A_947, %select_n3A : vector<16xi1>, vector<16xf32>
      %mul3A_952 = arith.constant 16 : i32
      %mul3A_953 = arith.muli %scan3A_837, %mul3A_952 : i32
      %add3A_954 = arith.constant 2 : i32
      %add3A_955 = arith.addi %mul3A_953, %add3A_954 : i32
      %slice3A_956 = vector.extract_strided_slice %mul3A_849 {offsets = [2], sizes = [1], strides = [1]} : vector<16xi32> to vector<1xi32>
      %squeeze3A_957 = vector.extract %slice3A_956[0] : i32 from vector<1xi32>
      %get3A_958 = arith.index_cast %add3A_955 : i32 to index
      %get3A_959 = arith.index_cast %squeeze3A_957 : i32 to index
      %get3A_960 = tpu.vector_load %arg13[%get3A_958, %get3A_959] {strides = array<i32>} : memref<128x128xf32, #tpu.memory_space<vmem>>, vector<1x16xf32>,
      %get3A_961 = vector.shape_cast %get3A_960 : vector<1x16xf32> to vector<16xf32>
      %slice3A_962 = vector.extract_strided_slice %mul3A_858 {offsets = [2], sizes = [1], strides = [1]} : vector<16xi32> to vector<1xi32>
      %squeeze3A_963 = vector.extract %slice3A_962[0] : i32 from vector<1xi32>
      %get3A_964 = arith.index_cast %add3A_955 : i32 to index
      %get3A_965 = arith.index_cast %squeeze3A_963 : i32 to index
      %get3A_966 = tpu.vector_load %arg14[%get3A_964, %get3A_965] {strides = array<i32>} : memref<128x128xf32, #tpu.memory_space<vmem>>, vector<1x16xf32>,
      %get3A_967 = vector.shape_cast %get3A_966 : vector<1x16xf32> to vector<16xf32>
      %mul3A_968 = arith.mulf %get3A_961, %get3A_967 : vector<16xf32>
      %xor3A_969 = arith.constant 1 : i32
      %xor3A_970 = vector.broadcast %xor3A_969 : i32 to vector<16xi32>
      %xor3A_971 = arith.xori %iota3A, %xor3A_970 : vector<16xi32>
      %broadcast_in_dim3A_972 = vector.shape_cast %xor3A_971 : vector<16xi32> to vector<16x1xi32>
      %gather3A_973 = vector.shape_cast %broadcast_in_dim3A_972 : vector<16x1xi32> to vector<16xi32>
      %gather3A_974 = tpu.dynamic_gather %mul3A_968[%gather3A_973] in [0] : vector<16xf32>, vector<16xi32> -> vector<16xf32>
      %add3A_975 = arith.addf %mul3A_968, %gather3A_974 : vector<16xf32>
      %xor3A_976 = arith.constant 2 : i32
      %xor3A_977 = vector.broadcast %xor3A_976 : i32 to vector<16xi32>
      %xor3A_978 = arith.xori %iota3A, %xor3A_977 : vector<16xi32>
      %broadcast_in_dim3A_979 = vector.shape_cast %xor3A_978 : vector<16xi32> to vector<16x1xi32>
      %gather3A_980 = vector.shape_cast %broadcast_in_dim3A_979 : vector<16x1xi32> to vector<16xi32>
      %gather3A_981 = tpu.dynamic_gather %add3A_975[%gather3A_980] in [0] : vector<16xf32>, vector<16xi32> -> vector<16xf32>
      %add3A_982 = arith.addf %add3A_975, %gather3A_981 : vector<16xf32>
      %xor3A_983 = arith.constant 4 : i32
      %xor3A_984 = vector.broadcast %xor3A_983 : i32 to vector<16xi32>
      %xor3A_985 = arith.xori %iota3A, %xor3A_984 : vector<16xi32>
      %broadcast_in_dim3A_986 = vector.shape_cast %xor3A_985 : vector<16xi32> to vector<16x1xi32>
      %gather3A_987 = vector.shape_cast %broadcast_in_dim3A_986 : vector<16x1xi32> to vector<16xi32>
      %gather3A_988 = tpu.dynamic_gather %add3A_982[%gather3A_987] in [0] : vector<16xf32>, vector<16xi32> -> vector<16xf32>
      %add3A_989 = arith.addf %add3A_982, %gather3A_988 : vector<16xf32>
      %xor3A_990 = arith.constant 8 : i32
      %xor3A_991 = vector.broadcast %xor3A_990 : i32 to vector<16xi32>
      %xor3A_992 = arith.xori %iota3A, %xor3A_991 : vector<16xi32>
      %broadcast_in_dim3A_993 = vector.shape_cast %xor3A_992 : vector<16xi32> to vector<16x1xi32>
      %gather3A_994 = vector.shape_cast %broadcast_in_dim3A_993 : vector<16x1xi32> to vector<16xi32>
      %gather3A_995 = tpu.dynamic_gather %add3A_989[%gather3A_994] in [0] : vector<16xf32>, vector<16xi32> -> vector<16xf32>
      %add3A_996 = arith.addf %add3A_989, %gather3A_995 : vector<16xf32>
      %eq3A_997 = arith.constant 2 : i32
      %eq3A_998 = vector.broadcast %eq3A_997 : i32 to vector<16xi32>
      %eq3A_999 = arith.cmpi eq, %iota3A, %eq3A_998 : vector<16xi32>
      %select_n3A_1000 = arith.select %eq3A_999, %add3A_996, %select_n3A_951 : vector<16xi1>, vector<16xf32>
      %mul3A_1001 = arith.constant 16 : i32
      %mul3A_1002 = arith.muli %scan3A_837, %mul3A_1001 : i32
      %add3A_1003 = arith.constant 3 : i32
      %add3A_1004 = arith.addi %mul3A_1002, %add3A_1003 : i32
      %slice3A_1005 = vector.extract_strided_slice %mul3A_849 {offsets = [3], sizes = [1], strides = [1]} : vector<16xi32> to vector<1xi32>
      %squeeze3A_1006 = vector.extract %slice3A_1005[0] : i32 from vector<1xi32>
      %get3A_1007 = arith.index_cast %add3A_1004 : i32 to index
      %get3A_1008 = arith.index_cast %squeeze3A_1006 : i32 to index
      %get3A_1009 = tpu.vector_load %arg13[%get3A_1007, %get3A_1008] {strides = array<i32>} : memref<128x128xf32, #tpu.memory_space<vmem>>, vector<1x16xf32>,
      %get3A_1010 = vector.shape_cast %get3A_1009 : vector<1x16xf32> to vector<16xf32>
      %slice3A_1011 = vector.extract_strided_slice %mul3A_858 {offsets = [3], sizes = [1], strides = [1]} : vector<16xi32> to vector<1xi32>
      %squeeze3A_1012 = vector.extract %slice3A_1011[0] : i32 from vector<1xi32>
      %get3A_1013 = arith.index_cast %add3A_1004 : i32 to index
      %get3A_1014 = arith.index_cast %squeeze3A_1012 : i32 to index
      %get3A_1015 = tpu.vector_load %arg14[%get3A_1013, %get3A_1014] {strides = array<i32>} : memref<128x128xf32, #tpu.memory_space<vmem>>, vector<1x16xf32>,
      %get3A_1016 = vector.shape_cast %get3A_1015 : vector<1x16xf32> to vector<16xf32>
      %mul3A_1017 = arith.mulf %get3A_1010, %get3A_1016 : vector<16xf32>
      %xor3A_1018 = arith.constant 1 : i32
      %xor3A_1019 = vector.broadcast %xor3A_1018 : i32 to vector<16xi32>
      %xor3A_1020 = arith.xori %iota3A, %xor3A_1019 : vector<16xi32>
      %broadcast_in_dim3A_1021 = vector.shape_cast %xor3A_1020 : vector<16xi32> to vector<16x1xi32>
      %gather3A_1022 = vector.shape_cast %broadcast_in_dim3A_1021 : vector<16x1xi32> to vector<16xi32>
      %gather3A_1023 = tpu.dynamic_gather %mul3A_1017[%gather3A_1022] in [0] : vector<16xf32>, vector<16xi32> -> vector<16xf32>
      %add3A_1024 = arith.addf %mul3A_1017, %gather3A_1023 : vector<16xf32>
      %xor3A_1025 = arith.constant 2 : i32
      %xor3A_1026 = vector.broadcast %xor3A_1025 : i32 to vector<16xi32>
      %xor3A_1027 = arith.xori %iota3A, %xor3A_1026 : vector<16xi32>
      %broadcast_in_dim3A_1028 = vector.shape_cast %xor3A_1027 : vector<16xi32> to vector<16x1xi32>
      %gather3A_1029 = vector.shape_cast %broadcast_in_dim3A_1028 : vector<16x1xi32> to vector<16xi32>
      %gather3A_1030 = tpu.dynamic_gather %add3A_1024[%gather3A_1029] in [0] : vector<16xf32>, vector<16xi32> -> vector<16xf32>
      %add3A_1031 = arith.addf %add3A_1024, %gather3A_1030 : vector<16xf32>
      %xor3A_1032 = arith.constant 4 : i32
      %xor3A_1033 = vector.broadcast %xor3A_1032 : i32 to vector<16xi32>
      %xor3A_1034 = arith.xori %iota3A, %xor3A_1033 : vector<16xi32>
      %broadcast_in_dim3A_1035 = vector.shape_cast %xor3A_1034 : vector<16xi32> to vector<16x1xi32>
      %gather3A_1036 = vector.shape_cast %broadcast_in_dim3A_1035 : vector<16x1xi32> to vector<16xi32>
      %gather3A_1037 = tpu.dynamic_gather %add3A_1031[%gather3A_1036] in [0] : vector<16xf32>, vector<16xi32> -> vector<16xf32>
      %add3A_1038 = arith.addf %add3A_1031, %gather3A_1037 : vector<16xf32>
      %xor3A_1039 = arith.constant 8 : i32
      %xor3A_1040 = vector.broadcast %xor3A_1039 : i32 to vector<16xi32>
      %xor3A_1041 = arith.xori %iota3A, %xor3A_1040 : vector<16xi32>
      %broadcast_in_dim3A_1042 = vector.shape_cast %xor3A_1041 : vector<16xi32> to vector<16x1xi32>
      %gather3A_1043 = vector.shape_cast %broadcast_in_dim3A_1042 : vector<16x1xi32> to vector<16xi32>
      %gather3A_1044 = tpu.dynamic_gather %add3A_1038[%gather3A_1043] in [0] : vector<16xf32>, vector<16xi32> -> vector<16xf32>
      %add3A_1045 = arith.addf %add3A_1038, %gather3A_1044 : vector<16xf32>
      %eq3A_1046 = arith.constant 3 : i32
      %eq3A_1047 = vector.broadcast %eq3A_1046 : i32 to vector<16xi32>
      %eq3A_1048 = arith.cmpi eq, %iota3A, %eq3A_1047 : vector<16xi32>
      %select_n3A_1049 = arith.select %eq3A_1048, %add3A_1045, %select_n3A_1000 : vector<16xi1>, vector<16xf32>
      %mul3A_1050 = arith.constant 16 : i32
      %mul3A_1051 = arith.muli %scan3A_837, %mul3A_1050 : i32
      %add3A_1052 = arith.constant 4 : i32
      %add3A_1053 = arith.addi %mul3A_1051, %add3A_1052 : i32
      %slice3A_1054 = vector.extract_strided_slice %mul3A_849 {offsets = [4], sizes = [1], strides = [1]} : vector<16xi32> to vector<1xi32>
      %squeeze3A_1055 = vector.extract %slice3A_1054[0] : i32 from vector<1xi32>
      %get3A_1056 = arith.index_cast %add3A_1053 : i32 to index
      %get3A_1057 = arith.index_cast %squeeze3A_1055 : i32 to index
      %get3A_1058 = tpu.vector_load %arg13[%get3A_1056, %get3A_1057] {strides = array<i32>} : memref<128x128xf32, #tpu.memory_space<vmem>>, vector<1x16xf32>,
      %get3A_1059 = vector.shape_cast %get3A_1058 : vector<1x16xf32> to vector<16xf32>
      %slice3A_1060 = vector.extract_strided_slice %mul3A_858 {offsets = [4], sizes = [1], strides = [1]} : vector<16xi32> to vector<1xi32>
      %squeeze3A_1061 = vector.extract %slice3A_1060[0] : i32 from vector<1xi32>
      %get3A_1062 = arith.index_cast %add3A_1053 : i32 to index
      %get3A_1063 = arith.index_cast %squeeze3A_1061 : i32 to index
      %get3A_1064 = tpu.vector_load %arg14[%get3A_1062, %get3A_1063] {strides = array<i32>} : memref<128x128xf32, #tpu.memory_space<vmem>>, vector<1x16xf32>,
      %get3A_1065 = vector.shape_cast %get3A_1064 : vector<1x16xf32> to vector<16xf32>
      %mul3A_1066 = arith.mulf %get3A_1059, %get3A_1065 : vector<16xf32>
      %xor3A_1067 = arith.constant 1 : i32
      %xor3A_1068 = vector.broadcast %xor3A_1067 : i32 to vector<16xi32>
      %xor3A_1069 = arith.xori %iota3A, %xor3A_1068 : vector<16xi32>
      %broadcast_in_dim3A_1070 = vector.shape_cast %xor3A_1069 : vector<16xi32> to vector<16x1xi32>
      %gather3A_1071 = vector.shape_cast %broadcast_in_dim3A_1070 : vector<16x1xi32> to vector<16xi32>
      %gather3A_1072 = tpu.dynamic_gather %mul3A_1066[%gather3A_1071] in [0] : vector<16xf32>, vector<16xi32> -> vector<16xf32>
      %add3A_1073 = arith.addf %mul3A_1066, %gather3A_1072 : vector<16xf32>
      %xor3A_1074 = arith.constant 2 : i32
      %xor3A_1075 = vector.broadcast %xor3A_1074 : i32 to vector<16xi32>
      %xor3A_1076 = arith.xori %iota3A, %xor3A_1075 : vector<16xi32>
      %broadcast_in_dim3A_1077 = vector.shape_cast %xor3A_1076 : vector<16xi32> to vector<16x1xi32>
      %gather3A_1078 = vector.shape_cast %broadcast_in_dim3A_1077 : vector<16x1xi32> to vector<16xi32>
      %gather3A_1079 = tpu.dynamic_gather %add3A_1073[%gather3A_1078] in [0] : vector<16xf32>, vector<16xi32> -> vector<16xf32>
      %add3A_1080 = arith.addf %add3A_1073, %gather3A_1079 : vector<16xf32>
      %xor3A_1081 = arith.constant 4 : i32
      %xor3A_1082 = vector.broadcast %xor3A_1081 : i32 to vector<16xi32>
      %xor3A_1083 = arith.xori %iota3A, %xor3A_1082 : vector<16xi32>
      %broadcast_in_dim3A_1084 = vector.shape_cast %xor3A_1083 : vector<16xi32> to vector<16x1xi32>
      %gather3A_1085 = vector.shape_cast %broadcast_in_dim3A_1084 : vector<16x1xi32> to vector<16xi32>
      %gather3A_1086 = tpu.dynamic_gather %add3A_1080[%gather3A_1085] in [0] : vector<16xf32>, vector<16xi32> -> vector<16xf32>
      %add3A_1087 = arith.addf %add3A_1080, %gather3A_1086 : vector<16xf32>
      %xor3A_1088 = arith.constant 8 : i32
      %xor3A_1089 = vector.broadcast %xor3A_1088 : i32 to vector<16xi32>
      %xor3A_1090 = arith.xori %iota3A, %xor3A_1089 : vector<16xi32>
      %broadcast_in_dim3A_1091 = vector.shape_cast %xor3A_1090 : vector<16xi32> to vector<16x1xi32>
      %gather3A_1092 = vector.shape_cast %broadcast_in_dim3A_1091 : vector<16x1xi32> to vector<16xi32>
      %gather3A_1093 = tpu.dynamic_gather %add3A_1087[%gather3A_1092] in [0] : vector<16xf32>, vector<16xi32> -> vector<16xf32>
      %add3A_1094 = arith.addf %add3A_1087, %gather3A_1093 : vector<16xf32>
      %eq3A_1095 = arith.constant 4 : i32
      %eq3A_1096 = vector.broadcast %eq3A_1095 : i32 to vector<16xi32>
      %eq3A_1097 = arith.cmpi eq, %iota3A, %eq3A_1096 : vector<16xi32>
      %select_n3A_1098 = arith.select %eq3A_1097, %add3A_1094, %select_n3A_1049 : vector<16xi1>, vector<16xf32>
      %mul3A_1099 = arith.constant 16 : i32
      %mul3A_1100 = arith.muli %scan3A_837, %mul3A_1099 : i32
      %add3A_1101 = arith.constant 5 : i32
      %add3A_1102 = arith.addi %mul3A_1100, %add3A_1101 : i32
      %slice3A_1103 = vector.extract_strided_slice %mul3A_849 {offsets = [5], sizes = [1], strides = [1]} : vector<16xi32> to vector<1xi32>
      %squeeze3A_1104 = vector.extract %slice3A_1103[0] : i32 from vector<1xi32>
      %get3A_1105 = arith.index_cast %add3A_1102 : i32 to index
      %get3A_1106 = arith.index_cast %squeeze3A_1104 : i32 to index
      %get3A_1107 = tpu.vector_load %arg13[%get3A_1105, %get3A_1106] {strides = array<i32>} : memref<128x128xf32, #tpu.memory_space<vmem>>, vector<1x16xf32>,
      %get3A_1108 = vector.shape_cast %get3A_1107 : vector<1x16xf32> to vector<16xf32>
      %slice3A_1109 = vector.extract_strided_slice %mul3A_858 {offsets = [5], sizes = [1], strides = [1]} : vector<16xi32> to vector<1xi32>
      %squeeze3A_1110 = vector.extract %slice3A_1109[0] : i32 from vector<1xi32>
      %get3A_1111 = arith.index_cast %add3A_1102 : i32 to index
      %get3A_1112 = arith.index_cast %squeeze3A_1110 : i32 to index
      %get3A_1113 = tpu.vector_load %arg14[%get3A_1111, %get3A_1112] {strides = array<i32>} : memref<128x128xf32, #tpu.memory_space<vmem>>, vector<1x16xf32>,
      %get3A_1114 = vector.shape_cast %get3A_1113 : vector<1x16xf32> to vector<16xf32>
      %mul3A_1115 = arith.mulf %get3A_1108, %get3A_1114 : vector<16xf32>
      %xor3A_1116 = arith.constant 1 : i32
      %xor3A_1117 = vector.broadcast %xor3A_1116 : i32 to vector<16xi32>
      %xor3A_1118 = arith.xori %iota3A, %xor3A_1117 : vector<16xi32>
      %broadcast_in_dim3A_1119 = vector.shape_cast %xor3A_1118 : vector<16xi32> to vector<16x1xi32>
      %gather3A_1120 = vector.shape_cast %broadcast_in_dim3A_1119 : vector<16x1xi32> to vector<16xi32>
      %gather3A_1121 = tpu.dynamic_gather %mul3A_1115[%gather3A_1120] in [0] : vector<16xf32>, vector<16xi32> -> vector<16xf32>
      %add3A_1122 = arith.addf %mul3A_1115, %gather3A_1121 : vector<16xf32>
      %xor3A_1123 = arith.constant 2 : i32
      %xor3A_1124 = vector.broadcast %xor3A_1123 : i32 to vector<16xi32>
      %xor3A_1125 = arith.xori %iota3A, %xor3A_1124 : vector<16xi32>
      %broadcast_in_dim3A_1126 = vector.shape_cast %xor3A_1125 : vector<16xi32> to vector<16x1xi32>
      %gather3A_1127 = vector.shape_cast %broadcast_in_dim3A_1126 : vector<16x1xi32> to vector<16xi32>
      %gather3A_1128 = tpu.dynamic_gather %add3A_1122[%gather3A_1127] in [0] : vector<16xf32>, vector<16xi32> -> vector<16xf32>
      %add3A_1129 = arith.addf %add3A_1122, %gather3A_1128 : vector<16xf32>
      %xor3A_1130 = arith.constant 4 : i32
      %xor3A_1131 = vector.broadcast %xor3A_1130 : i32 to vector<16xi32>
      %xor3A_1132 = arith.xori %iota3A, %xor3A_1131 : vector<16xi32>
      %broadcast_in_dim3A_1133 = vector.shape_cast %xor3A_1132 : vector<16xi32> to vector<16x1xi32>
      %gather3A_1134 = vector.shape_cast %broadcast_in_dim3A_1133 : vector<16x1xi32> to vector<16xi32>
      %gather3A_1135 = tpu.dynamic_gather %add3A_1129[%gather3A_1134] in [0] : vector<16xf32>, vector<16xi32> -> vector<16xf32>
      %add3A_1136 = arith.addf %add3A_1129, %gather3A_1135 : vector<16xf32>
      %xor3A_1137 = arith.constant 8 : i32
      %xor3A_1138 = vector.broadcast %xor3A_1137 : i32 to vector<16xi32>
      %xor3A_1139 = arith.xori %iota3A, %xor3A_1138 : vector<16xi32>
      %broadcast_in_dim3A_1140 = vector.shape_cast %xor3A_1139 : vector<16xi32> to vector<16x1xi32>
      %gather3A_1141 = vector.shape_cast %broadcast_in_dim3A_1140 : vector<16x1xi32> to vector<16xi32>
      %gather3A_1142 = tpu.dynamic_gather %add3A_1136[%gather3A_1141] in [0] : vector<16xf32>, vector<16xi32> -> vector<16xf32>
      %add3A_1143 = arith.addf %add3A_1136, %gather3A_1142 : vector<16xf32>
      %eq3A_1144 = arith.constant 5 : i32
      %eq3A_1145 = vector.broadcast %eq3A_1144 : i32 to vector<16xi32>
      %eq3A_1146 = arith.cmpi eq, %iota3A, %eq3A_1145 : vector<16xi32>
      %select_n3A_1147 = arith.select %eq3A_1146, %add3A_1143, %select_n3A_1098 : vector<16xi1>, vector<16xf32>
      %mul3A_1148 = arith.constant 16 : i32
      %mul3A_1149 = arith.muli %scan3A_837, %mul3A_1148 : i32
      %add3A_1150 = arith.constant 6 : i32
      %add3A_1151 = arith.addi %mul3A_1149, %add3A_1150 : i32
      %slice3A_1152 = vector.extract_strided_slice %mul3A_849 {offsets = [6], sizes = [1], strides = [1]} : vector<16xi32> to vector<1xi32>
      %squeeze3A_1153 = vector.extract %slice3A_1152[0] : i32 from vector<1xi32>
      %get3A_1154 = arith.index_cast %add3A_1151 : i32 to index
      %get3A_1155 = arith.index_cast %squeeze3A_1153 : i32 to index
      %get3A_1156 = tpu.vector_load %arg13[%get3A_1154, %get3A_1155] {strides = array<i32>} : memref<128x128xf32, #tpu.memory_space<vmem>>, vector<1x16xf32>,
      %get3A_1157 = vector.shape_cast %get3A_1156 : vector<1x16xf32> to vector<16xf32>
      %slice3A_1158 = vector.extract_strided_slice %mul3A_858 {offsets = [6], sizes = [1], strides = [1]} : vector<16xi32> to vector<1xi32>
      %squeeze3A_1159 = vector.extract %slice3A_1158[0] : i32 from vector<1xi32>
      %get3A_1160 = arith.index_cast %add3A_1151 : i32 to index
      %get3A_1161 = arith.index_cast %squeeze3A_1159 : i32 to index
      %get3A_1162 = tpu.vector_load %arg14[%get3A_1160, %get3A_1161] {strides = array<i32>} : memref<128x128xf32, #tpu.memory_space<vmem>>, vector<1x16xf32>,
      %get3A_1163 = vector.shape_cast %get3A_1162 : vector<1x16xf32> to vector<16xf32>
      %mul3A_1164 = arith.mulf %get3A_1157, %get3A_1163 : vector<16xf32>
      %xor3A_1165 = arith.constant 1 : i32
      %xor3A_1166 = vector.broadcast %xor3A_1165 : i32 to vector<16xi32>
      %xor3A_1167 = arith.xori %iota3A, %xor3A_1166 : vector<16xi32>
      %broadcast_in_dim3A_1168 = vector.shape_cast %xor3A_1167 : vector<16xi32> to vector<16x1xi32>
      %gather3A_1169 = vector.shape_cast %broadcast_in_dim3A_1168 : vector<16x1xi32> to vector<16xi32>
      %gather3A_1170 = tpu.dynamic_gather %mul3A_1164[%gather3A_1169] in [0] : vector<16xf32>, vector<16xi32> -> vector<16xf32>
      %add3A_1171 = arith.addf %mul3A_1164, %gather3A_1170 : vector<16xf32>
      %xor3A_1172 = arith.constant 2 : i32
      %xor3A_1173 = vector.broadcast %xor3A_1172 : i32 to vector<16xi32>
      %xor3A_1174 = arith.xori %iota3A, %xor3A_1173 : vector<16xi32>
      %broadcast_in_dim3A_1175 = vector.shape_cast %xor3A_1174 : vector<16xi32> to vector<16x1xi32>
      %gather3A_1176 = vector.shape_cast %broadcast_in_dim3A_1175 : vector<16x1xi32> to vector<16xi32>
      %gather3A_1177 = tpu.dynamic_gather %add3A_1171[%gather3A_1176] in [0] : vector<16xf32>, vector<16xi32> -> vector<16xf32>
      %add3A_1178 = arith.addf %add3A_1171, %gather3A_1177 : vector<16xf32>
      %xor3A_1179 = arith.constant 4 : i32
      %xor3A_1180 = vector.broadcast %xor3A_1179 : i32 to vector<16xi32>
      %xor3A_1181 = arith.xori %iota3A, %xor3A_1180 : vector<16xi32>
      %broadcast_in_dim3A_1182 = vector.shape_cast %xor3A_1181 : vector<16xi32> to vector<16x1xi32>
      %gather3A_1183 = vector.shape_cast %broadcast_in_dim3A_1182 : vector<16x1xi32> to vector<16xi32>
      %gather3A_1184 = tpu.dynamic_gather %add3A_1178[%gather3A_1183] in [0] : vector<16xf32>, vector<16xi32> -> vector<16xf32>
      %add3A_1185 = arith.addf %add3A_1178, %gather3A_1184 : vector<16xf32>
      %xor3A_1186 = arith.constant 8 : i32
      %xor3A_1187 = vector.broadcast %xor3A_1186 : i32 to vector<16xi32>
      %xor3A_1188 = arith.xori %iota3A, %xor3A_1187 : vector<16xi32>
      %broadcast_in_dim3A_1189 = vector.shape_cast %xor3A_1188 : vector<16xi32> to vector<16x1xi32>
      %gather3A_1190 = vector.shape_cast %broadcast_in_dim3A_1189 : vector<16x1xi32> to vector<16xi32>
      %gather3A_1191 = tpu.dynamic_gather %add3A_1185[%gather3A_1190] in [0] : vector<16xf32>, vector<16xi32> -> vector<16xf32>
      %add3A_1192 = arith.addf %add3A_1185, %gather3A_1191 : vector<16xf32>
      %eq3A_1193 = arith.constant 6 : i32
      %eq3A_1194 = vector.broadcast %eq3A_1193 : i32 to vector<16xi32>
      %eq3A_1195 = arith.cmpi eq, %iota3A, %eq3A_1194 : vector<16xi32>
      %select_n3A_1196 = arith.select %eq3A_1195, %add3A_1192, %select_n3A_1147 : vector<16xi1>, vector<16xf32>
      %mul3A_1197 = arith.constant 16 : i32
      %mul3A_1198 = arith.muli %scan3A_837, %mul3A_1197 : i32
      %add3A_1199 = arith.constant 7 : i32
      %add3A_1200 = arith.addi %mul3A_1198, %add3A_1199 : i32
      %slice3A_1201 = vector.extract_strided_slice %mul3A_849 {offsets = [7], sizes = [1], strides = [1]} : vector<16xi32> to vector<1xi32>
      %squeeze3A_1202 = vector.extract %slice3A_1201[0] : i32 from vector<1xi32>
      %get3A_1203 = arith.index_cast %add3A_1200 : i32 to index
      %get3A_1204 = arith.index_cast %squeeze3A_1202 : i32 to index
      %get3A_1205 = tpu.vector_load %arg13[%get3A_1203, %get3A_1204] {strides = array<i32>} : memref<128x128xf32, #tpu.memory_space<vmem>>, vector<1x16xf32>,
      %get3A_1206 = vector.shape_cast %get3A_1205 : vector<1x16xf32> to vector<16xf32>
      %slice3A_1207 = vector.extract_strided_slice %mul3A_858 {offsets = [7], sizes = [1], strides = [1]} : vector<16xi32> to vector<1xi32>
      %squeeze3A_1208 = vector.extract %slice3A_1207[0] : i32 from vector<1xi32>
      %get3A_1209 = arith.index_cast %add3A_1200 : i32 to index
      %get3A_1210 = arith.index_cast %squeeze3A_1208 : i32 to index
      %get3A_1211 = tpu.vector_load %arg14[%get3A_1209, %get3A_1210] {strides = array<i32>} : memref<128x128xf32, #tpu.memory_space<vmem>>, vector<1x16xf32>,
      %get3A_1212 = vector.shape_cast %get3A_1211 : vector<1x16xf32> to vector<16xf32>
      %mul3A_1213 = arith.mulf %get3A_1206, %get3A_1212 : vector<16xf32>
      %xor3A_1214 = arith.constant 1 : i32
      %xor3A_1215 = vector.broadcast %xor3A_1214 : i32 to vector<16xi32>
      %xor3A_1216 = arith.xori %iota3A, %xor3A_1215 : vector<16xi32>
      %broadcast_in_dim3A_1217 = vector.shape_cast %xor3A_1216 : vector<16xi32> to vector<16x1xi32>
      %gather3A_1218 = vector.shape_cast %broadcast_in_dim3A_1217 : vector<16x1xi32> to vector<16xi32>
      %gather3A_1219 = tpu.dynamic_gather %mul3A_1213[%gather3A_1218] in [0] : vector<16xf32>, vector<16xi32> -> vector<16xf32>
      %add3A_1220 = arith.addf %mul3A_1213, %gather3A_1219 : vector<16xf32>
      %xor3A_1221 = arith.constant 2 : i32
      %xor3A_1222 = vector.broadcast %xor3A_1221 : i32 to vector<16xi32>
      %xor3A_1223 = arith.xori %iota3A, %xor3A_1222 : vector<16xi32>
      %broadcast_in_dim3A_1224 = vector.shape_cast %xor3A_1223 : vector<16xi32> to vector<16x1xi32>
      %gather3A_1225 = vector.shape_cast %broadcast_in_dim3A_1224 : vector<16x1xi32> to vector<16xi32>
      %gather3A_1226 = tpu.dynamic_gather %add3A_1220[%gather3A_1225] in [0] : vector<16xf32>, vector<16xi32> -> vector<16xf32>
      %add3A_1227 = arith.addf %add3A_1220, %gather3A_1226 : vector<16xf32>
      %xor3A_1228 = arith.constant 4 : i32
      %xor3A_1229 = vector.broadcast %xor3A_1228 : i32 to vector<16xi32>
      %xor3A_1230 = arith.xori %iota3A, %xor3A_1229 : vector<16xi32>
      %broadcast_in_dim3A_1231 = vector.shape_cast %xor3A_1230 : vector<16xi32> to vector<16x1xi32>
      %gather3A_1232 = vector.shape_cast %broadcast_in_dim3A_1231 : vector<16x1xi32> to vector<16xi32>
      %gather3A_1233 = tpu.dynamic_gather %add3A_1227[%gather3A_1232] in [0] : vector<16xf32>, vector<16xi32> -> vector<16xf32>
      %add3A_1234 = arith.addf %add3A_1227, %gather3A_1233 : vector<16xf32>
      %xor3A_1235 = arith.constant 8 : i32
      %xor3A_1236 = vector.broadcast %xor3A_1235 : i32 to vector<16xi32>
      %xor3A_1237 = arith.xori %iota3A, %xor3A_1236 : vector<16xi32>
      %broadcast_in_dim3A_1238 = vector.shape_cast %xor3A_1237 : vector<16xi32> to vector<16x1xi32>
      %gather3A_1239 = vector.shape_cast %broadcast_in_dim3A_1238 : vector<16x1xi32> to vector<16xi32>
      %gather3A_1240 = tpu.dynamic_gather %add3A_1234[%gather3A_1239] in [0] : vector<16xf32>, vector<16xi32> -> vector<16xf32>
      %add3A_1241 = arith.addf %add3A_1234, %gather3A_1240 : vector<16xf32>
      %eq3A_1242 = arith.constant 7 : i32
      %eq3A_1243 = vector.broadcast %eq3A_1242 : i32 to vector<16xi32>
      %eq3A_1244 = arith.cmpi eq, %iota3A, %eq3A_1243 : vector<16xi32>
      %select_n3A_1245 = arith.select %eq3A_1244, %add3A_1241, %select_n3A_1196 : vector<16xi1>, vector<16xf32>
      %mul3A_1246 = arith.constant 16 : i32
      %mul3A_1247 = arith.muli %scan3A_837, %mul3A_1246 : i32
      %add3A_1248 = arith.constant 8 : i32
      %add3A_1249 = arith.addi %mul3A_1247, %add3A_1248 : i32
      %slice3A_1250 = vector.extract_strided_slice %mul3A_849 {offsets = [8], sizes = [1], strides = [1]} : vector<16xi32> to vector<1xi32>
      %squeeze3A_1251 = vector.extract %slice3A_1250[0] : i32 from vector<1xi32>
      %get3A_1252 = arith.index_cast %add3A_1249 : i32 to index
      %get3A_1253 = arith.index_cast %squeeze3A_1251 : i32 to index
      %get3A_1254 = tpu.vector_load %arg13[%get3A_1252, %get3A_1253] {strides = array<i32>} : memref<128x128xf32, #tpu.memory_space<vmem>>, vector<1x16xf32>,
      %get3A_1255 = vector.shape_cast %get3A_1254 : vector<1x16xf32> to vector<16xf32>
      %slice3A_1256 = vector.extract_strided_slice %mul3A_858 {offsets = [8], sizes = [1], strides = [1]} : vector<16xi32> to vector<1xi32>
      %squeeze3A_1257 = vector.extract %slice3A_1256[0] : i32 from vector<1xi32>
      %get3A_1258 = arith.index_cast %add3A_1249 : i32 to index
      %get3A_1259 = arith.index_cast %squeeze3A_1257 : i32 to index
      %get3A_1260 = tpu.vector_load %arg14[%get3A_1258, %get3A_1259] {strides = array<i32>} : memref<128x128xf32, #tpu.memory_space<vmem>>, vector<1x16xf32>,
      %get3A_1261 = vector.shape_cast %get3A_1260 : vector<1x16xf32> to vector<16xf32>
      %mul3A_1262 = arith.mulf %get3A_1255, %get3A_1261 : vector<16xf32>
      %xor3A_1263 = arith.constant 1 : i32
      %xor3A_1264 = vector.broadcast %xor3A_1263 : i32 to vector<16xi32>
      %xor3A_1265 = arith.xori %iota3A, %xor3A_1264 : vector<16xi32>
      %broadcast_in_dim3A_1266 = vector.shape_cast %xor3A_1265 : vector<16xi32> to vector<16x1xi32>
      %gather3A_1267 = vector.shape_cast %broadcast_in_dim3A_1266 : vector<16x1xi32> to vector<16xi32>
      %gather3A_1268 = tpu.dynamic_gather %mul3A_1262[%gather3A_1267] in [0] : vector<16xf32>, vector<16xi32> -> vector<16xf32>
      %add3A_1269 = arith.addf %mul3A_1262, %gather3A_1268 : vector<16xf32>
      %xor3A_1270 = arith.constant 2 : i32
      %xor3A_1271 = vector.broadcast %xor3A_1270 : i32 to vector<16xi32>
      %xor3A_1272 = arith.xori %iota3A, %xor3A_1271 : vector<16xi32>
      %broadcast_in_dim3A_1273 = vector.shape_cast %xor3A_1272 : vector<16xi32> to vector<16x1xi32>
      %gather3A_1274 = vector.shape_cast %broadcast_in_dim3A_1273 : vector<16x1xi32> to vector<16xi32>
      %gather3A_1275 = tpu.dynamic_gather %add3A_1269[%gather3A_1274] in [0] : vector<16xf32>, vector<16xi32> -> vector<16xf32>
      %add3A_1276 = arith.addf %add3A_1269, %gather3A_1275 : vector<16xf32>
      %xor3A_1277 = arith.constant 4 : i32
      %xor3A_1278 = vector.broadcast %xor3A_1277 : i32 to vector<16xi32>
      %xor3A_1279 = arith.xori %iota3A, %xor3A_1278 : vector<16xi32>
      %broadcast_in_dim3A_1280 = vector.shape_cast %xor3A_1279 : vector<16xi32> to vector<16x1xi32>
      %gather3A_1281 = vector.shape_cast %broadcast_in_dim3A_1280 : vector<16x1xi32> to vector<16xi32>
      %gather3A_1282 = tpu.dynamic_gather %add3A_1276[%gather3A_1281] in [0] : vector<16xf32>, vector<16xi32> -> vector<16xf32>
      %add3A_1283 = arith.addf %add3A_1276, %gather3A_1282 : vector<16xf32>
      %xor3A_1284 = arith.constant 8 : i32
      %xor3A_1285 = vector.broadcast %xor3A_1284 : i32 to vector<16xi32>
      %xor3A_1286 = arith.xori %iota3A, %xor3A_1285 : vector<16xi32>
      %broadcast_in_dim3A_1287 = vector.shape_cast %xor3A_1286 : vector<16xi32> to vector<16x1xi32>
      %gather3A_1288 = vector.shape_cast %broadcast_in_dim3A_1287 : vector<16x1xi32> to vector<16xi32>
      %gather3A_1289 = tpu.dynamic_gather %add3A_1283[%gather3A_1288] in [0] : vector<16xf32>, vector<16xi32> -> vector<16xf32>
      %add3A_1290 = arith.addf %add3A_1283, %gather3A_1289 : vector<16xf32>
      %eq3A_1291 = arith.constant 8 : i32
      %eq3A_1292 = vector.broadcast %eq3A_1291 : i32 to vector<16xi32>
      %eq3A_1293 = arith.cmpi eq, %iota3A, %eq3A_1292 : vector<16xi32>
      %select_n3A_1294 = arith.select %eq3A_1293, %add3A_1290, %select_n3A_1245 : vector<16xi1>, vector<16xf32>
      %mul3A_1295 = arith.constant 16 : i32
      %mul3A_1296 = arith.muli %scan3A_837, %mul3A_1295 : i32
      %add3A_1297 = arith.constant 9 : i32
      %add3A_1298 = arith.addi %mul3A_1296, %add3A_1297 : i32
      %slice3A_1299 = vector.extract_strided_slice %mul3A_849 {offsets = [9], sizes = [1], strides = [1]} : vector<16xi32> to vector<1xi32>
      %squeeze3A_1300 = vector.extract %slice3A_1299[0] : i32 from vector<1xi32>
      %get3A_1301 = arith.index_cast %add3A_1298 : i32 to index
      %get3A_1302 = arith.index_cast %squeeze3A_1300 : i32 to index
      %get3A_1303 = tpu.vector_load %arg13[%get3A_1301, %get3A_1302] {strides = array<i32>} : memref<128x128xf32, #tpu.memory_space<vmem>>, vector<1x16xf32>,
      %get3A_1304 = vector.shape_cast %get3A_1303 : vector<1x16xf32> to vector<16xf32>
      %slice3A_1305 = vector.extract_strided_slice %mul3A_858 {offsets = [9], sizes = [1], strides = [1]} : vector<16xi32> to vector<1xi32>
      %squeeze3A_1306 = vector.extract %slice3A_1305[0] : i32 from vector<1xi32>
      %get3A_1307 = arith.index_cast %add3A_1298 : i32 to index
      %get3A_1308 = arith.index_cast %squeeze3A_1306 : i32 to index
      %get3A_1309 = tpu.vector_load %arg14[%get3A_1307, %get3A_1308] {strides = array<i32>} : memref<128x128xf32, #tpu.memory_space<vmem>>, vector<1x16xf32>,
      %get3A_1310 = vector.shape_cast %get3A_1309 : vector<1x16xf32> to vector<16xf32>
      %mul3A_1311 = arith.mulf %get3A_1304, %get3A_1310 : vector<16xf32>
      %xor3A_1312 = arith.constant 1 : i32
      %xor3A_1313 = vector.broadcast %xor3A_1312 : i32 to vector<16xi32>
      %xor3A_1314 = arith.xori %iota3A, %xor3A_1313 : vector<16xi32>
      %broadcast_in_dim3A_1315 = vector.shape_cast %xor3A_1314 : vector<16xi32> to vector<16x1xi32>
      %gather3A_1316 = vector.shape_cast %broadcast_in_dim3A_1315 : vector<16x1xi32> to vector<16xi32>
      %gather3A_1317 = tpu.dynamic_gather %mul3A_1311[%gather3A_1316] in [0] : vector<16xf32>, vector<16xi32> -> vector<16xf32>
      %add3A_1318 = arith.addf %mul3A_1311, %gather3A_1317 : vector<16xf32>
      %xor3A_1319 = arith.constant 2 : i32
      %xor3A_1320 = vector.broadcast %xor3A_1319 : i32 to vector<16xi32>
      %xor3A_1321 = arith.xori %iota3A, %xor3A_1320 : vector<16xi32>
      %broadcast_in_dim3A_1322 = vector.shape_cast %xor3A_1321 : vector<16xi32> to vector<16x1xi32>
      %gather3A_1323 = vector.shape_cast %broadcast_in_dim3A_1322 : vector<16x1xi32> to vector<16xi32>
      %gather3A_1324 = tpu.dynamic_gather %add3A_1318[%gather3A_1323] in [0] : vector<16xf32>, vector<16xi32> -> vector<16xf32>
      %add3A_1325 = arith.addf %add3A_1318, %gather3A_1324 : vector<16xf32>
      %xor3A_1326 = arith.constant 4 : i32
      %xor3A_1327 = vector.broadcast %xor3A_1326 : i32 to vector<16xi32>
      %xor3A_1328 = arith.xori %iota3A, %xor3A_1327 : vector<16xi32>
      %broadcast_in_dim3A_1329 = vector.shape_cast %xor3A_1328 : vector<16xi32> to vector<16x1xi32>
      %gather3A_1330 = vector.shape_cast %broadcast_in_dim3A_1329 : vector<16x1xi32> to vector<16xi32>
      %gather3A_1331 = tpu.dynamic_gather %add3A_1325[%gather3A_1330] in [0] : vector<16xf32>, vector<16xi32> -> vector<16xf32>
      %add3A_1332 = arith.addf %add3A_1325, %gather3A_1331 : vector<16xf32>
      %xor3A_1333 = arith.constant 8 : i32
      %xor3A_1334 = vector.broadcast %xor3A_1333 : i32 to vector<16xi32>
      %xor3A_1335 = arith.xori %iota3A, %xor3A_1334 : vector<16xi32>
      %broadcast_in_dim3A_1336 = vector.shape_cast %xor3A_1335 : vector<16xi32> to vector<16x1xi32>
      %gather3A_1337 = vector.shape_cast %broadcast_in_dim3A_1336 : vector<16x1xi32> to vector<16xi32>
      %gather3A_1338 = tpu.dynamic_gather %add3A_1332[%gather3A_1337] in [0] : vector<16xf32>, vector<16xi32> -> vector<16xf32>
      %add3A_1339 = arith.addf %add3A_1332, %gather3A_1338 : vector<16xf32>
      %eq3A_1340 = arith.constant 9 : i32
      %eq3A_1341 = vector.broadcast %eq3A_1340 : i32 to vector<16xi32>
      %eq3A_1342 = arith.cmpi eq, %iota3A, %eq3A_1341 : vector<16xi32>
      %select_n3A_1343 = arith.select %eq3A_1342, %add3A_1339, %select_n3A_1294 : vector<16xi1>, vector<16xf32>
      %mul3A_1344 = arith.constant 16 : i32
      %mul3A_1345 = arith.muli %scan3A_837, %mul3A_1344 : i32
      %add3A_1346 = arith.constant 10 : i32
      %add3A_1347 = arith.addi %mul3A_1345, %add3A_1346 : i32
      %slice3A_1348 = vector.extract_strided_slice %mul3A_849 {offsets = [10], sizes = [1], strides = [1]} : vector<16xi32> to vector<1xi32>
      %squeeze3A_1349 = vector.extract %slice3A_1348[0] : i32 from vector<1xi32>
      %get3A_1350 = arith.index_cast %add3A_1347 : i32 to index
      %get3A_1351 = arith.index_cast %squeeze3A_1349 : i32 to index
      %get3A_1352 = tpu.vector_load %arg13[%get3A_1350, %get3A_1351] {strides = array<i32>} : memref<128x128xf32, #tpu.memory_space<vmem>>, vector<1x16xf32>,
      %get3A_1353 = vector.shape_cast %get3A_1352 : vector<1x16xf32> to vector<16xf32>
      %slice3A_1354 = vector.extract_strided_slice %mul3A_858 {offsets = [10], sizes = [1], strides = [1]} : vector<16xi32> to vector<1xi32>
      %squeeze3A_1355 = vector.extract %slice3A_1354[0] : i32 from vector<1xi32>
      %get3A_1356 = arith.index_cast %add3A_1347 : i32 to index
      %get3A_1357 = arith.index_cast %squeeze3A_1355 : i32 to index
      %get3A_1358 = tpu.vector_load %arg14[%get3A_1356, %get3A_1357] {strides = array<i32>} : memref<128x128xf32, #tpu.memory_space<vmem>>, vector<1x16xf32>,
      %get3A_1359 = vector.shape_cast %get3A_1358 : vector<1x16xf32> to vector<16xf32>
      %mul3A_1360 = arith.mulf %get3A_1353, %get3A_1359 : vector<16xf32>
      %xor3A_1361 = arith.constant 1 : i32
      %xor3A_1362 = vector.broadcast %xor3A_1361 : i32 to vector<16xi32>
      %xor3A_1363 = arith.xori %iota3A, %xor3A_1362 : vector<16xi32>
      %broadcast_in_dim3A_1364 = vector.shape_cast %xor3A_1363 : vector<16xi32> to vector<16x1xi32>
      %gather3A_1365 = vector.shape_cast %broadcast_in_dim3A_1364 : vector<16x1xi32> to vector<16xi32>
      %gather3A_1366 = tpu.dynamic_gather %mul3A_1360[%gather3A_1365] in [0] : vector<16xf32>, vector<16xi32> -> vector<16xf32>
      %add3A_1367 = arith.addf %mul3A_1360, %gather3A_1366 : vector<16xf32>
      %xor3A_1368 = arith.constant 2 : i32
      %xor3A_1369 = vector.broadcast %xor3A_1368 : i32 to vector<16xi32>
      %xor3A_1370 = arith.xori %iota3A, %xor3A_1369 : vector<16xi32>
      %broadcast_in_dim3A_1371 = vector.shape_cast %xor3A_1370 : vector<16xi32> to vector<16x1xi32>
      %gather3A_1372 = vector.shape_cast %broadcast_in_dim3A_1371 : vector<16x1xi32> to vector<16xi32>
      %gather3A_1373 = tpu.dynamic_gather %add3A_1367[%gather3A_1372] in [0] : vector<16xf32>, vector<16xi32> -> vector<16xf32>
      %add3A_1374 = arith.addf %add3A_1367, %gather3A_1373 : vector<16xf32>
      %xor3A_1375 = arith.constant 4 : i32
      %xor3A_1376 = vector.broadcast %xor3A_1375 : i32 to vector<16xi32>
      %xor3A_1377 = arith.xori %iota3A, %xor3A_1376 : vector<16xi32>
      %broadcast_in_dim3A_1378 = vector.shape_cast %xor3A_1377 : vector<16xi32> to vector<16x1xi32>
      %gather3A_1379 = vector.shape_cast %broadcast_in_dim3A_1378 : vector<16x1xi32> to vector<16xi32>
      %gather3A_1380 = tpu.dynamic_gather %add3A_1374[%gather3A_1379] in [0] : vector<16xf32>, vector<16xi32> -> vector<16xf32>
      %add3A_1381 = arith.addf %add3A_1374, %gather3A_1380 : vector<16xf32>
      %xor3A_1382 = arith.constant 8 : i32
      %xor3A_1383 = vector.broadcast %xor3A_1382 : i32 to vector<16xi32>
      %xor3A_1384 = arith.xori %iota3A, %xor3A_1383 : vector<16xi32>
      %broadcast_in_dim3A_1385 = vector.shape_cast %xor3A_1384 : vector<16xi32> to vector<16x1xi32>
      %gather3A_1386 = vector.shape_cast %broadcast_in_dim3A_1385 : vector<16x1xi32> to vector<16xi32>
      %gather3A_1387 = tpu.dynamic_gather %add3A_1381[%gather3A_1386] in [0] : vector<16xf32>, vector<16xi32> -> vector<16xf32>
      %add3A_1388 = arith.addf %add3A_1381, %gather3A_1387 : vector<16xf32>
      %eq3A_1389 = arith.constant 10 : i32
      %eq3A_1390 = vector.broadcast %eq3A_1389 : i32 to vector<16xi32>
      %eq3A_1391 = arith.cmpi eq, %iota3A, %eq3A_1390 : vector<16xi32>
      %select_n3A_1392 = arith.select %eq3A_1391, %add3A_1388, %select_n3A_1343 : vector<16xi1>, vector<16xf32>
      %mul3A_1393 = arith.constant 16 : i32
      %mul3A_1394 = arith.muli %scan3A_837, %mul3A_1393 : i32
      %add3A_1395 = arith.constant 11 : i32
      %add3A_1396 = arith.addi %mul3A_1394, %add3A_1395 : i32
      %slice3A_1397 = vector.extract_strided_slice %mul3A_849 {offsets = [11], sizes = [1], strides = [1]} : vector<16xi32> to vector<1xi32>
      %squeeze3A_1398 = vector.extract %slice3A_1397[0] : i32 from vector<1xi32>
      %get3A_1399 = arith.index_cast %add3A_1396 : i32 to index
      %get3A_1400 = arith.index_cast %squeeze3A_1398 : i32 to index
      %get3A_1401 = tpu.vector_load %arg13[%get3A_1399, %get3A_1400] {strides = array<i32>} : memref<128x128xf32, #tpu.memory_space<vmem>>, vector<1x16xf32>,
      %get3A_1402 = vector.shape_cast %get3A_1401 : vector<1x16xf32> to vector<16xf32>
      %slice3A_1403 = vector.extract_strided_slice %mul3A_858 {offsets = [11], sizes = [1], strides = [1]} : vector<16xi32> to vector<1xi32>
      %squeeze3A_1404 = vector.extract %slice3A_1403[0] : i32 from vector<1xi32>
      %get3A_1405 = arith.index_cast %add3A_1396 : i32 to index
      %get3A_1406 = arith.index_cast %squeeze3A_1404 : i32 to index
      %get3A_1407 = tpu.vector_load %arg14[%get3A_1405, %get3A_1406] {strides = array<i32>} : memref<128x128xf32, #tpu.memory_space<vmem>>, vector<1x16xf32>,
      %get3A_1408 = vector.shape_cast %get3A_1407 : vector<1x16xf32> to vector<16xf32>
      %mul3A_1409 = arith.mulf %get3A_1402, %get3A_1408 : vector<16xf32>
      %xor3A_1410 = arith.constant 1 : i32
      %xor3A_1411 = vector.broadcast %xor3A_1410 : i32 to vector<16xi32>
      %xor3A_1412 = arith.xori %iota3A, %xor3A_1411 : vector<16xi32>
      %broadcast_in_dim3A_1413 = vector.shape_cast %xor3A_1412 : vector<16xi32> to vector<16x1xi32>
      %gather3A_1414 = vector.shape_cast %broadcast_in_dim3A_1413 : vector<16x1xi32> to vector<16xi32>
      %gather3A_1415 = tpu.dynamic_gather %mul3A_1409[%gather3A_1414] in [0] : vector<16xf32>, vector<16xi32> -> vector<16xf32>
      %add3A_1416 = arith.addf %mul3A_1409, %gather3A_1415 : vector<16xf32>
      %xor3A_1417 = arith.constant 2 : i32
      %xor3A_1418 = vector.broadcast %xor3A_1417 : i32 to vector<16xi32>
      %xor3A_1419 = arith.xori %iota3A, %xor3A_1418 : vector<16xi32>
      %broadcast_in_dim3A_1420 = vector.shape_cast %xor3A_1419 : vector<16xi32> to vector<16x1xi32>
      %gather3A_1421 = vector.shape_cast %broadcast_in_dim3A_1420 : vector<16x1xi32> to vector<16xi32>
      %gather3A_1422 = tpu.dynamic_gather %add3A_1416[%gather3A_1421] in [0] : vector<16xf32>, vector<16xi32> -> vector<16xf32>
      %add3A_1423 = arith.addf %add3A_1416, %gather3A_1422 : vector<16xf32>
      %xor3A_1424 = arith.constant 4 : i32
      %xor3A_1425 = vector.broadcast %xor3A_1424 : i32 to vector<16xi32>
      %xor3A_1426 = arith.xori %iota3A, %xor3A_1425 : vector<16xi32>
      %broadcast_in_dim3A_1427 = vector.shape_cast %xor3A_1426 : vector<16xi32> to vector<16x1xi32>
      %gather3A_1428 = vector.shape_cast %broadcast_in_dim3A_1427 : vector<16x1xi32> to vector<16xi32>
      %gather3A_1429 = tpu.dynamic_gather %add3A_1423[%gather3A_1428] in [0] : vector<16xf32>, vector<16xi32> -> vector<16xf32>
      %add3A_1430 = arith.addf %add3A_1423, %gather3A_1429 : vector<16xf32>
      %xor3A_1431 = arith.constant 8 : i32
      %xor3A_1432 = vector.broadcast %xor3A_1431 : i32 to vector<16xi32>
      %xor3A_1433 = arith.xori %iota3A, %xor3A_1432 : vector<16xi32>
      %broadcast_in_dim3A_1434 = vector.shape_cast %xor3A_1433 : vector<16xi32> to vector<16x1xi32>
      %gather3A_1435 = vector.shape_cast %broadcast_in_dim3A_1434 : vector<16x1xi32> to vector<16xi32>
      %gather3A_1436 = tpu.dynamic_gather %add3A_1430[%gather3A_1435] in [0] : vector<16xf32>, vector<16xi32> -> vector<16xf32>
      %add3A_1437 = arith.addf %add3A_1430, %gather3A_1436 : vector<16xf32>
      %eq3A_1438 = arith.constant 11 : i32
      %eq3A_1439 = vector.broadcast %eq3A_1438 : i32 to vector<16xi32>
      %eq3A_1440 = arith.cmpi eq, %iota3A, %eq3A_1439 : vector<16xi32>
      %select_n3A_1441 = arith.select %eq3A_1440, %add3A_1437, %select_n3A_1392 : vector<16xi1>, vector<16xf32>
      %mul3A_1442 = arith.constant 16 : i32
      %mul3A_1443 = arith.muli %scan3A_837, %mul3A_1442 : i32
      %add3A_1444 = arith.constant 12 : i32
      %add3A_1445 = arith.addi %mul3A_1443, %add3A_1444 : i32
      %slice3A_1446 = vector.extract_strided_slice %mul3A_849 {offsets = [12], sizes = [1], strides = [1]} : vector<16xi32> to vector<1xi32>
      %squeeze3A_1447 = vector.extract %slice3A_1446[0] : i32 from vector<1xi32>
      %get3A_1448 = arith.index_cast %add3A_1445 : i32 to index
      %get3A_1449 = arith.index_cast %squeeze3A_1447 : i32 to index
      %get3A_1450 = tpu.vector_load %arg13[%get3A_1448, %get3A_1449] {strides = array<i32>} : memref<128x128xf32, #tpu.memory_space<vmem>>, vector<1x16xf32>,
      %get3A_1451 = vector.shape_cast %get3A_1450 : vector<1x16xf32> to vector<16xf32>
      %slice3A_1452 = vector.extract_strided_slice %mul3A_858 {offsets = [12], sizes = [1], strides = [1]} : vector<16xi32> to vector<1xi32>
      %squeeze3A_1453 = vector.extract %slice3A_1452[0] : i32 from vector<1xi32>
      %get3A_1454 = arith.index_cast %add3A_1445 : i32 to index
      %get3A_1455 = arith.index_cast %squeeze3A_1453 : i32 to index
      %get3A_1456 = tpu.vector_load %arg14[%get3A_1454, %get3A_1455] {strides = array<i32>} : memref<128x128xf32, #tpu.memory_space<vmem>>, vector<1x16xf32>,
      %get3A_1457 = vector.shape_cast %get3A_1456 : vector<1x16xf32> to vector<16xf32>
      %mul3A_1458 = arith.mulf %get3A_1451, %get3A_1457 : vector<16xf32>
      %xor3A_1459 = arith.constant 1 : i32
      %xor3A_1460 = vector.broadcast %xor3A_1459 : i32 to vector<16xi32>
      %xor3A_1461 = arith.xori %iota3A, %xor3A_1460 : vector<16xi32>
      %broadcast_in_dim3A_1462 = vector.shape_cast %xor3A_1461 : vector<16xi32> to vector<16x1xi32>
      %gather3A_1463 = vector.shape_cast %broadcast_in_dim3A_1462 : vector<16x1xi32> to vector<16xi32>
      %gather3A_1464 = tpu.dynamic_gather %mul3A_1458[%gather3A_1463] in [0] : vector<16xf32>, vector<16xi32> -> vector<16xf32>
      %add3A_1465 = arith.addf %mul3A_1458, %gather3A_1464 : vector<16xf32>
      %xor3A_1466 = arith.constant 2 : i32
      %xor3A_1467 = vector.broadcast %xor3A_1466 : i32 to vector<16xi32>
      %xor3A_1468 = arith.xori %iota3A, %xor3A_1467 : vector<16xi32>
      %broadcast_in_dim3A_1469 = vector.shape_cast %xor3A_1468 : vector<16xi32> to vector<16x1xi32>
      %gather3A_1470 = vector.shape_cast %broadcast_in_dim3A_1469 : vector<16x1xi32> to vector<16xi32>
      %gather3A_1471 = tpu.dynamic_gather %add3A_1465[%gather3A_1470] in [0] : vector<16xf32>, vector<16xi32> -> vector<16xf32>
      %add3A_1472 = arith.addf %add3A_1465, %gather3A_1471 : vector<16xf32>
      %xor3A_1473 = arith.constant 4 : i32
      %xor3A_1474 = vector.broadcast %xor3A_1473 : i32 to vector<16xi32>
      %xor3A_1475 = arith.xori %iota3A, %xor3A_1474 : vector<16xi32>
      %broadcast_in_dim3A_1476 = vector.shape_cast %xor3A_1475 : vector<16xi32> to vector<16x1xi32>
      %gather3A_1477 = vector.shape_cast %broadcast_in_dim3A_1476 : vector<16x1xi32> to vector<16xi32>
      %gather3A_1478 = tpu.dynamic_gather %add3A_1472[%gather3A_1477] in [0] : vector<16xf32>, vector<16xi32> -> vector<16xf32>
      %add3A_1479 = arith.addf %add3A_1472, %gather3A_1478 : vector<16xf32>
      %xor3A_1480 = arith.constant 8 : i32
      %xor3A_1481 = vector.broadcast %xor3A_1480 : i32 to vector<16xi32>
      %xor3A_1482 = arith.xori %iota3A, %xor3A_1481 : vector<16xi32>
      %broadcast_in_dim3A_1483 = vector.shape_cast %xor3A_1482 : vector<16xi32> to vector<16x1xi32>
      %gather3A_1484 = vector.shape_cast %broadcast_in_dim3A_1483 : vector<16x1xi32> to vector<16xi32>
      %gather3A_1485 = tpu.dynamic_gather %add3A_1479[%gather3A_1484] in [0] : vector<16xf32>, vector<16xi32> -> vector<16xf32>
      %add3A_1486 = arith.addf %add3A_1479, %gather3A_1485 : vector<16xf32>
      %eq3A_1487 = arith.constant 12 : i32
      %eq3A_1488 = vector.broadcast %eq3A_1487 : i32 to vector<16xi32>
      %eq3A_1489 = arith.cmpi eq, %iota3A, %eq3A_1488 : vector<16xi32>
      %select_n3A_1490 = arith.select %eq3A_1489, %add3A_1486, %select_n3A_1441 : vector<16xi1>, vector<16xf32>
      %mul3A_1491 = arith.constant 16 : i32
      %mul3A_1492 = arith.muli %scan3A_837, %mul3A_1491 : i32
      %add3A_1493 = arith.constant 13 : i32
      %add3A_1494 = arith.addi %mul3A_1492, %add3A_1493 : i32
      %slice3A_1495 = vector.extract_strided_slice %mul3A_849 {offsets = [13], sizes = [1], strides = [1]} : vector<16xi32> to vector<1xi32>
      %squeeze3A_1496 = vector.extract %slice3A_1495[0] : i32 from vector<1xi32>
      %get3A_1497 = arith.index_cast %add3A_1494 : i32 to index
      %get3A_1498 = arith.index_cast %squeeze3A_1496 : i32 to index
      %get3A_1499 = tpu.vector_load %arg13[%get3A_1497, %get3A_1498] {strides = array<i32>} : memref<128x128xf32, #tpu.memory_space<vmem>>, vector<1x16xf32>,
      %get3A_1500 = vector.shape_cast %get3A_1499 : vector<1x16xf32> to vector<16xf32>
      %slice3A_1501 = vector.extract_strided_slice %mul3A_858 {offsets = [13], sizes = [1], strides = [1]} : vector<16xi32> to vector<1xi32>
      %squeeze3A_1502 = vector.extract %slice3A_1501[0] : i32 from vector<1xi32>
      %get3A_1503 = arith.index_cast %add3A_1494 : i32 to index
      %get3A_1504 = arith.index_cast %squeeze3A_1502 : i32 to index
      %get3A_1505 = tpu.vector_load %arg14[%get3A_1503, %get3A_1504] {strides = array<i32>} : memref<128x128xf32, #tpu.memory_space<vmem>>, vector<1x16xf32>,
      %get3A_1506 = vector.shape_cast %get3A_1505 : vector<1x16xf32> to vector<16xf32>
      %mul3A_1507 = arith.mulf %get3A_1500, %get3A_1506 : vector<16xf32>
      %xor3A_1508 = arith.constant 1 : i32
      %xor3A_1509 = vector.broadcast %xor3A_1508 : i32 to vector<16xi32>
      %xor3A_1510 = arith.xori %iota3A, %xor3A_1509 : vector<16xi32>
      %broadcast_in_dim3A_1511 = vector.shape_cast %xor3A_1510 : vector<16xi32> to vector<16x1xi32>
      %gather3A_1512 = vector.shape_cast %broadcast_in_dim3A_1511 : vector<16x1xi32> to vector<16xi32>
      %gather3A_1513 = tpu.dynamic_gather %mul3A_1507[%gather3A_1512] in [0] : vector<16xf32>, vector<16xi32> -> vector<16xf32>
      %add3A_1514 = arith.addf %mul3A_1507, %gather3A_1513 : vector<16xf32>
      %xor3A_1515 = arith.constant 2 : i32
      %xor3A_1516 = vector.broadcast %xor3A_1515 : i32 to vector<16xi32>
      %xor3A_1517 = arith.xori %iota3A, %xor3A_1516 : vector<16xi32>
      %broadcast_in_dim3A_1518 = vector.shape_cast %xor3A_1517 : vector<16xi32> to vector<16x1xi32>
      %gather3A_1519 = vector.shape_cast %broadcast_in_dim3A_1518 : vector<16x1xi32> to vector<16xi32>
      %gather3A_1520 = tpu.dynamic_gather %add3A_1514[%gather3A_1519] in [0] : vector<16xf32>, vector<16xi32> -> vector<16xf32>
      %add3A_1521 = arith.addf %add3A_1514, %gather3A_1520 : vector<16xf32>
      %xor3A_1522 = arith.constant 4 : i32
      %xor3A_1523 = vector.broadcast %xor3A_1522 : i32 to vector<16xi32>
      %xor3A_1524 = arith.xori %iota3A, %xor3A_1523 : vector<16xi32>
      %broadcast_in_dim3A_1525 = vector.shape_cast %xor3A_1524 : vector<16xi32> to vector<16x1xi32>
      %gather3A_1526 = vector.shape_cast %broadcast_in_dim3A_1525 : vector<16x1xi32> to vector<16xi32>
      %gather3A_1527 = tpu.dynamic_gather %add3A_1521[%gather3A_1526] in [0] : vector<16xf32>, vector<16xi32> -> vector<16xf32>
      %add3A_1528 = arith.addf %add3A_1521, %gather3A_1527 : vector<16xf32>
      %xor3A_1529 = arith.constant 8 : i32
      %xor3A_1530 = vector.broadcast %xor3A_1529 : i32 to vector<16xi32>
      %xor3A_1531 = arith.xori %iota3A, %xor3A_1530 : vector<16xi32>
      %broadcast_in_dim3A_1532 = vector.shape_cast %xor3A_1531 : vector<16xi32> to vector<16x1xi32>
      %gather3A_1533 = vector.shape_cast %broadcast_in_dim3A_1532 : vector<16x1xi32> to vector<16xi32>
      %gather3A_1534 = tpu.dynamic_gather %add3A_1528[%gather3A_1533] in [0] : vector<16xf32>, vector<16xi32> -> vector<16xf32>
      %add3A_1535 = arith.addf %add3A_1528, %gather3A_1534 : vector<16xf32>
      %eq3A_1536 = arith.constant 13 : i32
      %eq3A_1537 = vector.broadcast %eq3A_1536 : i32 to vector<16xi32>
      %eq3A_1538 = arith.cmpi eq, %iota3A, %eq3A_1537 : vector<16xi32>
      %select_n3A_1539 = arith.select %eq3A_1538, %add3A_1535, %select_n3A_1490 : vector<16xi1>, vector<16xf32>
      %mul3A_1540 = arith.constant 16 : i32
      %mul3A_1541 = arith.muli %scan3A_837, %mul3A_1540 : i32
      %add3A_1542 = arith.constant 14 : i32
      %add3A_1543 = arith.addi %mul3A_1541, %add3A_1542 : i32
      %slice3A_1544 = vector.extract_strided_slice %mul3A_849 {offsets = [14], sizes = [1], strides = [1]} : vector<16xi32> to vector<1xi32>
      %squeeze3A_1545 = vector.extract %slice3A_1544[0] : i32 from vector<1xi32>
      %get3A_1546 = arith.index_cast %add3A_1543 : i32 to index
      %get3A_1547 = arith.index_cast %squeeze3A_1545 : i32 to index
      %get3A_1548 = tpu.vector_load %arg13[%get3A_1546, %get3A_1547] {strides = array<i32>} : memref<128x128xf32, #tpu.memory_space<vmem>>, vector<1x16xf32>,
      %get3A_1549 = vector.shape_cast %get3A_1548 : vector<1x16xf32> to vector<16xf32>
      %slice3A_1550 = vector.extract_strided_slice %mul3A_858 {offsets = [14], sizes = [1], strides = [1]} : vector<16xi32> to vector<1xi32>
      %squeeze3A_1551 = vector.extract %slice3A_1550[0] : i32 from vector<1xi32>
      %get3A_1552 = arith.index_cast %add3A_1543 : i32 to index
      %get3A_1553 = arith.index_cast %squeeze3A_1551 : i32 to index
      %get3A_1554 = tpu.vector_load %arg14[%get3A_1552, %get3A_1553] {strides = array<i32>} : memref<128x128xf32, #tpu.memory_space<vmem>>, vector<1x16xf32>,
      %get3A_1555 = vector.shape_cast %get3A_1554 : vector<1x16xf32> to vector<16xf32>
      %mul3A_1556 = arith.mulf %get3A_1549, %get3A_1555 : vector<16xf32>
      %xor3A_1557 = arith.constant 1 : i32
      %xor3A_1558 = vector.broadcast %xor3A_1557 : i32 to vector<16xi32>
      %xor3A_1559 = arith.xori %iota3A, %xor3A_1558 : vector<16xi32>
      %broadcast_in_dim3A_1560 = vector.shape_cast %xor3A_1559 : vector<16xi32> to vector<16x1xi32>
      %gather3A_1561 = vector.shape_cast %broadcast_in_dim3A_1560 : vector<16x1xi32> to vector<16xi32>
      %gather3A_1562 = tpu.dynamic_gather %mul3A_1556[%gather3A_1561] in [0] : vector<16xf32>, vector<16xi32> -> vector<16xf32>
      %add3A_1563 = arith.addf %mul3A_1556, %gather3A_1562 : vector<16xf32>
      %xor3A_1564 = arith.constant 2 : i32
      %xor3A_1565 = vector.broadcast %xor3A_1564 : i32 to vector<16xi32>
      %xor3A_1566 = arith.xori %iota3A, %xor3A_1565 : vector<16xi32>
      %broadcast_in_dim3A_1567 = vector.shape_cast %xor3A_1566 : vector<16xi32> to vector<16x1xi32>
      %gather3A_1568 = vector.shape_cast %broadcast_in_dim3A_1567 : vector<16x1xi32> to vector<16xi32>
      %gather3A_1569 = tpu.dynamic_gather %add3A_1563[%gather3A_1568] in [0] : vector<16xf32>, vector<16xi32> -> vector<16xf32>
      %add3A_1570 = arith.addf %add3A_1563, %gather3A_1569 : vector<16xf32>
      %xor3A_1571 = arith.constant 4 : i32
      %xor3A_1572 = vector.broadcast %xor3A_1571 : i32 to vector<16xi32>
      %xor3A_1573 = arith.xori %iota3A, %xor3A_1572 : vector<16xi32>
      %broadcast_in_dim3A_1574 = vector.shape_cast %xor3A_1573 : vector<16xi32> to vector<16x1xi32>
      %gather3A_1575 = vector.shape_cast %broadcast_in_dim3A_1574 : vector<16x1xi32> to vector<16xi32>
      %gather3A_1576 = tpu.dynamic_gather %add3A_1570[%gather3A_1575] in [0] : vector<16xf32>, vector<16xi32> -> vector<16xf32>
      %add3A_1577 = arith.addf %add3A_1570, %gather3A_1576 : vector<16xf32>
      %xor3A_1578 = arith.constant 8 : i32
      %xor3A_1579 = vector.broadcast %xor3A_1578 : i32 to vector<16xi32>
      %xor3A_1580 = arith.xori %iota3A, %xor3A_1579 : vector<16xi32>
      %broadcast_in_dim3A_1581 = vector.shape_cast %xor3A_1580 : vector<16xi32> to vector<16x1xi32>
      %gather3A_1582 = vector.shape_cast %broadcast_in_dim3A_1581 : vector<16x1xi32> to vector<16xi32>
      %gather3A_1583 = tpu.dynamic_gather %add3A_1577[%gather3A_1582] in [0] : vector<16xf32>, vector<16xi32> -> vector<16xf32>
      %add3A_1584 = arith.addf %add3A_1577, %gather3A_1583 : vector<16xf32>
      %eq3A_1585 = arith.constant 14 : i32
      %eq3A_1586 = vector.broadcast %eq3A_1585 : i32 to vector<16xi32>
      %eq3A_1587 = arith.cmpi eq, %iota3A, %eq3A_1586 : vector<16xi32>
      %select_n3A_1588 = arith.select %eq3A_1587, %add3A_1584, %select_n3A_1539 : vector<16xi1>, vector<16xf32>
      %mul3A_1589 = arith.constant 16 : i32
      %mul3A_1590 = arith.muli %scan3A_837, %mul3A_1589 : i32
      %add3A_1591 = arith.constant 15 : i32
      %add3A_1592 = arith.addi %mul3A_1590, %add3A_1591 : i32
      %slice3A_1593 = vector.extract_strided_slice %mul3A_849 {offsets = [15], sizes = [1], strides = [1]} : vector<16xi32> to vector<1xi32>
      %squeeze3A_1594 = vector.extract %slice3A_1593[0] : i32 from vector<1xi32>
      %get3A_1595 = arith.index_cast %add3A_1592 : i32 to index
      %get3A_1596 = arith.index_cast %squeeze3A_1594 : i32 to index
      %get3A_1597 = tpu.vector_load %arg13[%get3A_1595, %get3A_1596] {strides = array<i32>} : memref<128x128xf32, #tpu.memory_space<vmem>>, vector<1x16xf32>,
      %get3A_1598 = vector.shape_cast %get3A_1597 : vector<1x16xf32> to vector<16xf32>
      %slice3A_1599 = vector.extract_strided_slice %mul3A_858 {offsets = [15], sizes = [1], strides = [1]} : vector<16xi32> to vector<1xi32>
      %squeeze3A_1600 = vector.extract %slice3A_1599[0] : i32 from vector<1xi32>
      %get3A_1601 = arith.index_cast %add3A_1592 : i32 to index
      %get3A_1602 = arith.index_cast %squeeze3A_1600 : i32 to index
      %get3A_1603 = tpu.vector_load %arg14[%get3A_1601, %get3A_1602] {strides = array<i32>} : memref<128x128xf32, #tpu.memory_space<vmem>>, vector<1x16xf32>,
      %get3A_1604 = vector.shape_cast %get3A_1603 : vector<1x16xf32> to vector<16xf32>
      %mul3A_1605 = arith.mulf %get3A_1598, %get3A_1604 : vector<16xf32>
      %xor3A_1606 = arith.constant 1 : i32
      %xor3A_1607 = vector.broadcast %xor3A_1606 : i32 to vector<16xi32>
      %xor3A_1608 = arith.xori %iota3A, %xor3A_1607 : vector<16xi32>
      %broadcast_in_dim3A_1609 = vector.shape_cast %xor3A_1608 : vector<16xi32> to vector<16x1xi32>
      %gather3A_1610 = vector.shape_cast %broadcast_in_dim3A_1609 : vector<16x1xi32> to vector<16xi32>
      %gather3A_1611 = tpu.dynamic_gather %mul3A_1605[%gather3A_1610] in [0] : vector<16xf32>, vector<16xi32> -> vector<16xf32>
      %add3A_1612 = arith.addf %mul3A_1605, %gather3A_1611 : vector<16xf32>
      %xor3A_1613 = arith.constant 2 : i32
      %xor3A_1614 = vector.broadcast %xor3A_1613 : i32 to vector<16xi32>
      %xor3A_1615 = arith.xori %iota3A, %xor3A_1614 : vector<16xi32>
      %broadcast_in_dim3A_1616 = vector.shape_cast %xor3A_1615 : vector<16xi32> to vector<16x1xi32>
      %gather3A_1617 = vector.shape_cast %broadcast_in_dim3A_1616 : vector<16x1xi32> to vector<16xi32>
      %gather3A_1618 = tpu.dynamic_gather %add3A_1612[%gather3A_1617] in [0] : vector<16xf32>, vector<16xi32> -> vector<16xf32>
      %add3A_1619 = arith.addf %add3A_1612, %gather3A_1618 : vector<16xf32>
      %xor3A_1620 = arith.constant 4 : i32
      %xor3A_1621 = vector.broadcast %xor3A_1620 : i32 to vector<16xi32>
      %xor3A_1622 = arith.xori %iota3A, %xor3A_1621 : vector<16xi32>
      %broadcast_in_dim3A_1623 = vector.shape_cast %xor3A_1622 : vector<16xi32> to vector<16x1xi32>
      %gather3A_1624 = vector.shape_cast %broadcast_in_dim3A_1623 : vector<16x1xi32> to vector<16xi32>
      %gather3A_1625 = tpu.dynamic_gather %add3A_1619[%gather3A_1624] in [0] : vector<16xf32>, vector<16xi32> -> vector<16xf32>
      %add3A_1626 = arith.addf %add3A_1619, %gather3A_1625 : vector<16xf32>
      %xor3A_1627 = arith.constant 8 : i32
      %xor3A_1628 = vector.broadcast %xor3A_1627 : i32 to vector<16xi32>
      %xor3A_1629 = arith.xori %iota3A, %xor3A_1628 : vector<16xi32>
      %broadcast_in_dim3A_1630 = vector.shape_cast %xor3A_1629 : vector<16xi32> to vector<16x1xi32>
      %gather3A_1631 = vector.shape_cast %broadcast_in_dim3A_1630 : vector<16x1xi32> to vector<16xi32>
      %gather3A_1632 = tpu.dynamic_gather %add3A_1626[%gather3A_1631] in [0] : vector<16xf32>, vector<16xi32> -> vector<16xf32>
      %add3A_1633 = arith.addf %add3A_1626, %gather3A_1632 : vector<16xf32>
      %eq3A_1634 = arith.constant 15 : i32
      %eq3A_1635 = vector.broadcast %eq3A_1634 : i32 to vector<16xi32>
      %eq3A_1636 = arith.cmpi eq, %iota3A, %eq3A_1635 : vector<16xi32>
      %select_n3A_1637 = arith.select %eq3A_1636, %add3A_1633, %select_n3A_1588 : vector<16xi1>, vector<16xf32>
      %get3A_1638 = arith.index_cast %add3A_841 : i32 to index
      %get3A_1639 = tpu.vector_load %arg17[%get3A_1638] {strides = array<i32>} : memref<512xf32, #tpu.memory_space<vmem>>, vector<16xf32>,
      %get3A_1640 = vector.shape_cast %get3A_1639 : vector<16xf32> to vector<16xf32>
      %add3A_1641 = arith.addf %select_n3A_1637, %get3A_1640 : vector<16xf32>
      %get3A_1642 = arith.index_cast %add3A_841 : i32 to index
      %get3A_1643 = tpu.vector_load %arg18[%get3A_1642] {strides = array<i32>} : memref<512xf32, #tpu.memory_space<vmem>>, vector<16xf32>,
      %get3A_1644 = vector.shape_cast %get3A_1643 : vector<16xf32> to vector<16xf32>
      %add3A_1645 = arith.addf %add3A_1641, %get3A_1644 : vector<16xf32>
      %swap3A_1646 = arith.index_cast %add3A_841 : i32 to index
      %swap3A_1647 = tpu.vector_load %arg19[%swap3A_1646] {strides = array<i32>} : memref<512xf32, #tpu.memory_space<vmem>>, vector<16xf32>,
      %swap3A_1648 = vector.shape_cast %swap3A_1647 : vector<16xf32> to vector<16xf32>
      %swap3A_1649 = vector.shape_cast %add3A_1645 : vector<16xf32> to vector<16xf32>
      tpu.vector_store %arg19[%swap3A_1646], %swap3A_1649 {strides = array<i32>} : memref<512xf32, #tpu.memory_space<vmem>>, vector<16xf32>,
    }
    %scan3A_820 = arith.constant 8 : i32
    %dma_wait3A_821 = arith.constant 384 : i32
    %dma_wait3A_822 = tpu.memref_slice %arg11[%dma_wait3A_821] : memref<512xi32, #tpu.memory_space<vmem>> -> memref<128xi32, #tpu.memory_space<vmem>>
    %dma_wait3A_823 = arith.constant 0 : i32
    %dma_wait3A_824 = arith.constant 0 : i32
    %dma_wait3A_825 = tpu.memref_slice %arg6[%dma_wait3A_823, %dma_wait3A_824] : memref<125000x128xf32, #tpu.memory_space<hbm>> -> memref<125000x128xf32, #tpu.memory_space<hbm>>
    tpu.wait_indirect_dma semaphore(%arg21 : memref<!tpu.dma_semaphore, #tpu.memory_space<semaphore_mem>>) src(%dma_wait3A_825 : memref<125000x128xf32, #tpu.memory_space<hbm>>) dst(%arg15 : memref<128x128xf32, #tpu.memory_space<vmem>>)
    %dma_wait3A_826 = arith.constant 384 : i32
    %dma_wait3A_827 = tpu.memref_slice %arg12[%dma_wait3A_826] : memref<512xi32, #tpu.memory_space<vmem>> -> memref<128xi32, #tpu.memory_space<vmem>>
    %dma_wait3A_828 = arith.constant 0 : i32
    %dma_wait3A_829 = arith.constant 0 : i32
    %dma_wait3A_830 = tpu.memref_slice %arg7[%dma_wait3A_828, %dma_wait3A_829] : memref<125000x128xf32, #tpu.memory_space<hbm>> -> memref<125000x128xf32, #tpu.memory_space<hbm>>
    tpu.wait_indirect_dma semaphore(%arg21 : memref<!tpu.dma_semaphore, #tpu.memory_space<semaphore_mem>>) src(%dma_wait3A_830 : memref<125000x128xf32, #tpu.memory_space<hbm>>) dst(%arg16 : memref<128x128xf32, #tpu.memory_space<vmem>>)
    %scan3A_831 = arith.constant 0 : i32
    %scan3A_832 = arith.constant 0 : i32
    %scan3A_833 = arith.constant 8 : i32
    %scan3A_834 = arith.addi %scan3A_832, %scan3A_833 : i32
    %scan3A_835 = arith.constant 1 : i32
    scf.for %scan3A_837 = %scan3A_832 to %scan3A_834 step %scan3A_835  : i32 {
      %mul3A_838 = arith.constant 16 : i32
      %mul3A_839 = arith.muli %scan3A_837, %mul3A_838 : i32
      %add3A_840 = arith.constant 384 : i32
      %add3A_841 = arith.addi %add3A_840, %mul3A_839 : i32
      %get3A_842 = arith.index_cast %add3A_841 : i32 to index
      %get3A_843 = tpu.vector_load %arg9[%get3A_842] {strides = array<i32>} : memref<512xi32, #tpu.memory_space<vmem>>, vector<16xi32>,
      %get3A_844 = vector.shape_cast %get3A_843 : vector<16xi32> to vector<16xi32>
      %and3A = arith.constant 7 : i32
      %and3A_845 = vector.broadcast %and3A : i32 to vector<16xi32>
      %and3A_846 = arith.andi %get3A_844, %and3A_845 : vector<16xi32>
      %mul3A_847 = arith.constant 16 : i32
      %mul3A_848 = vector.broadcast %mul3A_847 : i32 to vector<16xi32>
      %mul3A_849 = arith.muli %and3A_846, %mul3A_848 : vector<16xi32>
      %get3A_850 = arith.index_cast %add3A_841 : i32 to index
      %get3A_851 = tpu.vector_load %arg10[%get3A_850] {strides = array<i32>} : memref<512xi32, #tpu.memory_space<vmem>>, vector<16xi32>,
      %get3A_852 = vector.shape_cast %get3A_851 : vector<16xi32> to vector<16xi32>
      %and3A_853 = arith.constant 7 : i32
      %and3A_854 = vector.broadcast %and3A_853 : i32 to vector<16xi32>
      %and3A_855 = arith.andi %get3A_852, %and3A_854 : vector<16xi32>
      %mul3A_856 = arith.constant 16 : i32
      %mul3A_857 = vector.broadcast %mul3A_856 : i32 to vector<16xi32>
      %mul3A_858 = arith.muli %and3A_855, %mul3A_857 : vector<16xi32>
      %broadcast_in_dim3A = arith.constant 0.000000e+00 : f32
      %broadcast_in_dim3A_859 = vector.broadcast %broadcast_in_dim3A : f32 to vector<16xf32>
      %mul3A_860 = arith.constant 16 : i32
      %mul3A_861 = arith.muli %scan3A_837, %mul3A_860 : i32
      %add3A_862 = arith.constant 0 : i32
      %add3A_863 = arith.addi %mul3A_861, %add3A_862 : i32
      %slice3A = vector.extract_strided_slice %mul3A_849 {offsets = [0], sizes = [1], strides = [1]} : vector<16xi32> to vector<1xi32>
      %squeeze3A = vector.extract %slice3A[0] : i32 from vector<1xi32>
      %get3A_864 = arith.index_cast %add3A_863 : i32 to index
      %get3A_865 = arith.index_cast %squeeze3A : i32 to index
      %get3A_866 = tpu.vector_load %arg15[%get3A_864, %get3A_865] {strides = array<i32>} : memref<128x128xf32, #tpu.memory_space<vmem>>, vector<1x16xf32>,
      %get3A_867 = vector.shape_cast %get3A_866 : vector<1x16xf32> to vector<16xf32>
      %slice3A_868 = vector.extract_strided_slice %mul3A_858 {offsets = [0], sizes = [1], strides = [1]} : vector<16xi32> to vector<1xi32>
      %squeeze3A_869 = vector.extract %slice3A_868[0] : i32 from vector<1xi32>
      %get3A_870 = arith.index_cast %add3A_863 : i32 to index
      %get3A_871 = arith.index_cast %squeeze3A_869 : i32 to index
      %get3A_872 = tpu.vector_load %arg16[%get3A_870, %get3A_871] {strides = array<i32>} : memref<128x128xf32, #tpu.memory_space<vmem>>, vector<1x16xf32>,
      %get3A_873 = vector.shape_cast %get3A_872 : vector<1x16xf32> to vector<16xf32>
      %mul3A_874 = arith.mulf %get3A_867, %get3A_873 : vector<16xf32>
      %xor3A = arith.constant 1 : i32
      %xor3A_875 = vector.broadcast %xor3A : i32 to vector<16xi32>
      %xor3A_876 = arith.xori %iota3A, %xor3A_875 : vector<16xi32>
      %broadcast_in_dim3A_877 = vector.shape_cast %xor3A_876 : vector<16xi32> to vector<16x1xi32>
      %gather3A = vector.shape_cast %broadcast_in_dim3A_877 : vector<16x1xi32> to vector<16xi32>
      %gather3A_878 = tpu.dynamic_gather %mul3A_874[%gather3A] in [0] : vector<16xf32>, vector<16xi32> -> vector<16xf32>
      %add3A_879 = arith.addf %mul3A_874, %gather3A_878 : vector<16xf32>
      %xor3A_880 = arith.constant 2 : i32
      %xor3A_881 = vector.broadcast %xor3A_880 : i32 to vector<16xi32>
      %xor3A_882 = arith.xori %iota3A, %xor3A_881 : vector<16xi32>
      %broadcast_in_dim3A_883 = vector.shape_cast %xor3A_882 : vector<16xi32> to vector<16x1xi32>
      %gather3A_884 = vector.shape_cast %broadcast_in_dim3A_883 : vector<16x1xi32> to vector<16xi32>
      %gather3A_885 = tpu.dynamic_gather %add3A_879[%gather3A_884] in [0] : vector<16xf32>, vector<16xi32> -> vector<16xf32>
      %add3A_886 = arith.addf %add3A_879, %gather3A_885 : vector<16xf32>
      %xor3A_887 = arith.constant 4 : i32
      %xor3A_888 = vector.broadcast %xor3A_887 : i32 to vector<16xi32>
      %xor3A_889 = arith.xori %iota3A, %xor3A_888 : vector<16xi32>
      %broadcast_in_dim3A_890 = vector.shape_cast %xor3A_889 : vector<16xi32> to vector<16x1xi32>
      %gather3A_891 = vector.shape_cast %broadcast_in_dim3A_890 : vector<16x1xi32> to vector<16xi32>
      %gather3A_892 = tpu.dynamic_gather %add3A_886[%gather3A_891] in [0] : vector<16xf32>, vector<16xi32> -> vector<16xf32>
      %add3A_893 = arith.addf %add3A_886, %gather3A_892 : vector<16xf32>
      %xor3A_894 = arith.constant 8 : i32
      %xor3A_895 = vector.broadcast %xor3A_894 : i32 to vector<16xi32>
      %xor3A_896 = arith.xori %iota3A, %xor3A_895 : vector<16xi32>
      %broadcast_in_dim3A_897 = vector.shape_cast %xor3A_896 : vector<16xi32> to vector<16x1xi32>
      %gather3A_898 = vector.shape_cast %broadcast_in_dim3A_897 : vector<16x1xi32> to vector<16xi32>
      %gather3A_899 = tpu.dynamic_gather %add3A_893[%gather3A_898] in [0] : vector<16xf32>, vector<16xi32> -> vector<16xf32>
      %add3A_900 = arith.addf %add3A_893, %gather3A_899 : vector<16xf32>
      %eq3A = arith.constant 0 : i32
      %eq3A_901 = vector.broadcast %eq3A : i32 to vector<16xi32>
      %eq3A_902 = arith.cmpi eq, %iota3A, %eq3A_901 : vector<16xi32>
      %select_n3A = arith.select %eq3A_902, %add3A_900, %broadcast_in_dim3A_859 : vector<16xi1>, vector<16xf32>
      %mul3A_903 = arith.constant 16 : i32
      %mul3A_904 = arith.muli %scan3A_837, %mul3A_903 : i32
      %add3A_905 = arith.constant 1 : i32
      %add3A_906 = arith.addi %mul3A_904, %add3A_905 : i32
      %slice3A_907 = vector.extract_strided_slice %mul3A_849 {offsets = [1], sizes = [1], strides = [1]} : vector<16xi32> to vector<1xi32>
      %squeeze3A_908 = vector.extract %slice3A_907[0] : i32 from vector<1xi32>
      %get3A_909 = arith.index_cast %add3A_906 : i32 to index
      %get3A_910 = arith.index_cast %squeeze3A_908 : i32 to index
      %get3A_911 = tpu.vector_load %arg15[%get3A_909, %get3A_910] {strides = array<i32>} : memref<128x128xf32, #tpu.memory_space<vmem>>, vector<1x16xf32>,
      %get3A_912 = vector.shape_cast %get3A_911 : vector<1x16xf32> to vector<16xf32>
      %slice3A_913 = vector.extract_strided_slice %mul3A_858 {offsets = [1], sizes = [1], strides = [1]} : vector<16xi32> to vector<1xi32>
      %squeeze3A_914 = vector.extract %slice3A_913[0] : i32 from vector<1xi32>
      %get3A_915 = arith.index_cast %add3A_906 : i32 to index
      %get3A_916 = arith.index_cast %squeeze3A_914 : i32 to index
      %get3A_917 = tpu.vector_load %arg16[%get3A_915, %get3A_916] {strides = array<i32>} : memref<128x128xf32, #tpu.memory_space<vmem>>, vector<1x16xf32>,
      %get3A_918 = vector.shape_cast %get3A_917 : vector<1x16xf32> to vector<16xf32>
      %mul3A_919 = arith.mulf %get3A_912, %get3A_918 : vector<16xf32>
      %xor3A_920 = arith.constant 1 : i32
      %xor3A_921 = vector.broadcast %xor3A_920 : i32 to vector<16xi32>
      %xor3A_922 = arith.xori %iota3A, %xor3A_921 : vector<16xi32>
      %broadcast_in_dim3A_923 = vector.shape_cast %xor3A_922 : vector<16xi32> to vector<16x1xi32>
      %gather3A_924 = vector.shape_cast %broadcast_in_dim3A_923 : vector<16x1xi32> to vector<16xi32>
      %gather3A_925 = tpu.dynamic_gather %mul3A_919[%gather3A_924] in [0] : vector<16xf32>, vector<16xi32> -> vector<16xf32>
      %add3A_926 = arith.addf %mul3A_919, %gather3A_925 : vector<16xf32>
      %xor3A_927 = arith.constant 2 : i32
      %xor3A_928 = vector.broadcast %xor3A_927 : i32 to vector<16xi32>
      %xor3A_929 = arith.xori %iota3A, %xor3A_928 : vector<16xi32>
      %broadcast_in_dim3A_930 = vector.shape_cast %xor3A_929 : vector<16xi32> to vector<16x1xi32>
      %gather3A_931 = vector.shape_cast %broadcast_in_dim3A_930 : vector<16x1xi32> to vector<16xi32>
      %gather3A_932 = tpu.dynamic_gather %add3A_926[%gather3A_931] in [0] : vector<16xf32>, vector<16xi32> -> vector<16xf32>
      %add3A_933 = arith.addf %add3A_926, %gather3A_932 : vector<16xf32>
      %xor3A_934 = arith.constant 4 : i32
      %xor3A_935 = vector.broadcast %xor3A_934 : i32 to vector<16xi32>
      %xor3A_936 = arith.xori %iota3A, %xor3A_935 : vector<16xi32>
      %broadcast_in_dim3A_937 = vector.shape_cast %xor3A_936 : vector<16xi32> to vector<16x1xi32>
      %gather3A_938 = vector.shape_cast %broadcast_in_dim3A_937 : vector<16x1xi32> to vector<16xi32>
      %gather3A_939 = tpu.dynamic_gather %add3A_933[%gather3A_938] in [0] : vector<16xf32>, vector<16xi32> -> vector<16xf32>
      %add3A_940 = arith.addf %add3A_933, %gather3A_939 : vector<16xf32>
      %xor3A_941 = arith.constant 8 : i32
      %xor3A_942 = vector.broadcast %xor3A_941 : i32 to vector<16xi32>
      %xor3A_943 = arith.xori %iota3A, %xor3A_942 : vector<16xi32>
      %broadcast_in_dim3A_944 = vector.shape_cast %xor3A_943 : vector<16xi32> to vector<16x1xi32>
      %gather3A_945 = vector.shape_cast %broadcast_in_dim3A_944 : vector<16x1xi32> to vector<16xi32>
      %gather3A_946 = tpu.dynamic_gather %add3A_940[%gather3A_945] in [0] : vector<16xf32>, vector<16xi32> -> vector<16xf32>
      %add3A_947 = arith.addf %add3A_940, %gather3A_946 : vector<16xf32>
      %eq3A_948 = arith.constant 1 : i32
      %eq3A_949 = vector.broadcast %eq3A_948 : i32 to vector<16xi32>
      %eq3A_950 = arith.cmpi eq, %iota3A, %eq3A_949 : vector<16xi32>
      %select_n3A_951 = arith.select %eq3A_950, %add3A_947, %select_n3A : vector<16xi1>, vector<16xf32>
      %mul3A_952 = arith.constant 16 : i32
      %mul3A_953 = arith.muli %scan3A_837, %mul3A_952 : i32
      %add3A_954 = arith.constant 2 : i32
      %add3A_955 = arith.addi %mul3A_953, %add3A_954 : i32
      %slice3A_956 = vector.extract_strided_slice %mul3A_849 {offsets = [2], sizes = [1], strides = [1]} : vector<16xi32> to vector<1xi32>
      %squeeze3A_957 = vector.extract %slice3A_956[0] : i32 from vector<1xi32>
      %get3A_958 = arith.index_cast %add3A_955 : i32 to index
      %get3A_959 = arith.index_cast %squeeze3A_957 : i32 to index
      %get3A_960 = tpu.vector_load %arg15[%get3A_958, %get3A_959] {strides = array<i32>} : memref<128x128xf32, #tpu.memory_space<vmem>>, vector<1x16xf32>,
      %get3A_961 = vector.shape_cast %get3A_960 : vector<1x16xf32> to vector<16xf32>
      %slice3A_962 = vector.extract_strided_slice %mul3A_858 {offsets = [2], sizes = [1], strides = [1]} : vector<16xi32> to vector<1xi32>
      %squeeze3A_963 = vector.extract %slice3A_962[0] : i32 from vector<1xi32>
      %get3A_964 = arith.index_cast %add3A_955 : i32 to index
      %get3A_965 = arith.index_cast %squeeze3A_963 : i32 to index
      %get3A_966 = tpu.vector_load %arg16[%get3A_964, %get3A_965] {strides = array<i32>} : memref<128x128xf32, #tpu.memory_space<vmem>>, vector<1x16xf32>,
      %get3A_967 = vector.shape_cast %get3A_966 : vector<1x16xf32> to vector<16xf32>
      %mul3A_968 = arith.mulf %get3A_961, %get3A_967 : vector<16xf32>
      %xor3A_969 = arith.constant 1 : i32
      %xor3A_970 = vector.broadcast %xor3A_969 : i32 to vector<16xi32>
      %xor3A_971 = arith.xori %iota3A, %xor3A_970 : vector<16xi32>
      %broadcast_in_dim3A_972 = vector.shape_cast %xor3A_971 : vector<16xi32> to vector<16x1xi32>
      %gather3A_973 = vector.shape_cast %broadcast_in_dim3A_972 : vector<16x1xi32> to vector<16xi32>
      %gather3A_974 = tpu.dynamic_gather %mul3A_968[%gather3A_973] in [0] : vector<16xf32>, vector<16xi32> -> vector<16xf32>
      %add3A_975 = arith.addf %mul3A_968, %gather3A_974 : vector<16xf32>
      %xor3A_976 = arith.constant 2 : i32
      %xor3A_977 = vector.broadcast %xor3A_976 : i32 to vector<16xi32>
      %xor3A_978 = arith.xori %iota3A, %xor3A_977 : vector<16xi32>
      %broadcast_in_dim3A_979 = vector.shape_cast %xor3A_978 : vector<16xi32> to vector<16x1xi32>
      %gather3A_980 = vector.shape_cast %broadcast_in_dim3A_979 : vector<16x1xi32> to vector<16xi32>
      %gather3A_981 = tpu.dynamic_gather %add3A_975[%gather3A_980] in [0] : vector<16xf32>, vector<16xi32> -> vector<16xf32>
      %add3A_982 = arith.addf %add3A_975, %gather3A_981 : vector<16xf32>
      %xor3A_983 = arith.constant 4 : i32
      %xor3A_984 = vector.broadcast %xor3A_983 : i32 to vector<16xi32>
      %xor3A_985 = arith.xori %iota3A, %xor3A_984 : vector<16xi32>
      %broadcast_in_dim3A_986 = vector.shape_cast %xor3A_985 : vector<16xi32> to vector<16x1xi32>
      %gather3A_987 = vector.shape_cast %broadcast_in_dim3A_986 : vector<16x1xi32> to vector<16xi32>
      %gather3A_988 = tpu.dynamic_gather %add3A_982[%gather3A_987] in [0] : vector<16xf32>, vector<16xi32> -> vector<16xf32>
      %add3A_989 = arith.addf %add3A_982, %gather3A_988 : vector<16xf32>
      %xor3A_990 = arith.constant 8 : i32
      %xor3A_991 = vector.broadcast %xor3A_990 : i32 to vector<16xi32>
      %xor3A_992 = arith.xori %iota3A, %xor3A_991 : vector<16xi32>
      %broadcast_in_dim3A_993 = vector.shape_cast %xor3A_992 : vector<16xi32> to vector<16x1xi32>
      %gather3A_994 = vector.shape_cast %broadcast_in_dim3A_993 : vector<16x1xi32> to vector<16xi32>
      %gather3A_995 = tpu.dynamic_gather %add3A_989[%gather3A_994] in [0] : vector<16xf32>, vector<16xi32> -> vector<16xf32>
      %add3A_996 = arith.addf %add3A_989, %gather3A_995 : vector<16xf32>
      %eq3A_997 = arith.constant 2 : i32
      %eq3A_998 = vector.broadcast %eq3A_997 : i32 to vector<16xi32>
      %eq3A_999 = arith.cmpi eq, %iota3A, %eq3A_998 : vector<16xi32>
      %select_n3A_1000 = arith.select %eq3A_999, %add3A_996, %select_n3A_951 : vector<16xi1>, vector<16xf32>
      %mul3A_1001 = arith.constant 16 : i32
      %mul3A_1002 = arith.muli %scan3A_837, %mul3A_1001 : i32
      %add3A_1003 = arith.constant 3 : i32
      %add3A_1004 = arith.addi %mul3A_1002, %add3A_1003 : i32
      %slice3A_1005 = vector.extract_strided_slice %mul3A_849 {offsets = [3], sizes = [1], strides = [1]} : vector<16xi32> to vector<1xi32>
      %squeeze3A_1006 = vector.extract %slice3A_1005[0] : i32 from vector<1xi32>
      %get3A_1007 = arith.index_cast %add3A_1004 : i32 to index
      %get3A_1008 = arith.index_cast %squeeze3A_1006 : i32 to index
      %get3A_1009 = tpu.vector_load %arg15[%get3A_1007, %get3A_1008] {strides = array<i32>} : memref<128x128xf32, #tpu.memory_space<vmem>>, vector<1x16xf32>,
      %get3A_1010 = vector.shape_cast %get3A_1009 : vector<1x16xf32> to vector<16xf32>
      %slice3A_1011 = vector.extract_strided_slice %mul3A_858 {offsets = [3], sizes = [1], strides = [1]} : vector<16xi32> to vector<1xi32>
      %squeeze3A_1012 = vector.extract %slice3A_1011[0] : i32 from vector<1xi32>
      %get3A_1013 = arith.index_cast %add3A_1004 : i32 to index
      %get3A_1014 = arith.index_cast %squeeze3A_1012 : i32 to index
      %get3A_1015 = tpu.vector_load %arg16[%get3A_1013, %get3A_1014] {strides = array<i32>} : memref<128x128xf32, #tpu.memory_space<vmem>>, vector<1x16xf32>,
      %get3A_1016 = vector.shape_cast %get3A_1015 : vector<1x16xf32> to vector<16xf32>
      %mul3A_1017 = arith.mulf %get3A_1010, %get3A_1016 : vector<16xf32>
      %xor3A_1018 = arith.constant 1 : i32
      %xor3A_1019 = vector.broadcast %xor3A_1018 : i32 to vector<16xi32>
      %xor3A_1020 = arith.xori %iota3A, %xor3A_1019 : vector<16xi32>
      %broadcast_in_dim3A_1021 = vector.shape_cast %xor3A_1020 : vector<16xi32> to vector<16x1xi32>
      %gather3A_1022 = vector.shape_cast %broadcast_in_dim3A_1021 : vector<16x1xi32> to vector<16xi32>
      %gather3A_1023 = tpu.dynamic_gather %mul3A_1017[%gather3A_1022] in [0] : vector<16xf32>, vector<16xi32> -> vector<16xf32>
      %add3A_1024 = arith.addf %mul3A_1017, %gather3A_1023 : vector<16xf32>
      %xor3A_1025 = arith.constant 2 : i32
      %xor3A_1026 = vector.broadcast %xor3A_1025 : i32 to vector<16xi32>
      %xor3A_1027 = arith.xori %iota3A, %xor3A_1026 : vector<16xi32>
      %broadcast_in_dim3A_1028 = vector.shape_cast %xor3A_1027 : vector<16xi32> to vector<16x1xi32>
      %gather3A_1029 = vector.shape_cast %broadcast_in_dim3A_1028 : vector<16x1xi32> to vector<16xi32>
      %gather3A_1030 = tpu.dynamic_gather %add3A_1024[%gather3A_1029] in [0] : vector<16xf32>, vector<16xi32> -> vector<16xf32>
      %add3A_1031 = arith.addf %add3A_1024, %gather3A_1030 : vector<16xf32>
      %xor3A_1032 = arith.constant 4 : i32
      %xor3A_1033 = vector.broadcast %xor3A_1032 : i32 to vector<16xi32>
      %xor3A_1034 = arith.xori %iota3A, %xor3A_1033 : vector<16xi32>
      %broadcast_in_dim3A_1035 = vector.shape_cast %xor3A_1034 : vector<16xi32> to vector<16x1xi32>
      %gather3A_1036 = vector.shape_cast %broadcast_in_dim3A_1035 : vector<16x1xi32> to vector<16xi32>
      %gather3A_1037 = tpu.dynamic_gather %add3A_1031[%gather3A_1036] in [0] : vector<16xf32>, vector<16xi32> -> vector<16xf32>
      %add3A_1038 = arith.addf %add3A_1031, %gather3A_1037 : vector<16xf32>
      %xor3A_1039 = arith.constant 8 : i32
      %xor3A_1040 = vector.broadcast %xor3A_1039 : i32 to vector<16xi32>
      %xor3A_1041 = arith.xori %iota3A, %xor3A_1040 : vector<16xi32>
      %broadcast_in_dim3A_1042 = vector.shape_cast %xor3A_1041 : vector<16xi32> to vector<16x1xi32>
      %gather3A_1043 = vector.shape_cast %broadcast_in_dim3A_1042 : vector<16x1xi32> to vector<16xi32>
      %gather3A_1044 = tpu.dynamic_gather %add3A_1038[%gather3A_1043] in [0] : vector<16xf32>, vector<16xi32> -> vector<16xf32>
      %add3A_1045 = arith.addf %add3A_1038, %gather3A_1044 : vector<16xf32>
      %eq3A_1046 = arith.constant 3 : i32
      %eq3A_1047 = vector.broadcast %eq3A_1046 : i32 to vector<16xi32>
      %eq3A_1048 = arith.cmpi eq, %iota3A, %eq3A_1047 : vector<16xi32>
      %select_n3A_1049 = arith.select %eq3A_1048, %add3A_1045, %select_n3A_1000 : vector<16xi1>, vector<16xf32>
      %mul3A_1050 = arith.constant 16 : i32
      %mul3A_1051 = arith.muli %scan3A_837, %mul3A_1050 : i32
      %add3A_1052 = arith.constant 4 : i32
      %add3A_1053 = arith.addi %mul3A_1051, %add3A_1052 : i32
      %slice3A_1054 = vector.extract_strided_slice %mul3A_849 {offsets = [4], sizes = [1], strides = [1]} : vector<16xi32> to vector<1xi32>
      %squeeze3A_1055 = vector.extract %slice3A_1054[0] : i32 from vector<1xi32>
      %get3A_1056 = arith.index_cast %add3A_1053 : i32 to index
      %get3A_1057 = arith.index_cast %squeeze3A_1055 : i32 to index
      %get3A_1058 = tpu.vector_load %arg15[%get3A_1056, %get3A_1057] {strides = array<i32>} : memref<128x128xf32, #tpu.memory_space<vmem>>, vector<1x16xf32>,
      %get3A_1059 = vector.shape_cast %get3A_1058 : vector<1x16xf32> to vector<16xf32>
      %slice3A_1060 = vector.extract_strided_slice %mul3A_858 {offsets = [4], sizes = [1], strides = [1]} : vector<16xi32> to vector<1xi32>
      %squeeze3A_1061 = vector.extract %slice3A_1060[0] : i32 from vector<1xi32>
      %get3A_1062 = arith.index_cast %add3A_1053 : i32 to index
      %get3A_1063 = arith.index_cast %squeeze3A_1061 : i32 to index
      %get3A_1064 = tpu.vector_load %arg16[%get3A_1062, %get3A_1063] {strides = array<i32>} : memref<128x128xf32, #tpu.memory_space<vmem>>, vector<1x16xf32>,
      %get3A_1065 = vector.shape_cast %get3A_1064 : vector<1x16xf32> to vector<16xf32>
      %mul3A_1066 = arith.mulf %get3A_1059, %get3A_1065 : vector<16xf32>
      %xor3A_1067 = arith.constant 1 : i32
      %xor3A_1068 = vector.broadcast %xor3A_1067 : i32 to vector<16xi32>
      %xor3A_1069 = arith.xori %iota3A, %xor3A_1068 : vector<16xi32>
      %broadcast_in_dim3A_1070 = vector.shape_cast %xor3A_1069 : vector<16xi32> to vector<16x1xi32>
      %gather3A_1071 = vector.shape_cast %broadcast_in_dim3A_1070 : vector<16x1xi32> to vector<16xi32>
      %gather3A_1072 = tpu.dynamic_gather %mul3A_1066[%gather3A_1071] in [0] : vector<16xf32>, vector<16xi32> -> vector<16xf32>
      %add3A_1073 = arith.addf %mul3A_1066, %gather3A_1072 : vector<16xf32>
      %xor3A_1074 = arith.constant 2 : i32
      %xor3A_1075 = vector.broadcast %xor3A_1074 : i32 to vector<16xi32>
      %xor3A_1076 = arith.xori %iota3A, %xor3A_1075 : vector<16xi32>
      %broadcast_in_dim3A_1077 = vector.shape_cast %xor3A_1076 : vector<16xi32> to vector<16x1xi32>
      %gather3A_1078 = vector.shape_cast %broadcast_in_dim3A_1077 : vector<16x1xi32> to vector<16xi32>
      %gather3A_1079 = tpu.dynamic_gather %add3A_1073[%gather3A_1078] in [0] : vector<16xf32>, vector<16xi32> -> vector<16xf32>
      %add3A_1080 = arith.addf %add3A_1073, %gather3A_1079 : vector<16xf32>
      %xor3A_1081 = arith.constant 4 : i32
      %xor3A_1082 = vector.broadcast %xor3A_1081 : i32 to vector<16xi32>
      %xor3A_1083 = arith.xori %iota3A, %xor3A_1082 : vector<16xi32>
      %broadcast_in_dim3A_1084 = vector.shape_cast %xor3A_1083 : vector<16xi32> to vector<16x1xi32>
      %gather3A_1085 = vector.shape_cast %broadcast_in_dim3A_1084 : vector<16x1xi32> to vector<16xi32>
      %gather3A_1086 = tpu.dynamic_gather %add3A_1080[%gather3A_1085] in [0] : vector<16xf32>, vector<16xi32> -> vector<16xf32>
      %add3A_1087 = arith.addf %add3A_1080, %gather3A_1086 : vector<16xf32>
      %xor3A_1088 = arith.constant 8 : i32
      %xor3A_1089 = vector.broadcast %xor3A_1088 : i32 to vector<16xi32>
      %xor3A_1090 = arith.xori %iota3A, %xor3A_1089 : vector<16xi32>
      %broadcast_in_dim3A_1091 = vector.shape_cast %xor3A_1090 : vector<16xi32> to vector<16x1xi32>
      %gather3A_1092 = vector.shape_cast %broadcast_in_dim3A_1091 : vector<16x1xi32> to vector<16xi32>
      %gather3A_1093 = tpu.dynamic_gather %add3A_1087[%gather3A_1092] in [0] : vector<16xf32>, vector<16xi32> -> vector<16xf32>
      %add3A_1094 = arith.addf %add3A_1087, %gather3A_1093 : vector<16xf32>
      %eq3A_1095 = arith.constant 4 : i32
      %eq3A_1096 = vector.broadcast %eq3A_1095 : i32 to vector<16xi32>
      %eq3A_1097 = arith.cmpi eq, %iota3A, %eq3A_1096 : vector<16xi32>
      %select_n3A_1098 = arith.select %eq3A_1097, %add3A_1094, %select_n3A_1049 : vector<16xi1>, vector<16xf32>
      %mul3A_1099 = arith.constant 16 : i32
      %mul3A_1100 = arith.muli %scan3A_837, %mul3A_1099 : i32
      %add3A_1101 = arith.constant 5 : i32
      %add3A_1102 = arith.addi %mul3A_1100, %add3A_1101 : i32
      %slice3A_1103 = vector.extract_strided_slice %mul3A_849 {offsets = [5], sizes = [1], strides = [1]} : vector<16xi32> to vector<1xi32>
      %squeeze3A_1104 = vector.extract %slice3A_1103[0] : i32 from vector<1xi32>
      %get3A_1105 = arith.index_cast %add3A_1102 : i32 to index
      %get3A_1106 = arith.index_cast %squeeze3A_1104 : i32 to index
      %get3A_1107 = tpu.vector_load %arg15[%get3A_1105, %get3A_1106] {strides = array<i32>} : memref<128x128xf32, #tpu.memory_space<vmem>>, vector<1x16xf32>,
      %get3A_1108 = vector.shape_cast %get3A_1107 : vector<1x16xf32> to vector<16xf32>
      %slice3A_1109 = vector.extract_strided_slice %mul3A_858 {offsets = [5], sizes = [1], strides = [1]} : vector<16xi32> to vector<1xi32>
      %squeeze3A_1110 = vector.extract %slice3A_1109[0] : i32 from vector<1xi32>
      %get3A_1111 = arith.index_cast %add3A_1102 : i32 to index
      %get3A_1112 = arith.index_cast %squeeze3A_1110 : i32 to index
      %get3A_1113 = tpu.vector_load %arg16[%get3A_1111, %get3A_1112] {strides = array<i32>} : memref<128x128xf32, #tpu.memory_space<vmem>>, vector<1x16xf32>,
      %get3A_1114 = vector.shape_cast %get3A_1113 : vector<1x16xf32> to vector<16xf32>
      %mul3A_1115 = arith.mulf %get3A_1108, %get3A_1114 : vector<16xf32>
      %xor3A_1116 = arith.constant 1 : i32
      %xor3A_1117 = vector.broadcast %xor3A_1116 : i32 to vector<16xi32>
      %xor3A_1118 = arith.xori %iota3A, %xor3A_1117 : vector<16xi32>
      %broadcast_in_dim3A_1119 = vector.shape_cast %xor3A_1118 : vector<16xi32> to vector<16x1xi32>
      %gather3A_1120 = vector.shape_cast %broadcast_in_dim3A_1119 : vector<16x1xi32> to vector<16xi32>
      %gather3A_1121 = tpu.dynamic_gather %mul3A_1115[%gather3A_1120] in [0] : vector<16xf32>, vector<16xi32> -> vector<16xf32>
      %add3A_1122 = arith.addf %mul3A_1115, %gather3A_1121 : vector<16xf32>
      %xor3A_1123 = arith.constant 2 : i32
      %xor3A_1124 = vector.broadcast %xor3A_1123 : i32 to vector<16xi32>
      %xor3A_1125 = arith.xori %iota3A, %xor3A_1124 : vector<16xi32>
      %broadcast_in_dim3A_1126 = vector.shape_cast %xor3A_1125 : vector<16xi32> to vector<16x1xi32>
      %gather3A_1127 = vector.shape_cast %broadcast_in_dim3A_1126 : vector<16x1xi32> to vector<16xi32>
      %gather3A_1128 = tpu.dynamic_gather %add3A_1122[%gather3A_1127] in [0] : vector<16xf32>, vector<16xi32> -> vector<16xf32>
      %add3A_1129 = arith.addf %add3A_1122, %gather3A_1128 : vector<16xf32>
      %xor3A_1130 = arith.constant 4 : i32
      %xor3A_1131 = vector.broadcast %xor3A_1130 : i32 to vector<16xi32>
      %xor3A_1132 = arith.xori %iota3A, %xor3A_1131 : vector<16xi32>
      %broadcast_in_dim3A_1133 = vector.shape_cast %xor3A_1132 : vector<16xi32> to vector<16x1xi32>
      %gather3A_1134 = vector.shape_cast %broadcast_in_dim3A_1133 : vector<16x1xi32> to vector<16xi32>
      %gather3A_1135 = tpu.dynamic_gather %add3A_1129[%gather3A_1134] in [0] : vector<16xf32>, vector<16xi32> -> vector<16xf32>
      %add3A_1136 = arith.addf %add3A_1129, %gather3A_1135 : vector<16xf32>
      %xor3A_1137 = arith.constant 8 : i32
      %xor3A_1138 = vector.broadcast %xor3A_1137 : i32 to vector<16xi32>
      %xor3A_1139 = arith.xori %iota3A, %xor3A_1138 : vector<16xi32>
      %broadcast_in_dim3A_1140 = vector.shape_cast %xor3A_1139 : vector<16xi32> to vector<16x1xi32>
      %gather3A_1141 = vector.shape_cast %broadcast_in_dim3A_1140 : vector<16x1xi32> to vector<16xi32>
      %gather3A_1142 = tpu.dynamic_gather %add3A_1136[%gather3A_1141] in [0] : vector<16xf32>, vector<16xi32> -> vector<16xf32>
      %add3A_1143 = arith.addf %add3A_1136, %gather3A_1142 : vector<16xf32>
      %eq3A_1144 = arith.constant 5 : i32
      %eq3A_1145 = vector.broadcast %eq3A_1144 : i32 to vector<16xi32>
      %eq3A_1146 = arith.cmpi eq, %iota3A, %eq3A_1145 : vector<16xi32>
      %select_n3A_1147 = arith.select %eq3A_1146, %add3A_1143, %select_n3A_1098 : vector<16xi1>, vector<16xf32>
      %mul3A_1148 = arith.constant 16 : i32
      %mul3A_1149 = arith.muli %scan3A_837, %mul3A_1148 : i32
      %add3A_1150 = arith.constant 6 : i32
      %add3A_1151 = arith.addi %mul3A_1149, %add3A_1150 : i32
      %slice3A_1152 = vector.extract_strided_slice %mul3A_849 {offsets = [6], sizes = [1], strides = [1]} : vector<16xi32> to vector<1xi32>
      %squeeze3A_1153 = vector.extract %slice3A_1152[0] : i32 from vector<1xi32>
      %get3A_1154 = arith.index_cast %add3A_1151 : i32 to index
      %get3A_1155 = arith.index_cast %squeeze3A_1153 : i32 to index
      %get3A_1156 = tpu.vector_load %arg15[%get3A_1154, %get3A_1155] {strides = array<i32>} : memref<128x128xf32, #tpu.memory_space<vmem>>, vector<1x16xf32>,
      %get3A_1157 = vector.shape_cast %get3A_1156 : vector<1x16xf32> to vector<16xf32>
      %slice3A_1158 = vector.extract_strided_slice %mul3A_858 {offsets = [6], sizes = [1], strides = [1]} : vector<16xi32> to vector<1xi32>
      %squeeze3A_1159 = vector.extract %slice3A_1158[0] : i32 from vector<1xi32>
      %get3A_1160 = arith.index_cast %add3A_1151 : i32 to index
      %get3A_1161 = arith.index_cast %squeeze3A_1159 : i32 to index
      %get3A_1162 = tpu.vector_load %arg16[%get3A_1160, %get3A_1161] {strides = array<i32>} : memref<128x128xf32, #tpu.memory_space<vmem>>, vector<1x16xf32>,
      %get3A_1163 = vector.shape_cast %get3A_1162 : vector<1x16xf32> to vector<16xf32>
      %mul3A_1164 = arith.mulf %get3A_1157, %get3A_1163 : vector<16xf32>
      %xor3A_1165 = arith.constant 1 : i32
      %xor3A_1166 = vector.broadcast %xor3A_1165 : i32 to vector<16xi32>
      %xor3A_1167 = arith.xori %iota3A, %xor3A_1166 : vector<16xi32>
      %broadcast_in_dim3A_1168 = vector.shape_cast %xor3A_1167 : vector<16xi32> to vector<16x1xi32>
      %gather3A_1169 = vector.shape_cast %broadcast_in_dim3A_1168 : vector<16x1xi32> to vector<16xi32>
      %gather3A_1170 = tpu.dynamic_gather %mul3A_1164[%gather3A_1169] in [0] : vector<16xf32>, vector<16xi32> -> vector<16xf32>
      %add3A_1171 = arith.addf %mul3A_1164, %gather3A_1170 : vector<16xf32>
      %xor3A_1172 = arith.constant 2 : i32
      %xor3A_1173 = vector.broadcast %xor3A_1172 : i32 to vector<16xi32>
      %xor3A_1174 = arith.xori %iota3A, %xor3A_1173 : vector<16xi32>
      %broadcast_in_dim3A_1175 = vector.shape_cast %xor3A_1174 : vector<16xi32> to vector<16x1xi32>
      %gather3A_1176 = vector.shape_cast %broadcast_in_dim3A_1175 : vector<16x1xi32> to vector<16xi32>
      %gather3A_1177 = tpu.dynamic_gather %add3A_1171[%gather3A_1176] in [0] : vector<16xf32>, vector<16xi32> -> vector<16xf32>
      %add3A_1178 = arith.addf %add3A_1171, %gather3A_1177 : vector<16xf32>
      %xor3A_1179 = arith.constant 4 : i32
      %xor3A_1180 = vector.broadcast %xor3A_1179 : i32 to vector<16xi32>
      %xor3A_1181 = arith.xori %iota3A, %xor3A_1180 : vector<16xi32>
      %broadcast_in_dim3A_1182 = vector.shape_cast %xor3A_1181 : vector<16xi32> to vector<16x1xi32>
      %gather3A_1183 = vector.shape_cast %broadcast_in_dim3A_1182 : vector<16x1xi32> to vector<16xi32>
      %gather3A_1184 = tpu.dynamic_gather %add3A_1178[%gather3A_1183] in [0] : vector<16xf32>, vector<16xi32> -> vector<16xf32>
      %add3A_1185 = arith.addf %add3A_1178, %gather3A_1184 : vector<16xf32>
      %xor3A_1186 = arith.constant 8 : i32
      %xor3A_1187 = vector.broadcast %xor3A_1186 : i32 to vector<16xi32>
      %xor3A_1188 = arith.xori %iota3A, %xor3A_1187 : vector<16xi32>
      %broadcast_in_dim3A_1189 = vector.shape_cast %xor3A_1188 : vector<16xi32> to vector<16x1xi32>
      %gather3A_1190 = vector.shape_cast %broadcast_in_dim3A_1189 : vector<16x1xi32> to vector<16xi32>
      %gather3A_1191 = tpu.dynamic_gather %add3A_1185[%gather3A_1190] in [0] : vector<16xf32>, vector<16xi32> -> vector<16xf32>
      %add3A_1192 = arith.addf %add3A_1185, %gather3A_1191 : vector<16xf32>
      %eq3A_1193 = arith.constant 6 : i32
      %eq3A_1194 = vector.broadcast %eq3A_1193 : i32 to vector<16xi32>
      %eq3A_1195 = arith.cmpi eq, %iota3A, %eq3A_1194 : vector<16xi32>
      %select_n3A_1196 = arith.select %eq3A_1195, %add3A_1192, %select_n3A_1147 : vector<16xi1>, vector<16xf32>
      %mul3A_1197 = arith.constant 16 : i32
      %mul3A_1198 = arith.muli %scan3A_837, %mul3A_1197 : i32
      %add3A_1199 = arith.constant 7 : i32
      %add3A_1200 = arith.addi %mul3A_1198, %add3A_1199 : i32
      %slice3A_1201 = vector.extract_strided_slice %mul3A_849 {offsets = [7], sizes = [1], strides = [1]} : vector<16xi32> to vector<1xi32>
      %squeeze3A_1202 = vector.extract %slice3A_1201[0] : i32 from vector<1xi32>
      %get3A_1203 = arith.index_cast %add3A_1200 : i32 to index
      %get3A_1204 = arith.index_cast %squeeze3A_1202 : i32 to index
      %get3A_1205 = tpu.vector_load %arg15[%get3A_1203, %get3A_1204] {strides = array<i32>} : memref<128x128xf32, #tpu.memory_space<vmem>>, vector<1x16xf32>,
      %get3A_1206 = vector.shape_cast %get3A_1205 : vector<1x16xf32> to vector<16xf32>
      %slice3A_1207 = vector.extract_strided_slice %mul3A_858 {offsets = [7], sizes = [1], strides = [1]} : vector<16xi32> to vector<1xi32>
      %squeeze3A_1208 = vector.extract %slice3A_1207[0] : i32 from vector<1xi32>
      %get3A_1209 = arith.index_cast %add3A_1200 : i32 to index
      %get3A_1210 = arith.index_cast %squeeze3A_1208 : i32 to index
      %get3A_1211 = tpu.vector_load %arg16[%get3A_1209, %get3A_1210] {strides = array<i32>} : memref<128x128xf32, #tpu.memory_space<vmem>>, vector<1x16xf32>,
      %get3A_1212 = vector.shape_cast %get3A_1211 : vector<1x16xf32> to vector<16xf32>
      %mul3A_1213 = arith.mulf %get3A_1206, %get3A_1212 : vector<16xf32>
      %xor3A_1214 = arith.constant 1 : i32
      %xor3A_1215 = vector.broadcast %xor3A_1214 : i32 to vector<16xi32>
      %xor3A_1216 = arith.xori %iota3A, %xor3A_1215 : vector<16xi32>
      %broadcast_in_dim3A_1217 = vector.shape_cast %xor3A_1216 : vector<16xi32> to vector<16x1xi32>
      %gather3A_1218 = vector.shape_cast %broadcast_in_dim3A_1217 : vector<16x1xi32> to vector<16xi32>
      %gather3A_1219 = tpu.dynamic_gather %mul3A_1213[%gather3A_1218] in [0] : vector<16xf32>, vector<16xi32> -> vector<16xf32>
      %add3A_1220 = arith.addf %mul3A_1213, %gather3A_1219 : vector<16xf32>
      %xor3A_1221 = arith.constant 2 : i32
      %xor3A_1222 = vector.broadcast %xor3A_1221 : i32 to vector<16xi32>
      %xor3A_1223 = arith.xori %iota3A, %xor3A_1222 : vector<16xi32>
      %broadcast_in_dim3A_1224 = vector.shape_cast %xor3A_1223 : vector<16xi32> to vector<16x1xi32>
      %gather3A_1225 = vector.shape_cast %broadcast_in_dim3A_1224 : vector<16x1xi32> to vector<16xi32>
      %gather3A_1226 = tpu.dynamic_gather %add3A_1220[%gather3A_1225] in [0] : vector<16xf32>, vector<16xi32> -> vector<16xf32>
      %add3A_1227 = arith.addf %add3A_1220, %gather3A_1226 : vector<16xf32>
      %xor3A_1228 = arith.constant 4 : i32
      %xor3A_1229 = vector.broadcast %xor3A_1228 : i32 to vector<16xi32>
      %xor3A_1230 = arith.xori %iota3A, %xor3A_1229 : vector<16xi32>
      %broadcast_in_dim3A_1231 = vector.shape_cast %xor3A_1230 : vector<16xi32> to vector<16x1xi32>
      %gather3A_1232 = vector.shape_cast %broadcast_in_dim3A_1231 : vector<16x1xi32> to vector<16xi32>
      %gather3A_1233 = tpu.dynamic_gather %add3A_1227[%gather3A_1232] in [0] : vector<16xf32>, vector<16xi32> -> vector<16xf32>
      %add3A_1234 = arith.addf %add3A_1227, %gather3A_1233 : vector<16xf32>
      %xor3A_1235 = arith.constant 8 : i32
      %xor3A_1236 = vector.broadcast %xor3A_1235 : i32 to vector<16xi32>
      %xor3A_1237 = arith.xori %iota3A, %xor3A_1236 : vector<16xi32>
      %broadcast_in_dim3A_1238 = vector.shape_cast %xor3A_1237 : vector<16xi32> to vector<16x1xi32>
      %gather3A_1239 = vector.shape_cast %broadcast_in_dim3A_1238 : vector<16x1xi32> to vector<16xi32>
      %gather3A_1240 = tpu.dynamic_gather %add3A_1234[%gather3A_1239] in [0] : vector<16xf32>, vector<16xi32> -> vector<16xf32>
      %add3A_1241 = arith.addf %add3A_1234, %gather3A_1240 : vector<16xf32>
      %eq3A_1242 = arith.constant 7 : i32
      %eq3A_1243 = vector.broadcast %eq3A_1242 : i32 to vector<16xi32>
      %eq3A_1244 = arith.cmpi eq, %iota3A, %eq3A_1243 : vector<16xi32>
      %select_n3A_1245 = arith.select %eq3A_1244, %add3A_1241, %select_n3A_1196 : vector<16xi1>, vector<16xf32>
      %mul3A_1246 = arith.constant 16 : i32
      %mul3A_1247 = arith.muli %scan3A_837, %mul3A_1246 : i32
      %add3A_1248 = arith.constant 8 : i32
      %add3A_1249 = arith.addi %mul3A_1247, %add3A_1248 : i32
      %slice3A_1250 = vector.extract_strided_slice %mul3A_849 {offsets = [8], sizes = [1], strides = [1]} : vector<16xi32> to vector<1xi32>
      %squeeze3A_1251 = vector.extract %slice3A_1250[0] : i32 from vector<1xi32>
      %get3A_1252 = arith.index_cast %add3A_1249 : i32 to index
      %get3A_1253 = arith.index_cast %squeeze3A_1251 : i32 to index
      %get3A_1254 = tpu.vector_load %arg15[%get3A_1252, %get3A_1253] {strides = array<i32>} : memref<128x128xf32, #tpu.memory_space<vmem>>, vector<1x16xf32>,
      %get3A_1255 = vector.shape_cast %get3A_1254 : vector<1x16xf32> to vector<16xf32>
      %slice3A_1256 = vector.extract_strided_slice %mul3A_858 {offsets = [8], sizes = [1], strides = [1]} : vector<16xi32> to vector<1xi32>
      %squeeze3A_1257 = vector.extract %slice3A_1256[0] : i32 from vector<1xi32>
      %get3A_1258 = arith.index_cast %add3A_1249 : i32 to index
      %get3A_1259 = arith.index_cast %squeeze3A_1257 : i32 to index
      %get3A_1260 = tpu.vector_load %arg16[%get3A_1258, %get3A_1259] {strides = array<i32>} : memref<128x128xf32, #tpu.memory_space<vmem>>, vector<1x16xf32>,
      %get3A_1261 = vector.shape_cast %get3A_1260 : vector<1x16xf32> to vector<16xf32>
      %mul3A_1262 = arith.mulf %get3A_1255, %get3A_1261 : vector<16xf32>
      %xor3A_1263 = arith.constant 1 : i32
      %xor3A_1264 = vector.broadcast %xor3A_1263 : i32 to vector<16xi32>
      %xor3A_1265 = arith.xori %iota3A, %xor3A_1264 : vector<16xi32>
      %broadcast_in_dim3A_1266 = vector.shape_cast %xor3A_1265 : vector<16xi32> to vector<16x1xi32>
      %gather3A_1267 = vector.shape_cast %broadcast_in_dim3A_1266 : vector<16x1xi32> to vector<16xi32>
      %gather3A_1268 = tpu.dynamic_gather %mul3A_1262[%gather3A_1267] in [0] : vector<16xf32>, vector<16xi32> -> vector<16xf32>
      %add3A_1269 = arith.addf %mul3A_1262, %gather3A_1268 : vector<16xf32>
      %xor3A_1270 = arith.constant 2 : i32
      %xor3A_1271 = vector.broadcast %xor3A_1270 : i32 to vector<16xi32>
      %xor3A_1272 = arith.xori %iota3A, %xor3A_1271 : vector<16xi32>
      %broadcast_in_dim3A_1273 = vector.shape_cast %xor3A_1272 : vector<16xi32> to vector<16x1xi32>
      %gather3A_1274 = vector.shape_cast %broadcast_in_dim3A_1273 : vector<16x1xi32> to vector<16xi32>
      %gather3A_1275 = tpu.dynamic_gather %add3A_1269[%gather3A_1274] in [0] : vector<16xf32>, vector<16xi32> -> vector<16xf32>
      %add3A_1276 = arith.addf %add3A_1269, %gather3A_1275 : vector<16xf32>
      %xor3A_1277 = arith.constant 4 : i32
      %xor3A_1278 = vector.broadcast %xor3A_1277 : i32 to vector<16xi32>
      %xor3A_1279 = arith.xori %iota3A, %xor3A_1278 : vector<16xi32>
      %broadcast_in_dim3A_1280 = vector.shape_cast %xor3A_1279 : vector<16xi32> to vector<16x1xi32>
      %gather3A_1281 = vector.shape_cast %broadcast_in_dim3A_1280 : vector<16x1xi32> to vector<16xi32>
      %gather3A_1282 = tpu.dynamic_gather %add3A_1276[%gather3A_1281] in [0] : vector<16xf32>, vector<16xi32> -> vector<16xf32>
      %add3A_1283 = arith.addf %add3A_1276, %gather3A_1282 : vector<16xf32>
      %xor3A_1284 = arith.constant 8 : i32
      %xor3A_1285 = vector.broadcast %xor3A_1284 : i32 to vector<16xi32>
      %xor3A_1286 = arith.xori %iota3A, %xor3A_1285 : vector<16xi32>
      %broadcast_in_dim3A_1287 = vector.shape_cast %xor3A_1286 : vector<16xi32> to vector<16x1xi32>
      %gather3A_1288 = vector.shape_cast %broadcast_in_dim3A_1287 : vector<16x1xi32> to vector<16xi32>
      %gather3A_1289 = tpu.dynamic_gather %add3A_1283[%gather3A_1288] in [0] : vector<16xf32>, vector<16xi32> -> vector<16xf32>
      %add3A_1290 = arith.addf %add3A_1283, %gather3A_1289 : vector<16xf32>
      %eq3A_1291 = arith.constant 8 : i32
      %eq3A_1292 = vector.broadcast %eq3A_1291 : i32 to vector<16xi32>
      %eq3A_1293 = arith.cmpi eq, %iota3A, %eq3A_1292 : vector<16xi32>
      %select_n3A_1294 = arith.select %eq3A_1293, %add3A_1290, %select_n3A_1245 : vector<16xi1>, vector<16xf32>
      %mul3A_1295 = arith.constant 16 : i32
      %mul3A_1296 = arith.muli %scan3A_837, %mul3A_1295 : i32
      %add3A_1297 = arith.constant 9 : i32
      %add3A_1298 = arith.addi %mul3A_1296, %add3A_1297 : i32
      %slice3A_1299 = vector.extract_strided_slice %mul3A_849 {offsets = [9], sizes = [1], strides = [1]} : vector<16xi32> to vector<1xi32>
      %squeeze3A_1300 = vector.extract %slice3A_1299[0] : i32 from vector<1xi32>
      %get3A_1301 = arith.index_cast %add3A_1298 : i32 to index
      %get3A_1302 = arith.index_cast %squeeze3A_1300 : i32 to index
      %get3A_1303 = tpu.vector_load %arg15[%get3A_1301, %get3A_1302] {strides = array<i32>} : memref<128x128xf32, #tpu.memory_space<vmem>>, vector<1x16xf32>,
      %get3A_1304 = vector.shape_cast %get3A_1303 : vector<1x16xf32> to vector<16xf32>
      %slice3A_1305 = vector.extract_strided_slice %mul3A_858 {offsets = [9], sizes = [1], strides = [1]} : vector<16xi32> to vector<1xi32>
      %squeeze3A_1306 = vector.extract %slice3A_1305[0] : i32 from vector<1xi32>
      %get3A_1307 = arith.index_cast %add3A_1298 : i32 to index
      %get3A_1308 = arith.index_cast %squeeze3A_1306 : i32 to index
      %get3A_1309 = tpu.vector_load %arg16[%get3A_1307, %get3A_1308] {strides = array<i32>} : memref<128x128xf32, #tpu.memory_space<vmem>>, vector<1x16xf32>,
      %get3A_1310 = vector.shape_cast %get3A_1309 : vector<1x16xf32> to vector<16xf32>
      %mul3A_1311 = arith.mulf %get3A_1304, %get3A_1310 : vector<16xf32>
      %xor3A_1312 = arith.constant 1 : i32
      %xor3A_1313 = vector.broadcast %xor3A_1312 : i32 to vector<16xi32>
      %xor3A_1314 = arith.xori %iota3A, %xor3A_1313 : vector<16xi32>
      %broadcast_in_dim3A_1315 = vector.shape_cast %xor3A_1314 : vector<16xi32> to vector<16x1xi32>
      %gather3A_1316 = vector.shape_cast %broadcast_in_dim3A_1315 : vector<16x1xi32> to vector<16xi32>
      %gather3A_1317 = tpu.dynamic_gather %mul3A_1311[%gather3A_1316] in [0] : vector<16xf32>, vector<16xi32> -> vector<16xf32>
      %add3A_1318 = arith.addf %mul3A_1311, %gather3A_1317 : vector<16xf32>
      %xor3A_1319 = arith.constant 2 : i32
      %xor3A_1320 = vector.broadcast %xor3A_1319 : i32 to vector<16xi32>
      %xor3A_1321 = arith.xori %iota3A, %xor3A_1320 : vector<16xi32>
      %broadcast_in_dim3A_1322 = vector.shape_cast %xor3A_1321 : vector<16xi32> to vector<16x1xi32>
      %gather3A_1323 = vector.shape_cast %broadcast_in_dim3A_1322 : vector<16x1xi32> to vector<16xi32>
      %gather3A_1324 = tpu.dynamic_gather %add3A_1318[%gather3A_1323] in [0] : vector<16xf32>, vector<16xi32> -> vector<16xf32>
      %add3A_1325 = arith.addf %add3A_1318, %gather3A_1324 : vector<16xf32>
      %xor3A_1326 = arith.constant 4 : i32
      %xor3A_1327 = vector.broadcast %xor3A_1326 : i32 to vector<16xi32>
      %xor3A_1328 = arith.xori %iota3A, %xor3A_1327 : vector<16xi32>
      %broadcast_in_dim3A_1329 = vector.shape_cast %xor3A_1328 : vector<16xi32> to vector<16x1xi32>
      %gather3A_1330 = vector.shape_cast %broadcast_in_dim3A_1329 : vector<16x1xi32> to vector<16xi32>
      %gather3A_1331 = tpu.dynamic_gather %add3A_1325[%gather3A_1330] in [0] : vector<16xf32>, vector<16xi32> -> vector<16xf32>
      %add3A_1332 = arith.addf %add3A_1325, %gather3A_1331 : vector<16xf32>
      %xor3A_1333 = arith.constant 8 : i32
      %xor3A_1334 = vector.broadcast %xor3A_1333 : i32 to vector<16xi32>
      %xor3A_1335 = arith.xori %iota3A, %xor3A_1334 : vector<16xi32>
      %broadcast_in_dim3A_1336 = vector.shape_cast %xor3A_1335 : vector<16xi32> to vector<16x1xi32>
      %gather3A_1337 = vector.shape_cast %broadcast_in_dim3A_1336 : vector<16x1xi32> to vector<16xi32>
      %gather3A_1338 = tpu.dynamic_gather %add3A_1332[%gather3A_1337] in [0] : vector<16xf32>, vector<16xi32> -> vector<16xf32>
      %add3A_1339 = arith.addf %add3A_1332, %gather3A_1338 : vector<16xf32>
      %eq3A_1340 = arith.constant 9 : i32
      %eq3A_1341 = vector.broadcast %eq3A_1340 : i32 to vector<16xi32>
      %eq3A_1342 = arith.cmpi eq, %iota3A, %eq3A_1341 : vector<16xi32>
      %select_n3A_1343 = arith.select %eq3A_1342, %add3A_1339, %select_n3A_1294 : vector<16xi1>, vector<16xf32>
      %mul3A_1344 = arith.constant 16 : i32
      %mul3A_1345 = arith.muli %scan3A_837, %mul3A_1344 : i32
      %add3A_1346 = arith.constant 10 : i32
      %add3A_1347 = arith.addi %mul3A_1345, %add3A_1346 : i32
      %slice3A_1348 = vector.extract_strided_slice %mul3A_849 {offsets = [10], sizes = [1], strides = [1]} : vector<16xi32> to vector<1xi32>
      %squeeze3A_1349 = vector.extract %slice3A_1348[0] : i32 from vector<1xi32>
      %get3A_1350 = arith.index_cast %add3A_1347 : i32 to index
      %get3A_1351 = arith.index_cast %squeeze3A_1349 : i32 to index
      %get3A_1352 = tpu.vector_load %arg15[%get3A_1350, %get3A_1351] {strides = array<i32>} : memref<128x128xf32, #tpu.memory_space<vmem>>, vector<1x16xf32>,
      %get3A_1353 = vector.shape_cast %get3A_1352 : vector<1x16xf32> to vector<16xf32>
      %slice3A_1354 = vector.extract_strided_slice %mul3A_858 {offsets = [10], sizes = [1], strides = [1]} : vector<16xi32> to vector<1xi32>
      %squeeze3A_1355 = vector.extract %slice3A_1354[0] : i32 from vector<1xi32>
      %get3A_1356 = arith.index_cast %add3A_1347 : i32 to index
      %get3A_1357 = arith.index_cast %squeeze3A_1355 : i32 to index
      %get3A_1358 = tpu.vector_load %arg16[%get3A_1356, %get3A_1357] {strides = array<i32>} : memref<128x128xf32, #tpu.memory_space<vmem>>, vector<1x16xf32>,
      %get3A_1359 = vector.shape_cast %get3A_1358 : vector<1x16xf32> to vector<16xf32>
      %mul3A_1360 = arith.mulf %get3A_1353, %get3A_1359 : vector<16xf32>
      %xor3A_1361 = arith.constant 1 : i32
      %xor3A_1362 = vector.broadcast %xor3A_1361 : i32 to vector<16xi32>
      %xor3A_1363 = arith.xori %iota3A, %xor3A_1362 : vector<16xi32>
      %broadcast_in_dim3A_1364 = vector.shape_cast %xor3A_1363 : vector<16xi32> to vector<16x1xi32>
      %gather3A_1365 = vector.shape_cast %broadcast_in_dim3A_1364 : vector<16x1xi32> to vector<16xi32>
      %gather3A_1366 = tpu.dynamic_gather %mul3A_1360[%gather3A_1365] in [0] : vector<16xf32>, vector<16xi32> -> vector<16xf32>
      %add3A_1367 = arith.addf %mul3A_1360, %gather3A_1366 : vector<16xf32>
      %xor3A_1368 = arith.constant 2 : i32
      %xor3A_1369 = vector.broadcast %xor3A_1368 : i32 to vector<16xi32>
      %xor3A_1370 = arith.xori %iota3A, %xor3A_1369 : vector<16xi32>
      %broadcast_in_dim3A_1371 = vector.shape_cast %xor3A_1370 : vector<16xi32> to vector<16x1xi32>
      %gather3A_1372 = vector.shape_cast %broadcast_in_dim3A_1371 : vector<16x1xi32> to vector<16xi32>
      %gather3A_1373 = tpu.dynamic_gather %add3A_1367[%gather3A_1372] in [0] : vector<16xf32>, vector<16xi32> -> vector<16xf32>
      %add3A_1374 = arith.addf %add3A_1367, %gather3A_1373 : vector<16xf32>
      %xor3A_1375 = arith.constant 4 : i32
      %xor3A_1376 = vector.broadcast %xor3A_1375 : i32 to vector<16xi32>
      %xor3A_1377 = arith.xori %iota3A, %xor3A_1376 : vector<16xi32>
      %broadcast_in_dim3A_1378 = vector.shape_cast %xor3A_1377 : vector<16xi32> to vector<16x1xi32>
      %gather3A_1379 = vector.shape_cast %broadcast_in_dim3A_1378 : vector<16x1xi32> to vector<16xi32>
      %gather3A_1380 = tpu.dynamic_gather %add3A_1374[%gather3A_1379] in [0] : vector<16xf32>, vector<16xi32> -> vector<16xf32>
      %add3A_1381 = arith.addf %add3A_1374, %gather3A_1380 : vector<16xf32>
      %xor3A_1382 = arith.constant 8 : i32
      %xor3A_1383 = vector.broadcast %xor3A_1382 : i32 to vector<16xi32>
      %xor3A_1384 = arith.xori %iota3A, %xor3A_1383 : vector<16xi32>
      %broadcast_in_dim3A_1385 = vector.shape_cast %xor3A_1384 : vector<16xi32> to vector<16x1xi32>
      %gather3A_1386 = vector.shape_cast %broadcast_in_dim3A_1385 : vector<16x1xi32> to vector<16xi32>
      %gather3A_1387 = tpu.dynamic_gather %add3A_1381[%gather3A_1386] in [0] : vector<16xf32>, vector<16xi32> -> vector<16xf32>
      %add3A_1388 = arith.addf %add3A_1381, %gather3A_1387 : vector<16xf32>
      %eq3A_1389 = arith.constant 10 : i32
      %eq3A_1390 = vector.broadcast %eq3A_1389 : i32 to vector<16xi32>
      %eq3A_1391 = arith.cmpi eq, %iota3A, %eq3A_1390 : vector<16xi32>
      %select_n3A_1392 = arith.select %eq3A_1391, %add3A_1388, %select_n3A_1343 : vector<16xi1>, vector<16xf32>
      %mul3A_1393 = arith.constant 16 : i32
      %mul3A_1394 = arith.muli %scan3A_837, %mul3A_1393 : i32
      %add3A_1395 = arith.constant 11 : i32
      %add3A_1396 = arith.addi %mul3A_1394, %add3A_1395 : i32
      %slice3A_1397 = vector.extract_strided_slice %mul3A_849 {offsets = [11], sizes = [1], strides = [1]} : vector<16xi32> to vector<1xi32>
      %squeeze3A_1398 = vector.extract %slice3A_1397[0] : i32 from vector<1xi32>
      %get3A_1399 = arith.index_cast %add3A_1396 : i32 to index
      %get3A_1400 = arith.index_cast %squeeze3A_1398 : i32 to index
      %get3A_1401 = tpu.vector_load %arg15[%get3A_1399, %get3A_1400] {strides = array<i32>} : memref<128x128xf32, #tpu.memory_space<vmem>>, vector<1x16xf32>,
      %get3A_1402 = vector.shape_cast %get3A_1401 : vector<1x16xf32> to vector<16xf32>
      %slice3A_1403 = vector.extract_strided_slice %mul3A_858 {offsets = [11], sizes = [1], strides = [1]} : vector<16xi32> to vector<1xi32>
      %squeeze3A_1404 = vector.extract %slice3A_1403[0] : i32 from vector<1xi32>
      %get3A_1405 = arith.index_cast %add3A_1396 : i32 to index
      %get3A_1406 = arith.index_cast %squeeze3A_1404 : i32 to index
      %get3A_1407 = tpu.vector_load %arg16[%get3A_1405, %get3A_1406] {strides = array<i32>} : memref<128x128xf32, #tpu.memory_space<vmem>>, vector<1x16xf32>,
      %get3A_1408 = vector.shape_cast %get3A_1407 : vector<1x16xf32> to vector<16xf32>
      %mul3A_1409 = arith.mulf %get3A_1402, %get3A_1408 : vector<16xf32>
      %xor3A_1410 = arith.constant 1 : i32
      %xor3A_1411 = vector.broadcast %xor3A_1410 : i32 to vector<16xi32>
      %xor3A_1412 = arith.xori %iota3A, %xor3A_1411 : vector<16xi32>
      %broadcast_in_dim3A_1413 = vector.shape_cast %xor3A_1412 : vector<16xi32> to vector<16x1xi32>
      %gather3A_1414 = vector.shape_cast %broadcast_in_dim3A_1413 : vector<16x1xi32> to vector<16xi32>
      %gather3A_1415 = tpu.dynamic_gather %mul3A_1409[%gather3A_1414] in [0] : vector<16xf32>, vector<16xi32> -> vector<16xf32>
      %add3A_1416 = arith.addf %mul3A_1409, %gather3A_1415 : vector<16xf32>
      %xor3A_1417 = arith.constant 2 : i32
      %xor3A_1418 = vector.broadcast %xor3A_1417 : i32 to vector<16xi32>
      %xor3A_1419 = arith.xori %iota3A, %xor3A_1418 : vector<16xi32>
      %broadcast_in_dim3A_1420 = vector.shape_cast %xor3A_1419 : vector<16xi32> to vector<16x1xi32>
      %gather3A_1421 = vector.shape_cast %broadcast_in_dim3A_1420 : vector<16x1xi32> to vector<16xi32>
      %gather3A_1422 = tpu.dynamic_gather %add3A_1416[%gather3A_1421] in [0] : vector<16xf32>, vector<16xi32> -> vector<16xf32>
      %add3A_1423 = arith.addf %add3A_1416, %gather3A_1422 : vector<16xf32>
      %xor3A_1424 = arith.constant 4 : i32
      %xor3A_1425 = vector.broadcast %xor3A_1424 : i32 to vector<16xi32>
      %xor3A_1426 = arith.xori %iota3A, %xor3A_1425 : vector<16xi32>
      %broadcast_in_dim3A_1427 = vector.shape_cast %xor3A_1426 : vector<16xi32> to vector<16x1xi32>
      %gather3A_1428 = vector.shape_cast %broadcast_in_dim3A_1427 : vector<16x1xi32> to vector<16xi32>
      %gather3A_1429 = tpu.dynamic_gather %add3A_1423[%gather3A_1428] in [0] : vector<16xf32>, vector<16xi32> -> vector<16xf32>
      %add3A_1430 = arith.addf %add3A_1423, %gather3A_1429 : vector<16xf32>
      %xor3A_1431 = arith.constant 8 : i32
      %xor3A_1432 = vector.broadcast %xor3A_1431 : i32 to vector<16xi32>
      %xor3A_1433 = arith.xori %iota3A, %xor3A_1432 : vector<16xi32>
      %broadcast_in_dim3A_1434 = vector.shape_cast %xor3A_1433 : vector<16xi32> to vector<16x1xi32>
      %gather3A_1435 = vector.shape_cast %broadcast_in_dim3A_1434 : vector<16x1xi32> to vector<16xi32>
      %gather3A_1436 = tpu.dynamic_gather %add3A_1430[%gather3A_1435] in [0] : vector<16xf32>, vector<16xi32> -> vector<16xf32>
      %add3A_1437 = arith.addf %add3A_1430, %gather3A_1436 : vector<16xf32>
      %eq3A_1438 = arith.constant 11 : i32
      %eq3A_1439 = vector.broadcast %eq3A_1438 : i32 to vector<16xi32>
      %eq3A_1440 = arith.cmpi eq, %iota3A, %eq3A_1439 : vector<16xi32>
      %select_n3A_1441 = arith.select %eq3A_1440, %add3A_1437, %select_n3A_1392 : vector<16xi1>, vector<16xf32>
      %mul3A_1442 = arith.constant 16 : i32
      %mul3A_1443 = arith.muli %scan3A_837, %mul3A_1442 : i32
      %add3A_1444 = arith.constant 12 : i32
      %add3A_1445 = arith.addi %mul3A_1443, %add3A_1444 : i32
      %slice3A_1446 = vector.extract_strided_slice %mul3A_849 {offsets = [12], sizes = [1], strides = [1]} : vector<16xi32> to vector<1xi32>
      %squeeze3A_1447 = vector.extract %slice3A_1446[0] : i32 from vector<1xi32>
      %get3A_1448 = arith.index_cast %add3A_1445 : i32 to index
      %get3A_1449 = arith.index_cast %squeeze3A_1447 : i32 to index
      %get3A_1450 = tpu.vector_load %arg15[%get3A_1448, %get3A_1449] {strides = array<i32>} : memref<128x128xf32, #tpu.memory_space<vmem>>, vector<1x16xf32>,
      %get3A_1451 = vector.shape_cast %get3A_1450 : vector<1x16xf32> to vector<16xf32>
      %slice3A_1452 = vector.extract_strided_slice %mul3A_858 {offsets = [12], sizes = [1], strides = [1]} : vector<16xi32> to vector<1xi32>
      %squeeze3A_1453 = vector.extract %slice3A_1452[0] : i32 from vector<1xi32>
      %get3A_1454 = arith.index_cast %add3A_1445 : i32 to index
      %get3A_1455 = arith.index_cast %squeeze3A_1453 : i32 to index
      %get3A_1456 = tpu.vector_load %arg16[%get3A_1454, %get3A_1455] {strides = array<i32>} : memref<128x128xf32, #tpu.memory_space<vmem>>, vector<1x16xf32>,
      %get3A_1457 = vector.shape_cast %get3A_1456 : vector<1x16xf32> to vector<16xf32>
      %mul3A_1458 = arith.mulf %get3A_1451, %get3A_1457 : vector<16xf32>
      %xor3A_1459 = arith.constant 1 : i32
      %xor3A_1460 = vector.broadcast %xor3A_1459 : i32 to vector<16xi32>
      %xor3A_1461 = arith.xori %iota3A, %xor3A_1460 : vector<16xi32>
      %broadcast_in_dim3A_1462 = vector.shape_cast %xor3A_1461 : vector<16xi32> to vector<16x1xi32>
      %gather3A_1463 = vector.shape_cast %broadcast_in_dim3A_1462 : vector<16x1xi32> to vector<16xi32>
      %gather3A_1464 = tpu.dynamic_gather %mul3A_1458[%gather3A_1463] in [0] : vector<16xf32>, vector<16xi32> -> vector<16xf32>
      %add3A_1465 = arith.addf %mul3A_1458, %gather3A_1464 : vector<16xf32>
      %xor3A_1466 = arith.constant 2 : i32
      %xor3A_1467 = vector.broadcast %xor3A_1466 : i32 to vector<16xi32>
      %xor3A_1468 = arith.xori %iota3A, %xor3A_1467 : vector<16xi32>
      %broadcast_in_dim3A_1469 = vector.shape_cast %xor3A_1468 : vector<16xi32> to vector<16x1xi32>
      %gather3A_1470 = vector.shape_cast %broadcast_in_dim3A_1469 : vector<16x1xi32> to vector<16xi32>
      %gather3A_1471 = tpu.dynamic_gather %add3A_1465[%gather3A_1470] in [0] : vector<16xf32>, vector<16xi32> -> vector<16xf32>
      %add3A_1472 = arith.addf %add3A_1465, %gather3A_1471 : vector<16xf32>
      %xor3A_1473 = arith.constant 4 : i32
      %xor3A_1474 = vector.broadcast %xor3A_1473 : i32 to vector<16xi32>
      %xor3A_1475 = arith.xori %iota3A, %xor3A_1474 : vector<16xi32>
      %broadcast_in_dim3A_1476 = vector.shape_cast %xor3A_1475 : vector<16xi32> to vector<16x1xi32>
      %gather3A_1477 = vector.shape_cast %broadcast_in_dim3A_1476 : vector<16x1xi32> to vector<16xi32>
      %gather3A_1478 = tpu.dynamic_gather %add3A_1472[%gather3A_1477] in [0] : vector<16xf32>, vector<16xi32> -> vector<16xf32>
      %add3A_1479 = arith.addf %add3A_1472, %gather3A_1478 : vector<16xf32>
      %xor3A_1480 = arith.constant 8 : i32
      %xor3A_1481 = vector.broadcast %xor3A_1480 : i32 to vector<16xi32>
      %xor3A_1482 = arith.xori %iota3A, %xor3A_1481 : vector<16xi32>
      %broadcast_in_dim3A_1483 = vector.shape_cast %xor3A_1482 : vector<16xi32> to vector<16x1xi32>
      %gather3A_1484 = vector.shape_cast %broadcast_in_dim3A_1483 : vector<16x1xi32> to vector<16xi32>
      %gather3A_1485 = tpu.dynamic_gather %add3A_1479[%gather3A_1484] in [0] : vector<16xf32>, vector<16xi32> -> vector<16xf32>
      %add3A_1486 = arith.addf %add3A_1479, %gather3A_1485 : vector<16xf32>
      %eq3A_1487 = arith.constant 12 : i32
      %eq3A_1488 = vector.broadcast %eq3A_1487 : i32 to vector<16xi32>
      %eq3A_1489 = arith.cmpi eq, %iota3A, %eq3A_1488 : vector<16xi32>
      %select_n3A_1490 = arith.select %eq3A_1489, %add3A_1486, %select_n3A_1441 : vector<16xi1>, vector<16xf32>
      %mul3A_1491 = arith.constant 16 : i32
      %mul3A_1492 = arith.muli %scan3A_837, %mul3A_1491 : i32
      %add3A_1493 = arith.constant 13 : i32
      %add3A_1494 = arith.addi %mul3A_1492, %add3A_1493 : i32
      %slice3A_1495 = vector.extract_strided_slice %mul3A_849 {offsets = [13], sizes = [1], strides = [1]} : vector<16xi32> to vector<1xi32>
      %squeeze3A_1496 = vector.extract %slice3A_1495[0] : i32 from vector<1xi32>
      %get3A_1497 = arith.index_cast %add3A_1494 : i32 to index
      %get3A_1498 = arith.index_cast %squeeze3A_1496 : i32 to index
      %get3A_1499 = tpu.vector_load %arg15[%get3A_1497, %get3A_1498] {strides = array<i32>} : memref<128x128xf32, #tpu.memory_space<vmem>>, vector<1x16xf32>,
      %get3A_1500 = vector.shape_cast %get3A_1499 : vector<1x16xf32> to vector<16xf32>
      %slice3A_1501 = vector.extract_strided_slice %mul3A_858 {offsets = [13], sizes = [1], strides = [1]} : vector<16xi32> to vector<1xi32>
      %squeeze3A_1502 = vector.extract %slice3A_1501[0] : i32 from vector<1xi32>
      %get3A_1503 = arith.index_cast %add3A_1494 : i32 to index
      %get3A_1504 = arith.index_cast %squeeze3A_1502 : i32 to index
      %get3A_1505 = tpu.vector_load %arg16[%get3A_1503, %get3A_1504] {strides = array<i32>} : memref<128x128xf32, #tpu.memory_space<vmem>>, vector<1x16xf32>,
      %get3A_1506 = vector.shape_cast %get3A_1505 : vector<1x16xf32> to vector<16xf32>
      %mul3A_1507 = arith.mulf %get3A_1500, %get3A_1506 : vector<16xf32>
      %xor3A_1508 = arith.constant 1 : i32
      %xor3A_1509 = vector.broadcast %xor3A_1508 : i32 to vector<16xi32>
      %xor3A_1510 = arith.xori %iota3A, %xor3A_1509 : vector<16xi32>
      %broadcast_in_dim3A_1511 = vector.shape_cast %xor3A_1510 : vector<16xi32> to vector<16x1xi32>
      %gather3A_1512 = vector.shape_cast %broadcast_in_dim3A_1511 : vector<16x1xi32> to vector<16xi32>
      %gather3A_1513 = tpu.dynamic_gather %mul3A_1507[%gather3A_1512] in [0] : vector<16xf32>, vector<16xi32> -> vector<16xf32>
      %add3A_1514 = arith.addf %mul3A_1507, %gather3A_1513 : vector<16xf32>
      %xor3A_1515 = arith.constant 2 : i32
      %xor3A_1516 = vector.broadcast %xor3A_1515 : i32 to vector<16xi32>
      %xor3A_1517 = arith.xori %iota3A, %xor3A_1516 : vector<16xi32>
      %broadcast_in_dim3A_1518 = vector.shape_cast %xor3A_1517 : vector<16xi32> to vector<16x1xi32>
      %gather3A_1519 = vector.shape_cast %broadcast_in_dim3A_1518 : vector<16x1xi32> to vector<16xi32>
      %gather3A_1520 = tpu.dynamic_gather %add3A_1514[%gather3A_1519] in [0] : vector<16xf32>, vector<16xi32> -> vector<16xf32>
      %add3A_1521 = arith.addf %add3A_1514, %gather3A_1520 : vector<16xf32>
      %xor3A_1522 = arith.constant 4 : i32
      %xor3A_1523 = vector.broadcast %xor3A_1522 : i32 to vector<16xi32>
      %xor3A_1524 = arith.xori %iota3A, %xor3A_1523 : vector<16xi32>
      %broadcast_in_dim3A_1525 = vector.shape_cast %xor3A_1524 : vector<16xi32> to vector<16x1xi32>
      %gather3A_1526 = vector.shape_cast %broadcast_in_dim3A_1525 : vector<16x1xi32> to vector<16xi32>
      %gather3A_1527 = tpu.dynamic_gather %add3A_1521[%gather3A_1526] in [0] : vector<16xf32>, vector<16xi32> -> vector<16xf32>
      %add3A_1528 = arith.addf %add3A_1521, %gather3A_1527 : vector<16xf32>
      %xor3A_1529 = arith.constant 8 : i32
      %xor3A_1530 = vector.broadcast %xor3A_1529 : i32 to vector<16xi32>
      %xor3A_1531 = arith.xori %iota3A, %xor3A_1530 : vector<16xi32>
      %broadcast_in_dim3A_1532 = vector.shape_cast %xor3A_1531 : vector<16xi32> to vector<16x1xi32>
      %gather3A_1533 = vector.shape_cast %broadcast_in_dim3A_1532 : vector<16x1xi32> to vector<16xi32>
      %gather3A_1534 = tpu.dynamic_gather %add3A_1528[%gather3A_1533] in [0] : vector<16xf32>, vector<16xi32> -> vector<16xf32>
      %add3A_1535 = arith.addf %add3A_1528, %gather3A_1534 : vector<16xf32>
      %eq3A_1536 = arith.constant 13 : i32
      %eq3A_1537 = vector.broadcast %eq3A_1536 : i32 to vector<16xi32>
      %eq3A_1538 = arith.cmpi eq, %iota3A, %eq3A_1537 : vector<16xi32>
      %select_n3A_1539 = arith.select %eq3A_1538, %add3A_1535, %select_n3A_1490 : vector<16xi1>, vector<16xf32>
      %mul3A_1540 = arith.constant 16 : i32
      %mul3A_1541 = arith.muli %scan3A_837, %mul3A_1540 : i32
      %add3A_1542 = arith.constant 14 : i32
      %add3A_1543 = arith.addi %mul3A_1541, %add3A_1542 : i32
      %slice3A_1544 = vector.extract_strided_slice %mul3A_849 {offsets = [14], sizes = [1], strides = [1]} : vector<16xi32> to vector<1xi32>
      %squeeze3A_1545 = vector.extract %slice3A_1544[0] : i32 from vector<1xi32>
      %get3A_1546 = arith.index_cast %add3A_1543 : i32 to index
      %get3A_1547 = arith.index_cast %squeeze3A_1545 : i32 to index
      %get3A_1548 = tpu.vector_load %arg15[%get3A_1546, %get3A_1547] {strides = array<i32>} : memref<128x128xf32, #tpu.memory_space<vmem>>, vector<1x16xf32>,
      %get3A_1549 = vector.shape_cast %get3A_1548 : vector<1x16xf32> to vector<16xf32>
      %slice3A_1550 = vector.extract_strided_slice %mul3A_858 {offsets = [14], sizes = [1], strides = [1]} : vector<16xi32> to vector<1xi32>
      %squeeze3A_1551 = vector.extract %slice3A_1550[0] : i32 from vector<1xi32>
      %get3A_1552 = arith.index_cast %add3A_1543 : i32 to index
      %get3A_1553 = arith.index_cast %squeeze3A_1551 : i32 to index
      %get3A_1554 = tpu.vector_load %arg16[%get3A_1552, %get3A_1553] {strides = array<i32>} : memref<128x128xf32, #tpu.memory_space<vmem>>, vector<1x16xf32>,
      %get3A_1555 = vector.shape_cast %get3A_1554 : vector<1x16xf32> to vector<16xf32>
      %mul3A_1556 = arith.mulf %get3A_1549, %get3A_1555 : vector<16xf32>
      %xor3A_1557 = arith.constant 1 : i32
      %xor3A_1558 = vector.broadcast %xor3A_1557 : i32 to vector<16xi32>
      %xor3A_1559 = arith.xori %iota3A, %xor3A_1558 : vector<16xi32>
      %broadcast_in_dim3A_1560 = vector.shape_cast %xor3A_1559 : vector<16xi32> to vector<16x1xi32>
      %gather3A_1561 = vector.shape_cast %broadcast_in_dim3A_1560 : vector<16x1xi32> to vector<16xi32>
      %gather3A_1562 = tpu.dynamic_gather %mul3A_1556[%gather3A_1561] in [0] : vector<16xf32>, vector<16xi32> -> vector<16xf32>
      %add3A_1563 = arith.addf %mul3A_1556, %gather3A_1562 : vector<16xf32>
      %xor3A_1564 = arith.constant 2 : i32
      %xor3A_1565 = vector.broadcast %xor3A_1564 : i32 to vector<16xi32>
      %xor3A_1566 = arith.xori %iota3A, %xor3A_1565 : vector<16xi32>
      %broadcast_in_dim3A_1567 = vector.shape_cast %xor3A_1566 : vector<16xi32> to vector<16x1xi32>
      %gather3A_1568 = vector.shape_cast %broadcast_in_dim3A_1567 : vector<16x1xi32> to vector<16xi32>
      %gather3A_1569 = tpu.dynamic_gather %add3A_1563[%gather3A_1568] in [0] : vector<16xf32>, vector<16xi32> -> vector<16xf32>
      %add3A_1570 = arith.addf %add3A_1563, %gather3A_1569 : vector<16xf32>
      %xor3A_1571 = arith.constant 4 : i32
      %xor3A_1572 = vector.broadcast %xor3A_1571 : i32 to vector<16xi32>
      %xor3A_1573 = arith.xori %iota3A, %xor3A_1572 : vector<16xi32>
      %broadcast_in_dim3A_1574 = vector.shape_cast %xor3A_1573 : vector<16xi32> to vector<16x1xi32>
      %gather3A_1575 = vector.shape_cast %broadcast_in_dim3A_1574 : vector<16x1xi32> to vector<16xi32>
      %gather3A_1576 = tpu.dynamic_gather %add3A_1570[%gather3A_1575] in [0] : vector<16xf32>, vector<16xi32> -> vector<16xf32>
      %add3A_1577 = arith.addf %add3A_1570, %gather3A_1576 : vector<16xf32>
      %xor3A_1578 = arith.constant 8 : i32
      %xor3A_1579 = vector.broadcast %xor3A_1578 : i32 to vector<16xi32>
      %xor3A_1580 = arith.xori %iota3A, %xor3A_1579 : vector<16xi32>
      %broadcast_in_dim3A_1581 = vector.shape_cast %xor3A_1580 : vector<16xi32> to vector<16x1xi32>
      %gather3A_1582 = vector.shape_cast %broadcast_in_dim3A_1581 : vector<16x1xi32> to vector<16xi32>
      %gather3A_1583 = tpu.dynamic_gather %add3A_1577[%gather3A_1582] in [0] : vector<16xf32>, vector<16xi32> -> vector<16xf32>
      %add3A_1584 = arith.addf %add3A_1577, %gather3A_1583 : vector<16xf32>
      %eq3A_1585 = arith.constant 14 : i32
      %eq3A_1586 = vector.broadcast %eq3A_1585 : i32 to vector<16xi32>
      %eq3A_1587 = arith.cmpi eq, %iota3A, %eq3A_1586 : vector<16xi32>
      %select_n3A_1588 = arith.select %eq3A_1587, %add3A_1584, %select_n3A_1539 : vector<16xi1>, vector<16xf32>
      %mul3A_1589 = arith.constant 16 : i32
      %mul3A_1590 = arith.muli %scan3A_837, %mul3A_1589 : i32
      %add3A_1591 = arith.constant 15 : i32
      %add3A_1592 = arith.addi %mul3A_1590, %add3A_1591 : i32
      %slice3A_1593 = vector.extract_strided_slice %mul3A_849 {offsets = [15], sizes = [1], strides = [1]} : vector<16xi32> to vector<1xi32>
      %squeeze3A_1594 = vector.extract %slice3A_1593[0] : i32 from vector<1xi32>
      %get3A_1595 = arith.index_cast %add3A_1592 : i32 to index
      %get3A_1596 = arith.index_cast %squeeze3A_1594 : i32 to index
      %get3A_1597 = tpu.vector_load %arg15[%get3A_1595, %get3A_1596] {strides = array<i32>} : memref<128x128xf32, #tpu.memory_space<vmem>>, vector<1x16xf32>,
      %get3A_1598 = vector.shape_cast %get3A_1597 : vector<1x16xf32> to vector<16xf32>
      %slice3A_1599 = vector.extract_strided_slice %mul3A_858 {offsets = [15], sizes = [1], strides = [1]} : vector<16xi32> to vector<1xi32>
      %squeeze3A_1600 = vector.extract %slice3A_1599[0] : i32 from vector<1xi32>
      %get3A_1601 = arith.index_cast %add3A_1592 : i32 to index
      %get3A_1602 = arith.index_cast %squeeze3A_1600 : i32 to index
      %get3A_1603 = tpu.vector_load %arg16[%get3A_1601, %get3A_1602] {strides = array<i32>} : memref<128x128xf32, #tpu.memory_space<vmem>>, vector<1x16xf32>,
      %get3A_1604 = vector.shape_cast %get3A_1603 : vector<1x16xf32> to vector<16xf32>
      %mul3A_1605 = arith.mulf %get3A_1598, %get3A_1604 : vector<16xf32>
      %xor3A_1606 = arith.constant 1 : i32
      %xor3A_1607 = vector.broadcast %xor3A_1606 : i32 to vector<16xi32>
      %xor3A_1608 = arith.xori %iota3A, %xor3A_1607 : vector<16xi32>
      %broadcast_in_dim3A_1609 = vector.shape_cast %xor3A_1608 : vector<16xi32> to vector<16x1xi32>
      %gather3A_1610 = vector.shape_cast %broadcast_in_dim3A_1609 : vector<16x1xi32> to vector<16xi32>
      %gather3A_1611 = tpu.dynamic_gather %mul3A_1605[%gather3A_1610] in [0] : vector<16xf32>, vector<16xi32> -> vector<16xf32>
      %add3A_1612 = arith.addf %mul3A_1605, %gather3A_1611 : vector<16xf32>
      %xor3A_1613 = arith.constant 2 : i32
      %xor3A_1614 = vector.broadcast %xor3A_1613 : i32 to vector<16xi32>
      %xor3A_1615 = arith.xori %iota3A, %xor3A_1614 : vector<16xi32>
      %broadcast_in_dim3A_1616 = vector.shape_cast %xor3A_1615 : vector<16xi32> to vector<16x1xi32>
      %gather3A_1617 = vector.shape_cast %broadcast_in_dim3A_1616 : vector<16x1xi32> to vector<16xi32>
      %gather3A_1618 = tpu.dynamic_gather %add3A_1612[%gather3A_1617] in [0] : vector<16xf32>, vector<16xi32> -> vector<16xf32>
      %add3A_1619 = arith.addf %add3A_1612, %gather3A_1618 : vector<16xf32>
      %xor3A_1620 = arith.constant 4 : i32
      %xor3A_1621 = vector.broadcast %xor3A_1620 : i32 to vector<16xi32>
      %xor3A_1622 = arith.xori %iota3A, %xor3A_1621 : vector<16xi32>
      %broadcast_in_dim3A_1623 = vector.shape_cast %xor3A_1622 : vector<16xi32> to vector<16x1xi32>
      %gather3A_1624 = vector.shape_cast %broadcast_in_dim3A_1623 : vector<16x1xi32> to vector<16xi32>
      %gather3A_1625 = tpu.dynamic_gather %add3A_1619[%gather3A_1624] in [0] : vector<16xf32>, vector<16xi32> -> vector<16xf32>
      %add3A_1626 = arith.addf %add3A_1619, %gather3A_1625 : vector<16xf32>
      %xor3A_1627 = arith.constant 8 : i32
      %xor3A_1628 = vector.broadcast %xor3A_1627 : i32 to vector<16xi32>
      %xor3A_1629 = arith.xori %iota3A, %xor3A_1628 : vector<16xi32>
      %broadcast_in_dim3A_1630 = vector.shape_cast %xor3A_1629 : vector<16xi32> to vector<16x1xi32>
      %gather3A_1631 = vector.shape_cast %broadcast_in_dim3A_1630 : vector<16x1xi32> to vector<16xi32>
      %gather3A_1632 = tpu.dynamic_gather %add3A_1626[%gather3A_1631] in [0] : vector<16xf32>, vector<16xi32> -> vector<16xf32>
      %add3A_1633 = arith.addf %add3A_1626, %gather3A_1632 : vector<16xf32>
      %eq3A_1634 = arith.constant 15 : i32
      %eq3A_1635 = vector.broadcast %eq3A_1634 : i32 to vector<16xi32>
      %eq3A_1636 = arith.cmpi eq, %iota3A, %eq3A_1635 : vector<16xi32>
      %select_n3A_1637 = arith.select %eq3A_1636, %add3A_1633, %select_n3A_1588 : vector<16xi1>, vector<16xf32>
      %get3A_1638 = arith.index_cast %add3A_841 : i32 to index
      %get3A_1639 = tpu.vector_load %arg17[%get3A_1638] {strides = array<i32>} : memref<512xf32, #tpu.memory_space<vmem>>, vector<16xf32>,
      %get3A_1640 = vector.shape_cast %get3A_1639 : vector<16xf32> to vector<16xf32>
      %add3A_1641 = arith.addf %select_n3A_1637, %get3A_1640 : vector<16xf32>
      %get3A_1642 = arith.index_cast %add3A_841 : i32 to index
      %get3A_1643 = tpu.vector_load %arg18[%get3A_1642] {strides = array<i32>} : memref<512xf32, #tpu.memory_space<vmem>>, vector<16xf32>,
      %get3A_1644 = vector.shape_cast %get3A_1643 : vector<16xf32> to vector<16xf32>
      %add3A_1645 = arith.addf %add3A_1641, %get3A_1644 : vector<16xf32>
      %swap3A_1646 = arith.index_cast %add3A_841 : i32 to index
      %swap3A_1647 = tpu.vector_load %arg19[%swap3A_1646] {strides = array<i32>} : memref<512xf32, #tpu.memory_space<vmem>>, vector<16xf32>,
      %swap3A_1648 = vector.shape_cast %swap3A_1647 : vector<16xf32> to vector<16xf32>
      %swap3A_1649 = vector.shape_cast %add3A_1645 : vector<16xf32> to vector<16xf32>
      tpu.vector_store %arg19[%swap3A_1646], %swap3A_1649 {strides = array<i32>} : memref<512xf32, #tpu.memory_space<vmem>>, vector<16xf32>,
    }
    %scan3A_836 = arith.constant 8 : i32
    "tpu.region"() ({
      %run_scoped3A = tpu.sem_alloc : memref<!tpu.dma_semaphore, #tpu.memory_space<semaphore_mem>>
      %dma_start3A_837 = tpu.memref_slice %arg8[%mul3A_2] : memref<16384xf32, #tpu.memory_space<hbm>> -> memref<512xf32, #tpu.memory_space<hbm>>
      %dma_start3A_838 = tpu.memref_slice %arg8[%mul3A_2] : memref<16384xf32, #tpu.memory_space<hbm>> -> memref<512xf32, #tpu.memory_space<hbm>>
      tpu.enqueue_dma source(%arg19 : memref<512xf32, #tpu.memory_space<vmem>>) target(%dma_start3A_838 : memref<512xf32, #tpu.memory_space<hbm>>) target_semaphore(%run_scoped3A : memref<!tpu.dma_semaphore, #tpu.memory_space<semaphore_mem>>)
      %dma_wait3A_839 = tpu.memref_slice %arg8[%mul3A_2] : memref<16384xf32, #tpu.memory_space<hbm>> -> memref<512xf32, #tpu.memory_space<hbm>>
      %dma_wait3A_840 = tpu.memref_slice %arg8[%mul3A_2] : memref<16384xf32, #tpu.memory_space<hbm>> -> memref<512xf32, #tpu.memory_space<hbm>>
      tpu.wait_dma2 semaphore(%run_scoped3A : memref<!tpu.dma_semaphore, #tpu.memory_space<semaphore_mem>>) src(%arg19 : memref<512xf32, #tpu.memory_space<vmem>>) dst(%dma_wait3A_840 : memref<512xf32, #tpu.memory_space<hbm>>)
      tpu.yield
    }) : () -> ()
    return
  }
}

</mosaic_0001>

<sc_bundles>
// kernel: _run.3.cloned.1.call-start
scs
__scs_entry_jumppad:
0x0: {  	(pc) =	sbr.rel $0x88, $3  }
0x1: {  	(tag) =	ssettag $0x0;
	lr =	simm.s32 $0x1  }
0x2: {  	[smem:$0x3F9B] =	sst lr;
	_ =	strace $0xD0000000  }
0x3: {  	_ = 	snop  }
0x4: {  	_ = 	snop  }
0x5: {  	_ = 	snop  }
0x6: {  	_ = 	snop  }
0x7: {  	_ = 	snop  }
__scs_overlays_trampoline_lowered:
0x8: {  	[smem:$0x3FAA] =	sst s0  }
0x9: {  	[smem:$0x3FAB] =	sst s1  }
0xa: {  	[smem:$0x3FAC] =	sst s2  }
0xb: {  	[smem:$0x3FAD] =	sst s3  }
0xc: {  	[smem:$0x3FAE] =	sst s4  }
0xd: {  	[smem:$0x3FAF] =	sst s5  }
0xe: {  	[smem:$0x3FB0] =	sst s6  }
0xf: {  	[smem:$0x3FB1] =	sst s7  }
0x10: {  	[smem:$0x3FB2] =	sst s8  }
0x11: {  	[smem:$0x3FB3] =	sst s9;
	s0 =	simm.s32 @!p0 $0x0  }
0x12: {  	s1 =	sld [smem:$0x3F99];
	s0 =	simm.s32 @p0 $0x1  }
0x13: {  	[smem:$0x3FB4] =	sst s0;
	s0 =	simm.s32 @!p1 $0x0  }
0x14: {  	s2 =	sld [smem:$0x3F98];
	s0 =	simm.s32 @p1 $0x1  }
0x15: {  	[smem:$0x3FB5] =	sst s0;
	s0 =	simm.s32 @!p2 $0x0  }
0x16: {  	s3 =	sld [smem:$0x3FDB];
	s0 =	simm.s32 @p2 $0x1  }
0x17: {  	s4 =	simm.s32 $0x1BF5;
	[smem:$0x3FB7] =	sst s0  }
0x18: {  	s0 =	sld [smem:$0x3F9A];
	_ =	swait.ge [sflag:s4], $0x0  }
0x19: {  	s7 =	sld [smem:$0x3F9B]  }
0x1a: {  	s8 =	sadd.s32 $0xFFFFE003, lr  }
0x1b: {  	s9 =	sadd.s32 $0xFFFFFEF7, lr;
	s5 =	simm.s32 $0xFFFFFFFF;
	p2 =	slt.u32 s8, $0xFFFFF086  }
0x1c: {  	p1 =	slt.u32 s9, $0xF7A;
	s5 =	simm.s32 @!p2 $0x0  }
0x1d: {  	s5 =	simm.s32 @p1 $0x1;
	p0 =	seq.s32 s7, s2  }
0x1e: {  	s7 =	smul.u32 @!p0 $0xF7A, s2;
	p2 =	seq.s32 @!p0 s5, $0x0  }
0x1f: {  	s9 =	smul.u32 $0xF7A, s1;
	s8 =	simm.s32 @!p0 $0x1BF5;
	p2 =	por !p2, p0  }
0x20: {  	[sflag:s8] =	ssyncset.s32 @!p0 $0xFFFFF086;
	s6 =	sadd.s32 @!p0 s3, s7;
	s7 =	simm.s32 @!p0 $0x108  }
0x21: {  	s3 =	sadd.s32 s3, s9;
	s6 =	sadd.s32 @!p0 $0x88, s6;
	s7 =	simm.s32 @p2 $0x1082  }
0x22: {  	[simem:s7], [sflag:s8] =	dma.local @!p0 [hbm:s6], $0xF7A  }
0x23: {  	s9 =	sor.u32 $0xD0000000, s2;
	s6 =	simm.s32 $0x108;
	_ =	swait.ge @!p0 [sflag:s8], $0x0  }
0x24: {  	s3 =	sadd.s32 $0x88, s3;
	s6 =	simm.s32 @!p1 $0x1082;
	[sflag:s4] =	ssyncset.s32 $0xFFFFF086  }
0x25: {  	[simem:s6], [sflag:s4] =	dma.local [hbm:s3], $0xF7A  }
0x26: {  	[smem:$0x3F9B] =	sst s1;
	(tag) =	ssettag s2;
	_ =	strace s9  }
0x27: {  	s1 =	sld [smem:$0x3FAB]  }
0x28: {  	s2 =	sld [smem:$0x3FAC]  }
0x29: {  	s4 =	sld [smem:$0x3FAE]  }
0x2a: {  	p0 =	seq.s32 s5, $0x0;
	s5 =	sld [smem:$0x3FAF]  }
0x2b: {  	s6 =	sld [smem:$0x3FB0]  }
0x2c: {  	s7 =	sld [smem:$0x3FB1]  }
0x2d: {  	s3 =	simm.s32 $0x108;
	s8 =	sld [smem:$0x3FB2]  }
0x2e: {  	s3 =	simm.s32 @!p0 $0x1082;
	s9 =	sld [smem:$0x3FB3]  }
0x2f: {  	lr =	sadd.s32 s0, s3;
	s0 =	sld [smem:$0x3FAA]  }
0x30: {  	s3 =	sld [smem:$0x3FAD]  }
0x31: {  	[smem:$0x3FB6] =	sst s10  }
0x32: {  	s10 =	sld [smem:$0x3FB4];
	_ =	sdelay $0x3  }
0x33: {  	p0 =	seq.s32 s10, $0x1;
	s10 =	sld [smem:$0x3FB6];
	_ =	sdelay $0x3  }
0x34: {  	[smem:$0x3FB6] =	sst s10  }
0x35: {  	s10 =	sld [smem:$0x3FB5];
	_ =	sdelay $0x3  }
0x36: {  	p1 =	seq.s32 s10, $0x1;
	s10 =	sld [smem:$0x3FB6];
	_ =	sdelay $0x3  }
0x37: {  	[smem:$0x3FB6] =	sst s10  }
0x38: {  	s10 =	sld [smem:$0x3FB7]  }
0x39: {  	_ = 	snop;
	(pc) =	sbr.ind lr, $3  }
0x3a: {  	_ = 	snop  }
0x3b: {  	_ = 	snop  }
0x3c: {  	p2 =	seq.s32 s10, $0x1;
	s10 =	sld [smem:$0x3FB6]  }
0x3d: {  	_ =	shalt  }
0x3e: {  	_ =	shalt  }
0x3f: {  	_ =	shalt  }
0x40: {  	_ =	shalt  }
0x41: {  	_ =	shalt  }
0x42: {  	_ =	shalt  }
0x43: {  	_ =	shalt  }
0x44: {  	_ =	shalt  }
0x45: {  	_ =	shalt  }
0x46: {  	_ =	shalt  }
0x47: {  	_ =	shalt  }
0x48: {  	_ =	shalt  }
0x49: {  	_ =	shalt  }
0x4a: {  	_ =	shalt  }
0x4b: {  	_ =	shalt  }
0x4c: {  	_ =	shalt  }
0x4d: {  	_ =	shalt  }
0x4e: {  	_ =	shalt  }
0x4f: {  	_ =	shalt  }
0x50: {  	_ =	shalt  }
0x51: {  	_ =	shalt  }
0x52: {  	_ =	shalt  }
0x53: {  	_ =	shalt  }
0x54: {  	_ =	shalt  }
0x55: {  	_ =	shalt  }
0x56: {  	_ =	shalt  }
0x57: {  	_ =	shalt  }
0x58: {  	_ =	shalt  }
0x59: {  	_ =	shalt  }
0x5a: {  	_ =	shalt  }
0x5b: {  	_ =	shalt  }
0x5c: {  	_ =	shalt  }
0x5d: {  	_ =	shalt  }
0x5e: {  	_ =	shalt  }
0x5f: {  	_ =	shalt  }
0x60: {  	_ =	shalt  }
0x61: {  	_ =	shalt  }
0x62: {  	_ =	shalt  }
0x63: {  	_ =	shalt  }
0x64: {  	_ =	shalt  }
0x65: {  	_ =	shalt  }
0x66: {  	_ =	shalt  }
0x67: {  	_ =	shalt  }
0x68: {  	_ =	shalt  }
0x69: {  	_ =	shalt  }
0x6a: {  	_ =	shalt  }
0x6b: {  	_ =	shalt  }
0x6c: {  	_ =	shalt  }
0x6d: {  	_ =	shalt  }
0x6e: {  	_ =	shalt  }
0x6f: {  	_ =	shalt  }
0x70: {  	_ =	shalt  }
0x71: {  	_ =	shalt  }
0x72: {  	_ =	shalt  }
0x73: {  	_ =	shalt  }
0x74: {  	_ =	shalt  }
0x75: {  	_ =	shalt  }
0x76: {  	_ =	shalt  }
0x77: {  	_ =	shalt  }
0x78: {  	_ =	shalt  }
0x79: {  	_ =	shalt  }
0x7a: {  	_ =	shalt  }
0x7b: {  	_ =	shalt  }
0x7c: {  	_ =	shalt  }
0x7d: {  	_ =	shalt  }
0x7e: {  	_ =	shalt  }
0x7f: {  	_ =	shalt  }
0x80: {  	_ =	shalt  }
0x81: {  	_ =	shalt  }
0x82: {  	_ =	shalt  }
0x83: {  	_ =	shalt  }
0x84: {  	_ =	shalt  }
0x85: {  	_ =	shalt  }
0x86: {  	_ =	shalt  }
0x87: {  	_ =	shalt  }
.Lfunc_end0:
.L_simem_size_0:
called_computation_lowered:
.L_overlay_start_0:
0x88: {  	s2 =	sld [smem:$0x3FD9]  }
0x89: {  	s3 =	sld [smem:$0x3FFE];
	_ =	sdelay $0x1  }
0x8a: {  	s1 =	srdreg.scid  }
0x8b: {  	s0 =	sand.u32 $0x1, s1  }
0x8c: {  	s18 =	sshll.u32 s0, $0xA;
	s2 =	sadd.s32 s3, s2  }
0x8d: {  	s2 =	sadd.s32 s2, s18  }
0x8e: {  	[smem:$0x3FC2] =	sst s2  }
0x8f: {  	_ = 	snop  }
0x90: {  	s2 =	sld [smem:$0x3FC9]  }
0x91: {  	s19 =	sld [smem:$0x3FC8]  }
0x92: {  	s4 =	sld [smem:$0x3FC7]  }
0x93: {  	s5 =	sld [smem:$0x3FC6]  }
0x94: {  	s6 =	sld [smem:$0x3FC5]  }
0x95: {  	s7 =	sld [smem:$0x3FC4]  }
0x96: {  	s8 =	sld [smem:$0x3FD0];
	(tm) =	ssettm $0x1  }
0x97: {  	s9 =	sld [smem:$0x3FFB];
	_ =	sdelay $0x3  }
0x98: {  	_ =	strace s9  }
0x99: {  	s9 =	sld [smem:$0x3FFC];
	_ =	sdelay $0x3  }
0x9a: {  	_ =	strace s9  }
0x9b: {  	s9 =	sld [smem:$0x3FFD];
	_ =	sdelay $0x3  }
0x9c: {  	_ =	strace s9  }
0x9d: {  	_ =	strace $0x8FFFFFFF  }
0x9e: {  	s20 =	sld [smem:$0x3FDB];
	_ =	sdelay $0x1  }
0x9f: {  	s10 =	simm.s32 $_scs_section_size  }
0xa0: {  	s11 =	simm.s32 $_size__tile_overlayer_lowered;
	s12 =	simm.s32 $_tile_overlayer_lowered  }
0xa1: {  	s23 =	simm.s32 $0x1BFF;
	s22 =	sshll.u32 s12, $0x1;
	s9 =	sadd.s32 s10, s20  }
0xa2: {  	s13 =	simm.s32 $0x0;
	s21 =	sshll.u32 s11, $0x1;
	s11 =	sadd.s32 s22, s9  }
0xa3: {  	[timem:s13], [sflag:s23] =	dma.local [hbm:s11], s21  }
0xa4: {  	_ =	swait.ge [sflag:s23], s21  }
0xa5: {  	s10 =	ssub.s32 $0x0, s21;
	[sflag:s23] =	ssyncset.done $0x0  }
0xa6: {  	[sflag:s23] =	ssyncadd.s32 s10;
	_ =	sdelay $0x1  }
0xa7: {  	s24 =	simm.s32 $0x1B8B  }
0xa8: {  	_ =	swait.ge [sflag:s24], $0x1  }
0xa9: {  	[sflag:s24] =	ssyncset.done $0x0  }
0xaa: {  	s25 =	simm.s32 $0x1B8E;
	[sflag:s24] =	ssyncadd.s32 $0xFFFFFFFF  }
0xab: {  	s26 =	simm.s32 $execute0_lowered;
	[smem:$0x3FD2] =	sst s25  }
0xac: {  	s10 =	sshll.u32 s26, $0x1;
	_ =	strace $0x80000046;
	[dreg:$0x1] =	wrdreg $0xFFFFFFFF  }
0xad: {  	s28 =	simm.s32 $_size_execute0_lowered;
	s9 =	sadd.s32 s9, s10;
	[dreg:$0x0] =	wrdreg $0x0  }
0xae: {  	s10 =	sshll.u32 s28, $0x1;
	[dreg:$0x2] =	wrdreg s9  }
0xaf: {  	[dreg:$0x3] =	wrdreg s10  }
0xb0: {  	[dreg:$0x4] =	wrdreg $0xC0  }
0xb1: {  	_ =	task [dreg:s13], $0x5FFFF  }
0xb2: {  	[dreg:$0x1] =	wrdreg $0xFFFFFFFF  }
0xb3: {  	[dreg:$0x0] =	wrdreg $0x60  }
0xb4: {  	[dreg:$0x2] =	wrdreg s2  }
0xb5: {  	[dreg:$0x3] =	wrdreg s19  }
0xb6: {  	[dreg:$0x4] =	wrdreg s4  }
0xb7: {  	[dreg:$0x5] =	wrdreg s5  }
0xb8: {  	[dreg:$0x6] =	wrdreg s6  }
0xb9: {  	[dreg:$0x7] =	wrdreg s7  }
0xba: {  	[dreg:$0x8] =	wrdreg s8  }
0xbb: {  	[dreg:$0x9] =	wrdreg $0x9  }
0xbc: {  	_ =	task.clear_ibuf [dreg:s13], $0xAFFFF;
	_ =	strace $0x90000046  }
0xbd: {  	s29 =	simm.s32 $0x9;
	_ =	strace $0x80000048  }
0xbe: {  	_ =	swait.ge [sflag:s29], $0x1  }
0xbf: {  	[sflag:s29] =	ssyncadd.s32 $0xFFFFFFFF  }
0xc0: {  	_ =	strace $0x90000048  }
0xc1: {  	_ =	sfence  }
0xc2: {  	s30 =	sld [smem:$0x0];
	_ =	sdelay $0x2  }
0xc3: {  	s31 =	sshll.u32 s1, $0xD;
	s1 =	sshrl.u32 s1, $0x2  }
0xc4: {  	s3 =	sand.u32 $0x4000, s31;
	s1 =	sadd.s32 s1, s30  }
0xc5: {  	s0 =	sor.u32 s3, s0;
	s1 =	sshll.u32 s1, $0x11  }
0xc6: {  	s0 =	sor.u32 s1, s0  }
0xc7: {  	s0 =	sadd.s32 $0x8F2B, s0  }
0xc8: {  	[sflag:s0] =	ssyncadd.remote.s32 $0x1  }
0xc9: {  	_ =	sfence.sel $0xFFFF  }
0xca: {  	[dreg:$0x0] =	wrdreg $0xFFFFFFFF;
	(pc) =	sbr.abs _section_cstart, $3  }
0xcb: {  	[dreg:$0x1] =	wrdreg $0xFFFFFFFF  }
0xcc: {  	_ =	task.clear_ibuf [dreg:s13], $0x2FFFF;
	_ =	strace $0x9FFFFFFF  }
0xcd: {  	(tm) =	ssettm $0x7FFFFFFF  }
tec
execute0_lowered:
.L_overlay_start_1:
0x0: {  	(tag) =	ssettag $0x1  }
0x1: {  	s3 =	rddreg [dreg:$0x0];
	v0 =	vimm.s32 $0xEFCDAB89;
	v1 =	vimm.s32 $0x67452301  }
0x2: {  	s5 =	rddreg [dreg:$0x1];
	v2 =	vimm.s32 $0xDCFE98BA;
	v3 =	vimm.s32 $0x54761032;
	v4 =	vimm.s32 $0xBA98FEDC  }
0x3: {  	s0 =	rddreg [dreg:$0x2];
	v5 =	vimm.s32 $0x32107654;
	v6 =	vimm.s32 $0xFEDCBA98;
	v7 =	vimm.s32 $0x76543210  }
0x4: {  	s1 =	rddreg [dreg:$0x3];
	vm0 =	vmmov $0x1;
	vm1 =	vmmov $0x3;
	vm2 =	vmmov $0x7  }
0x5: {  	s2 =	rddreg [dreg:$0x4];
	vm3 =	vmmov $0xf;
	vm4 =	vmmov $0x1f;
	vm5 =	vmmov $0x3f  }
0x6: {  	s4 =	rddreg [dreg:$0x5];
	vm6 =	vmmov $0x7f;
	vm7 =	vmmov $0xff;
	vm8 =	vmmov $0x1ff  }
0x7: {  	s9 =	rddreg [dreg:$0x6];
	s7 =	srdreg.scid;
	s6 =	simm.s32 $0x0;
	vm9 =	vmmov $0x3ff;
	vm10 =	vmmov $0x7ff;
	vm11 =	vmmov $0xfff  }
0x8: {  	s10 =	stileid.u32;
	s12 =	simm.s32 $0x80;
	s25 =	simm.s32 $0x800;
	vm12 =	vmmov $0x1fff;
	v0 =	vunpack.c.l.s4.s8 v0;
	v1 =	vunpack.c.l.s4.s8 v1  }
0x9: {  	s28 =	simm.s32 $0x4800;
	s30 =	simm.s32 $0x8800;
	s13 =	simm.s32 $0x1;
	v2 =	vunpack.c.l.s4.s8 v2;
	v3 =	vunpack.c.l.s4.s8 v3;
	v4 =	vunpack.c.l.s4.s8 v4  }
0xa: {  	s16 =	simm.s32 $0x2;
	s17 =	simm.s32 $0x580;
	s18 =	simm.s32 $0x780;
	v5 =	vunpack.c.l.s4.s8 v5;
	v6 =	vunpack.c.l.s4.s8 v6;
	v7 =	vunpack.c.l.s4.s8 v7  }
0xb: {  	s19 =	simm.s32 $0x10C00;
	s20 =	simm.s32 $0x0;
	s7 =	sand.u32 $0x1, s7;
	v0 =	vunpack.c.0.s8.s32 v0;
	v1 =	vunpack.c.0.s8.s32 v1;
	v2 =	vunpack.c.0.s8.s32 v2  }
0xc: {  	s10 =	sshll.u32 s10, $0x7;
	s8 =	ssub.s32 $0x2, s7;
	s7 =	sshll.u32 s7, $0x6;
	v3 =	vunpack.c.0.s8.s32 v3;
	v4 =	vunpack.c.0.s8.s32 v4;
	v5 =	vunpack.c.0.s8.s32 v5  }
0xd: {  	vm13 =	vmmov $0x3fff;
	[smem:$0x7FF] =	sst s6;
	s11 =	sshrl.u32 s8, $0x1;
	s10 =	sor.u32 s7, s10;
	v0 =	vcombine.low v1, v0;
	v1 =	vunpack.c.0.s8.s32 v6  }
0xe: {  	_ =	strace $0x80000047;
	s11 =	ssub.s32 s8, s11;
	s7 =	sadd.s32 s3, s10;
	v2 =	vcombine.low v3, v2;
	v3 =	vcombine.low v5, v4;
	v4 =	vunpack.c.0.s8.s32 v7  }
0xf: {  	vm14 =	vmmov $0x7fff;
	s8 =	sadd.s32 s5, s10;
	s9 =	sadd.s32 s9, s10;
	s3 =	simm.s32 $0xC800;
	v0 =	vand.u32 $0xF, v0;
	v5 =	vand.u32 $0xF, v1  }
0x10: {  	s5 =	simm.s32 $0x3;
	s10 =	smax.u32 s11, $0x1;
	s11 =	simm.s32 $0x4;
	v1 =	vand.u32 $0xF, v2;
	v2 =	vand.u32 $0xF, v3;
	v3 =	vcombine.low v5, v4  }
.LBB2_1:
0x11: {  	[tilespmem:s6], [sflag:$0x4] =	stream.linear.gather [hbm4b:s7+s6], $0x200, $0x38;
	[tilespmem:$0x10E00] =	vst v63  }
0x12: {  	_ =	swait.ge [sflag:s11], $0x200  }
0x13: {  	[sflag:s11] =	ssyncset.done $0x0  }
0x14: {  	s21 =	simm.s32 $0x200;
	[sflag:s11] =	ssyncadd.s32 $0xFFFFFE00  }
0x15: {  	[tilespmem:s21], [sflag:$0x4] =	stream.linear.gather [hbm4b:s8+s6], $0x200, $0x38;
	[tilespmem:$0x10E00] =	vst v63  }
0x16: {  	_ =	swait.ge [sflag:s11], $0x200  }
0x17: {  	[sflag:s11] =	ssyncset.done $0x0  }
0x18: {  	[sflag:s11] =	ssyncadd.s32 $0xFFFFFE00  }
0x19: {  	v4 =	vld [tilespmem:$0x0]  }
0x1a: {  	v5 =	vld [tilespmem:$0x200]  }
0x1b: {  	v6 =	vld [tilespmem:$0x10]  }
0x1c: {  	v7 =	vld [tilespmem:$0x210]  }
0x1d: {  	v8 =	vld [tilespmem:$0x20]  }
0x1e: {  	v9 =	vld [tilespmem:$0x220];
	v4 =	vshra.s32 v4, $0x3  }
0x1f: {  	[tilespmem:$0x400] =	vst v4;
	v4 =	vshra.s32 v5, $0x3;
	v5 =	vld [tilespmem:$0x30]  }
0x20: {  	v18 =	vld [tilespmem:$0x230];
	[tilespmem:$0x600] =	vst v4;
	v4 =	vshra.s32 v6, $0x3  }
0x21: {  	v19 =	vld [tilespmem:$0x40];
	[tilespmem:$0x410] =	vst v4;
	v4 =	vshra.s32 v7, $0x3  }
0x22: {  	v20 =	vld [tilespmem:$0x240];
	[tilespmem:$0x610] =	vst v4;
	v4 =	vshra.s32 v8, $0x3  }
0x23: {  	v21 =	vld [tilespmem:$0x50];
	[tilespmem:$0x420] =	vst v4;
	v4 =	vshra.s32 v9, $0x3  }
0x24: {  	[tilespmem:$0x620] =	vst v4;
	v4 =	vshra.s32 v5, $0x3;
	v5 =	vld [tilespmem:$0x250]  }
0x25: {  	v22 =	vld [tilespmem:$0x60];
	[tilespmem:$0x430] =	vst v4;
	v4 =	vshra.s32 v18, $0x3  }
0x26: {  	v23 =	vld [tilespmem:$0x260];
	[tilespmem:$0x630] =	vst v4;
	v4 =	vshra.s32 v19, $0x3  }
0x27: {  	v24 =	vld [tilespmem:$0x70];
	[tilespmem:$0x440] =	vst v4;
	v4 =	vshra.s32 v20, $0x3  }
0x28: {  	v25 =	vld [tilespmem:$0x270];
	[tilespmem:$0x640] =	vst v4;
	v4 =	vshra.s32 v21, $0x3  }
0x29: {  	[tilespmem:$0x450] =	vst v4;
	v4 =	vshra.s32 v5, $0x3;
	v5 =	vld [tilespmem:$0x80]  }
0x2a: {  	v26 =	vld [tilespmem:$0x280];
	[tilespmem:$0x650] =	vst v4;
	v4 =	vshra.s32 v22, $0x3  }
0x2b: {  	v27 =	vld [tilespmem:$0x90];
	[tilespmem:$0x460] =	vst v4;
	v4 =	vshra.s32 v23, $0x3  }
0x2c: {  	v28 =	vld [tilespmem:$0x290];
	[tilespmem:$0x660] =	vst v4;
	v4 =	vshra.s32 v24, $0x3  }
0x2d: {  	v29 =	vld [tilespmem:$0xA0];
	[tilespmem:$0x470] =	vst v4;
	v4 =	vshra.s32 v25, $0x3  }
0x2e: {  	[tilespmem:$0x670] =	vst v4;
	v4 =	vshra.s32 v5, $0x3;
	v5 =	vld [tilespmem:$0x2A0]  }
0x2f: {  	v30 =	vld [tilespmem:$0xB0];
	[tilespmem:$0x480] =	vst v4;
	v4 =	vshra.s32 v26, $0x3  }
0x30: {  	v31 =	vld [tilespmem:$0x2B0];
	[tilespmem:$0x680] =	vst v4;
	v4 =	vshra.s32 v27, $0x3  }
0x31: {  	v32 =	vld [tilespmem:$0xC0];
	[tilespmem:$0x490] =	vst v4;
	v4 =	vshra.s32 v28, $0x3  }
0x32: {  	v33 =	vld [tilespmem:$0x2C0];
	[tilespmem:$0x690] =	vst v4;
	v4 =	vshra.s32 v29, $0x3  }
0x33: {  	[tilespmem:$0x4A0] =	vst v4;
	v4 =	vshra.s32 v5, $0x3;
	v5 =	vld [tilespmem:$0xD0]  }
0x34: {  	v34 =	vld [tilespmem:$0x2D0];
	[tilespmem:$0x6A0] =	vst v4;
	v4 =	vshra.s32 v30, $0x3  }
0x35: {  	v35 =	vld [tilespmem:$0xE0];
	[tilespmem:$0x4B0] =	vst v4;
	v4 =	vshra.s32 v31, $0x3  }
0x36: {  	v36 =	vld [tilespmem:$0x2E0];
	[tilespmem:$0x6B0] =	vst v4;
	v4 =	vshra.s32 v32, $0x3  }
0x37: {  	v37 =	vld [tilespmem:$0xF0];
	[tilespmem:$0x4C0] =	vst v4;
	v4 =	vshra.s32 v33, $0x3  }
0x38: {  	[tilespmem:$0x6C0] =	vst v4;
	v4 =	vshra.s32 v5, $0x3;
	v5 =	vld [tilespmem:$0x2F0]  }
0x39: {  	v38 =	vld [tilespmem:$0x100];
	[tilespmem:$0x4D0] =	vst v4;
	v4 =	vshra.s32 v34, $0x3  }
0x3a: {  	v39 =	vld [tilespmem:$0x300];
	[tilespmem:$0x6D0] =	vst v4;
	v4 =	vshra.s32 v35, $0x3  }
0x3b: {  	v40 =	vld [tilespmem:$0x110];
	[tilespmem:$0x4E0] =	vst v4;
	v4 =	vshra.s32 v36, $0x3  }
0x3c: {  	v41 =	vld [tilespmem:$0x310];
	[tilespmem:$0x6E0] =	vst v4;
	v4 =	vshra.s32 v37, $0x3  }
0x3d: {  	[tilespmem:$0x4F0] =	vst v4;
	v4 =	vshra.s32 v5, $0x3;
	v5 =	vld [tilespmem:$0x120]  }
0x3e: {  	v42 =	vld [tilespmem:$0x320];
	[tilespmem:$0x6F0] =	vst v4;
	v4 =	vshra.s32 v38, $0x3  }
0x3f: {  	v43 =	vld [tilespmem:$0x130];
	[tilespmem:$0x500] =	vst v4;
	v4 =	vshra.s32 v39, $0x3  }
0x40: {  	v44 =	vld [tilespmem:$0x330];
	[tilespmem:$0x700] =	vst v4;
	v4 =	vshra.s32 v40, $0x3  }
0x41: {  	v45 =	vld [tilespmem:$0x140];
	[tilespmem:$0x510] =	vst v4;
	v4 =	vshra.s32 v41, $0x3  }
0x42: {  	[tilespmem:$0x710] =	vst v4;
	v4 =	vshra.s32 v5, $0x3;
	v5 =	vld [tilespmem:$0x340]  }
0x43: {  	v46 =	vld [tilespmem:$0x150];
	[tilespmem:$0x520] =	vst v4;
	v4 =	vshra.s32 v42, $0x3  }
0x44: {  	v47 =	vld [tilespmem:$0x350];
	[tilespmem:$0x720] =	vst v4;
	v4 =	vshra.s32 v43, $0x3  }
0x45: {  	v48 =	vld [tilespmem:$0x160];
	[tilespmem:$0x530] =	vst v4;
	v4 =	vshra.s32 v44, $0x3  }
0x46: {  	v49 =	vld [tilespmem:$0x360];
	[tilespmem:$0x730] =	vst v4;
	v4 =	vshra.s32 v45, $0x3  }
0x47: {  	[tilespmem:$0x540] =	vst v4;
	v4 =	vshra.s32 v5, $0x3;
	v5 =	vld [tilespmem:$0x170]  }
0x48: {  	v50 =	vld [tilespmem:$0x370];
	[tilespmem:$0x740] =	vst v4;
	v4 =	vshra.s32 v46, $0x3  }
0x49: {  	v51 =	vld [tilespmem:$0x180];
	[tilespmem:$0x550] =	vst v4;
	v4 =	vshra.s32 v47, $0x3  }
0x4a: {  	v52 =	vld [tilespmem:$0x380];
	[tilespmem:$0x750] =	vst v4;
	v4 =	vshra.s32 v48, $0x3  }
0x4b: {  	v53 =	vld [tilespmem:$0x190];
	[tilespmem:$0x560] =	vst v4;
	v4 =	vshra.s32 v49, $0x3  }
0x4c: {  	[tilespmem:$0x760] =	vst v4;
	v4 =	vshra.s32 v5, $0x3;
	v5 =	vld [tilespmem:$0x390]  }
0x4d: {  	v54 =	vld [tilespmem:$0x1A0];
	[tilespmem:$0x570] =	vst v4;
	v4 =	vshra.s32 v50, $0x3  }
0x4e: {  	v55 =	vld [tilespmem:$0x3A0];
	[tilespmem:$0x770] =	vst v4;
	v4 =	vshra.s32 v51, $0x3  }
0x4f: {  	v56 =	vld [tilespmem:$0x1B0];
	[tilespmem:$0x580] =	vst v4;
	v4 =	vshra.s32 v52, $0x3  }
0x50: {  	v57 =	vld [tilespmem:$0x3B0];
	[tilespmem:$0x780] =	vst v4;
	v4 =	vshra.s32 v53, $0x3  }
0x51: {  	[tilespmem:$0x590] =	vst v4;
	v4 =	vshra.s32 v5, $0x3;
	v5 =	vld [tilespmem:$0x1C0]  }
0x52: {  	v58 =	vld [tilespmem:$0x3C0];
	[tilespmem:$0x790] =	vst v4;
	v4 =	vshra.s32 v54, $0x3  }
0x53: {  	v59 =	vld [tilespmem:$0x1D0];
	[tilespmem:$0x5A0] =	vst v4;
	v4 =	vshra.s32 v55, $0x3  }
0x54: {  	v60 =	vld [tilespmem:$0x3D0];
	[tilespmem:$0x7A0] =	vst v4;
	v4 =	vshra.s32 v56, $0x3  }
0x55: {  	v61 =	vld [tilespmem:$0x1E0];
	[tilespmem:$0x5B0] =	vst v4;
	v4 =	vshra.s32 v57, $0x3  }
0x56: {  	[tilespmem:$0x7B0] =	vst v4;
	v4 =	vshra.s32 v5, $0x3;
	v5 =	vld [tilespmem:$0x3E0]  }
0x57: {  	v62 =	vld [tilespmem:$0x1F0];
	[tilespmem:$0x5C0] =	vst v4;
	v4 =	vshra.s32 v58, $0x3  }
0x58: {  	v63 =	vld [tilespmem:$0x3F0];
	[tilespmem:$0x7C0] =	vst v4;
	v4 =	vshra.s32 v59, $0x3  }
0x59: {  	[tilespmem:$0x5D0] =	vst v4;
	v4 =	vshra.s32 v60, $0x3  }
0x5a: {  	[tilespmem:$0x7D0] =	vst v4;
	v4 =	vshra.s32 v61, $0x3  }
0x5b: {  	[tilespmem:$0x5E0] =	vst v4;
	v4 =	vshra.s32 v5, $0x3  }
0x5c: {  	[tilespmem:$0x7E0] =	vst v4;
	v4 =	vshra.s32 v62, $0x3  }
0x5d: {  	[tilespmem:$0x5F0] =	vst v4;
	v4 =	vshra.s32 v63, $0x3  }
0x5e: {  	s22 =	simm.s32 $0x10800;
	[tilespmem:$0x7F0] =	vst v4  }
0x5f: {  	[tilespmem:s22], [sflag:$0x3] =	stream.indirect.gather [hbm4b:s0+s12], $0x1, s6, s12, $0xb8;
	[tilespmem:$0x10E00] =	vst v63  }
0x60: {  	s23 =	simm.s32 $0x10A00  }
0x61: {  	[tilespmem:s23], [sflag:$0x3] =	stream.indirect.gather [hbm4b:s1+s12], $0x1, s21, s12, $0xb8;
	[tilespmem:$0x10E00] =	vst v63  }
0x62: {  	s14 =	simm.s32 $0x10880  }
0x63: {  	[tilespmem:s14], [sflag:$0x3] =	stream.indirect.gather [hbm4b:s0+s12], $0x1, s12, s12, $0xb8;
	[tilespmem:$0x10E00] =	vst v63  }
0x64: {  	s31 =	simm.s32 $0x280;
	s15 =	simm.s32 $0x10A80  }
0x65: {  	[tilespmem:s15], [sflag:$0x3] =	stream.indirect.gather [hbm4b:s1+s12], $0x1, s31, s12, $0xb8;
	[tilespmem:$0x10E00] =	vst v63  }
0x66: {  	s24 =	simm.s32 $0x10900;
	s15 =	simm.s32 $0x100  }
0x67: {  	[tilespmem:s24], [sflag:$0x3] =	stream.indirect.gather [hbm4b:s0+s12], $0x1, s15, s12, $0xb8;
	[tilespmem:$0x10E00] =	vst v63  }
0x68: {  	s26 =	simm.s32 $0x300;
	s31 =	simm.s32 $0x10B00  }
0x69: {  	[tilespmem:s31], [sflag:$0x3] =	stream.indirect.gather [hbm4b:s1+s12], $0x1, s26, s12, $0xb8;
	[tilespmem:$0x10E00] =	vst v63  }
0x6a: {  	s15 =	simm.s32 $0x180;
	s24 =	simm.s32 $0x10980  }
0x6b: {  	[tilespmem:s24], [sflag:$0x3] =	stream.indirect.gather [hbm4b:s0+s12], $0x1, s15, s12, $0xb8;
	[tilespmem:$0x10E00] =	vst v63  }
0x6c: {  	s26 =	simm.s32 $0x380;
	s31 =	simm.s32 $0x10B80  }
0x6d: {  	[tilespmem:s31], [sflag:$0x3] =	stream.indirect.gather [hbm4b:s1+s12], $0x1, s26, s12, $0xb8;
	[tilespmem:$0x10E00] =	vst v63  }
0x6e: {  	s15 =	simm.s32 $0x400  }
0x6f: {  	[tilespmem:s25], [sflag:$0x1] =	stream.indirect.gather [hbm4b:s2+s12], $0x80, s15, s12, $0xb8;
	[tilespmem:$0x10E00] =	vst v63  }
0x70: {  	s24 =	simm.s32 $0x600  }
0x71: {  	[tilespmem:s28], [sflag:$0x1] =	stream.indirect.gather [hbm4b:s4+s12], $0x80, s24, s12, $0xb8;
	[tilespmem:$0x10E00] =	vst v63  }
0x72: {  	s26 =	simm.s32 $0x480  }
0x73: {  	[tilespmem:s30], [sflag:$0x2] =	stream.indirect.gather [hbm4b:s2+s12], $0x80, s26, s12, $0xb8;
	[tilespmem:$0x10E00] =	vst v63  }
0x74: {  	s31 =	simm.s32 $0x680  }
0x75: {  	[tilespmem:s3], [sflag:$0x2] =	stream.indirect.gather [hbm4b:s4+s12], $0x80, s31, s12, $0xb8;
	[tilespmem:$0x10E00] =	vst v63  }
0x76: {  	_ =	swait.ge [sflag:s5], $0x80  }
0x77: {  	[sflag:s5] =	ssyncset.done $0x0  }
0x78: {  	[sflag:s5] =	ssyncadd.s32 $0xFFFFFF80  }
0x79: {  	_ =	swait.ge [sflag:s5], $0x80  }
0x7a: {  	[sflag:s5] =	ssyncset.done $0x0  }
0x7b: {  	[sflag:s5] =	ssyncadd.s32 $0xFFFFFF80  }
0x7c: {  	_ =	swait.ge [sflag:s5], $0x80  }
0x7d: {  	[sflag:s5] =	ssyncset.done $0x0  }
0x7e: {  	[sflag:s5] =	ssyncadd.s32 $0xFFFFFF80  }
0x7f: {  	_ =	swait.ge [sflag:s5], $0x80  }
0x80: {  	[sflag:s5] =	ssyncset.done $0x0  }
0x81: {  	[sflag:s5] =	ssyncadd.s32 $0xFFFFFF80  }
0x82: {  	_ =	swait.ge [sflag:s5], $0x80  }
0x83: {  	[sflag:s5] =	ssyncset.done $0x0  }
0x84: {  	[sflag:s5] =	ssyncadd.s32 $0xFFFFFF80  }
0x85: {  	_ =	swait.ge [sflag:s5], $0x80  }
0x86: {  	[sflag:s5] =	ssyncset.done $0x0  }
0x87: {  	[sflag:s5] =	ssyncadd.s32 $0xFFFFFF80  }
0x88: {  	_ =	swait.ge [sflag:s5], $0x80  }
0x89: {  	[sflag:s5] =	ssyncset.done $0x0  }
0x8a: {  	[sflag:s5] =	ssyncadd.s32 $0xFFFFFF80  }
0x8b: {  	_ =	swait.ge [sflag:s5], $0x80  }
0x8c: {  	[sflag:s5] =	ssyncset.done $0x0  }
0x8d: {  	[sflag:s5] =	ssyncadd.s32 $0xFFFFFF80  }
0x8e: {  	_ =	swait.ge [sflag:s13], $0x4000  }
0x8f: {  	[sflag:s13] =	ssyncset.done $0x0  }
0x90: {  	[sflag:s13] =	ssyncadd.s32 $0xFFFFC000  }
0x91: {  	_ =	swait.ge [sflag:s13], $0x4000  }
0x92: {  	s29 =	simm.s32 $0x0;
	[sflag:s13] =	ssyncset.done $0x0  }
0x93: {  	s24 =	simm.s32 $0x10C00;
	s26 =	simm.s32 $0x0;
	[sflag:s13] =	ssyncadd.s32 $0xFFFFC000  }
.LBB2_2:
0x94: {  	v4 =	vld [tilespmem:s26+$0x0];
	_ =	sdelay $0x1  }
0x95: {  	v5 =	vld [tilespmem:s21+$0x0];
	_ =	sdelay $0x2  }
0x96: {  	v4 =	vshll.u32 v4, $0x4  }
0x97: {  	s31 =	sshra.s32 s29, $0x2;
	v4 =	vand.u32 $0x70, v4  }
0x98: {  	v5 =	vshll.u32 v5, $0x4;
	v4 =	vadd.s32 s31, v4  }
0x99: {  	v5 =	vand.u32 $0x70, v5;
	(v2sf) =	vpush v4, $0x1  }
0x9a: {  	v5 =	vadd.s32 s31, v5;
	(v2sf) =	vpush v4, $0x0  }
0x9b: {  	(v2sf) =	vpush v5, $0x1  }
0x9c: {  	(v2sf) =	vpush v5, $0x0  }
0x9d: {  	(v2sf) =	vpush v4, $0x3  }
0x9e: {  	(v2sf) =	vpush v4, $0x2  }
0x9f: {  	(v2sf) =	vpush v5, $0x3  }
0xa0: {  	(v2sf) =	vpush v5, $0x2;
	_ =	sdelay $0x7  }
0xa1: {  	s31 =	spop (v2sf);
	(v2sf) =	vpush v4, $0x5  }
0xa2: {  	s14 =	spop (v2sf);
	v8 =	vld [tilespmem:s31+$0x880]  }
0xa3: {  	(v2sf) =	vpush v4, $0x4;
	s15 =	spop (v2sf);
	v6 =	vld [tilespmem:s14+$0x800]  }
0xa4: {  	(v2sf) =	vpush v5, $0x5;
	s14 =	spop (v2sf);
	v9 =	vld [tilespmem:s15+$0x4880]  }
0xa5: {  	(v2sf) =	vpush v5, $0x4;
	v7 =	vld [tilespmem:s14+$0x4800];
	s14 =	spop (v2sf)  }
0xa6: {  	(v2sf) =	vpush v4, $0x7;
	s31 =	spop (v2sf);
	v56 =	vld [tilespmem:s14+$0x980]  }
0xa7: {  	(v2sf) =	vpush v4, $0x6;
	s15 =	spop (v2sf);
	v10 =	vld [tilespmem:s31+$0x900]  }
0xa8: {  	(v2sf) =	vpush v5, $0x7;
	s31 =	spop (v2sf);
	v57 =	vld [tilespmem:s15+$0x4980]  }
0xa9: {  	(v2sf) =	vpush v5, $0x6;
	v11 =	vld [tilespmem:s31+$0x4900];
	v8 =	vmul.f32 v9, v8  }
0xaa: {  	(v2sf) =	vpush v4, $0x9;
	v6 =	vmul.f32 v7, v6  }
0xab: {  	(v2sf) =	vpush v4, $0x8;
	v13 =	vperm.xlane v8, v0  }
0xac: {  	(v2sf) =	vpush v5, $0x9;
	v12 =	vperm.xlane v6, v0  }
0xad: {  	(v2sf) =	vpush v5, $0x8;
	v8 =	vadd.f32 v13, v8;
	v7 =	vmul.f32 v57, v56  }
0xae: {  	v10 =	vmul.f32 v11, v10  }
0xaf: {  	v6 =	vadd.f32 v12, v6;
	v58 =	vperm.xlane v8, v1;
	v59 =	vperm.xlane v7, v0  }
0xb0: {  	v11 =	vperm.xlane v10, v0;
	s14 =	spop (v2sf);
	(v2sf) =	vpush v4, $0xB  }
0xb1: {  	v12 =	vperm.xlane v6, v1;
	v8 =	vadd.f32 v58, v8;
	v7 =	vadd.f32 v59, v7  }
0xb2: {  	s15 =	spop (v2sf);
	(v2sf) =	vpush v4, $0xA;
	v10 =	vadd.f32 v11, v10  }
0xb3: {  	v14 =	vld [tilespmem:s14+$0xA80];
	v6 =	vadd.f32 v12, v6;
	s31 =	spop (v2sf);
	(v2sf) =	vpush v5, $0xB  }
0xb4: {  	v61 =	vld [tilespmem:s15+$0xA00];
	s15 =	spop (v2sf);
	v62 =	vperm.xlane v8, v2;
	v24 =	vperm.xlane v7, v1;
	(v2sf) =	vpush v5, $0xA  }
0xb5: {  	v60 =	vperm.xlane v10, v1;
	v63 =	vld [tilespmem:s15+$0x4A00];
	s15 =	spop (v2sf);
	(v2sf) =	vpush v4, $0xD  }
0xb6: {  	v15 =	vld [tilespmem:s31+$0x4A80];
	v12 =	vperm.xlane v6, v2;
	s14 =	spop (v2sf);
	v8 =	vadd.f32 v62, v8;
	v7 =	vadd.f32 v24, v7  }
0xb7: {  	v18 =	vld [tilespmem:s15+$0xB80];
	(v2sf) =	vpush v4, $0xC;
	v9 =	vadd.f32 v60, v10;
	s31 =	spop (v2sf)  }
0xb8: {  	v6 =	vadd.f32 v12, v6;
	v26 =	vld [tilespmem:s14+$0xB00];
	(v2sf) =	vpush v5, $0xD;
	s14 =	spop (v2sf)  }
0xb9: {  	v17 =	vperm.xlane v8, v3;
	v28 =	vperm.xlane v7, v2;
	(v2sf) =	vpush v5, $0xC;
	v27 =	vld [tilespmem:s14+$0x4B00];
	s14 =	spop (v2sf)  }
0xba: {  	v19 =	vld [tilespmem:s31+$0x4B80];
	v25 =	vperm.xlane v9, v2;
	v16 =	vperm.xlane v6, v3;
	(v2sf) =	vpush v4, $0xF;
	s15 =	spop (v2sf)  }
0xbb: {  	v35 =	vmul.f32 v15, v14;
	v8 =	vadd.f32 v17, v8;
	v7 =	vadd.f32 v28, v7;
	v20 =	vld [tilespmem:s14+$0xC80];
	s31 =	spop (v2sf)  }
0xbc: {  	v33 =	vmul.f32 v63, v61;
	(v2sf) =	vpush v4, $0xE;
	v9 =	vadd.f32 v25, v9;
	v30 =	vld [tilespmem:s15+$0xC00];
	s15 =	spop (v2sf)  }
0xbd: {  	v6 =	vadd.f32 v16, v6;
	(v2sf) =	vpush v5, $0xF;
	v32 =	vperm.xlane v7, v3;
	v31 =	vld [tilespmem:s15+$0x4C00]  }
0xbe: {  	v34 =	vld [tilespmem:s31+$0x4C80];
	v36 =	vperm.xlane v33, v0;
	(v2sf) =	vpush v5, $0xE;
	v5 =	vperm.xlane v35, v0  }
0xbf: {  	v38 =	vmul.f32 v19, v18;
	v37 =	vmul.f32 v27, v26  }
0xc0: {  	v29 =	vperm.xlane v9, v3;
	v6 =	vsel vm0, v6, v8;
	v8 =	vadd.f32 v36, v33  }
0xc1: {  	v5 =	vadd.f32 v5, v35;
	v41 =	vperm.xlane v38, v0;
	v39 =	vperm.xlane v37, v0  }
0xc2: {  	v9 =	vadd.f32 v29, v9;
	v42 =	vperm.xlane v8, v1;
	v40 =	vmul.f32 v31, v30  }
0xc3: {  	v4 =	vadd.f32 v32, v7;
	v44 =	vperm.xlane v5, v1;
	v10 =	vmul.f32 v34, v20  }
0xc4: {  	v6 =	vsel vm1, v6, v9;
	v9 =	vadd.f32 v39, v37;
	v43 =	vperm.xlane v40, v0  }
0xc5: {  	s14 =	spop (v2sf);
	v4 =	vsel vm2, v6, v4;
	v6 =	vadd.f32 v41, v38;
	v45 =	vperm.xlane v10, v0  }
0xc6: {  	s15 =	spop (v2sf);
	v8 =	vadd.f32 v42, v8;
	v46 =	vperm.xlane v9, v1;
	v11 =	vadd.f32 v43, v40  }
0xc7: {  	v52 =	vld [tilespmem:s14+$0xD80];
	s31 =	spop (v2sf);
	v5 =	vadd.f32 v44, v5;
	v48 =	vperm.xlane v6, v1;
	v7 =	vadd.f32 v45, v10  }
0xc8: {  	v47 =	vld [tilespmem:s15+$0xD00];
	s15 =	spop (v2sf);
	v50 =	vperm.xlane v8, v2;
	v9 =	vadd.f32 v46, v9;
	v51 =	vperm.xlane v11, v1  }
0xc9: {  	v49 =	vld [tilespmem:s15+$0x4D00];
	s15 =	spop (v2sf);
	v53 =	vperm.xlane v5, v2;
	v6 =	vadd.f32 v48, v6;
	v54 =	vperm.xlane v7, v1  }
0xca: {  	v55 =	vld [tilespmem:s31+$0x4D80];
	s14 =	spop (v2sf);
	v8 =	vadd.f32 v50, v8;
	v56 =	vperm.xlane v9, v2;
	v11 =	vadd.f32 v51, v11  }
0xcb: {  	v62 =	vld [tilespmem:s15+$0xE80];
	s31 =	spop (v2sf);
	v5 =	vadd.f32 v53, v5;
	v58 =	vperm.xlane v6, v2;
	v7 =	vadd.f32 v54, v7  }
0xcc: {  	v57 =	vld [tilespmem:s14+$0xE00];
	s14 =	spop (v2sf);
	v60 =	vperm.xlane v8, v3;
	v9 =	vadd.f32 v56, v9;
	v61 =	vperm.xlane v11, v2  }
0xcd: {  	v59 =	vld [tilespmem:s14+$0x4E00];
	s14 =	spop (v2sf);
	v21 =	vperm.xlane v5, v3;
	v6 =	vadd.f32 v58, v6;
	v63 =	vperm.xlane v7, v2  }
0xce: {  	v24 =	vld [tilespmem:s31+$0x4E80];
	s15 =	spop (v2sf);
	v8 =	vadd.f32 v60, v8;
	v25 =	vperm.xlane v9, v3;
	v11 =	vadd.f32 v61, v11  }
0xcf: {  	v32 =	vld [tilespmem:s14+$0xF80];
	s31 =	spop (v2sf);
	v5 =	vadd.f32 v21, v5;
	v26 =	vperm.xlane v6, v3;
	v7 =	vadd.f32 v63, v7  }
0xd0: {  	v27 =	vld [tilespmem:s15+$0xF00];
	s15 =	spop (v2sf);
	v4 =	vsel vm3, v4, v8;
	v28 =	vadd.f32 v25, v9;
	v29 =	vperm.xlane v11, v3  }
0xd1: {  	v30 =	vld [tilespmem:s15+$0x4F00];
	v4 =	vsel vm4, v4, v5;
	v5 =	vadd.f32 v26, v6;
	v31 =	vperm.xlane v7, v3  }
0xd2: {  	v34 =	vmul.f32 v49, v47;
	v35 =	vld [tilespmem:s31+$0x4F80];
	v4 =	vsel vm5, v4, v28;
	v33 =	vadd.f32 v29, v11  }
0xd3: {  	v36 =	vmul.f32 v55, v52;
	v4 =	vsel vm6, v4, v5;
	v5 =	vadd.f32 v31, v7  }
0xd4: {  	v38 =	vperm.xlane v34, v0;
	v37 =	vmul.f32 v59, v57;
	v4 =	vsel vm7, v4, v33  }
0xd5: {  	v39 =	vperm.xlane v36, v0;
	v4 =	vsel vm8, v4, v5;
	v5 =	vmul.f32 v24, v62  }
0xd6: {  	v8 =	vadd.f32 v38, v34;
	v40 =	vperm.xlane v37, v0;
	v41 =	vmul.f32 v30, v27  }
0xd7: {  	v6 =	vadd.f32 v39, v36;
	v10 =	vmul.f32 v35, v32;
	v42 =	vperm.xlane v5, v0  }
0xd8: {  	v43 =	vperm.xlane v8, v1;
	v7 =	vadd.f32 v40, v37;
	v44 =	vperm.xlane v41, v0  }
0xd9: {  	v45 =	vperm.xlane v6, v1;
	v46 =	vperm.xlane v10, v0;
	v5 =	vadd.f32 v42, v5  }
0xda: {  	v8 =	vadd.f32 v43, v8;
	v47 =	vperm.xlane v7, v1;
	v9 =	vadd.f32 v44, v41  }
0xdb: {  	v6 =	vadd.f32 v45, v6;
	v10 =	vadd.f32 v46, v10;
	v48 =	vperm.xlane v5, v1  }
0xdc: {  	v49 =	vperm.xlane v8, v2;
	v7 =	vadd.f32 v47, v7;
	v50 =	vperm.xlane v9, v1  }
0xdd: {  	v14 =	vperm.xlane v6, v2;
	v51 =	vperm.xlane v10, v1;
	v5 =	vadd.f32 v48, v5  }
0xde: {  	v8 =	vadd.f32 v49, v8;
	v52 =	vperm.xlane v7, v2;
	v9 =	vadd.f32 v50, v9  }
0xdf: {  	v6 =	vadd.f32 v14, v6;
	v10 =	vadd.f32 v51, v10;
	v53 =	vperm.xlane v5, v2  }
0xe0: {  	v54 =	vperm.xlane v8, v3;
	v7 =	vadd.f32 v52, v7;
	v55 =	vperm.xlane v9, v2  }
0xe1: {  	v14 =	vperm.xlane v6, v3;
	v56 =	vperm.xlane v10, v2;
	v5 =	vadd.f32 v53, v5  }
0xe2: {  	v8 =	vadd.f32 v54, v8;
	v57 =	vperm.xlane v7, v3;
	v9 =	vadd.f32 v55, v9  }
0xe3: {  	v6 =	vadd.f32 v14, v6;
	v10 =	vadd.f32 v56, v10;
	v58 =	vperm.xlane v5, v3  }
0xe4: {  	v4 =	vsel vm9, v4, v8;
	v7 =	vadd.f32 v57, v7;
	v59 =	vperm.xlane v9, v3  }
0xe5: {  	v61 =	vld [tilespmem:s22+$0x0];
	v4 =	vsel vm10, v4, v6;
	v60 =	vperm.xlane v10, v3;
	v5 =	vadd.f32 v58, v5  }
0xe6: {  	v4 =	vsel vm11, v4, v7;
	v62 =	vadd.f32 v59, v9  }
0xe7: {  	v63 =	vld [tilespmem:s23+$0x0];
	v4 =	vsel vm12, v4, v5;
	v5 =	vadd.f32 v60, v10  }
0xe8: {  	v4 =	vsel vm13, v4, v62  }
0xe9: {  	p0 =	sne.s32 s29, $0xE000;
	v4 =	vsel vm14, v4, v5  }
.Ltmp0:
0xea: {  	v4 =	vadd.f32 v4, v61;
	(pc) =	sbr.rel @p0 .LBB2_2-.Ltmp0, $4  }
0xeb: {  	_ = 	snop  }
0xec: {  	v4 =	vadd.f32 v4, v63  }
0xed: {  	s26 =	sadd.s32 $0x10, s26;
	s21 =	sadd.s32 $0x10, s21;
	s29 =	sadd.s32 $0x2000, s29  }
0xee: {  	s23 =	sadd.s32 $0x10, s23;
	s22 =	sadd.s32 $0x10, s22;
	[tilespmem:s24+$0x0] =	vst v4;
	s24 =	sadd.s32 $0x10, s24  }
0xef: {  	s21 =	simm.s32 $0x80;
	s14 =	simm.s32 $0x500  }
0xf0: {  	[tilespmem:s25], [sflag:$0x1] =	stream.indirect.gather [hbm4b:s2+s21], $0x80, s14, s21, $0xb8;
	[tilespmem:$0x10E00] =	vst v63  }
0xf1: {  	s31 =	simm.s32 $0x700  }
0xf2: {  	[tilespmem:s28], [sflag:$0x1] =	stream.indirect.gather [hbm4b:s4+s21], $0x80, s31, s21, $0xb8;
	[tilespmem:$0x10E00] =	vst v63  }
0xf3: {  	_ =	swait.ge [sflag:s16], $0x4000  }
0xf4: {  	[sflag:s16] =	ssyncset.done $0x0  }
0xf5: {  	[sflag:s16] =	ssyncadd.s32 $0xFFFFC000  }
0xf6: {  	s22 =	simm.s32 $0x0;
	_ =	swait.ge [sflag:s16], $0x4000  }
0xf7: {  	s23 =	simm.s32 $0x10C80;
	s24 =	simm.s32 $0x10A80;
	[sflag:s16] =	ssyncset.done $0x0  }
0xf8: {  	s26 =	simm.s32 $0x10880;
	s29 =	simm.s32 $0x280;
	[sflag:s16] =	ssyncadd.s32 $0xFFFFC000  }
.LBB2_4:
0xf9: {  	v4 =	vld [tilespmem:s21+$0x0];
	_ =	sdelay $0x1  }
0xfa: {  	v5 =	vld [tilespmem:s29+$0x0];
	_ =	sdelay $0x2  }
0xfb: {  	v4 =	vshll.u32 v4, $0x4  }
0xfc: {  	s14 =	sshra.s32 s22, $0x2;
	v4 =	vand.u32 $0x70, v4  }
0xfd: {  	v5 =	vshll.u32 v5, $0x4;
	v4 =	vadd.s32 s14, v4  }
0xfe: {  	v5 =	vand.u32 $0x70, v5;
	(v2sf) =	vpush v4, $0x1  }
0xff: {  	v5 =	vadd.s32 s14, v5;
	(v2sf) =	vpush v4, $0x0  }
0x100: {  	(v2sf) =	vpush v5, $0x1  }
0x101: {  	(v2sf) =	vpush v5, $0x0  }
0x102: {  	(v2sf) =	vpush v4, $0x3  }
0x103: {  	(v2sf) =	vpush v4, $0x2  }
0x104: {  	(v2sf) =	vpush v5, $0x3  }
0x105: {  	(v2sf) =	vpush v5, $0x2;
	_ =	sdelay $0x7  }
0x106: {  	s14 =	spop (v2sf);
	(v2sf) =	vpush v4, $0x5  }
0x107: {  	s15 =	spop (v2sf);
	v8 =	vld [tilespmem:s14+$0x8880]  }
0x108: {  	(v2sf) =	vpush v4, $0x4;
	s31 =	spop (v2sf);
	v6 =	vld [tilespmem:s15+$0x8800]  }
0x109: {  	(v2sf) =	vpush v5, $0x5;
	s15 =	spop (v2sf);
	v9 =	vld [tilespmem:s31+$0xC880]  }
0x10a: {  	(v2sf) =	vpush v5, $0x4;
	v7 =	vld [tilespmem:s15+$0xC800];
	s15 =	spop (v2sf)  }
0x10b: {  	(v2sf) =	vpush v4, $0x7;
	s14 =	spop (v2sf);
	v56 =	vld [tilespmem:s15+$0x8980]  }
0x10c: {  	(v2sf) =	vpush v4, $0x6;
	s31 =	spop (v2sf);
	v10 =	vld [tilespmem:s14+$0x8900]  }
0x10d: {  	(v2sf) =	vpush v5, $0x7;
	s14 =	spop (v2sf);
	v57 =	vld [tilespmem:s31+$0xC980]  }
0x10e: {  	(v2sf) =	vpush v5, $0x6;
	v11 =	vld [tilespmem:s14+$0xC900];
	v8 =	vmul.f32 v9, v8  }
0x10f: {  	(v2sf) =	vpush v4, $0x9;
	v6 =	vmul.f32 v7, v6  }
0x110: {  	(v2sf) =	vpush v4, $0x8;
	v13 =	vperm.xlane v8, v0  }
0x111: {  	(v2sf) =	vpush v5, $0x9;
	v12 =	vperm.xlane v6, v0  }
0x112: {  	(v2sf) =	vpush v5, $0x8;
	v8 =	vadd.f32 v13, v8;
	v7 =	vmul.f32 v57, v56  }
0x113: {  	v10 =	vmul.f32 v11, v10  }
0x114: {  	v6 =	vadd.f32 v12, v6;
	v58 =	vperm.xlane v8, v1;
	v59 =	vperm.xlane v7, v0  }
0x115: {  	v11 =	vperm.xlane v10, v0;
	s14 =	spop (v2sf);
	(v2sf) =	vpush v4, $0xB  }
0x116: {  	v12 =	vperm.xlane v6, v1;
	v8 =	vadd.f32 v58, v8;
	v7 =	vadd.f32 v59, v7  }
0x117: {  	s15 =	spop (v2sf);
	(v2sf) =	vpush v4, $0xA;
	v10 =	vadd.f32 v11, v10  }
0x118: {  	v14 =	vld [tilespmem:s14+$0x8A80];
	v6 =	vadd.f32 v12, v6;
	s31 =	spop (v2sf);
	(v2sf) =	vpush v5, $0xB  }
0x119: {  	v61 =	vld [tilespmem:s15+$0x8A00];
	s15 =	spop (v2sf);
	v62 =	vperm.xlane v8, v2;
	v24 =	vperm.xlane v7, v1;
	(v2sf) =	vpush v5, $0xA  }
0x11a: {  	v60 =	vperm.xlane v10, v1;
	v63 =	vld [tilespmem:s15+$0xCA00];
	s15 =	spop (v2sf);
	(v2sf) =	vpush v4, $0xD  }
0x11b: {  	v15 =	vld [tilespmem:s31+$0xCA80];
	v12 =	vperm.xlane v6, v2;
	s14 =	spop (v2sf);
	v8 =	vadd.f32 v62, v8;
	v7 =	vadd.f32 v24, v7  }
0x11c: {  	v18 =	vld [tilespmem:s15+$0x8B80];
	(v2sf) =	vpush v4, $0xC;
	v9 =	vadd.f32 v60, v10;
	s31 =	spop (v2sf)  }
0x11d: {  	v6 =	vadd.f32 v12, v6;
	v26 =	vld [tilespmem:s14+$0x8B00];
	(v2sf) =	vpush v5, $0xD;
	s14 =	spop (v2sf)  }
0x11e: {  	v17 =	vperm.xlane v8, v3;
	v28 =	vperm.xlane v7, v2;
	(v2sf) =	vpush v5, $0xC;
	v27 =	vld [tilespmem:s14+$0xCB00];
	s14 =	spop (v2sf)  }
0x11f: {  	v19 =	vld [tilespmem:s31+$0xCB80];
	v25 =	vperm.xlane v9, v2;
	v16 =	vperm.xlane v6, v3;
	(v2sf) =	vpush v4, $0xF;
	s15 =	spop (v2sf)  }
0x120: {  	v35 =	vmul.f32 v15, v14;
	v8 =	vadd.f32 v17, v8;
	v7 =	vadd.f32 v28, v7;
	v20 =	vld [tilespmem:s14+$0x8C80];
	s31 =	spop (v2sf)  }
0x121: {  	v33 =	vmul.f32 v63, v61;
	(v2sf) =	vpush v4, $0xE;
	v9 =	vadd.f32 v25, v9;
	v30 =	vld [tilespmem:s15+$0x8C00];
	s15 =	spop (v2sf)  }
0x122: {  	v6 =	vadd.f32 v16, v6;
	(v2sf) =	vpush v5, $0xF;
	v32 =	vperm.xlane v7, v3;
	v31 =	vld [tilespmem:s15+$0xCC00]  }
0x123: {  	v34 =	vld [tilespmem:s31+$0xCC80];
	v36 =	vperm.xlane v33, v0;
	(v2sf) =	vpush v5, $0xE;
	v5 =	vperm.xlane v35, v0  }
0x124: {  	v38 =	vmul.f32 v19, v18;
	v37 =	vmul.f32 v27, v26  }
0x125: {  	v29 =	vperm.xlane v9, v3;
	v6 =	vsel vm0, v6, v8;
	v8 =	vadd.f32 v36, v33  }
0x126: {  	v5 =	vadd.f32 v5, v35;
	v41 =	vperm.xlane v38, v0;
	v39 =	vperm.xlane v37, v0  }
0x127: {  	v9 =	vadd.f32 v29, v9;
	v42 =	vperm.xlane v8, v1;
	v40 =	vmul.f32 v31, v30  }
0x128: {  	v4 =	vadd.f32 v32, v7;
	v44 =	vperm.xlane v5, v1;
	v10 =	vmul.f32 v34, v20  }
0x129: {  	v6 =	vsel vm1, v6, v9;
	v9 =	vadd.f32 v39, v37;
	v43 =	vperm.xlane v40, v0  }
0x12a: {  	s14 =	spop (v2sf);
	v4 =	vsel vm2, v6, v4;
	v6 =	vadd.f32 v41, v38;
	v45 =	vperm.xlane v10, v0  }
0x12b: {  	s15 =	spop (v2sf);
	v8 =	vadd.f32 v42, v8;
	v46 =	vperm.xlane v9, v1;
	v11 =	vadd.f32 v43, v40  }
0x12c: {  	v52 =	vld [tilespmem:s14+$0x8D80];
	s31 =	spop (v2sf);
	v5 =	vadd.f32 v44, v5;
	v48 =	vperm.xlane v6, v1;
	v7 =	vadd.f32 v45, v10  }
0x12d: {  	v47 =	vld [tilespmem:s15+$0x8D00];
	s15 =	spop (v2sf);
	v50 =	vperm.xlane v8, v2;
	v9 =	vadd.f32 v46, v9;
	v51 =	vperm.xlane v11, v1  }
0x12e: {  	v49 =	vld [tilespmem:s15+$0xCD00];
	s15 =	spop (v2sf);
	v53 =	vperm.xlane v5, v2;
	v6 =	vadd.f32 v48, v6;
	v54 =	vperm.xlane v7, v1  }
0x12f: {  	v55 =	vld [tilespmem:s31+$0xCD80];
	s14 =	spop (v2sf);
	v8 =	vadd.f32 v50, v8;
	v56 =	vperm.xlane v9, v2;
	v11 =	vadd.f32 v51, v11  }
0x130: {  	v62 =	vld [tilespmem:s15+$0x8E80];
	s31 =	spop (v2sf);
	v5 =	vadd.f32 v53, v5;
	v58 =	vperm.xlane v6, v2;
	v7 =	vadd.f32 v54, v7  }
0x131: {  	v57 =	vld [tilespmem:s14+$0x8E00];
	s14 =	spop (v2sf);
	v60 =	vperm.xlane v8, v3;
	v9 =	vadd.f32 v56, v9;
	v61 =	vperm.xlane v11, v2  }
0x132: {  	v59 =	vld [tilespmem:s14+$0xCE00];
	s14 =	spop (v2sf);
	v21 =	vperm.xlane v5, v3;
	v6 =	vadd.f32 v58, v6;
	v63 =	vperm.xlane v7, v2  }
0x133: {  	v24 =	vld [tilespmem:s31+$0xCE80];
	s15 =	spop (v2sf);
	v8 =	vadd.f32 v60, v8;
	v25 =	vperm.xlane v9, v3;
	v11 =	vadd.f32 v61, v11  }
0x134: {  	v32 =	vld [tilespmem:s14+$0x8F80];
	s31 =	spop (v2sf);
	v5 =	vadd.f32 v21, v5;
	v26 =	vperm.xlane v6, v3;
	v7 =	vadd.f32 v63, v7  }
0x135: {  	v27 =	vld [tilespmem:s15+$0x8F00];
	s15 =	spop (v2sf);
	v4 =	vsel vm3, v4, v8;
	v28 =	vadd.f32 v25, v9;
	v29 =	vperm.xlane v11, v3  }
0x136: {  	v30 =	vld [tilespmem:s15+$0xCF00];
	v4 =	vsel vm4, v4, v5;
	v5 =	vadd.f32 v26, v6;
	v31 =	vperm.xlane v7, v3  }
0x137: {  	v34 =	vmul.f32 v49, v47;
	v35 =	vld [tilespmem:s31+$0xCF80];
	v4 =	vsel vm5, v4, v28;
	v33 =	vadd.f32 v29, v11  }
0x138: {  	v36 =	vmul.f32 v55, v52;
	v4 =	vsel vm6, v4, v5;
	v5 =	vadd.f32 v31, v7  }
0x139: {  	v38 =	vperm.xlane v34, v0;
	v37 =	vmul.f32 v59, v57;
	v4 =	vsel vm7, v4, v33  }
0x13a: {  	v39 =	vperm.xlane v36, v0;
	v4 =	vsel vm8, v4, v5;
	v5 =	vmul.f32 v24, v62  }
0x13b: {  	v8 =	vadd.f32 v38, v34;
	v40 =	vperm.xlane v37, v0;
	v41 =	vmul.f32 v30, v27  }
0x13c: {  	v6 =	vadd.f32 v39, v36;
	v10 =	vmul.f32 v35, v32;
	v42 =	vperm.xlane v5, v0  }
0x13d: {  	v43 =	vperm.xlane v8, v1;
	v7 =	vadd.f32 v40, v37;
	v44 =	vperm.xlane v41, v0  }
0x13e: {  	v45 =	vperm.xlane v6, v1;
	v46 =	vperm.xlane v10, v0;
	v5 =	vadd.f32 v42, v5  }
0x13f: {  	v8 =	vadd.f32 v43, v8;
	v47 =	vperm.xlane v7, v1;
	v9 =	vadd.f32 v44, v41  }
0x140: {  	v6 =	vadd.f32 v45, v6;
	v10 =	vadd.f32 v46, v10;
	v48 =	vperm.xlane v5, v1  }
0x141: {  	v49 =	vperm.xlane v8, v2;
	v7 =	vadd.f32 v47, v7;
	v50 =	vperm.xlane v9, v1  }
0x142: {  	v14 =	vperm.xlane v6, v2;
	v51 =	vperm.xlane v10, v1;
	v5 =	vadd.f32 v48, v5  }
0x143: {  	v8 =	vadd.f32 v49, v8;
	v52 =	vperm.xlane v7, v2;
	v9 =	vadd.f32 v50, v9  }
0x144: {  	v6 =	vadd.f32 v14, v6;
	v10 =	vadd.f32 v51, v10;
	v53 =	vperm.xlane v5, v2  }
0x145: {  	v54 =	vperm.xlane v8, v3;
	v7 =	vadd.f32 v52, v7;
	v55 =	vperm.xlane v9, v2  }
0x146: {  	v14 =	vperm.xlane v6, v3;
	v56 =	vperm.xlane v10, v2;
	v5 =	vadd.f32 v53, v5  }
0x147: {  	v8 =	vadd.f32 v54, v8;
	v57 =	vperm.xlane v7, v3;
	v9 =	vadd.f32 v55, v9  }
0x148: {  	v6 =	vadd.f32 v14, v6;
	v10 =	vadd.f32 v56, v10;
	v58 =	vperm.xlane v5, v3  }
0x149: {  	v4 =	vsel vm9, v4, v8;
	v7 =	vadd.f32 v57, v7;
	v59 =	vperm.xlane v9, v3  }
0x14a: {  	v61 =	vld [tilespmem:s26+$0x0];
	v4 =	vsel vm10, v4, v6;
	v60 =	vperm.xlane v10, v3;
	v5 =	vadd.f32 v58, v5  }
0x14b: {  	v4 =	vsel vm11, v4, v7;
	v62 =	vadd.f32 v59, v9  }
0x14c: {  	v63 =	vld [tilespmem:s24+$0x0];
	v4 =	vsel vm12, v4, v5;
	v5 =	vadd.f32 v60, v10  }
0x14d: {  	v4 =	vsel vm13, v4, v62  }
0x14e: {  	p0 =	sne.s32 s22, $0xE000;
	v4 =	vsel vm14, v4, v5  }
.Ltmp1:
0x14f: {  	v4 =	vadd.f32 v4, v61;
	(pc) =	sbr.rel @p0 .LBB2_4-.Ltmp1, $4  }
0x150: {  	_ = 	snop  }
0x151: {  	v4 =	vadd.f32 v4, v63  }
0x152: {  	s29 =	sadd.s32 $0x10, s29;
	s21 =	sadd.s32 $0x10, s21;
	s22 =	sadd.s32 $0x2000, s22  }
0x153: {  	s24 =	sadd.s32 $0x10, s24;
	s26 =	sadd.s32 $0x10, s26;
	[tilespmem:s23+$0x0] =	vst v4;
	s23 =	sadd.s32 $0x10, s23  }
0x154: {  	[tilespmem:s30], [sflag:$0x2] =	stream.indirect.gather [hbm4b:s2+s12], $0x80, s17, s12, $0xb8;
	[tilespmem:$0x10E00] =	vst v63  }
0x155: {  	_ = 	snop  }
0x156: {  	[tilespmem:s3], [sflag:$0x2] =	stream.indirect.gather [hbm4b:s4+s12], $0x80, s18, s12, $0xb8;
	[tilespmem:$0x10E00] =	vst v63  }
0x157: {  	_ =	swait.ge [sflag:s13], $0x4000  }
0x158: {  	[sflag:s13] =	ssyncset.done $0x0  }
0x159: {  	[sflag:s13] =	ssyncadd.s32 $0xFFFFC000  }
0x15a: {  	s21 =	simm.s32 $0x0;
	s22 =	simm.s32 $0x10D00;
	_ =	swait.ge [sflag:s13], $0x4000  }
0x15b: {  	s23 =	simm.s32 $0x10B00;
	s24 =	simm.s32 $0x10900;
	[sflag:s13] =	ssyncset.done $0x0  }
0x15c: {  	s26 =	simm.s32 $0x300;
	s29 =	simm.s32 $0x100;
	[sflag:s13] =	ssyncadd.s32 $0xFFFFC000  }
.LBB2_6:
0x15d: {  	v4 =	vld [tilespmem:s29+$0x0];
	_ =	sdelay $0x1  }
0x15e: {  	v5 =	vld [tilespmem:s26+$0x0];
	_ =	sdelay $0x2  }
0x15f: {  	v4 =	vshll.u32 v4, $0x4  }
0x160: {  	s14 =	sshra.s32 s21, $0x2;
	v4 =	vand.u32 $0x70, v4  }
0x161: {  	v5 =	vshll.u32 v5, $0x4;
	v4 =	vadd.s32 s14, v4  }
0x162: {  	v5 =	vand.u32 $0x70, v5;
	(v2sf) =	vpush v4, $0x1  }
0x163: {  	v5 =	vadd.s32 s14, v5;
	(v2sf) =	vpush v4, $0x0  }
0x164: {  	(v2sf) =	vpush v5, $0x1  }
0x165: {  	(v2sf) =	vpush v5, $0x0  }
0x166: {  	(v2sf) =	vpush v4, $0x3  }
0x167: {  	(v2sf) =	vpush v4, $0x2  }
0x168: {  	(v2sf) =	vpush v5, $0x3  }
0x169: {  	(v2sf) =	vpush v5, $0x2;
	_ =	sdelay $0x7  }
0x16a: {  	s14 =	spop (v2sf);
	(v2sf) =	vpush v4, $0x5  }
0x16b: {  	s15 =	spop (v2sf);
	v8 =	vld [tilespmem:s14+$0x880]  }
0x16c: {  	(v2sf) =	vpush v4, $0x4;
	s31 =	spop (v2sf);
	v6 =	vld [tilespmem:s15+$0x800]  }
0x16d: {  	(v2sf) =	vpush v5, $0x5;
	s15 =	spop (v2sf);
	v9 =	vld [tilespmem:s31+$0x4880]  }
0x16e: {  	(v2sf) =	vpush v5, $0x4;
	v7 =	vld [tilespmem:s15+$0x4800];
	s15 =	spop (v2sf)  }
0x16f: {  	(v2sf) =	vpush v4, $0x7;
	s14 =	spop (v2sf);
	v56 =	vld [tilespmem:s15+$0x980]  }
0x170: {  	(v2sf) =	vpush v4, $0x6;
	s31 =	spop (v2sf);
	v10 =	vld [tilespmem:s14+$0x900]  }
0x171: {  	(v2sf) =	vpush v5, $0x7;
	s14 =	spop (v2sf);
	v57 =	vld [tilespmem:s31+$0x4980]  }
0x172: {  	(v2sf) =	vpush v5, $0x6;
	v11 =	vld [tilespmem:s14+$0x4900];
	v8 =	vmul.f32 v9, v8  }
0x173: {  	(v2sf) =	vpush v4, $0x9;
	v6 =	vmul.f32 v7, v6  }
0x174: {  	(v2sf) =	vpush v4, $0x8;
	v13 =	vperm.xlane v8, v0  }
0x175: {  	(v2sf) =	vpush v5, $0x9;
	v12 =	vperm.xlane v6, v0  }
0x176: {  	(v2sf) =	vpush v5, $0x8;
	v8 =	vadd.f32 v13, v8;
	v7 =	vmul.f32 v57, v56  }
0x177: {  	v10 =	vmul.f32 v11, v10  }
0x178: {  	v6 =	vadd.f32 v12, v6;
	v58 =	vperm.xlane v8, v1;
	v59 =	vperm.xlane v7, v0  }
0x179: {  	v11 =	vperm.xlane v10, v0;
	s14 =	spop (v2sf);
	(v2sf) =	vpush v4, $0xB  }
0x17a: {  	v12 =	vperm.xlane v6, v1;
	v8 =	vadd.f32 v58, v8;
	v7 =	vadd.f32 v59, v7  }
0x17b: {  	s15 =	spop (v2sf);
	(v2sf) =	vpush v4, $0xA;
	v10 =	vadd.f32 v11, v10  }
0x17c: {  	v14 =	vld [tilespmem:s14+$0xA80];
	v6 =	vadd.f32 v12, v6;
	s31 =	spop (v2sf);
	(v2sf) =	vpush v5, $0xB  }
0x17d: {  	v61 =	vld [tilespmem:s15+$0xA00];
	s15 =	spop (v2sf);
	v62 =	vperm.xlane v8, v2;
	v24 =	vperm.xlane v7, v1;
	(v2sf) =	vpush v5, $0xA  }
0x17e: {  	v60 =	vperm.xlane v10, v1;
	v63 =	vld [tilespmem:s15+$0x4A00];
	s15 =	spop (v2sf);
	(v2sf) =	vpush v4, $0xD  }
0x17f: {  	v15 =	vld [tilespmem:s31+$0x4A80];
	v12 =	vperm.xlane v6, v2;
	s14 =	spop (v2sf);
	v8 =	vadd.f32 v62, v8;
	v7 =	vadd.f32 v24, v7  }
0x180: {  	v18 =	vld [tilespmem:s15+$0xB80];
	(v2sf) =	vpush v4, $0xC;
	v9 =	vadd.f32 v60, v10;
	s31 =	spop (v2sf)  }
0x181: {  	v6 =	vadd.f32 v12, v6;
	v26 =	vld [tilespmem:s14+$0xB00];
	(v2sf) =	vpush v5, $0xD;
	s14 =	spop (v2sf)  }
0x182: {  	v17 =	vperm.xlane v8, v3;
	v28 =	vperm.xlane v7, v2;
	(v2sf) =	vpush v5, $0xC;
	v27 =	vld [tilespmem:s14+$0x4B00];
	s14 =	spop (v2sf)  }
0x183: {  	v19 =	vld [tilespmem:s31+$0x4B80];
	v25 =	vperm.xlane v9, v2;
	v16 =	vperm.xlane v6, v3;
	(v2sf) =	vpush v4, $0xF;
	s15 =	spop (v2sf)  }
0x184: {  	v35 =	vmul.f32 v15, v14;
	v8 =	vadd.f32 v17, v8;
	v7 =	vadd.f32 v28, v7;
	v20 =	vld [tilespmem:s14+$0xC80];
	s31 =	spop (v2sf)  }
0x185: {  	v33 =	vmul.f32 v63, v61;
	(v2sf) =	vpush v4, $0xE;
	v9 =	vadd.f32 v25, v9;
	v30 =	vld [tilespmem:s15+$0xC00];
	s15 =	spop (v2sf)  }
0x186: {  	v6 =	vadd.f32 v16, v6;
	(v2sf) =	vpush v5, $0xF;
	v32 =	vperm.xlane v7, v3;
	v31 =	vld [tilespmem:s15+$0x4C00]  }
0x187: {  	v34 =	vld [tilespmem:s31+$0x4C80];
	v36 =	vperm.xlane v33, v0;
	(v2sf) =	vpush v5, $0xE;
	v5 =	vperm.xlane v35, v0  }
0x188: {  	v38 =	vmul.f32 v19, v18;
	v37 =	vmul.f32 v27, v26  }
0x189: {  	v29 =	vperm.xlane v9, v3;
	v6 =	vsel vm0, v6, v8;
	v8 =	vadd.f32 v36, v33  }
0x18a: {  	v5 =	vadd.f32 v5, v35;
	v41 =	vperm.xlane v38, v0;
	v39 =	vperm.xlane v37, v0  }
0x18b: {  	v9 =	vadd.f32 v29, v9;
	v42 =	vperm.xlane v8, v1;
	v40 =	vmul.f32 v31, v30  }
0x18c: {  	v4 =	vadd.f32 v32, v7;
	v44 =	vperm.xlane v5, v1;
	v10 =	vmul.f32 v34, v20  }
0x18d: {  	v6 =	vsel vm1, v6, v9;
	v9 =	vadd.f32 v39, v37;
	v43 =	vperm.xlane v40, v0  }
0x18e: {  	s14 =	spop (v2sf);
	v4 =	vsel vm2, v6, v4;
	v6 =	vadd.f32 v41, v38;
	v45 =	vperm.xlane v10, v0  }
0x18f: {  	s15 =	spop (v2sf);
	v8 =	vadd.f32 v42, v8;
	v46 =	vperm.xlane v9, v1;
	v11 =	vadd.f32 v43, v40  }
0x190: {  	v52 =	vld [tilespmem:s14+$0xD80];
	s31 =	spop (v2sf);
	v5 =	vadd.f32 v44, v5;
	v48 =	vperm.xlane v6, v1;
	v7 =	vadd.f32 v45, v10  }
0x191: {  	v47 =	vld [tilespmem:s15+$0xD00];
	s15 =	spop (v2sf);
	v50 =	vperm.xlane v8, v2;
	v9 =	vadd.f32 v46, v9;
	v51 =	vperm.xlane v11, v1  }
0x192: {  	v49 =	vld [tilespmem:s15+$0x4D00];
	s15 =	spop (v2sf);
	v53 =	vperm.xlane v5, v2;
	v6 =	vadd.f32 v48, v6;
	v54 =	vperm.xlane v7, v1  }
0x193: {  	v55 =	vld [tilespmem:s31+$0x4D80];
	s14 =	spop (v2sf);
	v8 =	vadd.f32 v50, v8;
	v56 =	vperm.xlane v9, v2;
	v11 =	vadd.f32 v51, v11  }
0x194: {  	v62 =	vld [tilespmem:s15+$0xE80];
	s31 =	spop (v2sf);
	v5 =	vadd.f32 v53, v5;
	v58 =	vperm.xlane v6, v2;
	v7 =	vadd.f32 v54, v7  }
0x195: {  	v57 =	vld [tilespmem:s14+$0xE00];
	s14 =	spop (v2sf);
	v60 =	vperm.xlane v8, v3;
	v9 =	vadd.f32 v56, v9;
	v61 =	vperm.xlane v11, v2  }
0x196: {  	v59 =	vld [tilespmem:s14+$0x4E00];
	s14 =	spop (v2sf);
	v21 =	vperm.xlane v5, v3;
	v6 =	vadd.f32 v58, v6;
	v63 =	vperm.xlane v7, v2  }
0x197: {  	v24 =	vld [tilespmem:s31+$0x4E80];
	s15 =	spop (v2sf);
	v8 =	vadd.f32 v60, v8;
	v25 =	vperm.xlane v9, v3;
	v11 =	vadd.f32 v61, v11  }
0x198: {  	v32 =	vld [tilespmem:s14+$0xF80];
	s31 =	spop (v2sf);
	v5 =	vadd.f32 v21, v5;
	v26 =	vperm.xlane v6, v3;
	v7 =	vadd.f32 v63, v7  }
0x199: {  	v27 =	vld [tilespmem:s15+$0xF00];
	s15 =	spop (v2sf);
	v4 =	vsel vm3, v4, v8;
	v28 =	vadd.f32 v25, v9;
	v29 =	vperm.xlane v11, v3  }
0x19a: {  	v30 =	vld [tilespmem:s15+$0x4F00];
	v4 =	vsel vm4, v4, v5;
	v5 =	vadd.f32 v26, v6;
	v31 =	vperm.xlane v7, v3  }
0x19b: {  	v34 =	vmul.f32 v49, v47;
	v35 =	vld [tilespmem:s31+$0x4F80];
	v4 =	vsel vm5, v4, v28;
	v33 =	vadd.f32 v29, v11  }
0x19c: {  	v36 =	vmul.f32 v55, v52;
	v4 =	vsel vm6, v4, v5;
	v5 =	vadd.f32 v31, v7  }
0x19d: {  	v38 =	vperm.xlane v34, v0;
	v37 =	vmul.f32 v59, v57;
	v4 =	vsel vm7, v4, v33  }
0x19e: {  	v39 =	vperm.xlane v36, v0;
	v4 =	vsel vm8, v4, v5;
	v5 =	vmul.f32 v24, v62  }
0x19f: {  	v8 =	vadd.f32 v38, v34;
	v40 =	vperm.xlane v37, v0;
	v41 =	vmul.f32 v30, v27  }
0x1a0: {  	v6 =	vadd.f32 v39, v36;
	v10 =	vmul.f32 v35, v32;
	v42 =	vperm.xlane v5, v0  }
0x1a1: {  	v43 =	vperm.xlane v8, v1;
	v7 =	vadd.f32 v40, v37;
	v44 =	vperm.xlane v41, v0  }
0x1a2: {  	v45 =	vperm.xlane v6, v1;
	v46 =	vperm.xlane v10, v0;
	v5 =	vadd.f32 v42, v5  }
0x1a3: {  	v8 =	vadd.f32 v43, v8;
	v47 =	vperm.xlane v7, v1;
	v9 =	vadd.f32 v44, v41  }
0x1a4: {  	v6 =	vadd.f32 v45, v6;
	v10 =	vadd.f32 v46, v10;
	v48 =	vperm.xlane v5, v1  }
0x1a5: {  	v49 =	vperm.xlane v8, v2;
	v7 =	vadd.f32 v47, v7;
	v50 =	vperm.xlane v9, v1  }
0x1a6: {  	v14 =	vperm.xlane v6, v2;
	v51 =	vperm.xlane v10, v1;
	v5 =	vadd.f32 v48, v5  }
0x1a7: {  	v8 =	vadd.f32 v49, v8;
	v52 =	vperm.xlane v7, v2;
	v9 =	vadd.f32 v50, v9  }
0x1a8: {  	v6 =	vadd.f32 v14, v6;
	v10 =	vadd.f32 v51, v10;
	v53 =	vperm.xlane v5, v2  }
0x1a9: {  	v54 =	vperm.xlane v8, v3;
	v7 =	vadd.f32 v52, v7;
	v55 =	vperm.xlane v9, v2  }
0x1aa: {  	v14 =	vperm.xlane v6, v3;
	v56 =	vperm.xlane v10, v2;
	v5 =	vadd.f32 v53, v5  }
0x1ab: {  	v8 =	vadd.f32 v54, v8;
	v57 =	vperm.xlane v7, v3;
	v9 =	vadd.f32 v55, v9  }
0x1ac: {  	v6 =	vadd.f32 v14, v6;
	v10 =	vadd.f32 v56, v10;
	v58 =	vperm.xlane v5, v3  }
0x1ad: {  	v4 =	vsel vm9, v4, v8;
	v7 =	vadd.f32 v57, v7;
	v59 =	vperm.xlane v9, v3  }
0x1ae: {  	v61 =	vld [tilespmem:s24+$0x0];
	v4 =	vsel vm10, v4, v6;
	v60 =	vperm.xlane v10, v3;
	v5 =	vadd.f32 v58, v5  }
0x1af: {  	v4 =	vsel vm11, v4, v7;
	v62 =	vadd.f32 v59, v9  }
0x1b0: {  	v63 =	vld [tilespmem:s23+$0x0];
	v4 =	vsel vm12, v4, v5;
	v5 =	vadd.f32 v60, v10  }
0x1b1: {  	v4 =	vsel vm13, v4, v62  }
0x1b2: {  	p0 =	sne.s32 s21, $0xE000;
	v4 =	vsel vm14, v4, v5  }
.Ltmp2:
0x1b3: {  	v4 =	vadd.f32 v4, v61;
	(pc) =	sbr.rel @p0 .LBB2_6-.Ltmp2, $4  }
0x1b4: {  	_ = 	snop  }
0x1b5: {  	v4 =	vadd.f32 v4, v63  }
0x1b6: {  	s26 =	sadd.s32 $0x10, s26;
	s29 =	sadd.s32 $0x10, s29;
	s21 =	sadd.s32 $0x2000, s21  }
0x1b7: {  	s23 =	sadd.s32 $0x10, s23;
	s24 =	sadd.s32 $0x10, s24;
	[tilespmem:s22+$0x0] =	vst v4;
	s22 =	sadd.s32 $0x10, s22  }
0x1b8: {  	_ =	swait.ge [sflag:s16], $0x4000  }
0x1b9: {  	[sflag:s16] =	ssyncset.done $0x0  }
0x1ba: {  	[sflag:s16] =	ssyncadd.s32 $0xFFFFC000  }
0x1bb: {  	s21 =	simm.s32 $0x0;
	s22 =	simm.s32 $0x10D80;
	_ =	swait.ge [sflag:s16], $0x4000  }
0x1bc: {  	s23 =	simm.s32 $0x10B80;
	s24 =	simm.s32 $0x10980;
	[sflag:s16] =	ssyncset.done $0x0  }
0x1bd: {  	s26 =	simm.s32 $0x380;
	s29 =	simm.s32 $0x180;
	[sflag:s16] =	ssyncadd.s32 $0xFFFFC000  }
.LBB2_8:
0x1be: {  	v4 =	vld [tilespmem:s29+$0x0];
	_ =	sdelay $0x1  }
0x1bf: {  	v5 =	vld [tilespmem:s26+$0x0];
	_ =	sdelay $0x2  }
0x1c0: {  	v4 =	vshll.u32 v4, $0x4  }
0x1c1: {  	s14 =	sshra.s32 s21, $0x2;
	v4 =	vand.u32 $0x70, v4  }
0x1c2: {  	v5 =	vshll.u32 v5, $0x4;
	v4 =	vadd.s32 s14, v4  }
0x1c3: {  	v5 =	vand.u32 $0x70, v5;
	(v2sf) =	vpush v4, $0x1  }
0x1c4: {  	v5 =	vadd.s32 s14, v5;
	(v2sf) =	vpush v4, $0x0  }
0x1c5: {  	(v2sf) =	vpush v5, $0x1  }
0x1c6: {  	(v2sf) =	vpush v5, $0x0  }
0x1c7: {  	(v2sf) =	vpush v4, $0x3  }
0x1c8: {  	(v2sf) =	vpush v4, $0x2  }
0x1c9: {  	(v2sf) =	vpush v5, $0x3  }
0x1ca: {  	(v2sf) =	vpush v5, $0x2;
	_ =	sdelay $0x7  }
0x1cb: {  	s14 =	spop (v2sf);
	(v2sf) =	vpush v4, $0x5  }
0x1cc: {  	s15 =	spop (v2sf);
	v8 =	vld [tilespmem:s14+$0x8880]  }
0x1cd: {  	(v2sf) =	vpush v4, $0x4;
	s31 =	spop (v2sf);
	v6 =	vld [tilespmem:s15+$0x8800]  }
0x1ce: {  	(v2sf) =	vpush v5, $0x5;
	s15 =	spop (v2sf);
	v9 =	vld [tilespmem:s31+$0xC880]  }
0x1cf: {  	(v2sf) =	vpush v5, $0x4;
	v7 =	vld [tilespmem:s15+$0xC800];
	s15 =	spop (v2sf)  }
0x1d0: {  	(v2sf) =	vpush v4, $0x7;
	s14 =	spop (v2sf);
	v56 =	vld [tilespmem:s15+$0x8980]  }
0x1d1: {  	(v2sf) =	vpush v4, $0x6;
	s31 =	spop (v2sf);
	v10 =	vld [tilespmem:s14+$0x8900]  }
0x1d2: {  	(v2sf) =	vpush v5, $0x7;
	s14 =	spop (v2sf);
	v57 =	vld [tilespmem:s31+$0xC980]  }
0x1d3: {  	(v2sf) =	vpush v5, $0x6;
	v11 =	vld [tilespmem:s14+$0xC900];
	v8 =	vmul.f32 v9, v8  }
0x1d4: {  	(v2sf) =	vpush v4, $0x9;
	v6 =	vmul.f32 v7, v6  }
0x1d5: {  	(v2sf) =	vpush v4, $0x8;
	v13 =	vperm.xlane v8, v0  }
0x1d6: {  	(v2sf) =	vpush v5, $0x9;
	v12 =	vperm.xlane v6, v0  }
0x1d7: {  	(v2sf) =	vpush v5, $0x8;
	v8 =	vadd.f32 v13, v8;
	v7 =	vmul.f32 v57, v56  }
0x1d8: {  	v10 =	vmul.f32 v11, v10  }
0x1d9: {  	v6 =	vadd.f32 v12, v6;
	v58 =	vperm.xlane v8, v1;
	v59 =	vperm.xlane v7, v0  }
0x1da: {  	v11 =	vperm.xlane v10, v0;
	s14 =	spop (v2sf);
	(v2sf) =	vpush v4, $0xB  }
0x1db: {  	v12 =	vperm.xlane v6, v1;
	v8 =	vadd.f32 v58, v8;
	v7 =	vadd.f32 v59, v7  }
0x1dc: {  	s15 =	spop (v2sf);
	(v2sf) =	vpush v4, $0xA;
	v10 =	vadd.f32 v11, v10  }
0x1dd: {  	v14 =	vld [tilespmem:s14+$0x8A80];
	v6 =	vadd.f32 v12, v6;
	s31 =	spop (v2sf);
	(v2sf) =	vpush v5, $0xB  }
0x1de: {  	v61 =	vld [tilespmem:s15+$0x8A00];
	s15 =	spop (v2sf);
	v62 =	vperm.xlane v8, v2;
	v24 =	vperm.xlane v7, v1;
	(v2sf) =	vpush v5, $0xA  }
0x1df: {  	v60 =	vperm.xlane v10, v1;
	v63 =	vld [tilespmem:s15+$0xCA00];
	s15 =	spop (v2sf);
	(v2sf) =	vpush v4, $0xD  }
0x1e0: {  	v15 =	vld [tilespmem:s31+$0xCA80];
	v12 =	vperm.xlane v6, v2;
	s14 =	spop (v2sf);
	v8 =	vadd.f32 v62, v8;
	v7 =	vadd.f32 v24, v7  }
0x1e1: {  	v18 =	vld [tilespmem:s15+$0x8B80];
	(v2sf) =	vpush v4, $0xC;
	v9 =	vadd.f32 v60, v10;
	s31 =	spop (v2sf)  }
0x1e2: {  	v6 =	vadd.f32 v12, v6;
	v26 =	vld [tilespmem:s14+$0x8B00];
	(v2sf) =	vpush v5, $0xD;
	s14 =	spop (v2sf)  }
0x1e3: {  	v17 =	vperm.xlane v8, v3;
	v28 =	vperm.xlane v7, v2;
	(v2sf) =	vpush v5, $0xC;
	v27 =	vld [tilespmem:s14+$0xCB00];
	s14 =	spop (v2sf)  }
0x1e4: {  	v19 =	vld [tilespmem:s31+$0xCB80];
	v25 =	vperm.xlane v9, v2;
	v16 =	vperm.xlane v6, v3;
	(v2sf) =	vpush v4, $0xF;
	s15 =	spop (v2sf)  }
0x1e5: {  	v35 =	vmul.f32 v15, v14;
	v8 =	vadd.f32 v17, v8;
	v7 =	vadd.f32 v28, v7;
	v20 =	vld [tilespmem:s14+$0x8C80];
	s31 =	spop (v2sf)  }
0x1e6: {  	v33 =	vmul.f32 v63, v61;
	(v2sf) =	vpush v4, $0xE;
	v9 =	vadd.f32 v25, v9;
	v30 =	vld [tilespmem:s15+$0x8C00];
	s15 =	spop (v2sf)  }
0x1e7: {  	v6 =	vadd.f32 v16, v6;
	(v2sf) =	vpush v5, $0xF;
	v32 =	vperm.xlane v7, v3;
	v31 =	vld [tilespmem:s15+$0xCC00]  }
0x1e8: {  	v34 =	vld [tilespmem:s31+$0xCC80];
	v36 =	vperm.xlane v33, v0;
	(v2sf) =	vpush v5, $0xE;
	v5 =	vperm.xlane v35, v0  }
0x1e9: {  	v38 =	vmul.f32 v19, v18;
	v37 =	vmul.f32 v27, v26  }
0x1ea: {  	v29 =	vperm.xlane v9, v3;
	v6 =	vsel vm0, v6, v8;
	v8 =	vadd.f32 v36, v33  }
0x1eb: {  	v5 =	vadd.f32 v5, v35;
	v41 =	vperm.xlane v38, v0;
	v39 =	vperm.xlane v37, v0  }
0x1ec: {  	v9 =	vadd.f32 v29, v9;
	v42 =	vperm.xlane v8, v1;
	v40 =	vmul.f32 v31, v30  }
0x1ed: {  	v4 =	vadd.f32 v32, v7;
	v44 =	vperm.xlane v5, v1;
	v10 =	vmul.f32 v34, v20  }
0x1ee: {  	v6 =	vsel vm1, v6, v9;
	v9 =	vadd.f32 v39, v37;
	v43 =	vperm.xlane v40, v0  }
0x1ef: {  	s14 =	spop (v2sf);
	v4 =	vsel vm2, v6, v4;
	v6 =	vadd.f32 v41, v38;
	v45 =	vperm.xlane v10, v0  }
0x1f0: {  	s15 =	spop (v2sf);
	v8 =	vadd.f32 v42, v8;
	v46 =	vperm.xlane v9, v1;
	v11 =	vadd.f32 v43, v40  }
0x1f1: {  	v52 =	vld [tilespmem:s14+$0x8D80];
	s31 =	spop (v2sf);
	v5 =	vadd.f32 v44, v5;
	v48 =	vperm.xlane v6, v1;
	v7 =	vadd.f32 v45, v10  }
0x1f2: {  	v47 =	vld [tilespmem:s15+$0x8D00];
	s15 =	spop (v2sf);
	v50 =	vperm.xlane v8, v2;
	v9 =	vadd.f32 v46, v9;
	v51 =	vperm.xlane v11, v1  }
0x1f3: {  	v49 =	vld [tilespmem:s15+$0xCD00];
	s15 =	spop (v2sf);
	v53 =	vperm.xlane v5, v2;
	v6 =	vadd.f32 v48, v6;
	v54 =	vperm.xlane v7, v1  }
0x1f4: {  	v55 =	vld [tilespmem:s31+$0xCD80];
	s14 =	spop (v2sf);
	v8 =	vadd.f32 v50, v8;
	v56 =	vperm.xlane v9, v2;
	v11 =	vadd.f32 v51, v11  }
0x1f5: {  	v62 =	vld [tilespmem:s15+$0x8E80];
	s31 =	spop (v2sf);
	v5 =	vadd.f32 v53, v5;
	v58 =	vperm.xlane v6, v2;
	v7 =	vadd.f32 v54, v7  }
0x1f6: {  	v57 =	vld [tilespmem:s14+$0x8E00];
	s14 =	spop (v2sf);
	v60 =	vperm.xlane v8, v3;
	v9 =	vadd.f32 v56, v9;
	v61 =	vperm.xlane v11, v2  }
0x1f7: {  	v59 =	vld [tilespmem:s14+$0xCE00];
	s14 =	spop (v2sf);
	v21 =	vperm.xlane v5, v3;
	v6 =	vadd.f32 v58, v6;
	v63 =	vperm.xlane v7, v2  }
0x1f8: {  	v24 =	vld [tilespmem:s31+$0xCE80];
	s15 =	spop (v2sf);
	v8 =	vadd.f32 v60, v8;
	v25 =	vperm.xlane v9, v3;
	v11 =	vadd.f32 v61, v11  }
0x1f9: {  	v32 =	vld [tilespmem:s14+$0x8F80];
	s31 =	spop (v2sf);
	v5 =	vadd.f32 v21, v5;
	v26 =	vperm.xlane v6, v3;
	v7 =	vadd.f32 v63, v7  }
0x1fa: {  	v27 =	vld [tilespmem:s15+$0x8F00];
	s15 =	spop (v2sf);
	v4 =	vsel vm3, v4, v8;
	v28 =	vadd.f32 v25, v9;
	v29 =	vperm.xlane v11, v3  }
0x1fb: {  	v30 =	vld [tilespmem:s15+$0xCF00];
	v4 =	vsel vm4, v4, v5;
	v5 =	vadd.f32 v26, v6;
	v31 =	vperm.xlane v7, v3  }
0x1fc: {  	v34 =	vmul.f32 v49, v47;
	v35 =	vld [tilespmem:s31+$0xCF80];
	v4 =	vsel vm5, v4, v28;
	v33 =	vadd.f32 v29, v11  }
0x1fd: {  	v36 =	vmul.f32 v55, v52;
	v4 =	vsel vm6, v4, v5;
	v5 =	vadd.f32 v31, v7  }
0x1fe: {  	v38 =	vperm.xlane v34, v0;
	v37 =	vmul.f32 v59, v57;
	v4 =	vsel vm7, v4, v33  }
0x1ff: {  	v39 =	vperm.xlane v36, v0;
	v4 =	vsel vm8, v4, v5;
	v5 =	vmul.f32 v24, v62  }
0x200: {  	v8 =	vadd.f32 v38, v34;
	v40 =	vperm.xlane v37, v0;
	v41 =	vmul.f32 v30, v27  }
0x201: {  	v6 =	vadd.f32 v39, v36;
	v10 =	vmul.f32 v35, v32;
	v42 =	vperm.xlane v5, v0  }
0x202: {  	v43 =	vperm.xlane v8, v1;
	v7 =	vadd.f32 v40, v37;
	v44 =	vperm.xlane v41, v0  }
0x203: {  	v45 =	vperm.xlane v6, v1;
	v46 =	vperm.xlane v10, v0;
	v5 =	vadd.f32 v42, v5  }
0x204: {  	v8 =	vadd.f32 v43, v8;
	v47 =	vperm.xlane v7, v1;
	v9 =	vadd.f32 v44, v41  }
0x205: {  	v6 =	vadd.f32 v45, v6;
	v10 =	vadd.f32 v46, v10;
	v48 =	vperm.xlane v5, v1  }
0x206: {  	v49 =	vperm.xlane v8, v2;
	v7 =	vadd.f32 v47, v7;
	v50 =	vperm.xlane v9, v1  }
0x207: {  	v14 =	vperm.xlane v6, v2;
	v51 =	vperm.xlane v10, v1;
	v5 =	vadd.f32 v48, v5  }
0x208: {  	v8 =	vadd.f32 v49, v8;
	v52 =	vperm.xlane v7, v2;
	v9 =	vadd.f32 v50, v9  }
0x209: {  	v6 =	vadd.f32 v14, v6;
	v10 =	vadd.f32 v51, v10;
	v53 =	vperm.xlane v5, v2  }
0x20a: {  	v54 =	vperm.xlane v8, v3;
	v7 =	vadd.f32 v52, v7;
	v55 =	vperm.xlane v9, v2  }
0x20b: {  	v14 =	vperm.xlane v6, v3;
	v56 =	vperm.xlane v10, v2;
	v5 =	vadd.f32 v53, v5  }
0x20c: {  	v8 =	vadd.f32 v54, v8;
	v57 =	vperm.xlane v7, v3;
	v9 =	vadd.f32 v55, v9  }
0x20d: {  	v6 =	vadd.f32 v14, v6;
	v10 =	vadd.f32 v56, v10;
	v58 =	vperm.xlane v5, v3  }
0x20e: {  	v4 =	vsel vm9, v4, v8;
	v7 =	vadd.f32 v57, v7;
	v59 =	vperm.xlane v9, v3  }
0x20f: {  	v61 =	vld [tilespmem:s24+$0x0];
	v4 =	vsel vm10, v4, v6;
	v60 =	vperm.xlane v10, v3;
	v5 =	vadd.f32 v58, v5  }
0x210: {  	v4 =	vsel vm11, v4, v7;
	v62 =	vadd.f32 v59, v9  }
0x211: {  	v63 =	vld [tilespmem:s23+$0x0];
	v4 =	vsel vm12, v4, v5;
	v5 =	vadd.f32 v60, v10  }
0x212: {  	v4 =	vsel vm13, v4, v62  }
0x213: {  	p0 =	sne.s32 s21, $0xE000;
	v4 =	vsel vm14, v4, v5  }
.Ltmp3:
0x214: {  	v4 =	vadd.f32 v4, v61;
	(pc) =	sbr.rel @p0 .LBB2_8-.Ltmp3, $4  }
0x215: {  	_ = 	snop  }
0x216: {  	v4 =	vadd.f32 v4, v63  }
0x217: {  	s26 =	sadd.s32 $0x10, s26;
	s29 =	sadd.s32 $0x10, s29;
	s21 =	sadd.s32 $0x2000, s21  }
0x218: {  	s23 =	sadd.s32 $0x10, s23;
	s24 =	sadd.s32 $0x10, s24;
	[tilespmem:s22+$0x0] =	vst v4;
	s22 =	sadd.s32 $0x10, s22  }
0x219: {  	s20 =	sadd.s32 $0x1, s20  }
0x21a: {  	p0 =	sne.s32 s20, s10  }
.Ltmp4:
0x21b: {  	_ = 	snop;
	(pc) =	sbr.rel @p0 .LBB2_1-.Ltmp4, $4  }
0x21c: {  	[hbm4b:s9+s6] =	stream.linear.scatter [tilespmem:s19], [sflag:$0x4], $0x200, $0x38;
	[tilespmem:$0x10E00] =	vst v63  }
0x21d: {  	_ =	swait.ge [sflag:s11], $0x200  }
0x21e: {  	[sflag:s11] =	ssyncset.done $0x0  }
0x21f: {  	[sflag:s11] =	ssyncadd.s32 $0xFFFFFE00  }
0x220: {  	_ =	sfence.sel $0x180000  }
0x221: {  	[bflag:$0x0] =	sbarrier.arrive $0xFFFF  }
0x222: {  	_ =	strace $0x90000047  }
0x223: {  	s0 =	stileid.u32;
	[bflag:$0x2] =	sbarrier.arrive $0xFFFF  }
0x224: {  	p0 =	sne.s32 s0, $0x0;
	s0 =	rddreg [dreg:$0x7]  }
0x225: {  	s0 =	sadd.s32 @!p0 $0x100000, s0  }
0x226: {  	[sflag:s0] =	ssyncadd.tile.s32 @!p0 $0x1;
	_ =	shalt  }
.Lfunc_end2:
_tile_overlayer_lowered:
.L_overlay_start_2:
0x227: {  	(tag) =	ssettag $0x2  }
0x228: {  	s0 =	rddreg [dreg:$0x0];
	s2 =	stileid.u32  }
0x229: {  	s1 =	rddreg [dreg:$0x1];
	p0 =	sne.s32 s2, $0x0  }
0x22a: {  	s3 =	rddreg [dreg:$0x2];
	[bflag:$0x3] =	sbarrier.arrive $0xFFFF;
	s2 =	simm.s32 @!p0 $0x1C04  }
0x22b: {  	[timem:s3], [sflag:s2] =	dma.local @!p0 [hbm:s0], s1  }
0x22c: {  	s0 =	simm.s32 @!p0 $0x4  }
0x22d: {  	_ =	swait.ge @!p0 [sflag:s0], s1  }
0x22e: {  	s1 =	ssub.s32 @!p0 $0x0, s1;
	[sflag:s0] =	ssyncset.done @!p0 $0x0  }
0x22f: {  	[sflag:s0] =	ssyncadd.s32 @!p0 s1  }
0x230: {  	[bflag:$0x3] =	sbarrier.arrive $0xFFFF  }
0x231: {  	_ =	shalt  }

</sc_bundles>
